<compile_context>
chip_gen: v7x
topology: tpu7x:2x2x1
jax: 0.10.2.dev20260603
libtpu: 0.0.44.dev20260713+nightly
codegen_flags: <defaults>
</compile_context>

<pallas_src>
import jax
import jax.numpy as jnp
from jax import lax
from jax.experimental import pallas as pl
from jax.experimental.pallas import tpu as pltpu
from jax.experimental.pallas import tpu_sc as plsc

BATCH = 16384
D = 64
NC = 2
NS = 16
NW = NC * NS
BPW = BATCH // NW
VG = BPW // 16


def _gather_one(idx_v, tab, out, base, stage, buf, sem0, sem1):
    cap = tab.shape[1] - 1
    sems = (sem0, sem1)
    row16 = lax.broadcasted_iota(jnp.int32, (16,), 0)

    def loadv(g):
        vi = pl.multiple_of(g * 16, 16)
        return jnp.minimum(idx_v[pl.ds(vi, 16)], cap)

    def fire(v16, s):
        for k in range(4):
            c = pl.multiple_of((v16[s * 4 + k] >> 7) * 128, 128)
            pltpu.async_copy(tab.at[:, pl.ds(c, 128)],
                             buf.at[s % 2, k], sems[s % 2])

    def drain(s):
        for k in range(4):
            pltpu.make_async_copy(tab.at[:, pl.ds(0, 128)],
                                  buf.at[s % 2, k], sems[s % 2]).wait()

    def extract(g, v16, s):
        for k in range(4):
            e_par = k % 2
            row = g * 8 + s * 2 + k // 2
            ce = jnp.full((16,), v16[s * 4 + k] & 127, jnp.int32)
            for h in range(4):
                vals = plsc.load_gather(buf.at[s % 2, k],
                                        [row16 + h * 16, ce])
                stage[row, pl.ds(e_par * D + h * 16, 16)] = vals

    def body(g, _):
        v16 = loadv(g)
        fire(v16, 0)

        @pl.when(g > 0)
        def _():
            v16p = loadv(g - 1)
            drain(3)
            extract(g - 1, v16p, 3)

        fire(v16, 1)
        drain(0)
        extract(g, v16, 0)
        fire(v16, 2)
        drain(1)
        extract(g, v16, 1)
        fire(v16, 3)
        drain(2)
        extract(g, v16, 2)
        return 0

    lax.fori_loop(0, VG, body, 0)
    v16l = loadv(VG - 1)
    drain(3)
    extract(VG - 1, v16l, 3)
    pltpu.sync_copy(stage, out.at[pl.ds(pl.multiple_of(base // 2, 8),
                                        BPW // 2)])


def _gather_body(p_idx_hbm, t_idx_hbm, p_tab, t_tab, p_out, t_out,
                 pidx_v, tidx_v, buf, stage, sem0, sem1):
    wid = lax.axis_index("s") * NC + lax.axis_index("c")
    base = wid * BPW
    pltpu.sync_copy(p_idx_hbm.at[pl.ds(base, BPW)], pidx_v)
    pltpu.sync_copy(t_idx_hbm.at[pl.ds(base, BPW)], tidx_v)
    _gather_one(pidx_v, p_tab, p_out, base, stage, buf, sem0, sem1)
    _gather_one(tidx_v, t_tab, t_out, base, stage, buf, sem0, sem1)


def _sc_gather(p_idx, t_idx, p_tabT, t_tabT):
    mesh = plsc.VectorSubcoreMesh(core_axis_name="c", subcore_axis_name="s")
    k = pl.kernel(
        _gather_body,
        out_type=[jax.ShapeDtypeStruct((BATCH // 2, 2 * D), jnp.float32),
                  jax.ShapeDtypeStruct((BATCH // 2, 2 * D), jnp.float32)],
        mesh=mesh,
        scratch_types=[
            pltpu.VMEM((BPW,), jnp.int32),
            pltpu.VMEM((BPW,), jnp.int32),
            pltpu.VMEM((2, 4, D, 128), jnp.float32),
            pltpu.VMEM((BPW // 2, 2 * D), jnp.float32),
            pltpu.SemaphoreType.DMA,
            pltpu.SemaphoreType.DMA,
        ],
        compiler_params=pltpu.CompilerParams(needs_layout_passes=False),
    )
    return k(p_idx, t_idx, p_tabT, t_tabT)


def _mlp_body(p_ref, t_ref, wp_ref, wt_ref, bp_ref, bt_ref, o_ref):
    xl, xr = p_ref[:, :D], p_ref[:, D:]
    yl, yr = t_ref[:, :D], t_ref[:, D:]
    dn = (((1,), (1,)), ((), ()))
    pvl = jnp.maximum(lax.dot_general(xl, wp_ref[...], dn,
                      preferred_element_type=jnp.float32) + bp_ref[...], 0.)
    pvr = jnp.maximum(lax.dot_general(xr, wp_ref[...], dn,
                      preferred_element_type=jnp.float32) + bp_ref[...], 0.)
    tvl = jnp.maximum(lax.dot_general(yl, wt_ref[...], dn,
                      preferred_element_type=jnp.float32) + bt_ref[...], 0.)
    tvr = jnp.maximum(lax.dot_general(yr, wt_ref[...], dn,
                      preferred_element_type=jnp.float32) + bt_ref[...], 0.)
    even = jnp.sum(pvl * tvl, axis=1, keepdims=True)
    odd = jnp.sum(pvr * tvr, axis=1, keepdims=True)
    o_ref[...] = jnp.concatenate([even, odd], axis=1)


def _tc_mlp_dot(p_emb2, t_emb2, Wp, bp, Wt, bt):
    nrow = BATCH // 2
    nblk = 16
    blk = nrow // nblk
    out = pl.pallas_call(
        _mlp_body,
        grid=(nblk,),
        in_specs=[
            pl.BlockSpec((blk, 128), lambda i: (i, 0)),
            pl.BlockSpec((blk, 128), lambda i: (i, 0)),
            pl.BlockSpec((D, D), lambda i: (0, 0)),
            pl.BlockSpec((D, D), lambda i: (0, 0)),
            pl.BlockSpec((1, D), lambda i: (0, 0)),
            pl.BlockSpec((1, D), lambda i: (0, 0)),
        ],
        out_specs=pl.BlockSpec((blk, 2), lambda i: (i, 0)),
        out_shape=jax.ShapeDtypeStruct((nrow, 2), jnp.float32),
    )(p_emb2, t_emb2, Wp, Wt, bp.reshape(1, D), bt.reshape(1, D))
    return out.reshape(BATCH)


def kernel(p_idx, t_idx, play_table, track_table, Wp, bp, Wt, bt):
    p_emb2, t_emb2 = _sc_gather(p_idx, t_idx, play_table.T, track_table.T)
    return _tc_mlp_dot(p_emb2, t_emb2, Wp, bp, Wt, bt)

# --- scband reference (transcript-rebuilt; emitter-appended) ---
"""Pipeline reference for scband-two-tower-model-v2-32890859553047 (READ-ONLY COPY).

The authoritative reference and input builder live on the scoring server;
editing this copy changes nothing except your own understanding.
"""

import jax, jax.numpy as jnp
import numpy as np

NUM_PLAYLISTS = 1000000
NUM_TRACKS = 1000000
EMB_DIM = 64
BATCH = 16384

def setup_inputs(seed: int = 0) -> dict:
    key = jax.random.key(seed)
    k1, k2, k3, k4, k5, k6, k7, k8 = jax.random.split(key, 8)
    p_idx = jax.random.randint(k1, (BATCH,), 0, NUM_PLAYLISTS, dtype=jnp.int64) if jax.config.jax_enable_x64 else jax.random.randint(k1, (BATCH,), 0, NUM_PLAYLISTS, dtype=jnp.int32)
    t_idx = jax.random.randint(k2, (BATCH,), 0, NUM_TRACKS, dtype=jnp.int64) if jax.config.jax_enable_x64 else jax.random.randint(k2, (BATCH,), 0, NUM_TRACKS, dtype=jnp.int32)
    play_table = jax.random.normal(k3, (NUM_PLAYLISTS + 1, EMB_DIM), dtype=jnp.float32)
    track_table = jax.random.normal(k4, (NUM_TRACKS + 1, EMB_DIM), dtype=jnp.float32)
    lim = 1.0 / np.sqrt(EMB_DIM)
    Wp = jax.random.uniform(k5, (EMB_DIM, EMB_DIM), minval=-lim, maxval=lim, dtype=jnp.float32)
    bp = jax.random.uniform(k6, (EMB_DIM,), minval=-lim, maxval=lim, dtype=jnp.float32)
    Wt = jax.random.uniform(k7, (EMB_DIM, EMB_DIM), minval=-lim, maxval=lim, dtype=jnp.float32)
    bt = jax.random.uniform(k8, (EMB_DIM,), minval=-lim, maxval=lim, dtype=jnp.float32)
    return {"p_idx": p_idx, "t_idx": t_idx, "play_table": play_table, "track_table": track_table, "Wp": Wp, "bp": bp, "Wt": Wt, "bt": bt}

def reference(p_idx, t_idx, play_table, track_table, Wp, bp, Wt, bt):
    max_pid_idx = play_table.shape[0] - 1
    max_tid_idx = track_table.shape[0] - 1
    p_idx_safe = jnp.where(p_idx < max_pid_idx, p_idx, max_pid_idx)
    t_idx_safe = jnp.where(t_idx < max_tid_idx, t_idx, max_tid_idx)
    p_emb = jnp.take(play_table, p_idx_safe, axis=0)
    t_emb = jnp.take(track_table, t_idx_safe, axis=0)
    p_vec = jax.nn.relu(p_emb @ Wp.T + bp)
    t_vec = jax.nn.relu(t_emb @ Wt.T + bt)
    return (p_vec * t_vec).sum(axis=1)

if __name__ == "__main__":
    import jax
    _d = setup_inputs()
    print(jax.jit(kernel)(*tuple(_d.values())))

</pallas_src>

<mosaic_0001>
#map = affine_map<(d0, d1) -> (0)>
#map1 = affine_map<(d0, d1) -> (0, 0)>
module attributes {stable_mosaic.version = 14 : i64} {
  func.func @_gather_body(%arg0: i32, %arg1: i32, %arg2: memref<16384xi32, #tpu.memory_space<hbm>>, %arg3: memref<16384xi32, #tpu.memory_space<hbm>>, %arg4: memref<64x1000001xf32, #tpu.memory_space<hbm>>, %arg5: memref<64x1000001xf32, #tpu.memory_space<hbm>>, %arg6: memref<8192x128xf32, #tpu.memory_space<hbm>>, %arg7: memref<8192x128xf32, #tpu.memory_space<hbm>>, %arg8: memref<512xi32, #tpu.memory_space<vmem>>, %arg9: memref<512xi32, #tpu.memory_space<vmem>>, %arg10: memref<2x4x64x128xf32, #tpu.memory_space<vmem>>, %arg11: memref<256x128xf32, #tpu.memory_space<vmem>>, %arg12: memref<!tpu.dma_semaphore, #tpu.memory_space<semaphore_mem>>, %arg13: memref<!tpu.dma_semaphore, #tpu.memory_space<semaphore_mem>>) attributes {dimension_semantics = [#tpu.dimension_semantics<core_parallel>, #tpu.dimension_semantics<subcore_parallel>], iteration_bounds = array<i64: 2, 16>, scalar_prefetch = 0 : i64, scratch_operands = 6 : i64, tpu.core_type = #tpu.core_type<sc_vector_subcore>, window_params = [{transform_indices = #map}, {transform_indices = #map}, {transform_indices = #map1}, {transform_indices = #map1}, {transform_indices = #map1}, {transform_indices = #map1}]} {
    %mul3A = arith.constant 2 : i32
    %mul3A_0 = arith.muli %arg1, %mul3A : i32
    %add3A = arith.addi %mul3A_0, %arg0 : i32
    %mul3A_1 = arith.constant 512 : i32
    %mul3A_2 = arith.muli %add3A, %mul3A_1 : i32
    "tpu.region"() ({
      %run_scoped3A = tpu.sem_alloc : memref<!tpu.dma_semaphore, #tpu.memory_space<semaphore_mem>>
      %dma_start3A = tpu.memref_slice %arg2[%mul3A_2] : memref<16384xi32, #tpu.memory_space<hbm>> -> memref<512xi32, #tpu.memory_space<hbm>>
      %dma_start3A_680 = tpu.memref_slice %arg2[%mul3A_2] : memref<16384xi32, #tpu.memory_space<hbm>> -> memref<512xi32, #tpu.memory_space<hbm>>
      tpu.enqueue_dma source(%dma_start3A_680 : memref<512xi32, #tpu.memory_space<hbm>>) target(%arg8 : memref<512xi32, #tpu.memory_space<vmem>>) target_semaphore(%run_scoped3A : memref<!tpu.dma_semaphore, #tpu.memory_space<semaphore_mem>>)
      %dma_wait3A_681 = tpu.memref_slice %arg2[%mul3A_2] : memref<16384xi32, #tpu.memory_space<hbm>> -> memref<512xi32, #tpu.memory_space<hbm>>
      %dma_wait3A_682 = tpu.memref_slice %arg2[%mul3A_2] : memref<16384xi32, #tpu.memory_space<hbm>> -> memref<512xi32, #tpu.memory_space<hbm>>
      tpu.wait_dma2 semaphore(%run_scoped3A : memref<!tpu.dma_semaphore, #tpu.memory_space<semaphore_mem>>) src(%dma_wait3A_682 : memref<512xi32, #tpu.memory_space<hbm>>) dst(%arg8 : memref<512xi32, #tpu.memory_space<vmem>>)
      tpu.yield
    }) : () -> ()
    "tpu.region"() ({
      %run_scoped3A = tpu.sem_alloc : memref<!tpu.dma_semaphore, #tpu.memory_space<semaphore_mem>>
      %dma_start3A = tpu.memref_slice %arg3[%mul3A_2] : memref<16384xi32, #tpu.memory_space<hbm>> -> memref<512xi32, #tpu.memory_space<hbm>>
      %dma_start3A_680 = tpu.memref_slice %arg3[%mul3A_2] : memref<16384xi32, #tpu.memory_space<hbm>> -> memref<512xi32, #tpu.memory_space<hbm>>
      tpu.enqueue_dma source(%dma_start3A_680 : memref<512xi32, #tpu.memory_space<hbm>>) target(%arg9 : memref<512xi32, #tpu.memory_space<vmem>>) target_semaphore(%run_scoped3A : memref<!tpu.dma_semaphore, #tpu.memory_space<semaphore_mem>>)
      %dma_wait3A_681 = tpu.memref_slice %arg3[%mul3A_2] : memref<16384xi32, #tpu.memory_space<hbm>> -> memref<512xi32, #tpu.memory_space<hbm>>
      %dma_wait3A_682 = tpu.memref_slice %arg3[%mul3A_2] : memref<16384xi32, #tpu.memory_space<hbm>> -> memref<512xi32, #tpu.memory_space<hbm>>
      tpu.wait_dma2 semaphore(%run_scoped3A : memref<!tpu.dma_semaphore, #tpu.memory_space<semaphore_mem>>) src(%dma_wait3A_682 : memref<512xi32, #tpu.memory_space<hbm>>) dst(%arg9 : memref<512xi32, #tpu.memory_space<vmem>>)
      tpu.yield
    }) : () -> ()
    %iota3A = tpu.iota {dimensions = array<i32: 0>} : vector<16xi32>
    %scan3A = arith.constant 0 : i32
    %scan3A_3 = arith.constant 0 : i32
    %scan3A_4 = arith.constant 32 : i32
    %scan3A_5 = arith.addi %scan3A_3, %scan3A_4 : i32
    %scan3A_6 = arith.constant 1 : i32
    %scan3A_7 = scf.for %scan3A_680 = %scan3A_3 to %scan3A_5 step %scan3A_6 iter_args(%scan3A_681 = %scan3A) -> (i32)  : i32 {
      %mul3A_682 = arith.constant 16 : i32
      %mul3A_683 = arith.muli %scan3A_680, %mul3A_682 : i32
      %multiple_of3A_684 = tpu.assume_multiple %mul3A_683, 16 : i32
      %get3A_685 = arith.index_cast %multiple_of3A_684 : i32 to index
      %get3A_686 = tpu.vector_load %arg8[%get3A_685] {strides = array<i32>} : memref<512xi32, #tpu.memory_space<vmem>>, vector<16xi32>,
      %min3A_687 = arith.constant 1000000 : i32
      %min3A_688 = vector.broadcast %min3A_687 : i32 to vector<16xi32>
      %min3A_689 = arith.minsi %get3A_686, %min3A_688 : vector<16xi32>
      %slice3A_690 = vector.extract_strided_slice %min3A_689 {offsets = [0], sizes = [1], strides = [1]} : vector<16xi32> to vector<1xi32>
      %squeeze3A_691 = vector.extract %slice3A_690[0] : i32 from vector<1xi32>
      %shift_right_arithmetic3A = arith.constant 7 : i32
      %shift_right_arithmetic3A_692 = arith.shrsi %squeeze3A_691, %shift_right_arithmetic3A : i32
      %mul3A_693 = arith.constant 128 : i32
      %mul3A_694 = arith.muli %shift_right_arithmetic3A_692, %mul3A_693 : i32
      %multiple_of3A_695 = tpu.assume_multiple %mul3A_694, 128 : i32
      %dma_start3A = arith.constant 0 : i32
      %dma_start3A_696 = arith.constant 0 : i32
      %dma_start3A_697 = arith.constant 0 : i32
      %dma_start3A_698 = arith.constant 0 : i32
      %dma_start3A_699 = tpu.memref_slice %arg10[%dma_start3A, %dma_start3A_696, %dma_start3A_697, %dma_start3A_698] : memref<2x4x64x128xf32, #tpu.memory_space<vmem>> -> memref<1x1x64x128xf32, #tpu.memory_space<vmem>>
      %dma_start3A_700 = tpu.memref_squeeze %dma_start3A_699 : memref<1x1x64x128xf32, #tpu.memory_space<vmem>> -> memref<64x128xf32, #tpu.memory_space<vmem>>
      %dma_start3A_701 = arith.constant 0 : i32
      %dma_start3A_702 = tpu.memref_slice %arg4[%dma_start3A_701, %multiple_of3A_695] : memref<64x1000001xf32, #tpu.memory_space<hbm>> -> memref<64x128xf32, #tpu.memory_space<hbm>>
      %dma_start3A_703 = arith.constant 0 : i32
      %dma_start3A_704 = arith.constant 0 : i32
      %dma_start3A_705 = tpu.memref_slice %arg10[%dma_start3A, %dma_start3A_696, %dma_start3A_703, %dma_start3A_704] : memref<2x4x64x128xf32, #tpu.memory_space<vmem>> -> memref<1x1x64x128xf32, #tpu.memory_space<vmem>>
      %dma_start3A_706 = tpu.memref_squeeze %dma_start3A_705 : memref<1x1x64x128xf32, #tpu.memory_space<vmem>> -> memref<64x128xf32, #tpu.memory_space<vmem>>
      %dma_start3A_707 = arith.constant 0 : i32
      %dma_start3A_708 = tpu.memref_slice %arg4[%dma_start3A_707, %multiple_of3A_695] : memref<64x1000001xf32, #tpu.memory_space<hbm>> -> memref<64x128xf32, #tpu.memory_space<hbm>>
      tpu.enqueue_dma source(%dma_start3A_708 : memref<64x128xf32, #tpu.memory_space<hbm>>) target(%dma_start3A_706 : memref<64x128xf32, #tpu.memory_space<vmem>>) target_semaphore(%arg12 : memref<!tpu.dma_semaphore, #tpu.memory_space<semaphore_mem>>)
      %slice3A_709 = vector.extract_strided_slice %min3A_689 {offsets = [1], sizes = [1], strides = [1]} : vector<16xi32> to vector<1xi32>
      %squeeze3A_710 = vector.extract %slice3A_709[0] : i32 from vector<1xi32>
      %shift_right_arithmetic3A_711 = arith.constant 7 : i32
      %shift_right_arithmetic3A_712 = arith.shrsi %squeeze3A_710, %shift_right_arithmetic3A_711 : i32
      %mul3A_713 = arith.constant 128 : i32
      %mul3A_714 = arith.muli %shift_right_arithmetic3A_712, %mul3A_713 : i32
      %multiple_of3A_715 = tpu.assume_multiple %mul3A_714, 128 : i32
      %dma_start3A_716 = arith.constant 0 : i32
      %dma_start3A_717 = arith.constant 1 : i32
      %dma_start3A_718 = arith.constant 0 : i32
      %dma_start3A_719 = arith.constant 0 : i32
      %dma_start3A_720 = tpu.memref_slice %arg10[%dma_start3A_716, %dma_start3A_717, %dma_start3A_718, %dma_start3A_719] : memref<2x4x64x128xf32, #tpu.memory_space<vmem>> -> memref<1x1x64x128xf32, #tpu.memory_space<vmem>>
      %dma_start3A_721 = tpu.memref_squeeze %dma_start3A_720 : memref<1x1x64x128xf32, #tpu.memory_space<vmem>> -> memref<64x128xf32, #tpu.memory_space<vmem>>
      %dma_start3A_722 = arith.constant 0 : i32
      %dma_start3A_723 = tpu.memref_slice %arg4[%dma_start3A_722, %multiple_of3A_715] : memref<64x1000001xf32, #tpu.memory_space<hbm>> -> memref<64x128xf32, #tpu.memory_space<hbm>>
      %dma_start3A_724 = arith.constant 0 : i32
      %dma_start3A_725 = arith.constant 0 : i32
      %dma_start3A_726 = tpu.memref_slice %arg10[%dma_start3A_716, %dma_start3A_717, %dma_start3A_724, %dma_start3A_725] : memref<2x4x64x128xf32, #tpu.memory_space<vmem>> -> memref<1x1x64x128xf32, #tpu.memory_space<vmem>>
      %dma_start3A_727 = tpu.memref_squeeze %dma_start3A_726 : memref<1x1x64x128xf32, #tpu.memory_space<vmem>> -> memref<64x128xf32, #tpu.memory_space<vmem>>
      %dma_start3A_728 = arith.constant 0 : i32
      %dma_start3A_729 = tpu.memref_slice %arg4[%dma_start3A_728, %multiple_of3A_715] : memref<64x1000001xf32, #tpu.memory_space<hbm>> -> memref<64x128xf32, #tpu.memory_space<hbm>>
      tpu.enqueue_dma source(%dma_start3A_729 : memref<64x128xf32, #tpu.memory_space<hbm>>) target(%dma_start3A_727 : memref<64x128xf32, #tpu.memory_space<vmem>>) target_semaphore(%arg12 : memref<!tpu.dma_semaphore, #tpu.memory_space<semaphore_mem>>)
      %slice3A_730 = vector.extract_strided_slice %min3A_689 {offsets = [2], sizes = [1], strides = [1]} : vector<16xi32> to vector<1xi32>
      %squeeze3A_731 = vector.extract %slice3A_730[0] : i32 from vector<1xi32>
      %shift_right_arithmetic3A_732 = arith.constant 7 : i32
      %shift_right_arithmetic3A_733 = arith.shrsi %squeeze3A_731, %shift_right_arithmetic3A_732 : i32
      %mul3A_734 = arith.constant 128 : i32
      %mul3A_735 = arith.muli %shift_right_arithmetic3A_733, %mul3A_734 : i32
      %multiple_of3A_736 = tpu.assume_multiple %mul3A_735, 128 : i32
      %dma_start3A_737 = arith.constant 0 : i32
      %dma_start3A_738 = arith.constant 2 : i32
      %dma_start3A_739 = arith.constant 0 : i32
      %dma_start3A_740 = arith.constant 0 : i32
      %dma_start3A_741 = tpu.memref_slice %arg10[%dma_start3A_737, %dma_start3A_738, %dma_start3A_739, %dma_start3A_740] : memref<2x4x64x128xf32, #tpu.memory_space<vmem>> -> memref<1x1x64x128xf32, #tpu.memory_space<vmem>>
      %dma_start3A_742 = tpu.memref_squeeze %dma_start3A_741 : memref<1x1x64x128xf32, #tpu.memory_space<vmem>> -> memref<64x128xf32, #tpu.memory_space<vmem>>
      %dma_start3A_743 = arith.constant 0 : i32
      %dma_start3A_744 = tpu.memref_slice %arg4[%dma_start3A_743, %multiple_of3A_736] : memref<64x1000001xf32, #tpu.memory_space<hbm>> -> memref<64x128xf32, #tpu.memory_space<hbm>>
      %dma_start3A_745 = arith.constant 0 : i32
      %dma_start3A_746 = arith.constant 0 : i32
      %dma_start3A_747 = tpu.memref_slice %arg10[%dma_start3A_737, %dma_start3A_738, %dma_start3A_745, %dma_start3A_746] : memref<2x4x64x128xf32, #tpu.memory_space<vmem>> -> memref<1x1x64x128xf32, #tpu.memory_space<vmem>>
      %dma_start3A_748 = tpu.memref_squeeze %dma_start3A_747 : memref<1x1x64x128xf32, #tpu.memory_space<vmem>> -> memref<64x128xf32, #tpu.memory_space<vmem>>
      %dma_start3A_749 = arith.constant 0 : i32
      %dma_start3A_750 = tpu.memref_slice %arg4[%dma_start3A_749, %multiple_of3A_736] : memref<64x1000001xf32, #tpu.memory_space<hbm>> -> memref<64x128xf32, #tpu.memory_space<hbm>>
      tpu.enqueue_dma source(%dma_start3A_750 : memref<64x128xf32, #tpu.memory_space<hbm>>) target(%dma_start3A_748 : memref<64x128xf32, #tpu.memory_space<vmem>>) target_semaphore(%arg12 : memref<!tpu.dma_semaphore, #tpu.memory_space<semaphore_mem>>)
      %slice3A_751 = vector.extract_strided_slice %min3A_689 {offsets = [3], sizes = [1], strides = [1]} : vector<16xi32> to vector<1xi32>
      %squeeze3A_752 = vector.extract %slice3A_751[0] : i32 from vector<1xi32>
      %shift_right_arithmetic3A_753 = arith.constant 7 : i32
      %shift_right_arithmetic3A_754 = arith.shrsi %squeeze3A_752, %shift_right_arithmetic3A_753 : i32
      %mul3A_755 = arith.constant 128 : i32
      %mul3A_756 = arith.muli %shift_right_arithmetic3A_754, %mul3A_755 : i32
      %multiple_of3A_757 = tpu.assume_multiple %mul3A_756, 128 : i32
      %dma_start3A_758 = arith.constant 0 : i32
      %dma_start3A_759 = arith.constant 3 : i32
      %dma_start3A_760 = arith.constant 0 : i32
      %dma_start3A_761 = arith.constant 0 : i32
      %dma_start3A_762 = tpu.memref_slice %arg10[%dma_start3A_758, %dma_start3A_759, %dma_start3A_760, %dma_start3A_761] : memref<2x4x64x128xf32, #tpu.memory_space<vmem>> -> memref<1x1x64x128xf32, #tpu.memory_space<vmem>>
      %dma_start3A_763 = tpu.memref_squeeze %dma_start3A_762 : memref<1x1x64x128xf32, #tpu.memory_space<vmem>> -> memref<64x128xf32, #tpu.memory_space<vmem>>
      %dma_start3A_764 = arith.constant 0 : i32
      %dma_start3A_765 = tpu.memref_slice %arg4[%dma_start3A_764, %multiple_of3A_757] : memref<64x1000001xf32, #tpu.memory_space<hbm>> -> memref<64x128xf32, #tpu.memory_space<hbm>>
      %dma_start3A_766 = arith.constant 0 : i32
      %dma_start3A_767 = arith.constant 0 : i32
      %dma_start3A_768 = tpu.memref_slice %arg10[%dma_start3A_758, %dma_start3A_759, %dma_start3A_766, %dma_start3A_767] : memref<2x4x64x128xf32, #tpu.memory_space<vmem>> -> memref<1x1x64x128xf32, #tpu.memory_space<vmem>>
      %dma_start3A_769 = tpu.memref_squeeze %dma_start3A_768 : memref<1x1x64x128xf32, #tpu.memory_space<vmem>> -> memref<64x128xf32, #tpu.memory_space<vmem>>
      %dma_start3A_770 = arith.constant 0 : i32
      %dma_start3A_771 = tpu.memref_slice %arg4[%dma_start3A_770, %multiple_of3A_757] : memref<64x1000001xf32, #tpu.memory_space<hbm>> -> memref<64x128xf32, #tpu.memory_space<hbm>>
      tpu.enqueue_dma source(%dma_start3A_771 : memref<64x128xf32, #tpu.memory_space<hbm>>) target(%dma_start3A_769 : memref<64x128xf32, #tpu.memory_space<vmem>>) target_semaphore(%arg12 : memref<!tpu.dma_semaphore, #tpu.memory_space<semaphore_mem>>)
      %gt3A = arith.constant 0 : i32
      %gt3A_772 = arith.cmpi sgt, %scan3A_680, %gt3A : i32
      %convert_element_type3A = arith.extui %gt3A_772 : i1 to i32
      %cond3A = arith.constant 0 : i32
      %cond3A_773 = arith.cmpi ne, %convert_element_type3A, %cond3A : i32
      scf.if %cond3A_773 {
        %sub3A_1975 = arith.constant 1 : i32
        %sub3A_1976 = arith.subi %scan3A_680, %sub3A_1975 : i32
        %mul3A_1977 = arith.constant 16 : i32
        %mul3A_1978 = arith.muli %sub3A_1976, %mul3A_1977 : i32
        %multiple_of3A_1979 = tpu.assume_multiple %mul3A_1978, 16 : i32
        %get3A_1980 = arith.index_cast %multiple_of3A_1979 : i32 to index
        %get3A_1981 = tpu.vector_load %arg8[%get3A_1980] {strides = array<i32>} : memref<512xi32, #tpu.memory_space<vmem>>, vector<16xi32>,
        %min3A_1982 = arith.constant 1000000 : i32
        %min3A_1983 = vector.broadcast %min3A_1982 : i32 to vector<16xi32>
        %min3A_1984 = arith.minsi %get3A_1981, %min3A_1983 : vector<16xi32>
        %dma_wait3A_1985 = arith.constant 1 : i32
        %dma_wait3A_1986 = arith.constant 0 : i32
        %dma_wait3A_1987 = arith.constant 0 : i32
        %dma_wait3A_1988 = arith.constant 0 : i32
        %dma_wait3A_1989 = tpu.memref_slice %arg10[%dma_wait3A_1985, %dma_wait3A_1986, %dma_wait3A_1987, %dma_wait3A_1988] : memref<2x4x64x128xf32, #tpu.memory_space<vmem>> -> memref<1x1x64x128xf32, #tpu.memory_space<vmem>>
        %dma_wait3A_1990 = tpu.memref_squeeze %dma_wait3A_1989 : memref<1x1x64x128xf32, #tpu.memory_space<vmem>> -> memref<64x128xf32, #tpu.memory_space<vmem>>
        %dma_wait3A_1991 = arith.constant 0 : i32
        %dma_wait3A_1992 = arith.constant 0 : i32
        %dma_wait3A_1993 = tpu.memref_slice %arg4[%dma_wait3A_1991, %dma_wait3A_1992] : memref<64x1000001xf32, #tpu.memory_space<hbm>> -> memref<64x128xf32, #tpu.memory_space<hbm>>
        %dma_wait3A_1994 = arith.constant 0 : i32
        %dma_wait3A_1995 = arith.constant 0 : i32
        %dma_wait3A_1996 = tpu.memref_slice %arg10[%dma_wait3A_1985, %dma_wait3A_1986, %dma_wait3A_1994, %dma_wait3A_1995] : memref<2x4x64x128xf32, #tpu.memory_space<vmem>> -> memref<1x1x64x128xf32, #tpu.memory_space<vmem>>
        %dma_wait3A_1997 = tpu.memref_squeeze %dma_wait3A_1996 : memref<1x1x64x128xf32, #tpu.memory_space<vmem>> -> memref<64x128xf32, #tpu.memory_space<vmem>>
        %dma_wait3A_1998 = arith.constant 0 : i32
        %dma_wait3A_1999 = arith.constant 0 : i32
        %dma_wait3A_2000 = tpu.memref_slice %arg4[%dma_wait3A_1998, %dma_wait3A_1999] : memref<64x1000001xf32, #tpu.memory_space<hbm>> -> memref<64x128xf32, #tpu.memory_space<hbm>>
        tpu.wait_dma2 semaphore(%arg13 : memref<!tpu.dma_semaphore, #tpu.memory_space<semaphore_mem>>) src(%dma_wait3A_2000 : memref<64x128xf32, #tpu.memory_space<hbm>>) dst(%dma_wait3A_1997 : memref<64x128xf32, #tpu.memory_space<vmem>>)
        %dma_wait3A_2001 = arith.constant 1 : i32
        %dma_wait3A_2002 = arith.constant 1 : i32
        %dma_wait3A_2003 = arith.constant 0 : i32
        %dma_wait3A_2004 = arith.constant 0 : i32
        %dma_wait3A_2005 = tpu.memref_slice %arg10[%dma_wait3A_2001, %dma_wait3A_2002, %dma_wait3A_2003, %dma_wait3A_2004] : memref<2x4x64x128xf32, #tpu.memory_space<vmem>> -> memref<1x1x64x128xf32, #tpu.memory_space<vmem>>
        %dma_wait3A_2006 = tpu.memref_squeeze %dma_wait3A_2005 : memref<1x1x64x128xf32, #tpu.memory_space<vmem>> -> memref<64x128xf32, #tpu.memory_space<vmem>>
        %dma_wait3A_2007 = arith.constant 0 : i32
        %dma_wait3A_2008 = arith.constant 0 : i32
        %dma_wait3A_2009 = tpu.memref_slice %arg4[%dma_wait3A_2007, %dma_wait3A_2008] : memref<64x1000001xf32, #tpu.memory_space<hbm>> -> memref<64x128xf32, #tpu.memory_space<hbm>>
        %dma_wait3A_2010 = arith.constant 0 : i32
        %dma_wait3A_2011 = arith.constant 0 : i32
        %dma_wait3A_2012 = tpu.memref_slice %arg10[%dma_wait3A_2001, %dma_wait3A_2002, %dma_wait3A_2010, %dma_wait3A_2011] : memref<2x4x64x128xf32, #tpu.memory_space<vmem>> -> memref<1x1x64x128xf32, #tpu.memory_space<vmem>>
        %dma_wait3A_2013 = tpu.memref_squeeze %dma_wait3A_2012 : memref<1x1x64x128xf32, #tpu.memory_space<vmem>> -> memref<64x128xf32, #tpu.memory_space<vmem>>
        %dma_wait3A_2014 = arith.constant 0 : i32
        %dma_wait3A_2015 = arith.constant 0 : i32
        %dma_wait3A_2016 = tpu.memref_slice %arg4[%dma_wait3A_2014, %dma_wait3A_2015] : memref<64x1000001xf32, #tpu.memory_space<hbm>> -> memref<64x128xf32, #tpu.memory_space<hbm>>
        tpu.wait_dma2 semaphore(%arg13 : memref<!tpu.dma_semaphore, #tpu.memory_space<semaphore_mem>>) src(%dma_wait3A_2016 : memref<64x128xf32, #tpu.memory_space<hbm>>) dst(%dma_wait3A_2013 : memref<64x128xf32, #tpu.memory_space<vmem>>)
        %dma_wait3A_2017 = arith.constant 1 : i32
        %dma_wait3A_2018 = arith.constant 2 : i32
        %dma_wait3A_2019 = arith.constant 0 : i32
        %dma_wait3A_2020 = arith.constant 0 : i32
        %dma_wait3A_2021 = tpu.memref_slice %arg10[%dma_wait3A_2017, %dma_wait3A_2018, %dma_wait3A_2019, %dma_wait3A_2020] : memref<2x4x64x128xf32, #tpu.memory_space<vmem>> -> memref<1x1x64x128xf32, #tpu.memory_space<vmem>>
        %dma_wait3A_2022 = tpu.memref_squeeze %dma_wait3A_2021 : memref<1x1x64x128xf32, #tpu.memory_space<vmem>> -> memref<64x128xf32, #tpu.memory_space<vmem>>
        %dma_wait3A_2023 = arith.constant 0 : i32
        %dma_wait3A_2024 = arith.constant 0 : i32
        %dma_wait3A_2025 = tpu.memref_slice %arg4[%dma_wait3A_2023, %dma_wait3A_2024] : memref<64x1000001xf32, #tpu.memory_space<hbm>> -> memref<64x128xf32, #tpu.memory_space<hbm>>
        %dma_wait3A_2026 = arith.constant 0 : i32
        %dma_wait3A_2027 = arith.constant 0 : i32
        %dma_wait3A_2028 = tpu.memref_slice %arg10[%dma_wait3A_2017, %dma_wait3A_2018, %dma_wait3A_2026, %dma_wait3A_2027] : memref<2x4x64x128xf32, #tpu.memory_space<vmem>> -> memref<1x1x64x128xf32, #tpu.memory_space<vmem>>
        %dma_wait3A_2029 = tpu.memref_squeeze %dma_wait3A_2028 : memref<1x1x64x128xf32, #tpu.memory_space<vmem>> -> memref<64x128xf32, #tpu.memory_space<vmem>>
        %dma_wait3A_2030 = arith.constant 0 : i32
        %dma_wait3A_2031 = arith.constant 0 : i32
        %dma_wait3A_2032 = tpu.memref_slice %arg4[%dma_wait3A_2030, %dma_wait3A_2031] : memref<64x1000001xf32, #tpu.memory_space<hbm>> -> memref<64x128xf32, #tpu.memory_space<hbm>>
        tpu.wait_dma2 semaphore(%arg13 : memref<!tpu.dma_semaphore, #tpu.memory_space<semaphore_mem>>) src(%dma_wait3A_2032 : memref<64x128xf32, #tpu.memory_space<hbm>>) dst(%dma_wait3A_2029 : memref<64x128xf32, #tpu.memory_space<vmem>>)
        %dma_wait3A_2033 = arith.constant 1 : i32
        %dma_wait3A_2034 = arith.constant 3 : i32
        %dma_wait3A_2035 = arith.constant 0 : i32
        %dma_wait3A_2036 = arith.constant 0 : i32
        %dma_wait3A_2037 = tpu.memref_slice %arg10[%dma_wait3A_2033, %dma_wait3A_2034, %dma_wait3A_2035, %dma_wait3A_2036] : memref<2x4x64x128xf32, #tpu.memory_space<vmem>> -> memref<1x1x64x128xf32, #tpu.memory_space<vmem>>
        %dma_wait3A_2038 = tpu.memref_squeeze %dma_wait3A_2037 : memref<1x1x64x128xf32, #tpu.memory_space<vmem>> -> memref<64x128xf32, #tpu.memory_space<vmem>>
        %dma_wait3A_2039 = arith.constant 0 : i32
        %dma_wait3A_2040 = arith.constant 0 : i32
        %dma_wait3A_2041 = tpu.memref_slice %arg4[%dma_wait3A_2039, %dma_wait3A_2040] : memref<64x1000001xf32, #tpu.memory_space<hbm>> -> memref<64x128xf32, #tpu.memory_space<hbm>>
        %dma_wait3A_2042 = arith.constant 0 : i32
        %dma_wait3A_2043 = arith.constant 0 : i32
        %dma_wait3A_2044 = tpu.memref_slice %arg10[%dma_wait3A_2033, %dma_wait3A_2034, %dma_wait3A_2042, %dma_wait3A_2043] : memref<2x4x64x128xf32, #tpu.memory_space<vmem>> -> memref<1x1x64x128xf32, #tpu.memory_space<vmem>>
        %dma_wait3A_2045 = tpu.memref_squeeze %dma_wait3A_2044 : memref<1x1x64x128xf32, #tpu.memory_space<vmem>> -> memref<64x128xf32, #tpu.memory_space<vmem>>
        %dma_wait3A_2046 = arith.constant 0 : i32
        %dma_wait3A_2047 = arith.constant 0 : i32
        %dma_wait3A_2048 = tpu.memref_slice %arg4[%dma_wait3A_2046, %dma_wait3A_2047] : memref<64x1000001xf32, #tpu.memory_space<hbm>> -> memref<64x128xf32, #tpu.memory_space<hbm>>
        tpu.wait_dma2 semaphore(%arg13 : memref<!tpu.dma_semaphore, #tpu.memory_space<semaphore_mem>>) src(%dma_wait3A_2048 : memref<64x128xf32, #tpu.memory_space<hbm>>) dst(%dma_wait3A_2045 : memref<64x128xf32, #tpu.memory_space<vmem>>)
        %sub3A_2049 = arith.constant 1 : i32
        %sub3A_2050 = arith.subi %scan3A_680, %sub3A_2049 : i32
        %mul3A_2051 = arith.constant 8 : i32
        %mul3A_2052 = arith.muli %sub3A_2050, %mul3A_2051 : i32
        %add3A_2053 = arith.constant 6 : i32
        %add3A_2054 = arith.addi %mul3A_2052, %add3A_2053 : i32
        %add3A_2055 = arith.constant 0 : i32
        %add3A_2056 = arith.addi %add3A_2054, %add3A_2055 : i32
        %slice3A_2057 = vector.extract_strided_slice %min3A_1984 {offsets = [12], sizes = [1], strides = [1]} : vector<16xi32> to vector<1xi32>
        %squeeze3A_2058 = vector.extract %slice3A_2057[0] : i32 from vector<1xi32>
        %and3A_2059 = arith.constant 127 : i32
        %and3A_2060 = arith.andi %squeeze3A_2058, %and3A_2059 : i32
        %broadcast_in_dim3A_2061 = vector.broadcast %and3A_2060 : i32 to vector<16xi32>
        %add3A_2062 = arith.constant 0 : i32
        %add3A_2063 = vector.broadcast %add3A_2062 : i32 to vector<16xi32>
        %add3A_2064 = arith.addi %iota3A, %add3A_2063 : vector<16xi32>
        %gather3A_2065 = arith.constant 1 : i32
        %gather3A_2066 = arith.constant 0 : i32
        %gather3A_2067 = arith.constant 0 : i32
        %gather3A_2068 = arith.constant 0 : i32
        %gather3A_2069 = tpu.memref_slice %arg10[%gather3A_2065, %gather3A_2066, %gather3A_2067, %gather3A_2068] : memref<2x4x64x128xf32, #tpu.memory_space<vmem>> -> memref<1x1x64x128xf32, #tpu.memory_space<vmem>>
        %gather3A_2070 = tpu.memref_squeeze %gather3A_2069 : memref<1x1x64x128xf32, #tpu.memory_space<vmem>> -> memref<64x128xf32, #tpu.memory_space<vmem>>
        %gather3A_2071 = tpu.vector_load_idx %gather3A_2070[%add3A_2064, %broadcast_in_dim3A_2061] : memref<64x128xf32, #tpu.memory_space<vmem>>[vector<16xi32>, vector<16xi32>], vector<16xf32>,
        %swap3A_2072 = arith.index_cast %add3A_2056 : i32 to index
        %swap3A_2073 = arith.constant 0 : index
        %swap3A_2074 = tpu.vector_load %arg11[%swap3A_2072, %swap3A_2073] {strides = array<i32>} : memref<256x128xf32, #tpu.memory_space<vmem>>, vector<16xf32>,
        tpu.vector_store %arg11[%swap3A_2072, %swap3A_2073], %gather3A_2071 {strides = array<i32>} : memref<256x128xf32, #tpu.memory_space<vmem>>, vector<16xf32>,
        %add3A_2075 = arith.constant 16 : i32
        %add3A_2076 = vector.broadcast %add3A_2075 : i32 to vector<16xi32>
        %add3A_2077 = arith.addi %iota3A, %add3A_2076 : vector<16xi32>
        %gather3A_2078 = arith.constant 1 : i32
        %gather3A_2079 = arith.constant 0 : i32
        %gather3A_2080 = arith.constant 0 : i32
        %gather3A_2081 = arith.constant 0 : i32
        %gather3A_2082 = tpu.memref_slice %arg10[%gather3A_2078, %gather3A_2079, %gather3A_2080, %gather3A_2081] : memref<2x4x64x128xf32, #tpu.memory_space<vmem>> -> memref<1x1x64x128xf32, #tpu.memory_space<vmem>>
        %gather3A_2083 = tpu.memref_squeeze %gather3A_2082 : memref<1x1x64x128xf32, #tpu.memory_space<vmem>> -> memref<64x128xf32, #tpu.memory_space<vmem>>
        %gather3A_2084 = tpu.vector_load_idx %gather3A_2083[%add3A_2077, %broadcast_in_dim3A_2061] : memref<64x128xf32, #tpu.memory_space<vmem>>[vector<16xi32>, vector<16xi32>], vector<16xf32>,
        %swap3A_2085 = arith.index_cast %add3A_2056 : i32 to index
        %swap3A_2086 = arith.constant 16 : index
        %swap3A_2087 = tpu.vector_load %arg11[%swap3A_2085, %swap3A_2086] {strides = array<i32>} : memref<256x128xf32, #tpu.memory_space<vmem>>, vector<16xf32>,
        tpu.vector_store %arg11[%swap3A_2085, %swap3A_2086], %gather3A_2084 {strides = array<i32>} : memref<256x128xf32, #tpu.memory_space<vmem>>, vector<16xf32>,
        %add3A_2088 = arith.constant 32 : i32
        %add3A_2089 = vector.broadcast %add3A_2088 : i32 to vector<16xi32>
        %add3A_2090 = arith.addi %iota3A, %add3A_2089 : vector<16xi32>
        %gather3A_2091 = arith.constant 1 : i32
        %gather3A_2092 = arith.constant 0 : i32
        %gather3A_2093 = arith.constant 0 : i32
        %gather3A_2094 = arith.constant 0 : i32
        %gather3A_2095 = tpu.memref_slice %arg10[%gather3A_2091, %gather3A_2092, %gather3A_2093, %gather3A_2094] : memref<2x4x64x128xf32, #tpu.memory_space<vmem>> -> memref<1x1x64x128xf32, #tpu.memory_space<vmem>>
        %gather3A_2096 = tpu.memref_squeeze %gather3A_2095 : memref<1x1x64x128xf32, #tpu.memory_space<vmem>> -> memref<64x128xf32, #tpu.memory_space<vmem>>
        %gather3A_2097 = tpu.vector_load_idx %gather3A_2096[%add3A_2090, %broadcast_in_dim3A_2061] : memref<64x128xf32, #tpu.memory_space<vmem>>[vector<16xi32>, vector<16xi32>], vector<16xf32>,
        %swap3A_2098 = arith.index_cast %add3A_2056 : i32 to index
        %swap3A_2099 = arith.constant 32 : index
        %swap3A_2100 = tpu.vector_load %arg11[%swap3A_2098, %swap3A_2099] {strides = array<i32>} : memref<256x128xf32, #tpu.memory_space<vmem>>, vector<16xf32>,
        tpu.vector_store %arg11[%swap3A_2098, %swap3A_2099], %gather3A_2097 {strides = array<i32>} : memref<256x128xf32, #tpu.memory_space<vmem>>, vector<16xf32>,
        %add3A_2101 = arith.constant 48 : i32
        %add3A_2102 = vector.broadcast %add3A_2101 : i32 to vector<16xi32>
        %add3A_2103 = arith.addi %iota3A, %add3A_2102 : vector<16xi32>
        %gather3A_2104 = arith.constant 1 : i32
        %gather3A_2105 = arith.constant 0 : i32
        %gather3A_2106 = arith.constant 0 : i32
        %gather3A_2107 = arith.constant 0 : i32
        %gather3A_2108 = tpu.memref_slice %arg10[%gather3A_2104, %gather3A_2105, %gather3A_2106, %gather3A_2107] : memref<2x4x64x128xf32, #tpu.memory_space<vmem>> -> memref<1x1x64x128xf32, #tpu.memory_space<vmem>>
        %gather3A_2109 = tpu.memref_squeeze %gather3A_2108 : memref<1x1x64x128xf32, #tpu.memory_space<vmem>> -> memref<64x128xf32, #tpu.memory_space<vmem>>
        %gather3A_2110 = tpu.vector_load_idx %gather3A_2109[%add3A_2103, %broadcast_in_dim3A_2061] : memref<64x128xf32, #tpu.memory_space<vmem>>[vector<16xi32>, vector<16xi32>], vector<16xf32>,
        %swap3A_2111 = arith.index_cast %add3A_2056 : i32 to index
        %swap3A_2112 = arith.constant 48 : index
        %swap3A_2113 = tpu.vector_load %arg11[%swap3A_2111, %swap3A_2112] {strides = array<i32>} : memref<256x128xf32, #tpu.memory_space<vmem>>, vector<16xf32>,
        tpu.vector_store %arg11[%swap3A_2111, %swap3A_2112], %gather3A_2110 {strides = array<i32>} : memref<256x128xf32, #tpu.memory_space<vmem>>, vector<16xf32>,
        %mul3A_2114 = arith.constant 8 : i32
        %mul3A_2115 = arith.muli %sub3A_2050, %mul3A_2114 : i32
        %add3A_2116 = arith.constant 6 : i32
        %add3A_2117 = arith.addi %mul3A_2115, %add3A_2116 : i32
        %add3A_2118 = arith.constant 0 : i32
        %add3A_2119 = arith.addi %add3A_2117, %add3A_2118 : i32
        %slice3A_2120 = vector.extract_strided_slice %min3A_1984 {offsets = [13], sizes = [1], strides = [1]} : vector<16xi32> to vector<1xi32>
        %squeeze3A_2121 = vector.extract %slice3A_2120[0] : i32 from vector<1xi32>
        %and3A_2122 = arith.constant 127 : i32
        %and3A_2123 = arith.andi %squeeze3A_2121, %and3A_2122 : i32
        %broadcast_in_dim3A_2124 = vector.broadcast %and3A_2123 : i32 to vector<16xi32>
        %add3A_2125 = arith.constant 0 : i32
        %add3A_2126 = vector.broadcast %add3A_2125 : i32 to vector<16xi32>
        %add3A_2127 = arith.addi %iota3A, %add3A_2126 : vector<16xi32>
        %gather3A_2128 = arith.constant 1 : i32
        %gather3A_2129 = arith.constant 1 : i32
        %gather3A_2130 = arith.constant 0 : i32
        %gather3A_2131 = arith.constant 0 : i32
        %gather3A_2132 = tpu.memref_slice %arg10[%gather3A_2128, %gather3A_2129, %gather3A_2130, %gather3A_2131] : memref<2x4x64x128xf32, #tpu.memory_space<vmem>> -> memref<1x1x64x128xf32, #tpu.memory_space<vmem>>
        %gather3A_2133 = tpu.memref_squeeze %gather3A_2132 : memref<1x1x64x128xf32, #tpu.memory_space<vmem>> -> memref<64x128xf32, #tpu.memory_space<vmem>>
        %gather3A_2134 = tpu.vector_load_idx %gather3A_2133[%add3A_2127, %broadcast_in_dim3A_2124] : memref<64x128xf32, #tpu.memory_space<vmem>>[vector<16xi32>, vector<16xi32>], vector<16xf32>,
        %swap3A_2135 = arith.index_cast %add3A_2119 : i32 to index
        %swap3A_2136 = arith.constant 64 : index
        %swap3A_2137 = tpu.vector_load %arg11[%swap3A_2135, %swap3A_2136] {strides = array<i32>} : memref<256x128xf32, #tpu.memory_space<vmem>>, vector<16xf32>,
        tpu.vector_store %arg11[%swap3A_2135, %swap3A_2136], %gather3A_2134 {strides = array<i32>} : memref<256x128xf32, #tpu.memory_space<vmem>>, vector<16xf32>,
        %add3A_2138 = arith.constant 16 : i32
        %add3A_2139 = vector.broadcast %add3A_2138 : i32 to vector<16xi32>
        %add3A_2140 = arith.addi %iota3A, %add3A_2139 : vector<16xi32>
        %gather3A_2141 = arith.constant 1 : i32
        %gather3A_2142 = arith.constant 1 : i32
        %gather3A_2143 = arith.constant 0 : i32
        %gather3A_2144 = arith.constant 0 : i32
        %gather3A_2145 = tpu.memref_slice %arg10[%gather3A_2141, %gather3A_2142, %gather3A_2143, %gather3A_2144] : memref<2x4x64x128xf32, #tpu.memory_space<vmem>> -> memref<1x1x64x128xf32, #tpu.memory_space<vmem>>
        %gather3A_2146 = tpu.memref_squeeze %gather3A_2145 : memref<1x1x64x128xf32, #tpu.memory_space<vmem>> -> memref<64x128xf32, #tpu.memory_space<vmem>>
        %gather3A_2147 = tpu.vector_load_idx %gather3A_2146[%add3A_2140, %broadcast_in_dim3A_2124] : memref<64x128xf32, #tpu.memory_space<vmem>>[vector<16xi32>, vector<16xi32>], vector<16xf32>,
        %swap3A_2148 = arith.index_cast %add3A_2119 : i32 to index
        %swap3A_2149 = arith.constant 80 : index
        %swap3A_2150 = tpu.vector_load %arg11[%swap3A_2148, %swap3A_2149] {strides = array<i32>} : memref<256x128xf32, #tpu.memory_space<vmem>>, vector<16xf32>,
        tpu.vector_store %arg11[%swap3A_2148, %swap3A_2149], %gather3A_2147 {strides = array<i32>} : memref<256x128xf32, #tpu.memory_space<vmem>>, vector<16xf32>,
        %add3A_2151 = arith.constant 32 : i32
        %add3A_2152 = vector.broadcast %add3A_2151 : i32 to vector<16xi32>
        %add3A_2153 = arith.addi %iota3A, %add3A_2152 : vector<16xi32>
        %gather3A_2154 = arith.constant 1 : i32
        %gather3A_2155 = arith.constant 1 : i32
        %gather3A_2156 = arith.constant 0 : i32
        %gather3A_2157 = arith.constant 0 : i32
        %gather3A_2158 = tpu.memref_slice %arg10[%gather3A_2154, %gather3A_2155, %gather3A_2156, %gather3A_2157] : memref<2x4x64x128xf32, #tpu.memory_space<vmem>> -> memref<1x1x64x128xf32, #tpu.memory_space<vmem>>
        %gather3A_2159 = tpu.memref_squeeze %gather3A_2158 : memref<1x1x64x128xf32, #tpu.memory_space<vmem>> -> memref<64x128xf32, #tpu.memory_space<vmem>>
        %gather3A_2160 = tpu.vector_load_idx %gather3A_2159[%add3A_2153, %broadcast_in_dim3A_2124] : memref<64x128xf32, #tpu.memory_space<vmem>>[vector<16xi32>, vector<16xi32>], vector<16xf32>,
        %swap3A_2161 = arith.index_cast %add3A_2119 : i32 to index
        %swap3A_2162 = arith.constant 96 : index
        %swap3A_2163 = tpu.vector_load %arg11[%swap3A_2161, %swap3A_2162] {strides = array<i32>} : memref<256x128xf32, #tpu.memory_space<vmem>>, vector<16xf32>,
        tpu.vector_store %arg11[%swap3A_2161, %swap3A_2162], %gather3A_2160 {strides = array<i32>} : memref<256x128xf32, #tpu.memory_space<vmem>>, vector<16xf32>,
        %add3A_2164 = arith.constant 48 : i32
        %add3A_2165 = vector.broadcast %add3A_2164 : i32 to vector<16xi32>
        %add3A_2166 = arith.addi %iota3A, %add3A_2165 : vector<16xi32>
        %gather3A_2167 = arith.constant 1 : i32
        %gather3A_2168 = arith.constant 1 : i32
        %gather3A_2169 = arith.constant 0 : i32
        %gather3A_2170 = arith.constant 0 : i32
        %gather3A_2171 = tpu.memref_slice %arg10[%gather3A_2167, %gather3A_2168, %gather3A_2169, %gather3A_2170] : memref<2x4x64x128xf32, #tpu.memory_space<vmem>> -> memref<1x1x64x128xf32, #tpu.memory_space<vmem>>
        %gather3A_2172 = tpu.memref_squeeze %gather3A_2171 : memref<1x1x64x128xf32, #tpu.memory_space<vmem>> -> memref<64x128xf32, #tpu.memory_space<vmem>>
        %gather3A_2173 = tpu.vector_load_idx %gather3A_2172[%add3A_2166, %broadcast_in_dim3A_2124] : memref<64x128xf32, #tpu.memory_space<vmem>>[vector<16xi32>, vector<16xi32>], vector<16xf32>,
        %swap3A_2174 = arith.index_cast %add3A_2119 : i32 to index
        %swap3A_2175 = arith.constant 112 : index
        %swap3A_2176 = tpu.vector_load %arg11[%swap3A_2174, %swap3A_2175] {strides = array<i32>} : memref<256x128xf32, #tpu.memory_space<vmem>>, vector<16xf32>,
        tpu.vector_store %arg11[%swap3A_2174, %swap3A_2175], %gather3A_2173 {strides = array<i32>} : memref<256x128xf32, #tpu.memory_space<vmem>>, vector<16xf32>,
        %mul3A_2177 = arith.constant 8 : i32
        %mul3A_2178 = arith.muli %sub3A_2050, %mul3A_2177 : i32
        %add3A_2179 = arith.constant 6 : i32
        %add3A_2180 = arith.addi %mul3A_2178, %add3A_2179 : i32
        %add3A_2181 = arith.constant 1 : i32
        %add3A_2182 = arith.addi %add3A_2180, %add3A_2181 : i32
        %slice3A_2183 = vector.extract_strided_slice %min3A_1984 {offsets = [14], sizes = [1], strides = [1]} : vector<16xi32> to vector<1xi32>
        %squeeze3A_2184 = vector.extract %slice3A_2183[0] : i32 from vector<1xi32>
        %and3A_2185 = arith.constant 127 : i32
        %and3A_2186 = arith.andi %squeeze3A_2184, %and3A_2185 : i32
        %broadcast_in_dim3A_2187 = vector.broadcast %and3A_2186 : i32 to vector<16xi32>
        %add3A_2188 = arith.constant 0 : i32
        %add3A_2189 = vector.broadcast %add3A_2188 : i32 to vector<16xi32>
        %add3A_2190 = arith.addi %iota3A, %add3A_2189 : vector<16xi32>
        %gather3A_2191 = arith.constant 1 : i32
        %gather3A_2192 = arith.constant 2 : i32
        %gather3A_2193 = arith.constant 0 : i32
        %gather3A_2194 = arith.constant 0 : i32
        %gather3A_2195 = tpu.memref_slice %arg10[%gather3A_2191, %gather3A_2192, %gather3A_2193, %gather3A_2194] : memref<2x4x64x128xf32, #tpu.memory_space<vmem>> -> memref<1x1x64x128xf32, #tpu.memory_space<vmem>>
        %gather3A_2196 = tpu.memref_squeeze %gather3A_2195 : memref<1x1x64x128xf32, #tpu.memory_space<vmem>> -> memref<64x128xf32, #tpu.memory_space<vmem>>
        %gather3A_2197 = tpu.vector_load_idx %gather3A_2196[%add3A_2190, %broadcast_in_dim3A_2187] : memref<64x128xf32, #tpu.memory_space<vmem>>[vector<16xi32>, vector<16xi32>], vector<16xf32>,
        %swap3A_2198 = arith.index_cast %add3A_2182 : i32 to index
        %swap3A_2199 = arith.constant 0 : index
        %swap3A_2200 = tpu.vector_load %arg11[%swap3A_2198, %swap3A_2199] {strides = array<i32>} : memref<256x128xf32, #tpu.memory_space<vmem>>, vector<16xf32>,
        tpu.vector_store %arg11[%swap3A_2198, %swap3A_2199], %gather3A_2197 {strides = array<i32>} : memref<256x128xf32, #tpu.memory_space<vmem>>, vector<16xf32>,
        %add3A_2201 = arith.constant 16 : i32
        %add3A_2202 = vector.broadcast %add3A_2201 : i32 to vector<16xi32>
        %add3A_2203 = arith.addi %iota3A, %add3A_2202 : vector<16xi32>
        %gather3A_2204 = arith.constant 1 : i32
        %gather3A_2205 = arith.constant 2 : i32
        %gather3A_2206 = arith.constant 0 : i32
        %gather3A_2207 = arith.constant 0 : i32
        %gather3A_2208 = tpu.memref_slice %arg10[%gather3A_2204, %gather3A_2205, %gather3A_2206, %gather3A_2207] : memref<2x4x64x128xf32, #tpu.memory_space<vmem>> -> memref<1x1x64x128xf32, #tpu.memory_space<vmem>>
        %gather3A_2209 = tpu.memref_squeeze %gather3A_2208 : memref<1x1x64x128xf32, #tpu.memory_space<vmem>> -> memref<64x128xf32, #tpu.memory_space<vmem>>
        %gather3A_2210 = tpu.vector_load_idx %gather3A_2209[%add3A_2203, %broadcast_in_dim3A_2187] : memref<64x128xf32, #tpu.memory_space<vmem>>[vector<16xi32>, vector<16xi32>], vector<16xf32>,
        %swap3A_2211 = arith.index_cast %add3A_2182 : i32 to index
        %swap3A_2212 = arith.constant 16 : index
        %swap3A_2213 = tpu.vector_load %arg11[%swap3A_2211, %swap3A_2212] {strides = array<i32>} : memref<256x128xf32, #tpu.memory_space<vmem>>, vector<16xf32>,
        tpu.vector_store %arg11[%swap3A_2211, %swap3A_2212], %gather3A_2210 {strides = array<i32>} : memref<256x128xf32, #tpu.memory_space<vmem>>, vector<16xf32>,
        %add3A_2214 = arith.constant 32 : i32
        %add3A_2215 = vector.broadcast %add3A_2214 : i32 to vector<16xi32>
        %add3A_2216 = arith.addi %iota3A, %add3A_2215 : vector<16xi32>
        %gather3A_2217 = arith.constant 1 : i32
        %gather3A_2218 = arith.constant 2 : i32
        %gather3A_2219 = arith.constant 0 : i32
        %gather3A_2220 = arith.constant 0 : i32
        %gather3A_2221 = tpu.memref_slice %arg10[%gather3A_2217, %gather3A_2218, %gather3A_2219, %gather3A_2220] : memref<2x4x64x128xf32, #tpu.memory_space<vmem>> -> memref<1x1x64x128xf32, #tpu.memory_space<vmem>>
        %gather3A_2222 = tpu.memref_squeeze %gather3A_2221 : memref<1x1x64x128xf32, #tpu.memory_space<vmem>> -> memref<64x128xf32, #tpu.memory_space<vmem>>
        %gather3A_2223 = tpu.vector_load_idx %gather3A_2222[%add3A_2216, %broadcast_in_dim3A_2187] : memref<64x128xf32, #tpu.memory_space<vmem>>[vector<16xi32>, vector<16xi32>], vector<16xf32>,
        %swap3A_2224 = arith.index_cast %add3A_2182 : i32 to index
        %swap3A_2225 = arith.constant 32 : index
        %swap3A_2226 = tpu.vector_load %arg11[%swap3A_2224, %swap3A_2225] {strides = array<i32>} : memref<256x128xf32, #tpu.memory_space<vmem>>, vector<16xf32>,
        tpu.vector_store %arg11[%swap3A_2224, %swap3A_2225], %gather3A_2223 {strides = array<i32>} : memref<256x128xf32, #tpu.memory_space<vmem>>, vector<16xf32>,
        %add3A_2227 = arith.constant 48 : i32
        %add3A_2228 = vector.broadcast %add3A_2227 : i32 to vector<16xi32>
        %add3A_2229 = arith.addi %iota3A, %add3A_2228 : vector<16xi32>
        %gather3A_2230 = arith.constant 1 : i32
        %gather3A_2231 = arith.constant 2 : i32
        %gather3A_2232 = arith.constant 0 : i32
        %gather3A_2233 = arith.constant 0 : i32
        %gather3A_2234 = tpu.memref_slice %arg10[%gather3A_2230, %gather3A_2231, %gather3A_2232, %gather3A_2233] : memref<2x4x64x128xf32, #tpu.memory_space<vmem>> -> memref<1x1x64x128xf32, #tpu.memory_space<vmem>>
        %gather3A_2235 = tpu.memref_squeeze %gather3A_2234 : memref<1x1x64x128xf32, #tpu.memory_space<vmem>> -> memref<64x128xf32, #tpu.memory_space<vmem>>
        %gather3A_2236 = tpu.vector_load_idx %gather3A_2235[%add3A_2229, %broadcast_in_dim3A_2187] : memref<64x128xf32, #tpu.memory_space<vmem>>[vector<16xi32>, vector<16xi32>], vector<16xf32>,
        %swap3A_2237 = arith.index_cast %add3A_2182 : i32 to index
        %swap3A_2238 = arith.constant 48 : index
        %swap3A_2239 = tpu.vector_load %arg11[%swap3A_2237, %swap3A_2238] {strides = array<i32>} : memref<256x128xf32, #tpu.memory_space<vmem>>, vector<16xf32>,
        tpu.vector_store %arg11[%swap3A_2237, %swap3A_2238], %gather3A_2236 {strides = array<i32>} : memref<256x128xf32, #tpu.memory_space<vmem>>, vector<16xf32>,
        %mul3A_2240 = arith.constant 8 : i32
        %mul3A_2241 = arith.muli %sub3A_2050, %mul3A_2240 : i32
        %add3A_2242 = arith.constant 6 : i32
        %add3A_2243 = arith.addi %mul3A_2241, %add3A_2242 : i32
        %add3A_2244 = arith.constant 1 : i32
        %add3A_2245 = arith.addi %add3A_2243, %add3A_2244 : i32
        %slice3A_2246 = vector.extract_strided_slice %min3A_1984 {offsets = [15], sizes = [1], strides = [1]} : vector<16xi32> to vector<1xi32>
        %squeeze3A_2247 = vector.extract %slice3A_2246[0] : i32 from vector<1xi32>
        %and3A_2248 = arith.constant 127 : i32
        %and3A_2249 = arith.andi %squeeze3A_2247, %and3A_2248 : i32
        %broadcast_in_dim3A_2250 = vector.broadcast %and3A_2249 : i32 to vector<16xi32>
        %add3A_2251 = arith.constant 0 : i32
        %add3A_2252 = vector.broadcast %add3A_2251 : i32 to vector<16xi32>
        %add3A_2253 = arith.addi %iota3A, %add3A_2252 : vector<16xi32>
        %gather3A_2254 = arith.constant 1 : i32
        %gather3A_2255 = arith.constant 3 : i32
        %gather3A_2256 = arith.constant 0 : i32
        %gather3A_2257 = arith.constant 0 : i32
        %gather3A_2258 = tpu.memref_slice %arg10[%gather3A_2254, %gather3A_2255, %gather3A_2256, %gather3A_2257] : memref<2x4x64x128xf32, #tpu.memory_space<vmem>> -> memref<1x1x64x128xf32, #tpu.memory_space<vmem>>
        %gather3A_2259 = tpu.memref_squeeze %gather3A_2258 : memref<1x1x64x128xf32, #tpu.memory_space<vmem>> -> memref<64x128xf32, #tpu.memory_space<vmem>>
        %gather3A_2260 = tpu.vector_load_idx %gather3A_2259[%add3A_2253, %broadcast_in_dim3A_2250] : memref<64x128xf32, #tpu.memory_space<vmem>>[vector<16xi32>, vector<16xi32>], vector<16xf32>,
        %swap3A_2261 = arith.index_cast %add3A_2245 : i32 to index
        %swap3A_2262 = arith.constant 64 : index
        %swap3A_2263 = tpu.vector_load %arg11[%swap3A_2261, %swap3A_2262] {strides = array<i32>} : memref<256x128xf32, #tpu.memory_space<vmem>>, vector<16xf32>,
        tpu.vector_store %arg11[%swap3A_2261, %swap3A_2262], %gather3A_2260 {strides = array<i32>} : memref<256x128xf32, #tpu.memory_space<vmem>>, vector<16xf32>,
        %add3A_2264 = arith.constant 16 : i32
        %add3A_2265 = vector.broadcast %add3A_2264 : i32 to vector<16xi32>
        %add3A_2266 = arith.addi %iota3A, %add3A_2265 : vector<16xi32>
        %gather3A_2267 = arith.constant 1 : i32
        %gather3A_2268 = arith.constant 3 : i32
        %gather3A_2269 = arith.constant 0 : i32
        %gather3A_2270 = arith.constant 0 : i32
        %gather3A_2271 = tpu.memref_slice %arg10[%gather3A_2267, %gather3A_2268, %gather3A_2269, %gather3A_2270] : memref<2x4x64x128xf32, #tpu.memory_space<vmem>> -> memref<1x1x64x128xf32, #tpu.memory_space<vmem>>
        %gather3A_2272 = tpu.memref_squeeze %gather3A_2271 : memref<1x1x64x128xf32, #tpu.memory_space<vmem>> -> memref<64x128xf32, #tpu.memory_space<vmem>>
        %gather3A_2273 = tpu.vector_load_idx %gather3A_2272[%add3A_2266, %broadcast_in_dim3A_2250] : memref<64x128xf32, #tpu.memory_space<vmem>>[vector<16xi32>, vector<16xi32>], vector<16xf32>,
        %swap3A_2274 = arith.index_cast %add3A_2245 : i32 to index
        %swap3A_2275 = arith.constant 80 : index
        %swap3A_2276 = tpu.vector_load %arg11[%swap3A_2274, %swap3A_2275] {strides = array<i32>} : memref<256x128xf32, #tpu.memory_space<vmem>>, vector<16xf32>,
        tpu.vector_store %arg11[%swap3A_2274, %swap3A_2275], %gather3A_2273 {strides = array<i32>} : memref<256x128xf32, #tpu.memory_space<vmem>>, vector<16xf32>,
        %add3A_2277 = arith.constant 32 : i32
        %add3A_2278 = vector.broadcast %add3A_2277 : i32 to vector<16xi32>
        %add3A_2279 = arith.addi %iota3A, %add3A_2278 : vector<16xi32>
        %gather3A_2280 = arith.constant 1 : i32
        %gather3A_2281 = arith.constant 3 : i32
        %gather3A_2282 = arith.constant 0 : i32
        %gather3A_2283 = arith.constant 0 : i32
        %gather3A_2284 = tpu.memref_slice %arg10[%gather3A_2280, %gather3A_2281, %gather3A_2282, %gather3A_2283] : memref<2x4x64x128xf32, #tpu.memory_space<vmem>> -> memref<1x1x64x128xf32, #tpu.memory_space<vmem>>
        %gather3A_2285 = tpu.memref_squeeze %gather3A_2284 : memref<1x1x64x128xf32, #tpu.memory_space<vmem>> -> memref<64x128xf32, #tpu.memory_space<vmem>>
        %gather3A_2286 = tpu.vector_load_idx %gather3A_2285[%add3A_2279, %broadcast_in_dim3A_2250] : memref<64x128xf32, #tpu.memory_space<vmem>>[vector<16xi32>, vector<16xi32>], vector<16xf32>,
        %swap3A_2287 = arith.index_cast %add3A_2245 : i32 to index
        %swap3A_2288 = arith.constant 96 : index
        %swap3A_2289 = tpu.vector_load %arg11[%swap3A_2287, %swap3A_2288] {strides = array<i32>} : memref<256x128xf32, #tpu.memory_space<vmem>>, vector<16xf32>,
        tpu.vector_store %arg11[%swap3A_2287, %swap3A_2288], %gather3A_2286 {strides = array<i32>} : memref<256x128xf32, #tpu.memory_space<vmem>>, vector<16xf32>,
        %add3A_2290 = arith.constant 48 : i32
        %add3A_2291 = vector.broadcast %add3A_2290 : i32 to vector<16xi32>
        %add3A_2292 = arith.addi %iota3A, %add3A_2291 : vector<16xi32>
        %gather3A_2293 = arith.constant 1 : i32
        %gather3A_2294 = arith.constant 3 : i32
        %gather3A_2295 = arith.constant 0 : i32
        %gather3A_2296 = arith.constant 0 : i32
        %gather3A_2297 = tpu.memref_slice %arg10[%gather3A_2293, %gather3A_2294, %gather3A_2295, %gather3A_2296] : memref<2x4x64x128xf32, #tpu.memory_space<vmem>> -> memref<1x1x64x128xf32, #tpu.memory_space<vmem>>
        %gather3A_2298 = tpu.memref_squeeze %gather3A_2297 : memref<1x1x64x128xf32, #tpu.memory_space<vmem>> -> memref<64x128xf32, #tpu.memory_space<vmem>>
        %gather3A_2299 = tpu.vector_load_idx %gather3A_2298[%add3A_2292, %broadcast_in_dim3A_2250] : memref<64x128xf32, #tpu.memory_space<vmem>>[vector<16xi32>, vector<16xi32>], vector<16xf32>,
        %swap3A_2300 = arith.index_cast %add3A_2245 : i32 to index
        %swap3A_2301 = arith.constant 112 : index
        %swap3A_2302 = tpu.vector_load %arg11[%swap3A_2300, %swap3A_2301] {strides = array<i32>} : memref<256x128xf32, #tpu.memory_space<vmem>>, vector<16xf32>,
        tpu.vector_store %arg11[%swap3A_2300, %swap3A_2301], %gather3A_2299 {strides = array<i32>} : memref<256x128xf32, #tpu.memory_space<vmem>>, vector<16xf32>,
      } else {
      }
      %slice3A_774 = vector.extract_strided_slice %min3A_689 {offsets = [4], sizes = [1], strides = [1]} : vector<16xi32> to vector<1xi32>
      %squeeze3A_775 = vector.extract %slice3A_774[0] : i32 from vector<1xi32>
      %shift_right_arithmetic3A_776 = arith.constant 7 : i32
      %shift_right_arithmetic3A_777 = arith.shrsi %squeeze3A_775, %shift_right_arithmetic3A_776 : i32
      %mul3A_778 = arith.constant 128 : i32
      %mul3A_779 = arith.muli %shift_right_arithmetic3A_777, %mul3A_778 : i32
      %multiple_of3A_780 = tpu.assume_multiple %mul3A_779, 128 : i32
      %dma_start3A_781 = arith.constant 1 : i32
      %dma_start3A_782 = arith.constant 0 : i32
      %dma_start3A_783 = arith.constant 0 : i32
      %dma_start3A_784 = arith.constant 0 : i32
      %dma_start3A_785 = tpu.memref_slice %arg10[%dma_start3A_781, %dma_start3A_782, %dma_start3A_783, %dma_start3A_784] : memref<2x4x64x128xf32, #tpu.memory_space<vmem>> -> memref<1x1x64x128xf32, #tpu.memory_space<vmem>>
      %dma_start3A_786 = tpu.memref_squeeze %dma_start3A_785 : memref<1x1x64x128xf32, #tpu.memory_space<vmem>> -> memref<64x128xf32, #tpu.memory_space<vmem>>
      %dma_start3A_787 = arith.constant 0 : i32
      %dma_start3A_788 = tpu.memref_slice %arg4[%dma_start3A_787, %multiple_of3A_780] : memref<64x1000001xf32, #tpu.memory_space<hbm>> -> memref<64x128xf32, #tpu.memory_space<hbm>>
      %dma_start3A_789 = arith.constant 0 : i32
      %dma_start3A_790 = arith.constant 0 : i32
      %dma_start3A_791 = tpu.memref_slice %arg10[%dma_start3A_781, %dma_start3A_782, %dma_start3A_789, %dma_start3A_790] : memref<2x4x64x128xf32, #tpu.memory_space<vmem>> -> memref<1x1x64x128xf32, #tpu.memory_space<vmem>>
      %dma_start3A_792 = tpu.memref_squeeze %dma_start3A_791 : memref<1x1x64x128xf32, #tpu.memory_space<vmem>> -> memref<64x128xf32, #tpu.memory_space<vmem>>
      %dma_start3A_793 = arith.constant 0 : i32
      %dma_start3A_794 = tpu.memref_slice %arg4[%dma_start3A_793, %multiple_of3A_780] : memref<64x1000001xf32, #tpu.memory_space<hbm>> -> memref<64x128xf32, #tpu.memory_space<hbm>>
      tpu.enqueue_dma source(%dma_start3A_794 : memref<64x128xf32, #tpu.memory_space<hbm>>) target(%dma_start3A_792 : memref<64x128xf32, #tpu.memory_space<vmem>>) target_semaphore(%arg13 : memref<!tpu.dma_semaphore, #tpu.memory_space<semaphore_mem>>)
      %slice3A_795 = vector.extract_strided_slice %min3A_689 {offsets = [5], sizes = [1], strides = [1]} : vector<16xi32> to vector<1xi32>
      %squeeze3A_796 = vector.extract %slice3A_795[0] : i32 from vector<1xi32>
      %shift_right_arithmetic3A_797 = arith.constant 7 : i32
      %shift_right_arithmetic3A_798 = arith.shrsi %squeeze3A_796, %shift_right_arithmetic3A_797 : i32
      %mul3A_799 = arith.constant 128 : i32
      %mul3A_800 = arith.muli %shift_right_arithmetic3A_798, %mul3A_799 : i32
      %multiple_of3A_801 = tpu.assume_multiple %mul3A_800, 128 : i32
      %dma_start3A_802 = arith.constant 1 : i32
      %dma_start3A_803 = arith.constant 1 : i32
      %dma_start3A_804 = arith.constant 0 : i32
      %dma_start3A_805 = arith.constant 0 : i32
      %dma_start3A_806 = tpu.memref_slice %arg10[%dma_start3A_802, %dma_start3A_803, %dma_start3A_804, %dma_start3A_805] : memref<2x4x64x128xf32, #tpu.memory_space<vmem>> -> memref<1x1x64x128xf32, #tpu.memory_space<vmem>>
      %dma_start3A_807 = tpu.memref_squeeze %dma_start3A_806 : memref<1x1x64x128xf32, #tpu.memory_space<vmem>> -> memref<64x128xf32, #tpu.memory_space<vmem>>
      %dma_start3A_808 = arith.constant 0 : i32
      %dma_start3A_809 = tpu.memref_slice %arg4[%dma_start3A_808, %multiple_of3A_801] : memref<64x1000001xf32, #tpu.memory_space<hbm>> -> memref<64x128xf32, #tpu.memory_space<hbm>>
      %dma_start3A_810 = arith.constant 0 : i32
      %dma_start3A_811 = arith.constant 0 : i32
      %dma_start3A_812 = tpu.memref_slice %arg10[%dma_start3A_802, %dma_start3A_803, %dma_start3A_810, %dma_start3A_811] : memref<2x4x64x128xf32, #tpu.memory_space<vmem>> -> memref<1x1x64x128xf32, #tpu.memory_space<vmem>>
      %dma_start3A_813 = tpu.memref_squeeze %dma_start3A_812 : memref<1x1x64x128xf32, #tpu.memory_space<vmem>> -> memref<64x128xf32, #tpu.memory_space<vmem>>
      %dma_start3A_814 = arith.constant 0 : i32
      %dma_start3A_815 = tpu.memref_slice %arg4[%dma_start3A_814, %multiple_of3A_801] : memref<64x1000001xf32, #tpu.memory_space<hbm>> -> memref<64x128xf32, #tpu.memory_space<hbm>>
      tpu.enqueue_dma source(%dma_start3A_815 : memref<64x128xf32, #tpu.memory_space<hbm>>) target(%dma_start3A_813 : memref<64x128xf32, #tpu.memory_space<vmem>>) target_semaphore(%arg13 : memref<!tpu.dma_semaphore, #tpu.memory_space<semaphore_mem>>)
      %slice3A_816 = vector.extract_strided_slice %min3A_689 {offsets = [6], sizes = [1], strides = [1]} : vector<16xi32> to vector<1xi32>
      %squeeze3A_817 = vector.extract %slice3A_816[0] : i32 from vector<1xi32>
      %shift_right_arithmetic3A_818 = arith.constant 7 : i32
      %shift_right_arithmetic3A_819 = arith.shrsi %squeeze3A_817, %shift_right_arithmetic3A_818 : i32
      %mul3A_820 = arith.constant 128 : i32
      %mul3A_821 = arith.muli %shift_right_arithmetic3A_819, %mul3A_820 : i32
      %multiple_of3A_822 = tpu.assume_multiple %mul3A_821, 128 : i32
      %dma_start3A_823 = arith.constant 1 : i32
      %dma_start3A_824 = arith.constant 2 : i32
      %dma_start3A_825 = arith.constant 0 : i32
      %dma_start3A_826 = arith.constant 0 : i32
      %dma_start3A_827 = tpu.memref_slice %arg10[%dma_start3A_823, %dma_start3A_824, %dma_start3A_825, %dma_start3A_826] : memref<2x4x64x128xf32, #tpu.memory_space<vmem>> -> memref<1x1x64x128xf32, #tpu.memory_space<vmem>>
      %dma_start3A_828 = tpu.memref_squeeze %dma_start3A_827 : memref<1x1x64x128xf32, #tpu.memory_space<vmem>> -> memref<64x128xf32, #tpu.memory_space<vmem>>
      %dma_start3A_829 = arith.constant 0 : i32
      %dma_start3A_830 = tpu.memref_slice %arg4[%dma_start3A_829, %multiple_of3A_822] : memref<64x1000001xf32, #tpu.memory_space<hbm>> -> memref<64x128xf32, #tpu.memory_space<hbm>>
      %dma_start3A_831 = arith.constant 0 : i32
      %dma_start3A_832 = arith.constant 0 : i32
      %dma_start3A_833 = tpu.memref_slice %arg10[%dma_start3A_823, %dma_start3A_824, %dma_start3A_831, %dma_start3A_832] : memref<2x4x64x128xf32, #tpu.memory_space<vmem>> -> memref<1x1x64x128xf32, #tpu.memory_space<vmem>>
      %dma_start3A_834 = tpu.memref_squeeze %dma_start3A_833 : memref<1x1x64x128xf32, #tpu.memory_space<vmem>> -> memref<64x128xf32, #tpu.memory_space<vmem>>
      %dma_start3A_835 = arith.constant 0 : i32
      %dma_start3A_836 = tpu.memref_slice %arg4[%dma_start3A_835, %multiple_of3A_822] : memref<64x1000001xf32, #tpu.memory_space<hbm>> -> memref<64x128xf32, #tpu.memory_space<hbm>>
      tpu.enqueue_dma source(%dma_start3A_836 : memref<64x128xf32, #tpu.memory_space<hbm>>) target(%dma_start3A_834 : memref<64x128xf32, #tpu.memory_space<vmem>>) target_semaphore(%arg13 : memref<!tpu.dma_semaphore, #tpu.memory_space<semaphore_mem>>)
      %slice3A_837 = vector.extract_strided_slice %min3A_689 {offsets = [7], sizes = [1], strides = [1]} : vector<16xi32> to vector<1xi32>
      %squeeze3A_838 = vector.extract %slice3A_837[0] : i32 from vector<1xi32>
      %shift_right_arithmetic3A_839 = arith.constant 7 : i32
      %shift_right_arithmetic3A_840 = arith.shrsi %squeeze3A_838, %shift_right_arithmetic3A_839 : i32
      %mul3A_841 = arith.constant 128 : i32
      %mul3A_842 = arith.muli %shift_right_arithmetic3A_840, %mul3A_841 : i32
      %multiple_of3A_843 = tpu.assume_multiple %mul3A_842, 128 : i32
      %dma_start3A_844 = arith.constant 1 : i32
      %dma_start3A_845 = arith.constant 3 : i32
      %dma_start3A_846 = arith.constant 0 : i32
      %dma_start3A_847 = arith.constant 0 : i32
      %dma_start3A_848 = tpu.memref_slice %arg10[%dma_start3A_844, %dma_start3A_845, %dma_start3A_846, %dma_start3A_847] : memref<2x4x64x128xf32, #tpu.memory_space<vmem>> -> memref<1x1x64x128xf32, #tpu.memory_space<vmem>>
      %dma_start3A_849 = tpu.memref_squeeze %dma_start3A_848 : memref<1x1x64x128xf32, #tpu.memory_space<vmem>> -> memref<64x128xf32, #tpu.memory_space<vmem>>
      %dma_start3A_850 = arith.constant 0 : i32
      %dma_start3A_851 = tpu.memref_slice %arg4[%dma_start3A_850, %multiple_of3A_843] : memref<64x1000001xf32, #tpu.memory_space<hbm>> -> memref<64x128xf32, #tpu.memory_space<hbm>>
      %dma_start3A_852 = arith.constant 0 : i32
      %dma_start3A_853 = arith.constant 0 : i32
      %dma_start3A_854 = tpu.memref_slice %arg10[%dma_start3A_844, %dma_start3A_845, %dma_start3A_852, %dma_start3A_853] : memref<2x4x64x128xf32, #tpu.memory_space<vmem>> -> memref<1x1x64x128xf32, #tpu.memory_space<vmem>>
      %dma_start3A_855 = tpu.memref_squeeze %dma_start3A_854 : memref<1x1x64x128xf32, #tpu.memory_space<vmem>> -> memref<64x128xf32, #tpu.memory_space<vmem>>
      %dma_start3A_856 = arith.constant 0 : i32
      %dma_start3A_857 = tpu.memref_slice %arg4[%dma_start3A_856, %multiple_of3A_843] : memref<64x1000001xf32, #tpu.memory_space<hbm>> -> memref<64x128xf32, #tpu.memory_space<hbm>>
      tpu.enqueue_dma source(%dma_start3A_857 : memref<64x128xf32, #tpu.memory_space<hbm>>) target(%dma_start3A_855 : memref<64x128xf32, #tpu.memory_space<vmem>>) target_semaphore(%arg13 : memref<!tpu.dma_semaphore, #tpu.memory_space<semaphore_mem>>)
      %dma_wait3A_858 = arith.constant 0 : i32
      %dma_wait3A_859 = arith.constant 0 : i32
      %dma_wait3A_860 = arith.constant 0 : i32
      %dma_wait3A_861 = arith.constant 0 : i32
      %dma_wait3A_862 = tpu.memref_slice %arg10[%dma_wait3A_858, %dma_wait3A_859, %dma_wait3A_860, %dma_wait3A_861] : memref<2x4x64x128xf32, #tpu.memory_space<vmem>> -> memref<1x1x64x128xf32, #tpu.memory_space<vmem>>
      %dma_wait3A_863 = tpu.memref_squeeze %dma_wait3A_862 : memref<1x1x64x128xf32, #tpu.memory_space<vmem>> -> memref<64x128xf32, #tpu.memory_space<vmem>>
      %dma_wait3A_864 = arith.constant 0 : i32
      %dma_wait3A_865 = arith.constant 0 : i32
      %dma_wait3A_866 = tpu.memref_slice %arg4[%dma_wait3A_864, %dma_wait3A_865] : memref<64x1000001xf32, #tpu.memory_space<hbm>> -> memref<64x128xf32, #tpu.memory_space<hbm>>
      %dma_wait3A_867 = arith.constant 0 : i32
      %dma_wait3A_868 = arith.constant 0 : i32
      %dma_wait3A_869 = tpu.memref_slice %arg10[%dma_wait3A_858, %dma_wait3A_859, %dma_wait3A_867, %dma_wait3A_868] : memref<2x4x64x128xf32, #tpu.memory_space<vmem>> -> memref<1x1x64x128xf32, #tpu.memory_space<vmem>>
      %dma_wait3A_870 = tpu.memref_squeeze %dma_wait3A_869 : memref<1x1x64x128xf32, #tpu.memory_space<vmem>> -> memref<64x128xf32, #tpu.memory_space<vmem>>
      %dma_wait3A_871 = arith.constant 0 : i32
      %dma_wait3A_872 = arith.constant 0 : i32
      %dma_wait3A_873 = tpu.memref_slice %arg4[%dma_wait3A_871, %dma_wait3A_872] : memref<64x1000001xf32, #tpu.memory_space<hbm>> -> memref<64x128xf32, #tpu.memory_space<hbm>>
      tpu.wait_dma2 semaphore(%arg12 : memref<!tpu.dma_semaphore, #tpu.memory_space<semaphore_mem>>) src(%dma_wait3A_873 : memref<64x128xf32, #tpu.memory_space<hbm>>) dst(%dma_wait3A_870 : memref<64x128xf32, #tpu.memory_space<vmem>>)
      %dma_wait3A_874 = arith.constant 0 : i32
      %dma_wait3A_875 = arith.constant 1 : i32
      %dma_wait3A_876 = arith.constant 0 : i32
      %dma_wait3A_877 = arith.constant 0 : i32
      %dma_wait3A_878 = tpu.memref_slice %arg10[%dma_wait3A_874, %dma_wait3A_875, %dma_wait3A_876, %dma_wait3A_877] : memref<2x4x64x128xf32, #tpu.memory_space<vmem>> -> memref<1x1x64x128xf32, #tpu.memory_space<vmem>>
      %dma_wait3A_879 = tpu.memref_squeeze %dma_wait3A_878 : memref<1x1x64x128xf32, #tpu.memory_space<vmem>> -> memref<64x128xf32, #tpu.memory_space<vmem>>
      %dma_wait3A_880 = arith.constant 0 : i32
      %dma_wait3A_881 = arith.constant 0 : i32
      %dma_wait3A_882 = tpu.memref_slice %arg4[%dma_wait3A_880, %dma_wait3A_881] : memref<64x1000001xf32, #tpu.memory_space<hbm>> -> memref<64x128xf32, #tpu.memory_space<hbm>>
      %dma_wait3A_883 = arith.constant 0 : i32
      %dma_wait3A_884 = arith.constant 0 : i32
      %dma_wait3A_885 = tpu.memref_slice %arg10[%dma_wait3A_874, %dma_wait3A_875, %dma_wait3A_883, %dma_wait3A_884] : memref<2x4x64x128xf32, #tpu.memory_space<vmem>> -> memref<1x1x64x128xf32, #tpu.memory_space<vmem>>
      %dma_wait3A_886 = tpu.memref_squeeze %dma_wait3A_885 : memref<1x1x64x128xf32, #tpu.memory_space<vmem>> -> memref<64x128xf32, #tpu.memory_space<vmem>>
      %dma_wait3A_887 = arith.constant 0 : i32
      %dma_wait3A_888 = arith.constant 0 : i32
      %dma_wait3A_889 = tpu.memref_slice %arg4[%dma_wait3A_887, %dma_wait3A_888] : memref<64x1000001xf32, #tpu.memory_space<hbm>> -> memref<64x128xf32, #tpu.memory_space<hbm>>
      tpu.wait_dma2 semaphore(%arg12 : memref<!tpu.dma_semaphore, #tpu.memory_space<semaphore_mem>>) src(%dma_wait3A_889 : memref<64x128xf32, #tpu.memory_space<hbm>>) dst(%dma_wait3A_886 : memref<64x128xf32, #tpu.memory_space<vmem>>)
      %dma_wait3A_890 = arith.constant 0 : i32
      %dma_wait3A_891 = arith.constant 2 : i32
      %dma_wait3A_892 = arith.constant 0 : i32
      %dma_wait3A_893 = arith.constant 0 : i32
      %dma_wait3A_894 = tpu.memref_slice %arg10[%dma_wait3A_890, %dma_wait3A_891, %dma_wait3A_892, %dma_wait3A_893] : memref<2x4x64x128xf32, #tpu.memory_space<vmem>> -> memref<1x1x64x128xf32, #tpu.memory_space<vmem>>
      %dma_wait3A_895 = tpu.memref_squeeze %dma_wait3A_894 : memref<1x1x64x128xf32, #tpu.memory_space<vmem>> -> memref<64x128xf32, #tpu.memory_space<vmem>>
      %dma_wait3A_896 = arith.constant 0 : i32
      %dma_wait3A_897 = arith.constant 0 : i32
      %dma_wait3A_898 = tpu.memref_slice %arg4[%dma_wait3A_896, %dma_wait3A_897] : memref<64x1000001xf32, #tpu.memory_space<hbm>> -> memref<64x128xf32, #tpu.memory_space<hbm>>
      %dma_wait3A_899 = arith.constant 0 : i32
      %dma_wait3A_900 = arith.constant 0 : i32
      %dma_wait3A_901 = tpu.memref_slice %arg10[%dma_wait3A_890, %dma_wait3A_891, %dma_wait3A_899, %dma_wait3A_900] : memref<2x4x64x128xf32, #tpu.memory_space<vmem>> -> memref<1x1x64x128xf32, #tpu.memory_space<vmem>>
      %dma_wait3A_902 = tpu.memref_squeeze %dma_wait3A_901 : memref<1x1x64x128xf32, #tpu.memory_space<vmem>> -> memref<64x128xf32, #tpu.memory_space<vmem>>
      %dma_wait3A_903 = arith.constant 0 : i32
      %dma_wait3A_904 = arith.constant 0 : i32
      %dma_wait3A_905 = tpu.memref_slice %arg4[%dma_wait3A_903, %dma_wait3A_904] : memref<64x1000001xf32, #tpu.memory_space<hbm>> -> memref<64x128xf32, #tpu.memory_space<hbm>>
      tpu.wait_dma2 semaphore(%arg12 : memref<!tpu.dma_semaphore, #tpu.memory_space<semaphore_mem>>) src(%dma_wait3A_905 : memref<64x128xf32, #tpu.memory_space<hbm>>) dst(%dma_wait3A_902 : memref<64x128xf32, #tpu.memory_space<vmem>>)
      %dma_wait3A_906 = arith.constant 0 : i32
      %dma_wait3A_907 = arith.constant 3 : i32
      %dma_wait3A_908 = arith.constant 0 : i32
      %dma_wait3A_909 = arith.constant 0 : i32
      %dma_wait3A_910 = tpu.memref_slice %arg10[%dma_wait3A_906, %dma_wait3A_907, %dma_wait3A_908, %dma_wait3A_909] : memref<2x4x64x128xf32, #tpu.memory_space<vmem>> -> memref<1x1x64x128xf32, #tpu.memory_space<vmem>>
      %dma_wait3A_911 = tpu.memref_squeeze %dma_wait3A_910 : memref<1x1x64x128xf32, #tpu.memory_space<vmem>> -> memref<64x128xf32, #tpu.memory_space<vmem>>
      %dma_wait3A_912 = arith.constant 0 : i32
      %dma_wait3A_913 = arith.constant 0 : i32
      %dma_wait3A_914 = tpu.memref_slice %arg4[%dma_wait3A_912, %dma_wait3A_913] : memref<64x1000001xf32, #tpu.memory_space<hbm>> -> memref<64x128xf32, #tpu.memory_space<hbm>>
      %dma_wait3A_915 = arith.constant 0 : i32
      %dma_wait3A_916 = arith.constant 0 : i32
      %dma_wait3A_917 = tpu.memref_slice %arg10[%dma_wait3A_906, %dma_wait3A_907, %dma_wait3A_915, %dma_wait3A_916] : memref<2x4x64x128xf32, #tpu.memory_space<vmem>> -> memref<1x1x64x128xf32, #tpu.memory_space<vmem>>
      %dma_wait3A_918 = tpu.memref_squeeze %dma_wait3A_917 : memref<1x1x64x128xf32, #tpu.memory_space<vmem>> -> memref<64x128xf32, #tpu.memory_space<vmem>>
      %dma_wait3A_919 = arith.constant 0 : i32
      %dma_wait3A_920 = arith.constant 0 : i32
      %dma_wait3A_921 = tpu.memref_slice %arg4[%dma_wait3A_919, %dma_wait3A_920] : memref<64x1000001xf32, #tpu.memory_space<hbm>> -> memref<64x128xf32, #tpu.memory_space<hbm>>
      tpu.wait_dma2 semaphore(%arg12 : memref<!tpu.dma_semaphore, #tpu.memory_space<semaphore_mem>>) src(%dma_wait3A_921 : memref<64x128xf32, #tpu.memory_space<hbm>>) dst(%dma_wait3A_918 : memref<64x128xf32, #tpu.memory_space<vmem>>)
      %mul3A_922 = arith.constant 8 : i32
      %mul3A_923 = arith.muli %scan3A_680, %mul3A_922 : i32
      %add3A_924 = arith.constant 0 : i32
      %add3A_925 = arith.addi %mul3A_923, %add3A_924 : i32
      %add3A_926 = arith.constant 0 : i32
      %add3A_927 = arith.addi %add3A_925, %add3A_926 : i32
      %slice3A_928 = vector.extract_strided_slice %min3A_689 {offsets = [0], sizes = [1], strides = [1]} : vector<16xi32> to vector<1xi32>
      %squeeze3A_929 = vector.extract %slice3A_928[0] : i32 from vector<1xi32>
      %and3A_930 = arith.constant 127 : i32
      %and3A_931 = arith.andi %squeeze3A_929, %and3A_930 : i32
      %broadcast_in_dim3A_932 = vector.broadcast %and3A_931 : i32 to vector<16xi32>
      %add3A_933 = arith.constant 0 : i32
      %add3A_934 = vector.broadcast %add3A_933 : i32 to vector<16xi32>
      %add3A_935 = arith.addi %iota3A, %add3A_934 : vector<16xi32>
      %gather3A_936 = arith.constant 0 : i32
      %gather3A_937 = arith.constant 0 : i32
      %gather3A_938 = arith.constant 0 : i32
      %gather3A_939 = arith.constant 0 : i32
      %gather3A_940 = tpu.memref_slice %arg10[%gather3A_936, %gather3A_937, %gather3A_938, %gather3A_939] : memref<2x4x64x128xf32, #tpu.memory_space<vmem>> -> memref<1x1x64x128xf32, #tpu.memory_space<vmem>>
      %gather3A_941 = tpu.memref_squeeze %gather3A_940 : memref<1x1x64x128xf32, #tpu.memory_space<vmem>> -> memref<64x128xf32, #tpu.memory_space<vmem>>
      %gather3A_942 = tpu.vector_load_idx %gather3A_941[%add3A_935, %broadcast_in_dim3A_932] : memref<64x128xf32, #tpu.memory_space<vmem>>[vector<16xi32>, vector<16xi32>], vector<16xf32>,
      %swap3A_943 = arith.index_cast %add3A_927 : i32 to index
      %swap3A_944 = arith.constant 0 : index
      %swap3A_945 = tpu.vector_load %arg11[%swap3A_943, %swap3A_944] {strides = array<i32>} : memref<256x128xf32, #tpu.memory_space<vmem>>, vector<16xf32>,
      tpu.vector_store %arg11[%swap3A_943, %swap3A_944], %gather3A_942 {strides = array<i32>} : memref<256x128xf32, #tpu.memory_space<vmem>>, vector<16xf32>,
      %add3A_946 = arith.constant 16 : i32
      %add3A_947 = vector.broadcast %add3A_946 : i32 to vector<16xi32>
      %add3A_948 = arith.addi %iota3A, %add3A_947 : vector<16xi32>
      %gather3A_949 = arith.constant 0 : i32
      %gather3A_950 = arith.constant 0 : i32
      %gather3A_951 = arith.constant 0 : i32
      %gather3A_952 = arith.constant 0 : i32
      %gather3A_953 = tpu.memref_slice %arg10[%gather3A_949, %gather3A_950, %gather3A_951, %gather3A_952] : memref<2x4x64x128xf32, #tpu.memory_space<vmem>> -> memref<1x1x64x128xf32, #tpu.memory_space<vmem>>
      %gather3A_954 = tpu.memref_squeeze %gather3A_953 : memref<1x1x64x128xf32, #tpu.memory_space<vmem>> -> memref<64x128xf32, #tpu.memory_space<vmem>>
      %gather3A_955 = tpu.vector_load_idx %gather3A_954[%add3A_948, %broadcast_in_dim3A_932] : memref<64x128xf32, #tpu.memory_space<vmem>>[vector<16xi32>, vector<16xi32>], vector<16xf32>,
      %swap3A_956 = arith.index_cast %add3A_927 : i32 to index
      %swap3A_957 = arith.constant 16 : index
      %swap3A_958 = tpu.vector_load %arg11[%swap3A_956, %swap3A_957] {strides = array<i32>} : memref<256x128xf32, #tpu.memory_space<vmem>>, vector<16xf32>,
      tpu.vector_store %arg11[%swap3A_956, %swap3A_957], %gather3A_955 {strides = array<i32>} : memref<256x128xf32, #tpu.memory_space<vmem>>, vector<16xf32>,
      %add3A_959 = arith.constant 32 : i32
      %add3A_960 = vector.broadcast %add3A_959 : i32 to vector<16xi32>
      %add3A_961 = arith.addi %iota3A, %add3A_960 : vector<16xi32>
      %gather3A_962 = arith.constant 0 : i32
      %gather3A_963 = arith.constant 0 : i32
      %gather3A_964 = arith.constant 0 : i32
      %gather3A_965 = arith.constant 0 : i32
      %gather3A_966 = tpu.memref_slice %arg10[%gather3A_962, %gather3A_963, %gather3A_964, %gather3A_965] : memref<2x4x64x128xf32, #tpu.memory_space<vmem>> -> memref<1x1x64x128xf32, #tpu.memory_space<vmem>>
      %gather3A_967 = tpu.memref_squeeze %gather3A_966 : memref<1x1x64x128xf32, #tpu.memory_space<vmem>> -> memref<64x128xf32, #tpu.memory_space<vmem>>
      %gather3A_968 = tpu.vector_load_idx %gather3A_967[%add3A_961, %broadcast_in_dim3A_932] : memref<64x128xf32, #tpu.memory_space<vmem>>[vector<16xi32>, vector<16xi32>], vector<16xf32>,
      %swap3A_969 = arith.index_cast %add3A_927 : i32 to index
      %swap3A_970 = arith.constant 32 : index
      %swap3A_971 = tpu.vector_load %arg11[%swap3A_969, %swap3A_970] {strides = array<i32>} : memref<256x128xf32, #tpu.memory_space<vmem>>, vector<16xf32>,
      tpu.vector_store %arg11[%swap3A_969, %swap3A_970], %gather3A_968 {strides = array<i32>} : memref<256x128xf32, #tpu.memory_space<vmem>>, vector<16xf32>,
      %add3A_972 = arith.constant 48 : i32
      %add3A_973 = vector.broadcast %add3A_972 : i32 to vector<16xi32>
      %add3A_974 = arith.addi %iota3A, %add3A_973 : vector<16xi32>
      %gather3A_975 = arith.constant 0 : i32
      %gather3A_976 = arith.constant 0 : i32
      %gather3A_977 = arith.constant 0 : i32
      %gather3A_978 = arith.constant 0 : i32
      %gather3A_979 = tpu.memref_slice %arg10[%gather3A_975, %gather3A_976, %gather3A_977, %gather3A_978] : memref<2x4x64x128xf32, #tpu.memory_space<vmem>> -> memref<1x1x64x128xf32, #tpu.memory_space<vmem>>
      %gather3A_980 = tpu.memref_squeeze %gather3A_979 : memref<1x1x64x128xf32, #tpu.memory_space<vmem>> -> memref<64x128xf32, #tpu.memory_space<vmem>>
      %gather3A_981 = tpu.vector_load_idx %gather3A_980[%add3A_974, %broadcast_in_dim3A_932] : memref<64x128xf32, #tpu.memory_space<vmem>>[vector<16xi32>, vector<16xi32>], vector<16xf32>,
      %swap3A_982 = arith.index_cast %add3A_927 : i32 to index
      %swap3A_983 = arith.constant 48 : index
      %swap3A_984 = tpu.vector_load %arg11[%swap3A_982, %swap3A_983] {strides = array<i32>} : memref<256x128xf32, #tpu.memory_space<vmem>>, vector<16xf32>,
      tpu.vector_store %arg11[%swap3A_982, %swap3A_983], %gather3A_981 {strides = array<i32>} : memref<256x128xf32, #tpu.memory_space<vmem>>, vector<16xf32>,
      %mul3A_985 = arith.constant 8 : i32
      %mul3A_986 = arith.muli %scan3A_680, %mul3A_985 : i32
      %add3A_987 = arith.constant 0 : i32
      %add3A_988 = arith.addi %mul3A_986, %add3A_987 : i32
      %add3A_989 = arith.constant 0 : i32
      %add3A_990 = arith.addi %add3A_988, %add3A_989 : i32
      %slice3A_991 = vector.extract_strided_slice %min3A_689 {offsets = [1], sizes = [1], strides = [1]} : vector<16xi32> to vector<1xi32>
      %squeeze3A_992 = vector.extract %slice3A_991[0] : i32 from vector<1xi32>
      %and3A_993 = arith.constant 127 : i32
      %and3A_994 = arith.andi %squeeze3A_992, %and3A_993 : i32
      %broadcast_in_dim3A_995 = vector.broadcast %and3A_994 : i32 to vector<16xi32>
      %add3A_996 = arith.constant 0 : i32
      %add3A_997 = vector.broadcast %add3A_996 : i32 to vector<16xi32>
      %add3A_998 = arith.addi %iota3A, %add3A_997 : vector<16xi32>
      %gather3A_999 = arith.constant 0 : i32
      %gather3A_1000 = arith.constant 1 : i32
      %gather3A_1001 = arith.constant 0 : i32
      %gather3A_1002 = arith.constant 0 : i32
      %gather3A_1003 = tpu.memref_slice %arg10[%gather3A_999, %gather3A_1000, %gather3A_1001, %gather3A_1002] : memref<2x4x64x128xf32, #tpu.memory_space<vmem>> -> memref<1x1x64x128xf32, #tpu.memory_space<vmem>>
      %gather3A_1004 = tpu.memref_squeeze %gather3A_1003 : memref<1x1x64x128xf32, #tpu.memory_space<vmem>> -> memref<64x128xf32, #tpu.memory_space<vmem>>
      %gather3A_1005 = tpu.vector_load_idx %gather3A_1004[%add3A_998, %broadcast_in_dim3A_995] : memref<64x128xf32, #tpu.memory_space<vmem>>[vector<16xi32>, vector<16xi32>], vector<16xf32>,
      %swap3A_1006 = arith.index_cast %add3A_990 : i32 to index
      %swap3A_1007 = arith.constant 64 : index
      %swap3A_1008 = tpu.vector_load %arg11[%swap3A_1006, %swap3A_1007] {strides = array<i32>} : memref<256x128xf32, #tpu.memory_space<vmem>>, vector<16xf32>,
      tpu.vector_store %arg11[%swap3A_1006, %swap3A_1007], %gather3A_1005 {strides = array<i32>} : memref<256x128xf32, #tpu.memory_space<vmem>>, vector<16xf32>,
      %add3A_1009 = arith.constant 16 : i32
      %add3A_1010 = vector.broadcast %add3A_1009 : i32 to vector<16xi32>
      %add3A_1011 = arith.addi %iota3A, %add3A_1010 : vector<16xi32>
      %gather3A_1012 = arith.constant 0 : i32
      %gather3A_1013 = arith.constant 1 : i32
      %gather3A_1014 = arith.constant 0 : i32
      %gather3A_1015 = arith.constant 0 : i32
      %gather3A_1016 = tpu.memref_slice %arg10[%gather3A_1012, %gather3A_1013, %gather3A_1014, %gather3A_1015] : memref<2x4x64x128xf32, #tpu.memory_space<vmem>> -> memref<1x1x64x128xf32, #tpu.memory_space<vmem>>
      %gather3A_1017 = tpu.memref_squeeze %gather3A_1016 : memref<1x1x64x128xf32, #tpu.memory_space<vmem>> -> memref<64x128xf32, #tpu.memory_space<vmem>>
      %gather3A_1018 = tpu.vector_load_idx %gather3A_1017[%add3A_1011, %broadcast_in_dim3A_995] : memref<64x128xf32, #tpu.memory_space<vmem>>[vector<16xi32>, vector<16xi32>], vector<16xf32>,
      %swap3A_1019 = arith.index_cast %add3A_990 : i32 to index
      %swap3A_1020 = arith.constant 80 : index
      %swap3A_1021 = tpu.vector_load %arg11[%swap3A_1019, %swap3A_1020] {strides = array<i32>} : memref<256x128xf32, #tpu.memory_space<vmem>>, vector<16xf32>,
      tpu.vector_store %arg11[%swap3A_1019, %swap3A_1020], %gather3A_1018 {strides = array<i32>} : memref<256x128xf32, #tpu.memory_space<vmem>>, vector<16xf32>,
      %add3A_1022 = arith.constant 32 : i32
      %add3A_1023 = vector.broadcast %add3A_1022 : i32 to vector<16xi32>
      %add3A_1024 = arith.addi %iota3A, %add3A_1023 : vector<16xi32>
      %gather3A_1025 = arith.constant 0 : i32
      %gather3A_1026 = arith.constant 1 : i32
      %gather3A_1027 = arith.constant 0 : i32
      %gather3A_1028 = arith.constant 0 : i32
      %gather3A_1029 = tpu.memref_slice %arg10[%gather3A_1025, %gather3A_1026, %gather3A_1027, %gather3A_1028] : memref<2x4x64x128xf32, #tpu.memory_space<vmem>> -> memref<1x1x64x128xf32, #tpu.memory_space<vmem>>
      %gather3A_1030 = tpu.memref_squeeze %gather3A_1029 : memref<1x1x64x128xf32, #tpu.memory_space<vmem>> -> memref<64x128xf32, #tpu.memory_space<vmem>>
      %gather3A_1031 = tpu.vector_load_idx %gather3A_1030[%add3A_1024, %broadcast_in_dim3A_995] : memref<64x128xf32, #tpu.memory_space<vmem>>[vector<16xi32>, vector<16xi32>], vector<16xf32>,
      %swap3A_1032 = arith.index_cast %add3A_990 : i32 to index
      %swap3A_1033 = arith.constant 96 : index
      %swap3A_1034 = tpu.vector_load %arg11[%swap3A_1032, %swap3A_1033] {strides = array<i32>} : memref<256x128xf32, #tpu.memory_space<vmem>>, vector<16xf32>,
      tpu.vector_store %arg11[%swap3A_1032, %swap3A_1033], %gather3A_1031 {strides = array<i32>} : memref<256x128xf32, #tpu.memory_space<vmem>>, vector<16xf32>,
      %add3A_1035 = arith.constant 48 : i32
      %add3A_1036 = vector.broadcast %add3A_1035 : i32 to vector<16xi32>
      %add3A_1037 = arith.addi %iota3A, %add3A_1036 : vector<16xi32>
      %gather3A_1038 = arith.constant 0 : i32
      %gather3A_1039 = arith.constant 1 : i32
      %gather3A_1040 = arith.constant 0 : i32
      %gather3A_1041 = arith.constant 0 : i32
      %gather3A_1042 = tpu.memref_slice %arg10[%gather3A_1038, %gather3A_1039, %gather3A_1040, %gather3A_1041] : memref<2x4x64x128xf32, #tpu.memory_space<vmem>> -> memref<1x1x64x128xf32, #tpu.memory_space<vmem>>
      %gather3A_1043 = tpu.memref_squeeze %gather3A_1042 : memref<1x1x64x128xf32, #tpu.memory_space<vmem>> -> memref<64x128xf32, #tpu.memory_space<vmem>>
      %gather3A_1044 = tpu.vector_load_idx %gather3A_1043[%add3A_1037, %broadcast_in_dim3A_995] : memref<64x128xf32, #tpu.memory_space<vmem>>[vector<16xi32>, vector<16xi32>], vector<16xf32>,
      %swap3A_1045 = arith.index_cast %add3A_990 : i32 to index
      %swap3A_1046 = arith.constant 112 : index
      %swap3A_1047 = tpu.vector_load %arg11[%swap3A_1045, %swap3A_1046] {strides = array<i32>} : memref<256x128xf32, #tpu.memory_space<vmem>>, vector<16xf32>,
      tpu.vector_store %arg11[%swap3A_1045, %swap3A_1046], %gather3A_1044 {strides = array<i32>} : memref<256x128xf32, #tpu.memory_space<vmem>>, vector<16xf32>,
      %mul3A_1048 = arith.constant 8 : i32
      %mul3A_1049 = arith.muli %scan3A_680, %mul3A_1048 : i32
      %add3A_1050 = arith.constant 0 : i32
      %add3A_1051 = arith.addi %mul3A_1049, %add3A_1050 : i32
      %add3A_1052 = arith.constant 1 : i32
      %add3A_1053 = arith.addi %add3A_1051, %add3A_1052 : i32
      %slice3A_1054 = vector.extract_strided_slice %min3A_689 {offsets = [2], sizes = [1], strides = [1]} : vector<16xi32> to vector<1xi32>
      %squeeze3A_1055 = vector.extract %slice3A_1054[0] : i32 from vector<1xi32>
      %and3A_1056 = arith.constant 127 : i32
      %and3A_1057 = arith.andi %squeeze3A_1055, %and3A_1056 : i32
      %broadcast_in_dim3A_1058 = vector.broadcast %and3A_1057 : i32 to vector<16xi32>
      %add3A_1059 = arith.constant 0 : i32
      %add3A_1060 = vector.broadcast %add3A_1059 : i32 to vector<16xi32>
      %add3A_1061 = arith.addi %iota3A, %add3A_1060 : vector<16xi32>
      %gather3A_1062 = arith.constant 0 : i32
      %gather3A_1063 = arith.constant 2 : i32
      %gather3A_1064 = arith.constant 0 : i32
      %gather3A_1065 = arith.constant 0 : i32
      %gather3A_1066 = tpu.memref_slice %arg10[%gather3A_1062, %gather3A_1063, %gather3A_1064, %gather3A_1065] : memref<2x4x64x128xf32, #tpu.memory_space<vmem>> -> memref<1x1x64x128xf32, #tpu.memory_space<vmem>>
      %gather3A_1067 = tpu.memref_squeeze %gather3A_1066 : memref<1x1x64x128xf32, #tpu.memory_space<vmem>> -> memref<64x128xf32, #tpu.memory_space<vmem>>
      %gather3A_1068 = tpu.vector_load_idx %gather3A_1067[%add3A_1061, %broadcast_in_dim3A_1058] : memref<64x128xf32, #tpu.memory_space<vmem>>[vector<16xi32>, vector<16xi32>], vector<16xf32>,
      %swap3A_1069 = arith.index_cast %add3A_1053 : i32 to index
      %swap3A_1070 = arith.constant 0 : index
      %swap3A_1071 = tpu.vector_load %arg11[%swap3A_1069, %swap3A_1070] {strides = array<i32>} : memref<256x128xf32, #tpu.memory_space<vmem>>, vector<16xf32>,
      tpu.vector_store %arg11[%swap3A_1069, %swap3A_1070], %gather3A_1068 {strides = array<i32>} : memref<256x128xf32, #tpu.memory_space<vmem>>, vector<16xf32>,
      %add3A_1072 = arith.constant 16 : i32
      %add3A_1073 = vector.broadcast %add3A_1072 : i32 to vector<16xi32>
      %add3A_1074 = arith.addi %iota3A, %add3A_1073 : vector<16xi32>
      %gather3A_1075 = arith.constant 0 : i32
      %gather3A_1076 = arith.constant 2 : i32
      %gather3A_1077 = arith.constant 0 : i32
      %gather3A_1078 = arith.constant 0 : i32
      %gather3A_1079 = tpu.memref_slice %arg10[%gather3A_1075, %gather3A_1076, %gather3A_1077, %gather3A_1078] : memref<2x4x64x128xf32, #tpu.memory_space<vmem>> -> memref<1x1x64x128xf32, #tpu.memory_space<vmem>>
      %gather3A_1080 = tpu.memref_squeeze %gather3A_1079 : memref<1x1x64x128xf32, #tpu.memory_space<vmem>> -> memref<64x128xf32, #tpu.memory_space<vmem>>
      %gather3A_1081 = tpu.vector_load_idx %gather3A_1080[%add3A_1074, %broadcast_in_dim3A_1058] : memref<64x128xf32, #tpu.memory_space<vmem>>[vector<16xi32>, vector<16xi32>], vector<16xf32>,
      %swap3A_1082 = arith.index_cast %add3A_1053 : i32 to index
      %swap3A_1083 = arith.constant 16 : index
      %swap3A_1084 = tpu.vector_load %arg11[%swap3A_1082, %swap3A_1083] {strides = array<i32>} : memref<256x128xf32, #tpu.memory_space<vmem>>, vector<16xf32>,
      tpu.vector_store %arg11[%swap3A_1082, %swap3A_1083], %gather3A_1081 {strides = array<i32>} : memref<256x128xf32, #tpu.memory_space<vmem>>, vector<16xf32>,
      %add3A_1085 = arith.constant 32 : i32
      %add3A_1086 = vector.broadcast %add3A_1085 : i32 to vector<16xi32>
      %add3A_1087 = arith.addi %iota3A, %add3A_1086 : vector<16xi32>
      %gather3A_1088 = arith.constant 0 : i32
      %gather3A_1089 = arith.constant 2 : i32
      %gather3A_1090 = arith.constant 0 : i32
      %gather3A_1091 = arith.constant 0 : i32
      %gather3A_1092 = tpu.memref_slice %arg10[%gather3A_1088, %gather3A_1089, %gather3A_1090, %gather3A_1091] : memref<2x4x64x128xf32, #tpu.memory_space<vmem>> -> memref<1x1x64x128xf32, #tpu.memory_space<vmem>>
      %gather3A_1093 = tpu.memref_squeeze %gather3A_1092 : memref<1x1x64x128xf32, #tpu.memory_space<vmem>> -> memref<64x128xf32, #tpu.memory_space<vmem>>
      %gather3A_1094 = tpu.vector_load_idx %gather3A_1093[%add3A_1087, %broadcast_in_dim3A_1058] : memref<64x128xf32, #tpu.memory_space<vmem>>[vector<16xi32>, vector<16xi32>], vector<16xf32>,
      %swap3A_1095 = arith.index_cast %add3A_1053 : i32 to index
      %swap3A_1096 = arith.constant 32 : index
      %swap3A_1097 = tpu.vector_load %arg11[%swap3A_1095, %swap3A_1096] {strides = array<i32>} : memref<256x128xf32, #tpu.memory_space<vmem>>, vector<16xf32>,
      tpu.vector_store %arg11[%swap3A_1095, %swap3A_1096], %gather3A_1094 {strides = array<i32>} : memref<256x128xf32, #tpu.memory_space<vmem>>, vector<16xf32>,
      %add3A_1098 = arith.constant 48 : i32
      %add3A_1099 = vector.broadcast %add3A_1098 : i32 to vector<16xi32>
      %add3A_1100 = arith.addi %iota3A, %add3A_1099 : vector<16xi32>
      %gather3A_1101 = arith.constant 0 : i32
      %gather3A_1102 = arith.constant 2 : i32
      %gather3A_1103 = arith.constant 0 : i32
      %gather3A_1104 = arith.constant 0 : i32
      %gather3A_1105 = tpu.memref_slice %arg10[%gather3A_1101, %gather3A_1102, %gather3A_1103, %gather3A_1104] : memref<2x4x64x128xf32, #tpu.memory_space<vmem>> -> memref<1x1x64x128xf32, #tpu.memory_space<vmem>>
      %gather3A_1106 = tpu.memref_squeeze %gather3A_1105 : memref<1x1x64x128xf32, #tpu.memory_space<vmem>> -> memref<64x128xf32, #tpu.memory_space<vmem>>
      %gather3A_1107 = tpu.vector_load_idx %gather3A_1106[%add3A_1100, %broadcast_in_dim3A_1058] : memref<64x128xf32, #tpu.memory_space<vmem>>[vector<16xi32>, vector<16xi32>], vector<16xf32>,
      %swap3A_1108 = arith.index_cast %add3A_1053 : i32 to index
      %swap3A_1109 = arith.constant 48 : index
      %swap3A_1110 = tpu.vector_load %arg11[%swap3A_1108, %swap3A_1109] {strides = array<i32>} : memref<256x128xf32, #tpu.memory_space<vmem>>, vector<16xf32>,
      tpu.vector_store %arg11[%swap3A_1108, %swap3A_1109], %gather3A_1107 {strides = array<i32>} : memref<256x128xf32, #tpu.memory_space<vmem>>, vector<16xf32>,
      %mul3A_1111 = arith.constant 8 : i32
      %mul3A_1112 = arith.muli %scan3A_680, %mul3A_1111 : i32
      %add3A_1113 = arith.constant 0 : i32
      %add3A_1114 = arith.addi %mul3A_1112, %add3A_1113 : i32
      %add3A_1115 = arith.constant 1 : i32
      %add3A_1116 = arith.addi %add3A_1114, %add3A_1115 : i32
      %slice3A_1117 = vector.extract_strided_slice %min3A_689 {offsets = [3], sizes = [1], strides = [1]} : vector<16xi32> to vector<1xi32>
      %squeeze3A_1118 = vector.extract %slice3A_1117[0] : i32 from vector<1xi32>
      %and3A_1119 = arith.constant 127 : i32
      %and3A_1120 = arith.andi %squeeze3A_1118, %and3A_1119 : i32
      %broadcast_in_dim3A_1121 = vector.broadcast %and3A_1120 : i32 to vector<16xi32>
      %add3A_1122 = arith.constant 0 : i32
      %add3A_1123 = vector.broadcast %add3A_1122 : i32 to vector<16xi32>
      %add3A_1124 = arith.addi %iota3A, %add3A_1123 : vector<16xi32>
      %gather3A_1125 = arith.constant 0 : i32
      %gather3A_1126 = arith.constant 3 : i32
      %gather3A_1127 = arith.constant 0 : i32
      %gather3A_1128 = arith.constant 0 : i32
      %gather3A_1129 = tpu.memref_slice %arg10[%gather3A_1125, %gather3A_1126, %gather3A_1127, %gather3A_1128] : memref<2x4x64x128xf32, #tpu.memory_space<vmem>> -> memref<1x1x64x128xf32, #tpu.memory_space<vmem>>
      %gather3A_1130 = tpu.memref_squeeze %gather3A_1129 : memref<1x1x64x128xf32, #tpu.memory_space<vmem>> -> memref<64x128xf32, #tpu.memory_space<vmem>>
      %gather3A_1131 = tpu.vector_load_idx %gather3A_1130[%add3A_1124, %broadcast_in_dim3A_1121] : memref<64x128xf32, #tpu.memory_space<vmem>>[vector<16xi32>, vector<16xi32>], vector<16xf32>,
      %swap3A_1132 = arith.index_cast %add3A_1116 : i32 to index
      %swap3A_1133 = arith.constant 64 : index
      %swap3A_1134 = tpu.vector_load %arg11[%swap3A_1132, %swap3A_1133] {strides = array<i32>} : memref<256x128xf32, #tpu.memory_space<vmem>>, vector<16xf32>,
      tpu.vector_store %arg11[%swap3A_1132, %swap3A_1133], %gather3A_1131 {strides = array<i32>} : memref<256x128xf32, #tpu.memory_space<vmem>>, vector<16xf32>,
      %add3A_1135 = arith.constant 16 : i32
      %add3A_1136 = vector.broadcast %add3A_1135 : i32 to vector<16xi32>
      %add3A_1137 = arith.addi %iota3A, %add3A_1136 : vector<16xi32>
      %gather3A_1138 = arith.constant 0 : i32
      %gather3A_1139 = arith.constant 3 : i32
      %gather3A_1140 = arith.constant 0 : i32
      %gather3A_1141 = arith.constant 0 : i32
      %gather3A_1142 = tpu.memref_slice %arg10[%gather3A_1138, %gather3A_1139, %gather3A_1140, %gather3A_1141] : memref<2x4x64x128xf32, #tpu.memory_space<vmem>> -> memref<1x1x64x128xf32, #tpu.memory_space<vmem>>
      %gather3A_1143 = tpu.memref_squeeze %gather3A_1142 : memref<1x1x64x128xf32, #tpu.memory_space<vmem>> -> memref<64x128xf32, #tpu.memory_space<vmem>>
      %gather3A_1144 = tpu.vector_load_idx %gather3A_1143[%add3A_1137, %broadcast_in_dim3A_1121] : memref<64x128xf32, #tpu.memory_space<vmem>>[vector<16xi32>, vector<16xi32>], vector<16xf32>,
      %swap3A_1145 = arith.index_cast %add3A_1116 : i32 to index
      %swap3A_1146 = arith.constant 80 : index
      %swap3A_1147 = tpu.vector_load %arg11[%swap3A_1145, %swap3A_1146] {strides = array<i32>} : memref<256x128xf32, #tpu.memory_space<vmem>>, vector<16xf32>,
      tpu.vector_store %arg11[%swap3A_1145, %swap3A_1146], %gather3A_1144 {strides = array<i32>} : memref<256x128xf32, #tpu.memory_space<vmem>>, vector<16xf32>,
      %add3A_1148 = arith.constant 32 : i32
      %add3A_1149 = vector.broadcast %add3A_1148 : i32 to vector<16xi32>
      %add3A_1150 = arith.addi %iota3A, %add3A_1149 : vector<16xi32>
      %gather3A_1151 = arith.constant 0 : i32
      %gather3A_1152 = arith.constant 3 : i32
      %gather3A_1153 = arith.constant 0 : i32
      %gather3A_1154 = arith.constant 0 : i32
      %gather3A_1155 = tpu.memref_slice %arg10[%gather3A_1151, %gather3A_1152, %gather3A_1153, %gather3A_1154] : memref<2x4x64x128xf32, #tpu.memory_space<vmem>> -> memref<1x1x64x128xf32, #tpu.memory_space<vmem>>
      %gather3A_1156 = tpu.memref_squeeze %gather3A_1155 : memref<1x1x64x128xf32, #tpu.memory_space<vmem>> -> memref<64x128xf32, #tpu.memory_space<vmem>>
      %gather3A_1157 = tpu.vector_load_idx %gather3A_1156[%add3A_1150, %broadcast_in_dim3A_1121] : memref<64x128xf32, #tpu.memory_space<vmem>>[vector<16xi32>, vector<16xi32>], vector<16xf32>,
      %swap3A_1158 = arith.index_cast %add3A_1116 : i32 to index
      %swap3A_1159 = arith.constant 96 : index
      %swap3A_1160 = tpu.vector_load %arg11[%swap3A_1158, %swap3A_1159] {strides = array<i32>} : memref<256x128xf32, #tpu.memory_space<vmem>>, vector<16xf32>,
      tpu.vector_store %arg11[%swap3A_1158, %swap3A_1159], %gather3A_1157 {strides = array<i32>} : memref<256x128xf32, #tpu.memory_space<vmem>>, vector<16xf32>,
      %add3A_1161 = arith.constant 48 : i32
      %add3A_1162 = vector.broadcast %add3A_1161 : i32 to vector<16xi32>
      %add3A_1163 = arith.addi %iota3A, %add3A_1162 : vector<16xi32>
      %gather3A_1164 = arith.constant 0 : i32
      %gather3A_1165 = arith.constant 3 : i32
      %gather3A_1166 = arith.constant 0 : i32
      %gather3A_1167 = arith.constant 0 : i32
      %gather3A_1168 = tpu.memref_slice %arg10[%gather3A_1164, %gather3A_1165, %gather3A_1166, %gather3A_1167] : memref<2x4x64x128xf32, #tpu.memory_space<vmem>> -> memref<1x1x64x128xf32, #tpu.memory_space<vmem>>
      %gather3A_1169 = tpu.memref_squeeze %gather3A_1168 : memref<1x1x64x128xf32, #tpu.memory_space<vmem>> -> memref<64x128xf32, #tpu.memory_space<vmem>>
      %gather3A_1170 = tpu.vector_load_idx %gather3A_1169[%add3A_1163, %broadcast_in_dim3A_1121] : memref<64x128xf32, #tpu.memory_space<vmem>>[vector<16xi32>, vector<16xi32>], vector<16xf32>,
      %swap3A_1171 = arith.index_cast %add3A_1116 : i32 to index
      %swap3A_1172 = arith.constant 112 : index
      %swap3A_1173 = tpu.vector_load %arg11[%swap3A_1171, %swap3A_1172] {strides = array<i32>} : memref<256x128xf32, #tpu.memory_space<vmem>>, vector<16xf32>,
      tpu.vector_store %arg11[%swap3A_1171, %swap3A_1172], %gather3A_1170 {strides = array<i32>} : memref<256x128xf32, #tpu.memory_space<vmem>>, vector<16xf32>,
      %slice3A_1174 = vector.extract_strided_slice %min3A_689 {offsets = [8], sizes = [1], strides = [1]} : vector<16xi32> to vector<1xi32>
      %squeeze3A_1175 = vector.extract %slice3A_1174[0] : i32 from vector<1xi32>
      %shift_right_arithmetic3A_1176 = arith.constant 7 : i32
      %shift_right_arithmetic3A_1177 = arith.shrsi %squeeze3A_1175, %shift_right_arithmetic3A_1176 : i32
      %mul3A_1178 = arith.constant 128 : i32
      %mul3A_1179 = arith.muli %shift_right_arithmetic3A_1177, %mul3A_1178 : i32
      %multiple_of3A_1180 = tpu.assume_multiple %mul3A_1179, 128 : i32
      %dma_start3A_1181 = arith.constant 0 : i32
      %dma_start3A_1182 = arith.constant 0 : i32
      %dma_start3A_1183 = arith.constant 0 : i32
      %dma_start3A_1184 = arith.constant 0 : i32
      %dma_start3A_1185 = tpu.memref_slice %arg10[%dma_start3A_1181, %dma_start3A_1182, %dma_start3A_1183, %dma_start3A_1184] : memref<2x4x64x128xf32, #tpu.memory_space<vmem>> -> memref<1x1x64x128xf32, #tpu.memory_space<vmem>>
      %dma_start3A_1186 = tpu.memref_squeeze %dma_start3A_1185 : memref<1x1x64x128xf32, #tpu.memory_space<vmem>> -> memref<64x128xf32, #tpu.memory_space<vmem>>
      %dma_start3A_1187 = arith.constant 0 : i32
      %dma_start3A_1188 = tpu.memref_slice %arg4[%dma_start3A_1187, %multiple_of3A_1180] : memref<64x1000001xf32, #tpu.memory_space<hbm>> -> memref<64x128xf32, #tpu.memory_space<hbm>>
      %dma_start3A_1189 = arith.constant 0 : i32
      %dma_start3A_1190 = arith.constant 0 : i32
      %dma_start3A_1191 = tpu.memref_slice %arg10[%dma_start3A_1181, %dma_start3A_1182, %dma_start3A_1189, %dma_start3A_1190] : memref<2x4x64x128xf32, #tpu.memory_space<vmem>> -> memref<1x1x64x128xf32, #tpu.memory_space<vmem>>
      %dma_start3A_1192 = tpu.memref_squeeze %dma_start3A_1191 : memref<1x1x64x128xf32, #tpu.memory_space<vmem>> -> memref<64x128xf32, #tpu.memory_space<vmem>>
      %dma_start3A_1193 = arith.constant 0 : i32
      %dma_start3A_1194 = tpu.memref_slice %arg4[%dma_start3A_1193, %multiple_of3A_1180] : memref<64x1000001xf32, #tpu.memory_space<hbm>> -> memref<64x128xf32, #tpu.memory_space<hbm>>
      tpu.enqueue_dma source(%dma_start3A_1194 : memref<64x128xf32, #tpu.memory_space<hbm>>) target(%dma_start3A_1192 : memref<64x128xf32, #tpu.memory_space<vmem>>) target_semaphore(%arg12 : memref<!tpu.dma_semaphore, #tpu.memory_space<semaphore_mem>>)
      %slice3A_1195 = vector.extract_strided_slice %min3A_689 {offsets = [9], sizes = [1], strides = [1]} : vector<16xi32> to vector<1xi32>
      %squeeze3A_1196 = vector.extract %slice3A_1195[0] : i32 from vector<1xi32>
      %shift_right_arithmetic3A_1197 = arith.constant 7 : i32
      %shift_right_arithmetic3A_1198 = arith.shrsi %squeeze3A_1196, %shift_right_arithmetic3A_1197 : i32
      %mul3A_1199 = arith.constant 128 : i32
      %mul3A_1200 = arith.muli %shift_right_arithmetic3A_1198, %mul3A_1199 : i32
      %multiple_of3A_1201 = tpu.assume_multiple %mul3A_1200, 128 : i32
      %dma_start3A_1202 = arith.constant 0 : i32
      %dma_start3A_1203 = arith.constant 1 : i32
      %dma_start3A_1204 = arith.constant 0 : i32
      %dma_start3A_1205 = arith.constant 0 : i32
      %dma_start3A_1206 = tpu.memref_slice %arg10[%dma_start3A_1202, %dma_start3A_1203, %dma_start3A_1204, %dma_start3A_1205] : memref<2x4x64x128xf32, #tpu.memory_space<vmem>> -> memref<1x1x64x128xf32, #tpu.memory_space<vmem>>
      %dma_start3A_1207 = tpu.memref_squeeze %dma_start3A_1206 : memref<1x1x64x128xf32, #tpu.memory_space<vmem>> -> memref<64x128xf32, #tpu.memory_space<vmem>>
      %dma_start3A_1208 = arith.constant 0 : i32
      %dma_start3A_1209 = tpu.memref_slice %arg4[%dma_start3A_1208, %multiple_of3A_1201] : memref<64x1000001xf32, #tpu.memory_space<hbm>> -> memref<64x128xf32, #tpu.memory_space<hbm>>
      %dma_start3A_1210 = arith.constant 0 : i32
      %dma_start3A_1211 = arith.constant 0 : i32
      %dma_start3A_1212 = tpu.memref_slice %arg10[%dma_start3A_1202, %dma_start3A_1203, %dma_start3A_1210, %dma_start3A_1211] : memref<2x4x64x128xf32, #tpu.memory_space<vmem>> -> memref<1x1x64x128xf32, #tpu.memory_space<vmem>>
      %dma_start3A_1213 = tpu.memref_squeeze %dma_start3A_1212 : memref<1x1x64x128xf32, #tpu.memory_space<vmem>> -> memref<64x128xf32, #tpu.memory_space<vmem>>
      %dma_start3A_1214 = arith.constant 0 : i32
      %dma_start3A_1215 = tpu.memref_slice %arg4[%dma_start3A_1214, %multiple_of3A_1201] : memref<64x1000001xf32, #tpu.memory_space<hbm>> -> memref<64x128xf32, #tpu.memory_space<hbm>>
      tpu.enqueue_dma source(%dma_start3A_1215 : memref<64x128xf32, #tpu.memory_space<hbm>>) target(%dma_start3A_1213 : memref<64x128xf32, #tpu.memory_space<vmem>>) target_semaphore(%arg12 : memref<!tpu.dma_semaphore, #tpu.memory_space<semaphore_mem>>)
      %slice3A_1216 = vector.extract_strided_slice %min3A_689 {offsets = [10], sizes = [1], strides = [1]} : vector<16xi32> to vector<1xi32>
      %squeeze3A_1217 = vector.extract %slice3A_1216[0] : i32 from vector<1xi32>
      %shift_right_arithmetic3A_1218 = arith.constant 7 : i32
      %shift_right_arithmetic3A_1219 = arith.shrsi %squeeze3A_1217, %shift_right_arithmetic3A_1218 : i32
      %mul3A_1220 = arith.constant 128 : i32
      %mul3A_1221 = arith.muli %shift_right_arithmetic3A_1219, %mul3A_1220 : i32
      %multiple_of3A_1222 = tpu.assume_multiple %mul3A_1221, 128 : i32
      %dma_start3A_1223 = arith.constant 0 : i32
      %dma_start3A_1224 = arith.constant 2 : i32
      %dma_start3A_1225 = arith.constant 0 : i32
      %dma_start3A_1226 = arith.constant 0 : i32
      %dma_start3A_1227 = tpu.memref_slice %arg10[%dma_start3A_1223, %dma_start3A_1224, %dma_start3A_1225, %dma_start3A_1226] : memref<2x4x64x128xf32, #tpu.memory_space<vmem>> -> memref<1x1x64x128xf32, #tpu.memory_space<vmem>>
      %dma_start3A_1228 = tpu.memref_squeeze %dma_start3A_1227 : memref<1x1x64x128xf32, #tpu.memory_space<vmem>> -> memref<64x128xf32, #tpu.memory_space<vmem>>
      %dma_start3A_1229 = arith.constant 0 : i32
      %dma_start3A_1230 = tpu.memref_slice %arg4[%dma_start3A_1229, %multiple_of3A_1222] : memref<64x1000001xf32, #tpu.memory_space<hbm>> -> memref<64x128xf32, #tpu.memory_space<hbm>>
      %dma_start3A_1231 = arith.constant 0 : i32
      %dma_start3A_1232 = arith.constant 0 : i32
      %dma_start3A_1233 = tpu.memref_slice %arg10[%dma_start3A_1223, %dma_start3A_1224, %dma_start3A_1231, %dma_start3A_1232] : memref<2x4x64x128xf32, #tpu.memory_space<vmem>> -> memref<1x1x64x128xf32, #tpu.memory_space<vmem>>
      %dma_start3A_1234 = tpu.memref_squeeze %dma_start3A_1233 : memref<1x1x64x128xf32, #tpu.memory_space<vmem>> -> memref<64x128xf32, #tpu.memory_space<vmem>>
      %dma_start3A_1235 = arith.constant 0 : i32
      %dma_start3A_1236 = tpu.memref_slice %arg4[%dma_start3A_1235, %multiple_of3A_1222] : memref<64x1000001xf32, #tpu.memory_space<hbm>> -> memref<64x128xf32, #tpu.memory_space<hbm>>
      tpu.enqueue_dma source(%dma_start3A_1236 : memref<64x128xf32, #tpu.memory_space<hbm>>) target(%dma_start3A_1234 : memref<64x128xf32, #tpu.memory_space<vmem>>) target_semaphore(%arg12 : memref<!tpu.dma_semaphore, #tpu.memory_space<semaphore_mem>>)
      %slice3A_1237 = vector.extract_strided_slice %min3A_689 {offsets = [11], sizes = [1], strides = [1]} : vector<16xi32> to vector<1xi32>
      %squeeze3A_1238 = vector.extract %slice3A_1237[0] : i32 from vector<1xi32>
      %shift_right_arithmetic3A_1239 = arith.constant 7 : i32
      %shift_right_arithmetic3A_1240 = arith.shrsi %squeeze3A_1238, %shift_right_arithmetic3A_1239 : i32
      %mul3A_1241 = arith.constant 128 : i32
      %mul3A_1242 = arith.muli %shift_right_arithmetic3A_1240, %mul3A_1241 : i32
      %multiple_of3A_1243 = tpu.assume_multiple %mul3A_1242, 128 : i32
      %dma_start3A_1244 = arith.constant 0 : i32
      %dma_start3A_1245 = arith.constant 3 : i32
      %dma_start3A_1246 = arith.constant 0 : i32
      %dma_start3A_1247 = arith.constant 0 : i32
      %dma_start3A_1248 = tpu.memref_slice %arg10[%dma_start3A_1244, %dma_start3A_1245, %dma_start3A_1246, %dma_start3A_1247] : memref<2x4x64x128xf32, #tpu.memory_space<vmem>> -> memref<1x1x64x128xf32, #tpu.memory_space<vmem>>
      %dma_start3A_1249 = tpu.memref_squeeze %dma_start3A_1248 : memref<1x1x64x128xf32, #tpu.memory_space<vmem>> -> memref<64x128xf32, #tpu.memory_space<vmem>>
      %dma_start3A_1250 = arith.constant 0 : i32
      %dma_start3A_1251 = tpu.memref_slice %arg4[%dma_start3A_1250, %multiple_of3A_1243] : memref<64x1000001xf32, #tpu.memory_space<hbm>> -> memref<64x128xf32, #tpu.memory_space<hbm>>
      %dma_start3A_1252 = arith.constant 0 : i32
      %dma_start3A_1253 = arith.constant 0 : i32
      %dma_start3A_1254 = tpu.memref_slice %arg10[%dma_start3A_1244, %dma_start3A_1245, %dma_start3A_1252, %dma_start3A_1253] : memref<2x4x64x128xf32, #tpu.memory_space<vmem>> -> memref<1x1x64x128xf32, #tpu.memory_space<vmem>>
      %dma_start3A_1255 = tpu.memref_squeeze %dma_start3A_1254 : memref<1x1x64x128xf32, #tpu.memory_space<vmem>> -> memref<64x128xf32, #tpu.memory_space<vmem>>
      %dma_start3A_1256 = arith.constant 0 : i32
      %dma_start3A_1257 = tpu.memref_slice %arg4[%dma_start3A_1256, %multiple_of3A_1243] : memref<64x1000001xf32, #tpu.memory_space<hbm>> -> memref<64x128xf32, #tpu.memory_space<hbm>>
      tpu.enqueue_dma source(%dma_start3A_1257 : memref<64x128xf32, #tpu.memory_space<hbm>>) target(%dma_start3A_1255 : memref<64x128xf32, #tpu.memory_space<vmem>>) target_semaphore(%arg12 : memref<!tpu.dma_semaphore, #tpu.memory_space<semaphore_mem>>)
      %dma_wait3A_1258 = arith.constant 1 : i32
      %dma_wait3A_1259 = arith.constant 0 : i32
      %dma_wait3A_1260 = arith.constant 0 : i32
      %dma_wait3A_1261 = arith.constant 0 : i32
      %dma_wait3A_1262 = tpu.memref_slice %arg10[%dma_wait3A_1258, %dma_wait3A_1259, %dma_wait3A_1260, %dma_wait3A_1261] : memref<2x4x64x128xf32, #tpu.memory_space<vmem>> -> memref<1x1x64x128xf32, #tpu.memory_space<vmem>>
      %dma_wait3A_1263 = tpu.memref_squeeze %dma_wait3A_1262 : memref<1x1x64x128xf32, #tpu.memory_space<vmem>> -> memref<64x128xf32, #tpu.memory_space<vmem>>
      %dma_wait3A_1264 = arith.constant 0 : i32
      %dma_wait3A_1265 = arith.constant 0 : i32
      %dma_wait3A_1266 = tpu.memref_slice %arg4[%dma_wait3A_1264, %dma_wait3A_1265] : memref<64x1000001xf32, #tpu.memory_space<hbm>> -> memref<64x128xf32, #tpu.memory_space<hbm>>
      %dma_wait3A_1267 = arith.constant 0 : i32
      %dma_wait3A_1268 = arith.constant 0 : i32
      %dma_wait3A_1269 = tpu.memref_slice %arg10[%dma_wait3A_1258, %dma_wait3A_1259, %dma_wait3A_1267, %dma_wait3A_1268] : memref<2x4x64x128xf32, #tpu.memory_space<vmem>> -> memref<1x1x64x128xf32, #tpu.memory_space<vmem>>
      %dma_wait3A_1270 = tpu.memref_squeeze %dma_wait3A_1269 : memref<1x1x64x128xf32, #tpu.memory_space<vmem>> -> memref<64x128xf32, #tpu.memory_space<vmem>>
      %dma_wait3A_1271 = arith.constant 0 : i32
      %dma_wait3A_1272 = arith.constant 0 : i32
      %dma_wait3A_1273 = tpu.memref_slice %arg4[%dma_wait3A_1271, %dma_wait3A_1272] : memref<64x1000001xf32, #tpu.memory_space<hbm>> -> memref<64x128xf32, #tpu.memory_space<hbm>>
      tpu.wait_dma2 semaphore(%arg13 : memref<!tpu.dma_semaphore, #tpu.memory_space<semaphore_mem>>) src(%dma_wait3A_1273 : memref<64x128xf32, #tpu.memory_space<hbm>>) dst(%dma_wait3A_1270 : memref<64x128xf32, #tpu.memory_space<vmem>>)
      %dma_wait3A_1274 = arith.constant 1 : i32
      %dma_wait3A_1275 = arith.constant 1 : i32
      %dma_wait3A_1276 = arith.constant 0 : i32
      %dma_wait3A_1277 = arith.constant 0 : i32
      %dma_wait3A_1278 = tpu.memref_slice %arg10[%dma_wait3A_1274, %dma_wait3A_1275, %dma_wait3A_1276, %dma_wait3A_1277] : memref<2x4x64x128xf32, #tpu.memory_space<vmem>> -> memref<1x1x64x128xf32, #tpu.memory_space<vmem>>
      %dma_wait3A_1279 = tpu.memref_squeeze %dma_wait3A_1278 : memref<1x1x64x128xf32, #tpu.memory_space<vmem>> -> memref<64x128xf32, #tpu.memory_space<vmem>>
      %dma_wait3A_1280 = arith.constant 0 : i32
      %dma_wait3A_1281 = arith.constant 0 : i32
      %dma_wait3A_1282 = tpu.memref_slice %arg4[%dma_wait3A_1280, %dma_wait3A_1281] : memref<64x1000001xf32, #tpu.memory_space<hbm>> -> memref<64x128xf32, #tpu.memory_space<hbm>>
      %dma_wait3A_1283 = arith.constant 0 : i32
      %dma_wait3A_1284 = arith.constant 0 : i32
      %dma_wait3A_1285 = tpu.memref_slice %arg10[%dma_wait3A_1274, %dma_wait3A_1275, %dma_wait3A_1283, %dma_wait3A_1284] : memref<2x4x64x128xf32, #tpu.memory_space<vmem>> -> memref<1x1x64x128xf32, #tpu.memory_space<vmem>>
      %dma_wait3A_1286 = tpu.memref_squeeze %dma_wait3A_1285 : memref<1x1x64x128xf32, #tpu.memory_space<vmem>> -> memref<64x128xf32, #tpu.memory_space<vmem>>
      %dma_wait3A_1287 = arith.constant 0 : i32
      %dma_wait3A_1288 = arith.constant 0 : i32
      %dma_wait3A_1289 = tpu.memref_slice %arg4[%dma_wait3A_1287, %dma_wait3A_1288] : memref<64x1000001xf32, #tpu.memory_space<hbm>> -> memref<64x128xf32, #tpu.memory_space<hbm>>
      tpu.wait_dma2 semaphore(%arg13 : memref<!tpu.dma_semaphore, #tpu.memory_space<semaphore_mem>>) src(%dma_wait3A_1289 : memref<64x128xf32, #tpu.memory_space<hbm>>) dst(%dma_wait3A_1286 : memref<64x128xf32, #tpu.memory_space<vmem>>)
      %dma_wait3A_1290 = arith.constant 1 : i32
      %dma_wait3A_1291 = arith.constant 2 : i32
      %dma_wait3A_1292 = arith.constant 0 : i32
      %dma_wait3A_1293 = arith.constant 0 : i32
      %dma_wait3A_1294 = tpu.memref_slice %arg10[%dma_wait3A_1290, %dma_wait3A_1291, %dma_wait3A_1292, %dma_wait3A_1293] : memref<2x4x64x128xf32, #tpu.memory_space<vmem>> -> memref<1x1x64x128xf32, #tpu.memory_space<vmem>>
      %dma_wait3A_1295 = tpu.memref_squeeze %dma_wait3A_1294 : memref<1x1x64x128xf32, #tpu.memory_space<vmem>> -> memref<64x128xf32, #tpu.memory_space<vmem>>
      %dma_wait3A_1296 = arith.constant 0 : i32
      %dma_wait3A_1297 = arith.constant 0 : i32
      %dma_wait3A_1298 = tpu.memref_slice %arg4[%dma_wait3A_1296, %dma_wait3A_1297] : memref<64x1000001xf32, #tpu.memory_space<hbm>> -> memref<64x128xf32, #tpu.memory_space<hbm>>
      %dma_wait3A_1299 = arith.constant 0 : i32
      %dma_wait3A_1300 = arith.constant 0 : i32
      %dma_wait3A_1301 = tpu.memref_slice %arg10[%dma_wait3A_1290, %dma_wait3A_1291, %dma_wait3A_1299, %dma_wait3A_1300] : memref<2x4x64x128xf32, #tpu.memory_space<vmem>> -> memref<1x1x64x128xf32, #tpu.memory_space<vmem>>
      %dma_wait3A_1302 = tpu.memref_squeeze %dma_wait3A_1301 : memref<1x1x64x128xf32, #tpu.memory_space<vmem>> -> memref<64x128xf32, #tpu.memory_space<vmem>>
      %dma_wait3A_1303 = arith.constant 0 : i32
      %dma_wait3A_1304 = arith.constant 0 : i32
      %dma_wait3A_1305 = tpu.memref_slice %arg4[%dma_wait3A_1303, %dma_wait3A_1304] : memref<64x1000001xf32, #tpu.memory_space<hbm>> -> memref<64x128xf32, #tpu.memory_space<hbm>>
      tpu.wait_dma2 semaphore(%arg13 : memref<!tpu.dma_semaphore, #tpu.memory_space<semaphore_mem>>) src(%dma_wait3A_1305 : memref<64x128xf32, #tpu.memory_space<hbm>>) dst(%dma_wait3A_1302 : memref<64x128xf32, #tpu.memory_space<vmem>>)
      %dma_wait3A_1306 = arith.constant 1 : i32
      %dma_wait3A_1307 = arith.constant 3 : i32
      %dma_wait3A_1308 = arith.constant 0 : i32
      %dma_wait3A_1309 = arith.constant 0 : i32
      %dma_wait3A_1310 = tpu.memref_slice %arg10[%dma_wait3A_1306, %dma_wait3A_1307, %dma_wait3A_1308, %dma_wait3A_1309] : memref<2x4x64x128xf32, #tpu.memory_space<vmem>> -> memref<1x1x64x128xf32, #tpu.memory_space<vmem>>
      %dma_wait3A_1311 = tpu.memref_squeeze %dma_wait3A_1310 : memref<1x1x64x128xf32, #tpu.memory_space<vmem>> -> memref<64x128xf32, #tpu.memory_space<vmem>>
      %dma_wait3A_1312 = arith.constant 0 : i32
      %dma_wait3A_1313 = arith.constant 0 : i32
      %dma_wait3A_1314 = tpu.memref_slice %arg4[%dma_wait3A_1312, %dma_wait3A_1313] : memref<64x1000001xf32, #tpu.memory_space<hbm>> -> memref<64x128xf32, #tpu.memory_space<hbm>>
      %dma_wait3A_1315 = arith.constant 0 : i32
      %dma_wait3A_1316 = arith.constant 0 : i32
      %dma_wait3A_1317 = tpu.memref_slice %arg10[%dma_wait3A_1306, %dma_wait3A_1307, %dma_wait3A_1315, %dma_wait3A_1316] : memref<2x4x64x128xf32, #tpu.memory_space<vmem>> -> memref<1x1x64x128xf32, #tpu.memory_space<vmem>>
      %dma_wait3A_1318 = tpu.memref_squeeze %dma_wait3A_1317 : memref<1x1x64x128xf32, #tpu.memory_space<vmem>> -> memref<64x128xf32, #tpu.memory_space<vmem>>
      %dma_wait3A_1319 = arith.constant 0 : i32
      %dma_wait3A_1320 = arith.constant 0 : i32
      %dma_wait3A_1321 = tpu.memref_slice %arg4[%dma_wait3A_1319, %dma_wait3A_1320] : memref<64x1000001xf32, #tpu.memory_space<hbm>> -> memref<64x128xf32, #tpu.memory_space<hbm>>
      tpu.wait_dma2 semaphore(%arg13 : memref<!tpu.dma_semaphore, #tpu.memory_space<semaphore_mem>>) src(%dma_wait3A_1321 : memref<64x128xf32, #tpu.memory_space<hbm>>) dst(%dma_wait3A_1318 : memref<64x128xf32, #tpu.memory_space<vmem>>)
      %mul3A_1322 = arith.constant 8 : i32
      %mul3A_1323 = arith.muli %scan3A_680, %mul3A_1322 : i32
      %add3A_1324 = arith.constant 2 : i32
      %add3A_1325 = arith.addi %mul3A_1323, %add3A_1324 : i32
      %add3A_1326 = arith.constant 0 : i32
      %add3A_1327 = arith.addi %add3A_1325, %add3A_1326 : i32
      %slice3A_1328 = vector.extract_strided_slice %min3A_689 {offsets = [4], sizes = [1], strides = [1]} : vector<16xi32> to vector<1xi32>
      %squeeze3A_1329 = vector.extract %slice3A_1328[0] : i32 from vector<1xi32>
      %and3A_1330 = arith.constant 127 : i32
      %and3A_1331 = arith.andi %squeeze3A_1329, %and3A_1330 : i32
      %broadcast_in_dim3A_1332 = vector.broadcast %and3A_1331 : i32 to vector<16xi32>
      %add3A_1333 = arith.constant 0 : i32
      %add3A_1334 = vector.broadcast %add3A_1333 : i32 to vector<16xi32>
      %add3A_1335 = arith.addi %iota3A, %add3A_1334 : vector<16xi32>
      %gather3A_1336 = arith.constant 1 : i32
      %gather3A_1337 = arith.constant 0 : i32
      %gather3A_1338 = arith.constant 0 : i32
      %gather3A_1339 = arith.constant 0 : i32
      %gather3A_1340 = tpu.memref_slice %arg10[%gather3A_1336, %gather3A_1337, %gather3A_1338, %gather3A_1339] : memref<2x4x64x128xf32, #tpu.memory_space<vmem>> -> memref<1x1x64x128xf32, #tpu.memory_space<vmem>>
      %gather3A_1341 = tpu.memref_squeeze %gather3A_1340 : memref<1x1x64x128xf32, #tpu.memory_space<vmem>> -> memref<64x128xf32, #tpu.memory_space<vmem>>
      %gather3A_1342 = tpu.vector_load_idx %gather3A_1341[%add3A_1335, %broadcast_in_dim3A_1332] : memref<64x128xf32, #tpu.memory_space<vmem>>[vector<16xi32>, vector<16xi32>], vector<16xf32>,
      %swap3A_1343 = arith.index_cast %add3A_1327 : i32 to index
      %swap3A_1344 = arith.constant 0 : index
      %swap3A_1345 = tpu.vector_load %arg11[%swap3A_1343, %swap3A_1344] {strides = array<i32>} : memref<256x128xf32, #tpu.memory_space<vmem>>, vector<16xf32>,
      tpu.vector_store %arg11[%swap3A_1343, %swap3A_1344], %gather3A_1342 {strides = array<i32>} : memref<256x128xf32, #tpu.memory_space<vmem>>, vector<16xf32>,
      %add3A_1346 = arith.constant 16 : i32
      %add3A_1347 = vector.broadcast %add3A_1346 : i32 to vector<16xi32>
      %add3A_1348 = arith.addi %iota3A, %add3A_1347 : vector<16xi32>
      %gather3A_1349 = arith.constant 1 : i32
      %gather3A_1350 = arith.constant 0 : i32
      %gather3A_1351 = arith.constant 0 : i32
      %gather3A_1352 = arith.constant 0 : i32
      %gather3A_1353 = tpu.memref_slice %arg10[%gather3A_1349, %gather3A_1350, %gather3A_1351, %gather3A_1352] : memref<2x4x64x128xf32, #tpu.memory_space<vmem>> -> memref<1x1x64x128xf32, #tpu.memory_space<vmem>>
      %gather3A_1354 = tpu.memref_squeeze %gather3A_1353 : memref<1x1x64x128xf32, #tpu.memory_space<vmem>> -> memref<64x128xf32, #tpu.memory_space<vmem>>
      %gather3A_1355 = tpu.vector_load_idx %gather3A_1354[%add3A_1348, %broadcast_in_dim3A_1332] : memref<64x128xf32, #tpu.memory_space<vmem>>[vector<16xi32>, vector<16xi32>], vector<16xf32>,
      %swap3A_1356 = arith.index_cast %add3A_1327 : i32 to index
      %swap3A_1357 = arith.constant 16 : index
      %swap3A_1358 = tpu.vector_load %arg11[%swap3A_1356, %swap3A_1357] {strides = array<i32>} : memref<256x128xf32, #tpu.memory_space<vmem>>, vector<16xf32>,
      tpu.vector_store %arg11[%swap3A_1356, %swap3A_1357], %gather3A_1355 {strides = array<i32>} : memref<256x128xf32, #tpu.memory_space<vmem>>, vector<16xf32>,
      %add3A_1359 = arith.constant 32 : i32
      %add3A_1360 = vector.broadcast %add3A_1359 : i32 to vector<16xi32>
      %add3A_1361 = arith.addi %iota3A, %add3A_1360 : vector<16xi32>
      %gather3A_1362 = arith.constant 1 : i32
      %gather3A_1363 = arith.constant 0 : i32
      %gather3A_1364 = arith.constant 0 : i32
      %gather3A_1365 = arith.constant 0 : i32
      %gather3A_1366 = tpu.memref_slice %arg10[%gather3A_1362, %gather3A_1363, %gather3A_1364, %gather3A_1365] : memref<2x4x64x128xf32, #tpu.memory_space<vmem>> -> memref<1x1x64x128xf32, #tpu.memory_space<vmem>>
      %gather3A_1367 = tpu.memref_squeeze %gather3A_1366 : memref<1x1x64x128xf32, #tpu.memory_space<vmem>> -> memref<64x128xf32, #tpu.memory_space<vmem>>
      %gather3A_1368 = tpu.vector_load_idx %gather3A_1367[%add3A_1361, %broadcast_in_dim3A_1332] : memref<64x128xf32, #tpu.memory_space<vmem>>[vector<16xi32>, vector<16xi32>], vector<16xf32>,
      %swap3A_1369 = arith.index_cast %add3A_1327 : i32 to index
      %swap3A_1370 = arith.constant 32 : index
      %swap3A_1371 = tpu.vector_load %arg11[%swap3A_1369, %swap3A_1370] {strides = array<i32>} : memref<256x128xf32, #tpu.memory_space<vmem>>, vector<16xf32>,
      tpu.vector_store %arg11[%swap3A_1369, %swap3A_1370], %gather3A_1368 {strides = array<i32>} : memref<256x128xf32, #tpu.memory_space<vmem>>, vector<16xf32>,
      %add3A_1372 = arith.constant 48 : i32
      %add3A_1373 = vector.broadcast %add3A_1372 : i32 to vector<16xi32>
      %add3A_1374 = arith.addi %iota3A, %add3A_1373 : vector<16xi32>
      %gather3A_1375 = arith.constant 1 : i32
      %gather3A_1376 = arith.constant 0 : i32
      %gather3A_1377 = arith.constant 0 : i32
      %gather3A_1378 = arith.constant 0 : i32
      %gather3A_1379 = tpu.memref_slice %arg10[%gather3A_1375, %gather3A_1376, %gather3A_1377, %gather3A_1378] : memref<2x4x64x128xf32, #tpu.memory_space<vmem>> -> memref<1x1x64x128xf32, #tpu.memory_space<vmem>>
      %gather3A_1380 = tpu.memref_squeeze %gather3A_1379 : memref<1x1x64x128xf32, #tpu.memory_space<vmem>> -> memref<64x128xf32, #tpu.memory_space<vmem>>
      %gather3A_1381 = tpu.vector_load_idx %gather3A_1380[%add3A_1374, %broadcast_in_dim3A_1332] : memref<64x128xf32, #tpu.memory_space<vmem>>[vector<16xi32>, vector<16xi32>], vector<16xf32>,
      %swap3A_1382 = arith.index_cast %add3A_1327 : i32 to index
      %swap3A_1383 = arith.constant 48 : index
      %swap3A_1384 = tpu.vector_load %arg11[%swap3A_1382, %swap3A_1383] {strides = array<i32>} : memref<256x128xf32, #tpu.memory_space<vmem>>, vector<16xf32>,
      tpu.vector_store %arg11[%swap3A_1382, %swap3A_1383], %gather3A_1381 {strides = array<i32>} : memref<256x128xf32, #tpu.memory_space<vmem>>, vector<16xf32>,
      %mul3A_1385 = arith.constant 8 : i32
      %mul3A_1386 = arith.muli %scan3A_680, %mul3A_1385 : i32
      %add3A_1387 = arith.constant 2 : i32
      %add3A_1388 = arith.addi %mul3A_1386, %add3A_1387 : i32
      %add3A_1389 = arith.constant 0 : i32
      %add3A_1390 = arith.addi %add3A_1388, %add3A_1389 : i32
      %slice3A_1391 = vector.extract_strided_slice %min3A_689 {offsets = [5], sizes = [1], strides = [1]} : vector<16xi32> to vector<1xi32>
      %squeeze3A_1392 = vector.extract %slice3A_1391[0] : i32 from vector<1xi32>
      %and3A_1393 = arith.constant 127 : i32
      %and3A_1394 = arith.andi %squeeze3A_1392, %and3A_1393 : i32
      %broadcast_in_dim3A_1395 = vector.broadcast %and3A_1394 : i32 to vector<16xi32>
      %add3A_1396 = arith.constant 0 : i32
      %add3A_1397 = vector.broadcast %add3A_1396 : i32 to vector<16xi32>
      %add3A_1398 = arith.addi %iota3A, %add3A_1397 : vector<16xi32>
      %gather3A_1399 = arith.constant 1 : i32
      %gather3A_1400 = arith.constant 1 : i32
      %gather3A_1401 = arith.constant 0 : i32
      %gather3A_1402 = arith.constant 0 : i32
      %gather3A_1403 = tpu.memref_slice %arg10[%gather3A_1399, %gather3A_1400, %gather3A_1401, %gather3A_1402] : memref<2x4x64x128xf32, #tpu.memory_space<vmem>> -> memref<1x1x64x128xf32, #tpu.memory_space<vmem>>
      %gather3A_1404 = tpu.memref_squeeze %gather3A_1403 : memref<1x1x64x128xf32, #tpu.memory_space<vmem>> -> memref<64x128xf32, #tpu.memory_space<vmem>>
      %gather3A_1405 = tpu.vector_load_idx %gather3A_1404[%add3A_1398, %broadcast_in_dim3A_1395] : memref<64x128xf32, #tpu.memory_space<vmem>>[vector<16xi32>, vector<16xi32>], vector<16xf32>,
      %swap3A_1406 = arith.index_cast %add3A_1390 : i32 to index
      %swap3A_1407 = arith.constant 64 : index
      %swap3A_1408 = tpu.vector_load %arg11[%swap3A_1406, %swap3A_1407] {strides = array<i32>} : memref<256x128xf32, #tpu.memory_space<vmem>>, vector<16xf32>,
      tpu.vector_store %arg11[%swap3A_1406, %swap3A_1407], %gather3A_1405 {strides = array<i32>} : memref<256x128xf32, #tpu.memory_space<vmem>>, vector<16xf32>,
      %add3A_1409 = arith.constant 16 : i32
      %add3A_1410 = vector.broadcast %add3A_1409 : i32 to vector<16xi32>
      %add3A_1411 = arith.addi %iota3A, %add3A_1410 : vector<16xi32>
      %gather3A_1412 = arith.constant 1 : i32
      %gather3A_1413 = arith.constant 1 : i32
      %gather3A_1414 = arith.constant 0 : i32
      %gather3A_1415 = arith.constant 0 : i32
      %gather3A_1416 = tpu.memref_slice %arg10[%gather3A_1412, %gather3A_1413, %gather3A_1414, %gather3A_1415] : memref<2x4x64x128xf32, #tpu.memory_space<vmem>> -> memref<1x1x64x128xf32, #tpu.memory_space<vmem>>
      %gather3A_1417 = tpu.memref_squeeze %gather3A_1416 : memref<1x1x64x128xf32, #tpu.memory_space<vmem>> -> memref<64x128xf32, #tpu.memory_space<vmem>>
      %gather3A_1418 = tpu.vector_load_idx %gather3A_1417[%add3A_1411, %broadcast_in_dim3A_1395] : memref<64x128xf32, #tpu.memory_space<vmem>>[vector<16xi32>, vector<16xi32>], vector<16xf32>,
      %swap3A_1419 = arith.index_cast %add3A_1390 : i32 to index
      %swap3A_1420 = arith.constant 80 : index
      %swap3A_1421 = tpu.vector_load %arg11[%swap3A_1419, %swap3A_1420] {strides = array<i32>} : memref<256x128xf32, #tpu.memory_space<vmem>>, vector<16xf32>,
      tpu.vector_store %arg11[%swap3A_1419, %swap3A_1420], %gather3A_1418 {strides = array<i32>} : memref<256x128xf32, #tpu.memory_space<vmem>>, vector<16xf32>,
      %add3A_1422 = arith.constant 32 : i32
      %add3A_1423 = vector.broadcast %add3A_1422 : i32 to vector<16xi32>
      %add3A_1424 = arith.addi %iota3A, %add3A_1423 : vector<16xi32>
      %gather3A_1425 = arith.constant 1 : i32
      %gather3A_1426 = arith.constant 1 : i32
      %gather3A_1427 = arith.constant 0 : i32
      %gather3A_1428 = arith.constant 0 : i32
      %gather3A_1429 = tpu.memref_slice %arg10[%gather3A_1425, %gather3A_1426, %gather3A_1427, %gather3A_1428] : memref<2x4x64x128xf32, #tpu.memory_space<vmem>> -> memref<1x1x64x128xf32, #tpu.memory_space<vmem>>
      %gather3A_1430 = tpu.memref_squeeze %gather3A_1429 : memref<1x1x64x128xf32, #tpu.memory_space<vmem>> -> memref<64x128xf32, #tpu.memory_space<vmem>>
      %gather3A_1431 = tpu.vector_load_idx %gather3A_1430[%add3A_1424, %broadcast_in_dim3A_1395] : memref<64x128xf32, #tpu.memory_space<vmem>>[vector<16xi32>, vector<16xi32>], vector<16xf32>,
      %swap3A_1432 = arith.index_cast %add3A_1390 : i32 to index
      %swap3A_1433 = arith.constant 96 : index
      %swap3A_1434 = tpu.vector_load %arg11[%swap3A_1432, %swap3A_1433] {strides = array<i32>} : memref<256x128xf32, #tpu.memory_space<vmem>>, vector<16xf32>,
      tpu.vector_store %arg11[%swap3A_1432, %swap3A_1433], %gather3A_1431 {strides = array<i32>} : memref<256x128xf32, #tpu.memory_space<vmem>>, vector<16xf32>,
      %add3A_1435 = arith.constant 48 : i32
      %add3A_1436 = vector.broadcast %add3A_1435 : i32 to vector<16xi32>
      %add3A_1437 = arith.addi %iota3A, %add3A_1436 : vector<16xi32>
      %gather3A_1438 = arith.constant 1 : i32
      %gather3A_1439 = arith.constant 1 : i32
      %gather3A_1440 = arith.constant 0 : i32
      %gather3A_1441 = arith.constant 0 : i32
      %gather3A_1442 = tpu.memref_slice %arg10[%gather3A_1438, %gather3A_1439, %gather3A_1440, %gather3A_1441] : memref<2x4x64x128xf32, #tpu.memory_space<vmem>> -> memref<1x1x64x128xf32, #tpu.memory_space<vmem>>
      %gather3A_1443 = tpu.memref_squeeze %gather3A_1442 : memref<1x1x64x128xf32, #tpu.memory_space<vmem>> -> memref<64x128xf32, #tpu.memory_space<vmem>>
      %gather3A_1444 = tpu.vector_load_idx %gather3A_1443[%add3A_1437, %broadcast_in_dim3A_1395] : memref<64x128xf32, #tpu.memory_space<vmem>>[vector<16xi32>, vector<16xi32>], vector<16xf32>,
      %swap3A_1445 = arith.index_cast %add3A_1390 : i32 to index
      %swap3A_1446 = arith.constant 112 : index
      %swap3A_1447 = tpu.vector_load %arg11[%swap3A_1445, %swap3A_1446] {strides = array<i32>} : memref<256x128xf32, #tpu.memory_space<vmem>>, vector<16xf32>,
      tpu.vector_store %arg11[%swap3A_1445, %swap3A_1446], %gather3A_1444 {strides = array<i32>} : memref<256x128xf32, #tpu.memory_space<vmem>>, vector<16xf32>,
      %mul3A_1448 = arith.constant 8 : i32
      %mul3A_1449 = arith.muli %scan3A_680, %mul3A_1448 : i32
      %add3A_1450 = arith.constant 2 : i32
      %add3A_1451 = arith.addi %mul3A_1449, %add3A_1450 : i32
      %add3A_1452 = arith.constant 1 : i32
      %add3A_1453 = arith.addi %add3A_1451, %add3A_1452 : i32
      %slice3A_1454 = vector.extract_strided_slice %min3A_689 {offsets = [6], sizes = [1], strides = [1]} : vector<16xi32> to vector<1xi32>
      %squeeze3A_1455 = vector.extract %slice3A_1454[0] : i32 from vector<1xi32>
      %and3A_1456 = arith.constant 127 : i32
      %and3A_1457 = arith.andi %squeeze3A_1455, %and3A_1456 : i32
      %broadcast_in_dim3A_1458 = vector.broadcast %and3A_1457 : i32 to vector<16xi32>
      %add3A_1459 = arith.constant 0 : i32
      %add3A_1460 = vector.broadcast %add3A_1459 : i32 to vector<16xi32>
      %add3A_1461 = arith.addi %iota3A, %add3A_1460 : vector<16xi32>
      %gather3A_1462 = arith.constant 1 : i32
      %gather3A_1463 = arith.constant 2 : i32
      %gather3A_1464 = arith.constant 0 : i32
      %gather3A_1465 = arith.constant 0 : i32
      %gather3A_1466 = tpu.memref_slice %arg10[%gather3A_1462, %gather3A_1463, %gather3A_1464, %gather3A_1465] : memref<2x4x64x128xf32, #tpu.memory_space<vmem>> -> memref<1x1x64x128xf32, #tpu.memory_space<vmem>>
      %gather3A_1467 = tpu.memref_squeeze %gather3A_1466 : memref<1x1x64x128xf32, #tpu.memory_space<vmem>> -> memref<64x128xf32, #tpu.memory_space<vmem>>
      %gather3A_1468 = tpu.vector_load_idx %gather3A_1467[%add3A_1461, %broadcast_in_dim3A_1458] : memref<64x128xf32, #tpu.memory_space<vmem>>[vector<16xi32>, vector<16xi32>], vector<16xf32>,
      %swap3A_1469 = arith.index_cast %add3A_1453 : i32 to index
      %swap3A_1470 = arith.constant 0 : index
      %swap3A_1471 = tpu.vector_load %arg11[%swap3A_1469, %swap3A_1470] {strides = array<i32>} : memref<256x128xf32, #tpu.memory_space<vmem>>, vector<16xf32>,
      tpu.vector_store %arg11[%swap3A_1469, %swap3A_1470], %gather3A_1468 {strides = array<i32>} : memref<256x128xf32, #tpu.memory_space<vmem>>, vector<16xf32>,
      %add3A_1472 = arith.constant 16 : i32
      %add3A_1473 = vector.broadcast %add3A_1472 : i32 to vector<16xi32>
      %add3A_1474 = arith.addi %iota3A, %add3A_1473 : vector<16xi32>
      %gather3A_1475 = arith.constant 1 : i32
      %gather3A_1476 = arith.constant 2 : i32
      %gather3A_1477 = arith.constant 0 : i32
      %gather3A_1478 = arith.constant 0 : i32
      %gather3A_1479 = tpu.memref_slice %arg10[%gather3A_1475, %gather3A_1476, %gather3A_1477, %gather3A_1478] : memref<2x4x64x128xf32, #tpu.memory_space<vmem>> -> memref<1x1x64x128xf32, #tpu.memory_space<vmem>>
      %gather3A_1480 = tpu.memref_squeeze %gather3A_1479 : memref<1x1x64x128xf32, #tpu.memory_space<vmem>> -> memref<64x128xf32, #tpu.memory_space<vmem>>
      %gather3A_1481 = tpu.vector_load_idx %gather3A_1480[%add3A_1474, %broadcast_in_dim3A_1458] : memref<64x128xf32, #tpu.memory_space<vmem>>[vector<16xi32>, vector<16xi32>], vector<16xf32>,
      %swap3A_1482 = arith.index_cast %add3A_1453 : i32 to index
      %swap3A_1483 = arith.constant 16 : index
      %swap3A_1484 = tpu.vector_load %arg11[%swap3A_1482, %swap3A_1483] {strides = array<i32>} : memref<256x128xf32, #tpu.memory_space<vmem>>, vector<16xf32>,
      tpu.vector_store %arg11[%swap3A_1482, %swap3A_1483], %gather3A_1481 {strides = array<i32>} : memref<256x128xf32, #tpu.memory_space<vmem>>, vector<16xf32>,
      %add3A_1485 = arith.constant 32 : i32
      %add3A_1486 = vector.broadcast %add3A_1485 : i32 to vector<16xi32>
      %add3A_1487 = arith.addi %iota3A, %add3A_1486 : vector<16xi32>
      %gather3A_1488 = arith.constant 1 : i32
      %gather3A_1489 = arith.constant 2 : i32
      %gather3A_1490 = arith.constant 0 : i32
      %gather3A_1491 = arith.constant 0 : i32
      %gather3A_1492 = tpu.memref_slice %arg10[%gather3A_1488, %gather3A_1489, %gather3A_1490, %gather3A_1491] : memref<2x4x64x128xf32, #tpu.memory_space<vmem>> -> memref<1x1x64x128xf32, #tpu.memory_space<vmem>>
      %gather3A_1493 = tpu.memref_squeeze %gather3A_1492 : memref<1x1x64x128xf32, #tpu.memory_space<vmem>> -> memref<64x128xf32, #tpu.memory_space<vmem>>
      %gather3A_1494 = tpu.vector_load_idx %gather3A_1493[%add3A_1487, %broadcast_in_dim3A_1458] : memref<64x128xf32, #tpu.memory_space<vmem>>[vector<16xi32>, vector<16xi32>], vector<16xf32>,
      %swap3A_1495 = arith.index_cast %add3A_1453 : i32 to index
      %swap3A_1496 = arith.constant 32 : index
      %swap3A_1497 = tpu.vector_load %arg11[%swap3A_1495, %swap3A_1496] {strides = array<i32>} : memref<256x128xf32, #tpu.memory_space<vmem>>, vector<16xf32>,
      tpu.vector_store %arg11[%swap3A_1495, %swap3A_1496], %gather3A_1494 {strides = array<i32>} : memref<256x128xf32, #tpu.memory_space<vmem>>, vector<16xf32>,
      %add3A_1498 = arith.constant 48 : i32
      %add3A_1499 = vector.broadcast %add3A_1498 : i32 to vector<16xi32>
      %add3A_1500 = arith.addi %iota3A, %add3A_1499 : vector<16xi32>
      %gather3A_1501 = arith.constant 1 : i32
      %gather3A_1502 = arith.constant 2 : i32
      %gather3A_1503 = arith.constant 0 : i32
      %gather3A_1504 = arith.constant 0 : i32
      %gather3A_1505 = tpu.memref_slice %arg10[%gather3A_1501, %gather3A_1502, %gather3A_1503, %gather3A_1504] : memref<2x4x64x128xf32, #tpu.memory_space<vmem>> -> memref<1x1x64x128xf32, #tpu.memory_space<vmem>>
      %gather3A_1506 = tpu.memref_squeeze %gather3A_1505 : memref<1x1x64x128xf32, #tpu.memory_space<vmem>> -> memref<64x128xf32, #tpu.memory_space<vmem>>
      %gather3A_1507 = tpu.vector_load_idx %gather3A_1506[%add3A_1500, %broadcast_in_dim3A_1458] : memref<64x128xf32, #tpu.memory_space<vmem>>[vector<16xi32>, vector<16xi32>], vector<16xf32>,
      %swap3A_1508 = arith.index_cast %add3A_1453 : i32 to index
      %swap3A_1509 = arith.constant 48 : index
      %swap3A_1510 = tpu.vector_load %arg11[%swap3A_1508, %swap3A_1509] {strides = array<i32>} : memref<256x128xf32, #tpu.memory_space<vmem>>, vector<16xf32>,
      tpu.vector_store %arg11[%swap3A_1508, %swap3A_1509], %gather3A_1507 {strides = array<i32>} : memref<256x128xf32, #tpu.memory_space<vmem>>, vector<16xf32>,
      %mul3A_1511 = arith.constant 8 : i32
      %mul3A_1512 = arith.muli %scan3A_680, %mul3A_1511 : i32
      %add3A_1513 = arith.constant 2 : i32
      %add3A_1514 = arith.addi %mul3A_1512, %add3A_1513 : i32
      %add3A_1515 = arith.constant 1 : i32
      %add3A_1516 = arith.addi %add3A_1514, %add3A_1515 : i32
      %slice3A_1517 = vector.extract_strided_slice %min3A_689 {offsets = [7], sizes = [1], strides = [1]} : vector<16xi32> to vector<1xi32>
      %squeeze3A_1518 = vector.extract %slice3A_1517[0] : i32 from vector<1xi32>
      %and3A_1519 = arith.constant 127 : i32
      %and3A_1520 = arith.andi %squeeze3A_1518, %and3A_1519 : i32
      %broadcast_in_dim3A_1521 = vector.broadcast %and3A_1520 : i32 to vector<16xi32>
      %add3A_1522 = arith.constant 0 : i32
      %add3A_1523 = vector.broadcast %add3A_1522 : i32 to vector<16xi32>
      %add3A_1524 = arith.addi %iota3A, %add3A_1523 : vector<16xi32>
      %gather3A_1525 = arith.constant 1 : i32
      %gather3A_1526 = arith.constant 3 : i32
      %gather3A_1527 = arith.constant 0 : i32
      %gather3A_1528 = arith.constant 0 : i32
      %gather3A_1529 = tpu.memref_slice %arg10[%gather3A_1525, %gather3A_1526, %gather3A_1527, %gather3A_1528] : memref<2x4x64x128xf32, #tpu.memory_space<vmem>> -> memref<1x1x64x128xf32, #tpu.memory_space<vmem>>
      %gather3A_1530 = tpu.memref_squeeze %gather3A_1529 : memref<1x1x64x128xf32, #tpu.memory_space<vmem>> -> memref<64x128xf32, #tpu.memory_space<vmem>>
      %gather3A_1531 = tpu.vector_load_idx %gather3A_1530[%add3A_1524, %broadcast_in_dim3A_1521] : memref<64x128xf32, #tpu.memory_space<vmem>>[vector<16xi32>, vector<16xi32>], vector<16xf32>,
      %swap3A_1532 = arith.index_cast %add3A_1516 : i32 to index
      %swap3A_1533 = arith.constant 64 : index
      %swap3A_1534 = tpu.vector_load %arg11[%swap3A_1532, %swap3A_1533] {strides = array<i32>} : memref<256x128xf32, #tpu.memory_space<vmem>>, vector<16xf32>,
      tpu.vector_store %arg11[%swap3A_1532, %swap3A_1533], %gather3A_1531 {strides = array<i32>} : memref<256x128xf32, #tpu.memory_space<vmem>>, vector<16xf32>,
      %add3A_1535 = arith.constant 16 : i32
      %add3A_1536 = vector.broadcast %add3A_1535 : i32 to vector<16xi32>
      %add3A_1537 = arith.addi %iota3A, %add3A_1536 : vector<16xi32>
      %gather3A_1538 = arith.constant 1 : i32
      %gather3A_1539 = arith.constant 3 : i32
      %gather3A_1540 = arith.constant 0 : i32
      %gather3A_1541 = arith.constant 0 : i32
      %gather3A_1542 = tpu.memref_slice %arg10[%gather3A_1538, %gather3A_1539, %gather3A_1540, %gather3A_1541] : memref<2x4x64x128xf32, #tpu.memory_space<vmem>> -> memref<1x1x64x128xf32, #tpu.memory_space<vmem>>
      %gather3A_1543 = tpu.memref_squeeze %gather3A_1542 : memref<1x1x64x128xf32, #tpu.memory_space<vmem>> -> memref<64x128xf32, #tpu.memory_space<vmem>>
      %gather3A_1544 = tpu.vector_load_idx %gather3A_1543[%add3A_1537, %broadcast_in_dim3A_1521] : memref<64x128xf32, #tpu.memory_space<vmem>>[vector<16xi32>, vector<16xi32>], vector<16xf32>,
      %swap3A_1545 = arith.index_cast %add3A_1516 : i32 to index
      %swap3A_1546 = arith.constant 80 : index
      %swap3A_1547 = tpu.vector_load %arg11[%swap3A_1545, %swap3A_1546] {strides = array<i32>} : memref<256x128xf32, #tpu.memory_space<vmem>>, vector<16xf32>,
      tpu.vector_store %arg11[%swap3A_1545, %swap3A_1546], %gather3A_1544 {strides = array<i32>} : memref<256x128xf32, #tpu.memory_space<vmem>>, vector<16xf32>,
      %add3A_1548 = arith.constant 32 : i32
      %add3A_1549 = vector.broadcast %add3A_1548 : i32 to vector<16xi32>
      %add3A_1550 = arith.addi %iota3A, %add3A_1549 : vector<16xi32>
      %gather3A_1551 = arith.constant 1 : i32
      %gather3A_1552 = arith.constant 3 : i32
      %gather3A_1553 = arith.constant 0 : i32
      %gather3A_1554 = arith.constant 0 : i32
      %gather3A_1555 = tpu.memref_slice %arg10[%gather3A_1551, %gather3A_1552, %gather3A_1553, %gather3A_1554] : memref<2x4x64x128xf32, #tpu.memory_space<vmem>> -> memref<1x1x64x128xf32, #tpu.memory_space<vmem>>
      %gather3A_1556 = tpu.memref_squeeze %gather3A_1555 : memref<1x1x64x128xf32, #tpu.memory_space<vmem>> -> memref<64x128xf32, #tpu.memory_space<vmem>>
      %gather3A_1557 = tpu.vector_load_idx %gather3A_1556[%add3A_1550, %broadcast_in_dim3A_1521] : memref<64x128xf32, #tpu.memory_space<vmem>>[vector<16xi32>, vector<16xi32>], vector<16xf32>,
      %swap3A_1558 = arith.index_cast %add3A_1516 : i32 to index
      %swap3A_1559 = arith.constant 96 : index
      %swap3A_1560 = tpu.vector_load %arg11[%swap3A_1558, %swap3A_1559] {strides = array<i32>} : memref<256x128xf32, #tpu.memory_space<vmem>>, vector<16xf32>,
      tpu.vector_store %arg11[%swap3A_1558, %swap3A_1559], %gather3A_1557 {strides = array<i32>} : memref<256x128xf32, #tpu.memory_space<vmem>>, vector<16xf32>,
      %add3A_1561 = arith.constant 48 : i32
      %add3A_1562 = vector.broadcast %add3A_1561 : i32 to vector<16xi32>
      %add3A_1563 = arith.addi %iota3A, %add3A_1562 : vector<16xi32>
      %gather3A_1564 = arith.constant 1 : i32
      %gather3A_1565 = arith.constant 3 : i32
      %gather3A_1566 = arith.constant 0 : i32
      %gather3A_1567 = arith.constant 0 : i32
      %gather3A_1568 = tpu.memref_slice %arg10[%gather3A_1564, %gather3A_1565, %gather3A_1566, %gather3A_1567] : memref<2x4x64x128xf32, #tpu.memory_space<vmem>> -> memref<1x1x64x128xf32, #tpu.memory_space<vmem>>
      %gather3A_1569 = tpu.memref_squeeze %gather3A_1568 : memref<1x1x64x128xf32, #tpu.memory_space<vmem>> -> memref<64x128xf32, #tpu.memory_space<vmem>>
      %gather3A_1570 = tpu.vector_load_idx %gather3A_1569[%add3A_1563, %broadcast_in_dim3A_1521] : memref<64x128xf32, #tpu.memory_space<vmem>>[vector<16xi32>, vector<16xi32>], vector<16xf32>,
      %swap3A_1571 = arith.index_cast %add3A_1516 : i32 to index
      %swap3A_1572 = arith.constant 112 : index
      %swap3A_1573 = tpu.vector_load %arg11[%swap3A_1571, %swap3A_1572] {strides = array<i32>} : memref<256x128xf32, #tpu.memory_space<vmem>>, vector<16xf32>,
      tpu.vector_store %arg11[%swap3A_1571, %swap3A_1572], %gather3A_1570 {strides = array<i32>} : memref<256x128xf32, #tpu.memory_space<vmem>>, vector<16xf32>,
      %slice3A_1574 = vector.extract_strided_slice %min3A_689 {offsets = [12], sizes = [1], strides = [1]} : vector<16xi32> to vector<1xi32>
      %squeeze3A_1575 = vector.extract %slice3A_1574[0] : i32 from vector<1xi32>
      %shift_right_arithmetic3A_1576 = arith.constant 7 : i32
      %shift_right_arithmetic3A_1577 = arith.shrsi %squeeze3A_1575, %shift_right_arithmetic3A_1576 : i32
      %mul3A_1578 = arith.constant 128 : i32
      %mul3A_1579 = arith.muli %shift_right_arithmetic3A_1577, %mul3A_1578 : i32
      %multiple_of3A_1580 = tpu.assume_multiple %mul3A_1579, 128 : i32
      %dma_start3A_1581 = arith.constant 1 : i32
      %dma_start3A_1582 = arith.constant 0 : i32
      %dma_start3A_1583 = arith.constant 0 : i32
      %dma_start3A_1584 = arith.constant 0 : i32
      %dma_start3A_1585 = tpu.memref_slice %arg10[%dma_start3A_1581, %dma_start3A_1582, %dma_start3A_1583, %dma_start3A_1584] : memref<2x4x64x128xf32, #tpu.memory_space<vmem>> -> memref<1x1x64x128xf32, #tpu.memory_space<vmem>>
      %dma_start3A_1586 = tpu.memref_squeeze %dma_start3A_1585 : memref<1x1x64x128xf32, #tpu.memory_space<vmem>> -> memref<64x128xf32, #tpu.memory_space<vmem>>
      %dma_start3A_1587 = arith.constant 0 : i32
      %dma_start3A_1588 = tpu.memref_slice %arg4[%dma_start3A_1587, %multiple_of3A_1580] : memref<64x1000001xf32, #tpu.memory_space<hbm>> -> memref<64x128xf32, #tpu.memory_space<hbm>>
      %dma_start3A_1589 = arith.constant 0 : i32
      %dma_start3A_1590 = arith.constant 0 : i32
      %dma_start3A_1591 = tpu.memref_slice %arg10[%dma_start3A_1581, %dma_start3A_1582, %dma_start3A_1589, %dma_start3A_1590] : memref<2x4x64x128xf32, #tpu.memory_space<vmem>> -> memref<1x1x64x128xf32, #tpu.memory_space<vmem>>
      %dma_start3A_1592 = tpu.memref_squeeze %dma_start3A_1591 : memref<1x1x64x128xf32, #tpu.memory_space<vmem>> -> memref<64x128xf32, #tpu.memory_space<vmem>>
      %dma_start3A_1593 = arith.constant 0 : i32
      %dma_start3A_1594 = tpu.memref_slice %arg4[%dma_start3A_1593, %multiple_of3A_1580] : memref<64x1000001xf32, #tpu.memory_space<hbm>> -> memref<64x128xf32, #tpu.memory_space<hbm>>
      tpu.enqueue_dma source(%dma_start3A_1594 : memref<64x128xf32, #tpu.memory_space<hbm>>) target(%dma_start3A_1592 : memref<64x128xf32, #tpu.memory_space<vmem>>) target_semaphore(%arg13 : memref<!tpu.dma_semaphore, #tpu.memory_space<semaphore_mem>>)
      %slice3A_1595 = vector.extract_strided_slice %min3A_689 {offsets = [13], sizes = [1], strides = [1]} : vector<16xi32> to vector<1xi32>
      %squeeze3A_1596 = vector.extract %slice3A_1595[0] : i32 from vector<1xi32>
      %shift_right_arithmetic3A_1597 = arith.constant 7 : i32
      %shift_right_arithmetic3A_1598 = arith.shrsi %squeeze3A_1596, %shift_right_arithmetic3A_1597 : i32
      %mul3A_1599 = arith.constant 128 : i32
      %mul3A_1600 = arith.muli %shift_right_arithmetic3A_1598, %mul3A_1599 : i32
      %multiple_of3A_1601 = tpu.assume_multiple %mul3A_1600, 128 : i32
      %dma_start3A_1602 = arith.constant 1 : i32
      %dma_start3A_1603 = arith.constant 1 : i32
      %dma_start3A_1604 = arith.constant 0 : i32
      %dma_start3A_1605 = arith.constant 0 : i32
      %dma_start3A_1606 = tpu.memref_slice %arg10[%dma_start3A_1602, %dma_start3A_1603, %dma_start3A_1604, %dma_start3A_1605] : memref<2x4x64x128xf32, #tpu.memory_space<vmem>> -> memref<1x1x64x128xf32, #tpu.memory_space<vmem>>
      %dma_start3A_1607 = tpu.memref_squeeze %dma_start3A_1606 : memref<1x1x64x128xf32, #tpu.memory_space<vmem>> -> memref<64x128xf32, #tpu.memory_space<vmem>>
      %dma_start3A_1608 = arith.constant 0 : i32
      %dma_start3A_1609 = tpu.memref_slice %arg4[%dma_start3A_1608, %multiple_of3A_1601] : memref<64x1000001xf32, #tpu.memory_space<hbm>> -> memref<64x128xf32, #tpu.memory_space<hbm>>
      %dma_start3A_1610 = arith.constant 0 : i32
      %dma_start3A_1611 = arith.constant 0 : i32
      %dma_start3A_1612 = tpu.memref_slice %arg10[%dma_start3A_1602, %dma_start3A_1603, %dma_start3A_1610, %dma_start3A_1611] : memref<2x4x64x128xf32, #tpu.memory_space<vmem>> -> memref<1x1x64x128xf32, #tpu.memory_space<vmem>>
      %dma_start3A_1613 = tpu.memref_squeeze %dma_start3A_1612 : memref<1x1x64x128xf32, #tpu.memory_space<vmem>> -> memref<64x128xf32, #tpu.memory_space<vmem>>
      %dma_start3A_1614 = arith.constant 0 : i32
      %dma_start3A_1615 = tpu.memref_slice %arg4[%dma_start3A_1614, %multiple_of3A_1601] : memref<64x1000001xf32, #tpu.memory_space<hbm>> -> memref<64x128xf32, #tpu.memory_space<hbm>>
      tpu.enqueue_dma source(%dma_start3A_1615 : memref<64x128xf32, #tpu.memory_space<hbm>>) target(%dma_start3A_1613 : memref<64x128xf32, #tpu.memory_space<vmem>>) target_semaphore(%arg13 : memref<!tpu.dma_semaphore, #tpu.memory_space<semaphore_mem>>)
      %slice3A_1616 = vector.extract_strided_slice %min3A_689 {offsets = [14], sizes = [1], strides = [1]} : vector<16xi32> to vector<1xi32>
      %squeeze3A_1617 = vector.extract %slice3A_1616[0] : i32 from vector<1xi32>
      %shift_right_arithmetic3A_1618 = arith.constant 7 : i32
      %shift_right_arithmetic3A_1619 = arith.shrsi %squeeze3A_1617, %shift_right_arithmetic3A_1618 : i32
      %mul3A_1620 = arith.constant 128 : i32
      %mul3A_1621 = arith.muli %shift_right_arithmetic3A_1619, %mul3A_1620 : i32
      %multiple_of3A_1622 = tpu.assume_multiple %mul3A_1621, 128 : i32
      %dma_start3A_1623 = arith.constant 1 : i32
      %dma_start3A_1624 = arith.constant 2 : i32
      %dma_start3A_1625 = arith.constant 0 : i32
      %dma_start3A_1626 = arith.constant 0 : i32
      %dma_start3A_1627 = tpu.memref_slice %arg10[%dma_start3A_1623, %dma_start3A_1624, %dma_start3A_1625, %dma_start3A_1626] : memref<2x4x64x128xf32, #tpu.memory_space<vmem>> -> memref<1x1x64x128xf32, #tpu.memory_space<vmem>>
      %dma_start3A_1628 = tpu.memref_squeeze %dma_start3A_1627 : memref<1x1x64x128xf32, #tpu.memory_space<vmem>> -> memref<64x128xf32, #tpu.memory_space<vmem>>
      %dma_start3A_1629 = arith.constant 0 : i32
      %dma_start3A_1630 = tpu.memref_slice %arg4[%dma_start3A_1629, %multiple_of3A_1622] : memref<64x1000001xf32, #tpu.memory_space<hbm>> -> memref<64x128xf32, #tpu.memory_space<hbm>>
      %dma_start3A_1631 = arith.constant 0 : i32
      %dma_start3A_1632 = arith.constant 0 : i32
      %dma_start3A_1633 = tpu.memref_slice %arg10[%dma_start3A_1623, %dma_start3A_1624, %dma_start3A_1631, %dma_start3A_1632] : memref<2x4x64x128xf32, #tpu.memory_space<vmem>> -> memref<1x1x64x128xf32, #tpu.memory_space<vmem>>
      %dma_start3A_1634 = tpu.memref_squeeze %dma_start3A_1633 : memref<1x1x64x128xf32, #tpu.memory_space<vmem>> -> memref<64x128xf32, #tpu.memory_space<vmem>>
      %dma_start3A_1635 = arith.constant 0 : i32
      %dma_start3A_1636 = tpu.memref_slice %arg4[%dma_start3A_1635, %multiple_of3A_1622] : memref<64x1000001xf32, #tpu.memory_space<hbm>> -> memref<64x128xf32, #tpu.memory_space<hbm>>
      tpu.enqueue_dma source(%dma_start3A_1636 : memref<64x128xf32, #tpu.memory_space<hbm>>) target(%dma_start3A_1634 : memref<64x128xf32, #tpu.memory_space<vmem>>) target_semaphore(%arg13 : memref<!tpu.dma_semaphore, #tpu.memory_space<semaphore_mem>>)
      %slice3A_1637 = vector.extract_strided_slice %min3A_689 {offsets = [15], sizes = [1], strides = [1]} : vector<16xi32> to vector<1xi32>
      %squeeze3A_1638 = vector.extract %slice3A_1637[0] : i32 from vector<1xi32>
      %shift_right_arithmetic3A_1639 = arith.constant 7 : i32
      %shift_right_arithmetic3A_1640 = arith.shrsi %squeeze3A_1638, %shift_right_arithmetic3A_1639 : i32
      %mul3A_1641 = arith.constant 128 : i32
      %mul3A_1642 = arith.muli %shift_right_arithmetic3A_1640, %mul3A_1641 : i32
      %multiple_of3A_1643 = tpu.assume_multiple %mul3A_1642, 128 : i32
      %dma_start3A_1644 = arith.constant 1 : i32
      %dma_start3A_1645 = arith.constant 3 : i32
      %dma_start3A_1646 = arith.constant 0 : i32
      %dma_start3A_1647 = arith.constant 0 : i32
      %dma_start3A_1648 = tpu.memref_slice %arg10[%dma_start3A_1644, %dma_start3A_1645, %dma_start3A_1646, %dma_start3A_1647] : memref<2x4x64x128xf32, #tpu.memory_space<vmem>> -> memref<1x1x64x128xf32, #tpu.memory_space<vmem>>
      %dma_start3A_1649 = tpu.memref_squeeze %dma_start3A_1648 : memref<1x1x64x128xf32, #tpu.memory_space<vmem>> -> memref<64x128xf32, #tpu.memory_space<vmem>>
      %dma_start3A_1650 = arith.constant 0 : i32
      %dma_start3A_1651 = tpu.memref_slice %arg4[%dma_start3A_1650, %multiple_of3A_1643] : memref<64x1000001xf32, #tpu.memory_space<hbm>> -> memref<64x128xf32, #tpu.memory_space<hbm>>
      %dma_start3A_1652 = arith.constant 0 : i32
      %dma_start3A_1653 = arith.constant 0 : i32
      %dma_start3A_1654 = tpu.memref_slice %arg10[%dma_start3A_1644, %dma_start3A_1645, %dma_start3A_1652, %dma_start3A_1653] : memref<2x4x64x128xf32, #tpu.memory_space<vmem>> -> memref<1x1x64x128xf32, #tpu.memory_space<vmem>>
      %dma_start3A_1655 = tpu.memref_squeeze %dma_start3A_1654 : memref<1x1x64x128xf32, #tpu.memory_space<vmem>> -> memref<64x128xf32, #tpu.memory_space<vmem>>
      %dma_start3A_1656 = arith.constant 0 : i32
      %dma_start3A_1657 = tpu.memref_slice %arg4[%dma_start3A_1656, %multiple_of3A_1643] : memref<64x1000001xf32, #tpu.memory_space<hbm>> -> memref<64x128xf32, #tpu.memory_space<hbm>>
      tpu.enqueue_dma source(%dma_start3A_1657 : memref<64x128xf32, #tpu.memory_space<hbm>>) target(%dma_start3A_1655 : memref<64x128xf32, #tpu.memory_space<vmem>>) target_semaphore(%arg13 : memref<!tpu.dma_semaphore, #tpu.memory_space<semaphore_mem>>)
      %dma_wait3A_1658 = arith.constant 0 : i32
      %dma_wait3A_1659 = arith.constant 0 : i32
      %dma_wait3A_1660 = arith.constant 0 : i32
      %dma_wait3A_1661 = arith.constant 0 : i32
      %dma_wait3A_1662 = tpu.memref_slice %arg10[%dma_wait3A_1658, %dma_wait3A_1659, %dma_wait3A_1660, %dma_wait3A_1661] : memref<2x4x64x128xf32, #tpu.memory_space<vmem>> -> memref<1x1x64x128xf32, #tpu.memory_space<vmem>>
      %dma_wait3A_1663 = tpu.memref_squeeze %dma_wait3A_1662 : memref<1x1x64x128xf32, #tpu.memory_space<vmem>> -> memref<64x128xf32, #tpu.memory_space<vmem>>
      %dma_wait3A_1664 = arith.constant 0 : i32
      %dma_wait3A_1665 = arith.constant 0 : i32
      %dma_wait3A_1666 = tpu.memref_slice %arg4[%dma_wait3A_1664, %dma_wait3A_1665] : memref<64x1000001xf32, #tpu.memory_space<hbm>> -> memref<64x128xf32, #tpu.memory_space<hbm>>
      %dma_wait3A_1667 = arith.constant 0 : i32
      %dma_wait3A_1668 = arith.constant 0 : i32
      %dma_wait3A_1669 = tpu.memref_slice %arg10[%dma_wait3A_1658, %dma_wait3A_1659, %dma_wait3A_1667, %dma_wait3A_1668] : memref<2x4x64x128xf32, #tpu.memory_space<vmem>> -> memref<1x1x64x128xf32, #tpu.memory_space<vmem>>
      %dma_wait3A_1670 = tpu.memref_squeeze %dma_wait3A_1669 : memref<1x1x64x128xf32, #tpu.memory_space<vmem>> -> memref<64x128xf32, #tpu.memory_space<vmem>>
      %dma_wait3A_1671 = arith.constant 0 : i32
      %dma_wait3A_1672 = arith.constant 0 : i32
      %dma_wait3A_1673 = tpu.memref_slice %arg4[%dma_wait3A_1671, %dma_wait3A_1672] : memref<64x1000001xf32, #tpu.memory_space<hbm>> -> memref<64x128xf32, #tpu.memory_space<hbm>>
      tpu.wait_dma2 semaphore(%arg12 : memref<!tpu.dma_semaphore, #tpu.memory_space<semaphore_mem>>) src(%dma_wait3A_1673 : memref<64x128xf32, #tpu.memory_space<hbm>>) dst(%dma_wait3A_1670 : memref<64x128xf32, #tpu.memory_space<vmem>>)
      %dma_wait3A_1674 = arith.constant 0 : i32
      %dma_wait3A_1675 = arith.constant 1 : i32
      %dma_wait3A_1676 = arith.constant 0 : i32
      %dma_wait3A_1677 = arith.constant 0 : i32
      %dma_wait3A_1678 = tpu.memref_slice %arg10[%dma_wait3A_1674, %dma_wait3A_1675, %dma_wait3A_1676, %dma_wait3A_1677] : memref<2x4x64x128xf32, #tpu.memory_space<vmem>> -> memref<1x1x64x128xf32, #tpu.memory_space<vmem>>
      %dma_wait3A_1679 = tpu.memref_squeeze %dma_wait3A_1678 : memref<1x1x64x128xf32, #tpu.memory_space<vmem>> -> memref<64x128xf32, #tpu.memory_space<vmem>>
      %dma_wait3A_1680 = arith.constant 0 : i32
      %dma_wait3A_1681 = arith.constant 0 : i32
      %dma_wait3A_1682 = tpu.memref_slice %arg4[%dma_wait3A_1680, %dma_wait3A_1681] : memref<64x1000001xf32, #tpu.memory_space<hbm>> -> memref<64x128xf32, #tpu.memory_space<hbm>>
      %dma_wait3A_1683 = arith.constant 0 : i32
      %dma_wait3A_1684 = arith.constant 0 : i32
      %dma_wait3A_1685 = tpu.memref_slice %arg10[%dma_wait3A_1674, %dma_wait3A_1675, %dma_wait3A_1683, %dma_wait3A_1684] : memref<2x4x64x128xf32, #tpu.memory_space<vmem>> -> memref<1x1x64x128xf32, #tpu.memory_space<vmem>>
      %dma_wait3A_1686 = tpu.memref_squeeze %dma_wait3A_1685 : memref<1x1x64x128xf32, #tpu.memory_space<vmem>> -> memref<64x128xf32, #tpu.memory_space<vmem>>
      %dma_wait3A_1687 = arith.constant 0 : i32
      %dma_wait3A_1688 = arith.constant 0 : i32
      %dma_wait3A_1689 = tpu.memref_slice %arg4[%dma_wait3A_1687, %dma_wait3A_1688] : memref<64x1000001xf32, #tpu.memory_space<hbm>> -> memref<64x128xf32, #tpu.memory_space<hbm>>
      tpu.wait_dma2 semaphore(%arg12 : memref<!tpu.dma_semaphore, #tpu.memory_space<semaphore_mem>>) src(%dma_wait3A_1689 : memref<64x128xf32, #tpu.memory_space<hbm>>) dst(%dma_wait3A_1686 : memref<64x128xf32, #tpu.memory_space<vmem>>)
      %dma_wait3A_1690 = arith.constant 0 : i32
      %dma_wait3A_1691 = arith.constant 2 : i32
      %dma_wait3A_1692 = arith.constant 0 : i32
      %dma_wait3A_1693 = arith.constant 0 : i32
      %dma_wait3A_1694 = tpu.memref_slice %arg10[%dma_wait3A_1690, %dma_wait3A_1691, %dma_wait3A_1692, %dma_wait3A_1693] : memref<2x4x64x128xf32, #tpu.memory_space<vmem>> -> memref<1x1x64x128xf32, #tpu.memory_space<vmem>>
      %dma_wait3A_1695 = tpu.memref_squeeze %dma_wait3A_1694 : memref<1x1x64x128xf32, #tpu.memory_space<vmem>> -> memref<64x128xf32, #tpu.memory_space<vmem>>
      %dma_wait3A_1696 = arith.constant 0 : i32
      %dma_wait3A_1697 = arith.constant 0 : i32
      %dma_wait3A_1698 = tpu.memref_slice %arg4[%dma_wait3A_1696, %dma_wait3A_1697] : memref<64x1000001xf32, #tpu.memory_space<hbm>> -> memref<64x128xf32, #tpu.memory_space<hbm>>
      %dma_wait3A_1699 = arith.constant 0 : i32
      %dma_wait3A_1700 = arith.constant 0 : i32
      %dma_wait3A_1701 = tpu.memref_slice %arg10[%dma_wait3A_1690, %dma_wait3A_1691, %dma_wait3A_1699, %dma_wait3A_1700] : memref<2x4x64x128xf32, #tpu.memory_space<vmem>> -> memref<1x1x64x128xf32, #tpu.memory_space<vmem>>
      %dma_wait3A_1702 = tpu.memref_squeeze %dma_wait3A_1701 : memref<1x1x64x128xf32, #tpu.memory_space<vmem>> -> memref<64x128xf32, #tpu.memory_space<vmem>>
      %dma_wait3A_1703 = arith.constant 0 : i32
      %dma_wait3A_1704 = arith.constant 0 : i32
      %dma_wait3A_1705 = tpu.memref_slice %arg4[%dma_wait3A_1703, %dma_wait3A_1704] : memref<64x1000001xf32, #tpu.memory_space<hbm>> -> memref<64x128xf32, #tpu.memory_space<hbm>>
      tpu.wait_dma2 semaphore(%arg12 : memref<!tpu.dma_semaphore, #tpu.memory_space<semaphore_mem>>) src(%dma_wait3A_1705 : memref<64x128xf32, #tpu.memory_space<hbm>>) dst(%dma_wait3A_1702 : memref<64x128xf32, #tpu.memory_space<vmem>>)
      %dma_wait3A_1706 = arith.constant 0 : i32
      %dma_wait3A_1707 = arith.constant 3 : i32
      %dma_wait3A_1708 = arith.constant 0 : i32
      %dma_wait3A_1709 = arith.constant 0 : i32
      %dma_wait3A_1710 = tpu.memref_slice %arg10[%dma_wait3A_1706, %dma_wait3A_1707, %dma_wait3A_1708, %dma_wait3A_1709] : memref<2x4x64x128xf32, #tpu.memory_space<vmem>> -> memref<1x1x64x128xf32, #tpu.memory_space<vmem>>
      %dma_wait3A_1711 = tpu.memref_squeeze %dma_wait3A_1710 : memref<1x1x64x128xf32, #tpu.memory_space<vmem>> -> memref<64x128xf32, #tpu.memory_space<vmem>>
      %dma_wait3A_1712 = arith.constant 0 : i32
      %dma_wait3A_1713 = arith.constant 0 : i32
      %dma_wait3A_1714 = tpu.memref_slice %arg4[%dma_wait3A_1712, %dma_wait3A_1713] : memref<64x1000001xf32, #tpu.memory_space<hbm>> -> memref<64x128xf32, #tpu.memory_space<hbm>>
      %dma_wait3A_1715 = arith.constant 0 : i32
      %dma_wait3A_1716 = arith.constant 0 : i32
      %dma_wait3A_1717 = tpu.memref_slice %arg10[%dma_wait3A_1706, %dma_wait3A_1707, %dma_wait3A_1715, %dma_wait3A_1716] : memref<2x4x64x128xf32, #tpu.memory_space<vmem>> -> memref<1x1x64x128xf32, #tpu.memory_space<vmem>>
      %dma_wait3A_1718 = tpu.memref_squeeze %dma_wait3A_1717 : memref<1x1x64x128xf32, #tpu.memory_space<vmem>> -> memref<64x128xf32, #tpu.memory_space<vmem>>
      %dma_wait3A_1719 = arith.constant 0 : i32
      %dma_wait3A_1720 = arith.constant 0 : i32
      %dma_wait3A_1721 = tpu.memref_slice %arg4[%dma_wait3A_1719, %dma_wait3A_1720] : memref<64x1000001xf32, #tpu.memory_space<hbm>> -> memref<64x128xf32, #tpu.memory_space<hbm>>
      tpu.wait_dma2 semaphore(%arg12 : memref<!tpu.dma_semaphore, #tpu.memory_space<semaphore_mem>>) src(%dma_wait3A_1721 : memref<64x128xf32, #tpu.memory_space<hbm>>) dst(%dma_wait3A_1718 : memref<64x128xf32, #tpu.memory_space<vmem>>)
      %mul3A_1722 = arith.constant 8 : i32
      %mul3A_1723 = arith.muli %scan3A_680, %mul3A_1722 : i32
      %add3A_1724 = arith.constant 4 : i32
      %add3A_1725 = arith.addi %mul3A_1723, %add3A_1724 : i32
      %add3A_1726 = arith.constant 0 : i32
      %add3A_1727 = arith.addi %add3A_1725, %add3A_1726 : i32
      %slice3A_1728 = vector.extract_strided_slice %min3A_689 {offsets = [8], sizes = [1], strides = [1]} : vector<16xi32> to vector<1xi32>
      %squeeze3A_1729 = vector.extract %slice3A_1728[0] : i32 from vector<1xi32>
      %and3A_1730 = arith.constant 127 : i32
      %and3A_1731 = arith.andi %squeeze3A_1729, %and3A_1730 : i32
      %broadcast_in_dim3A_1732 = vector.broadcast %and3A_1731 : i32 to vector<16xi32>
      %add3A_1733 = arith.constant 0 : i32
      %add3A_1734 = vector.broadcast %add3A_1733 : i32 to vector<16xi32>
      %add3A_1735 = arith.addi %iota3A, %add3A_1734 : vector<16xi32>
      %gather3A_1736 = arith.constant 0 : i32
      %gather3A_1737 = arith.constant 0 : i32
      %gather3A_1738 = arith.constant 0 : i32
      %gather3A_1739 = arith.constant 0 : i32
      %gather3A_1740 = tpu.memref_slice %arg10[%gather3A_1736, %gather3A_1737, %gather3A_1738, %gather3A_1739] : memref<2x4x64x128xf32, #tpu.memory_space<vmem>> -> memref<1x1x64x128xf32, #tpu.memory_space<vmem>>
      %gather3A_1741 = tpu.memref_squeeze %gather3A_1740 : memref<1x1x64x128xf32, #tpu.memory_space<vmem>> -> memref<64x128xf32, #tpu.memory_space<vmem>>
      %gather3A_1742 = tpu.vector_load_idx %gather3A_1741[%add3A_1735, %broadcast_in_dim3A_1732] : memref<64x128xf32, #tpu.memory_space<vmem>>[vector<16xi32>, vector<16xi32>], vector<16xf32>,
      %swap3A_1743 = arith.index_cast %add3A_1727 : i32 to index
      %swap3A_1744 = arith.constant 0 : index
      %swap3A_1745 = tpu.vector_load %arg11[%swap3A_1743, %swap3A_1744] {strides = array<i32>} : memref<256x128xf32, #tpu.memory_space<vmem>>, vector<16xf32>,
      tpu.vector_store %arg11[%swap3A_1743, %swap3A_1744], %gather3A_1742 {strides = array<i32>} : memref<256x128xf32, #tpu.memory_space<vmem>>, vector<16xf32>,
      %add3A_1746 = arith.constant 16 : i32
      %add3A_1747 = vector.broadcast %add3A_1746 : i32 to vector<16xi32>
      %add3A_1748 = arith.addi %iota3A, %add3A_1747 : vector<16xi32>
      %gather3A_1749 = arith.constant 0 : i32
      %gather3A_1750 = arith.constant 0 : i32
      %gather3A_1751 = arith.constant 0 : i32
      %gather3A_1752 = arith.constant 0 : i32
      %gather3A_1753 = tpu.memref_slice %arg10[%gather3A_1749, %gather3A_1750, %gather3A_1751, %gather3A_1752] : memref<2x4x64x128xf32, #tpu.memory_space<vmem>> -> memref<1x1x64x128xf32, #tpu.memory_space<vmem>>
      %gather3A_1754 = tpu.memref_squeeze %gather3A_1753 : memref<1x1x64x128xf32, #tpu.memory_space<vmem>> -> memref<64x128xf32, #tpu.memory_space<vmem>>
      %gather3A_1755 = tpu.vector_load_idx %gather3A_1754[%add3A_1748, %broadcast_in_dim3A_1732] : memref<64x128xf32, #tpu.memory_space<vmem>>[vector<16xi32>, vector<16xi32>], vector<16xf32>,
      %swap3A_1756 = arith.index_cast %add3A_1727 : i32 to index
      %swap3A_1757 = arith.constant 16 : index
      %swap3A_1758 = tpu.vector_load %arg11[%swap3A_1756, %swap3A_1757] {strides = array<i32>} : memref<256x128xf32, #tpu.memory_space<vmem>>, vector<16xf32>,
      tpu.vector_store %arg11[%swap3A_1756, %swap3A_1757], %gather3A_1755 {strides = array<i32>} : memref<256x128xf32, #tpu.memory_space<vmem>>, vector<16xf32>,
      %add3A_1759 = arith.constant 32 : i32
      %add3A_1760 = vector.broadcast %add3A_1759 : i32 to vector<16xi32>
      %add3A_1761 = arith.addi %iota3A, %add3A_1760 : vector<16xi32>
      %gather3A_1762 = arith.constant 0 : i32
      %gather3A_1763 = arith.constant 0 : i32
      %gather3A_1764 = arith.constant 0 : i32
      %gather3A_1765 = arith.constant 0 : i32
      %gather3A_1766 = tpu.memref_slice %arg10[%gather3A_1762, %gather3A_1763, %gather3A_1764, %gather3A_1765] : memref<2x4x64x128xf32, #tpu.memory_space<vmem>> -> memref<1x1x64x128xf32, #tpu.memory_space<vmem>>
      %gather3A_1767 = tpu.memref_squeeze %gather3A_1766 : memref<1x1x64x128xf32, #tpu.memory_space<vmem>> -> memref<64x128xf32, #tpu.memory_space<vmem>>
      %gather3A_1768 = tpu.vector_load_idx %gather3A_1767[%add3A_1761, %broadcast_in_dim3A_1732] : memref<64x128xf32, #tpu.memory_space<vmem>>[vector<16xi32>, vector<16xi32>], vector<16xf32>,
      %swap3A_1769 = arith.index_cast %add3A_1727 : i32 to index
      %swap3A_1770 = arith.constant 32 : index
      %swap3A_1771 = tpu.vector_load %arg11[%swap3A_1769, %swap3A_1770] {strides = array<i32>} : memref<256x128xf32, #tpu.memory_space<vmem>>, vector<16xf32>,
      tpu.vector_store %arg11[%swap3A_1769, %swap3A_1770], %gather3A_1768 {strides = array<i32>} : memref<256x128xf32, #tpu.memory_space<vmem>>, vector<16xf32>,
      %add3A_1772 = arith.constant 48 : i32
      %add3A_1773 = vector.broadcast %add3A_1772 : i32 to vector<16xi32>
      %add3A_1774 = arith.addi %iota3A, %add3A_1773 : vector<16xi32>
      %gather3A_1775 = arith.constant 0 : i32
      %gather3A_1776 = arith.constant 0 : i32
      %gather3A_1777 = arith.constant 0 : i32
      %gather3A_1778 = arith.constant 0 : i32
      %gather3A_1779 = tpu.memref_slice %arg10[%gather3A_1775, %gather3A_1776, %gather3A_1777, %gather3A_1778] : memref<2x4x64x128xf32, #tpu.memory_space<vmem>> -> memref<1x1x64x128xf32, #tpu.memory_space<vmem>>
      %gather3A_1780 = tpu.memref_squeeze %gather3A_1779 : memref<1x1x64x128xf32, #tpu.memory_space<vmem>> -> memref<64x128xf32, #tpu.memory_space<vmem>>
      %gather3A_1781 = tpu.vector_load_idx %gather3A_1780[%add3A_1774, %broadcast_in_dim3A_1732] : memref<64x128xf32, #tpu.memory_space<vmem>>[vector<16xi32>, vector<16xi32>], vector<16xf32>,
      %swap3A_1782 = arith.index_cast %add3A_1727 : i32 to index
      %swap3A_1783 = arith.constant 48 : index
      %swap3A_1784 = tpu.vector_load %arg11[%swap3A_1782, %swap3A_1783] {strides = array<i32>} : memref<256x128xf32, #tpu.memory_space<vmem>>, vector<16xf32>,
      tpu.vector_store %arg11[%swap3A_1782, %swap3A_1783], %gather3A_1781 {strides = array<i32>} : memref<256x128xf32, #tpu.memory_space<vmem>>, vector<16xf32>,
      %mul3A_1785 = arith.constant 8 : i32
      %mul3A_1786 = arith.muli %scan3A_680, %mul3A_1785 : i32
      %add3A_1787 = arith.constant 4 : i32
      %add3A_1788 = arith.addi %mul3A_1786, %add3A_1787 : i32
      %add3A_1789 = arith.constant 0 : i32
      %add3A_1790 = arith.addi %add3A_1788, %add3A_1789 : i32
      %slice3A_1791 = vector.extract_strided_slice %min3A_689 {offsets = [9], sizes = [1], strides = [1]} : vector<16xi32> to vector<1xi32>
      %squeeze3A_1792 = vector.extract %slice3A_1791[0] : i32 from vector<1xi32>
      %and3A_1793 = arith.constant 127 : i32
      %and3A_1794 = arith.andi %squeeze3A_1792, %and3A_1793 : i32
      %broadcast_in_dim3A_1795 = vector.broadcast %and3A_1794 : i32 to vector<16xi32>
      %add3A_1796 = arith.constant 0 : i32
      %add3A_1797 = vector.broadcast %add3A_1796 : i32 to vector<16xi32>
      %add3A_1798 = arith.addi %iota3A, %add3A_1797 : vector<16xi32>
      %gather3A_1799 = arith.constant 0 : i32
      %gather3A_1800 = arith.constant 1 : i32
      %gather3A_1801 = arith.constant 0 : i32
      %gather3A_1802 = arith.constant 0 : i32
      %gather3A_1803 = tpu.memref_slice %arg10[%gather3A_1799, %gather3A_1800, %gather3A_1801, %gather3A_1802] : memref<2x4x64x128xf32, #tpu.memory_space<vmem>> -> memref<1x1x64x128xf32, #tpu.memory_space<vmem>>
      %gather3A_1804 = tpu.memref_squeeze %gather3A_1803 : memref<1x1x64x128xf32, #tpu.memory_space<vmem>> -> memref<64x128xf32, #tpu.memory_space<vmem>>
      %gather3A_1805 = tpu.vector_load_idx %gather3A_1804[%add3A_1798, %broadcast_in_dim3A_1795] : memref<64x128xf32, #tpu.memory_space<vmem>>[vector<16xi32>, vector<16xi32>], vector<16xf32>,
      %swap3A_1806 = arith.index_cast %add3A_1790 : i32 to index
      %swap3A_1807 = arith.constant 64 : index
      %swap3A_1808 = tpu.vector_load %arg11[%swap3A_1806, %swap3A_1807] {strides = array<i32>} : memref<256x128xf32, #tpu.memory_space<vmem>>, vector<16xf32>,
      tpu.vector_store %arg11[%swap3A_1806, %swap3A_1807], %gather3A_1805 {strides = array<i32>} : memref<256x128xf32, #tpu.memory_space<vmem>>, vector<16xf32>,
      %add3A_1809 = arith.constant 16 : i32
      %add3A_1810 = vector.broadcast %add3A_1809 : i32 to vector<16xi32>
      %add3A_1811 = arith.addi %iota3A, %add3A_1810 : vector<16xi32>
      %gather3A_1812 = arith.constant 0 : i32
      %gather3A_1813 = arith.constant 1 : i32
      %gather3A_1814 = arith.constant 0 : i32
      %gather3A_1815 = arith.constant 0 : i32
      %gather3A_1816 = tpu.memref_slice %arg10[%gather3A_1812, %gather3A_1813, %gather3A_1814, %gather3A_1815] : memref<2x4x64x128xf32, #tpu.memory_space<vmem>> -> memref<1x1x64x128xf32, #tpu.memory_space<vmem>>
      %gather3A_1817 = tpu.memref_squeeze %gather3A_1816 : memref<1x1x64x128xf32, #tpu.memory_space<vmem>> -> memref<64x128xf32, #tpu.memory_space<vmem>>
      %gather3A_1818 = tpu.vector_load_idx %gather3A_1817[%add3A_1811, %broadcast_in_dim3A_1795] : memref<64x128xf32, #tpu.memory_space<vmem>>[vector<16xi32>, vector<16xi32>], vector<16xf32>,
      %swap3A_1819 = arith.index_cast %add3A_1790 : i32 to index
      %swap3A_1820 = arith.constant 80 : index
      %swap3A_1821 = tpu.vector_load %arg11[%swap3A_1819, %swap3A_1820] {strides = array<i32>} : memref<256x128xf32, #tpu.memory_space<vmem>>, vector<16xf32>,
      tpu.vector_store %arg11[%swap3A_1819, %swap3A_1820], %gather3A_1818 {strides = array<i32>} : memref<256x128xf32, #tpu.memory_space<vmem>>, vector<16xf32>,
      %add3A_1822 = arith.constant 32 : i32
      %add3A_1823 = vector.broadcast %add3A_1822 : i32 to vector<16xi32>
      %add3A_1824 = arith.addi %iota3A, %add3A_1823 : vector<16xi32>
      %gather3A_1825 = arith.constant 0 : i32
      %gather3A_1826 = arith.constant 1 : i32
      %gather3A_1827 = arith.constant 0 : i32
      %gather3A_1828 = arith.constant 0 : i32
      %gather3A_1829 = tpu.memref_slice %arg10[%gather3A_1825, %gather3A_1826, %gather3A_1827, %gather3A_1828] : memref<2x4x64x128xf32, #tpu.memory_space<vmem>> -> memref<1x1x64x128xf32, #tpu.memory_space<vmem>>
      %gather3A_1830 = tpu.memref_squeeze %gather3A_1829 : memref<1x1x64x128xf32, #tpu.memory_space<vmem>> -> memref<64x128xf32, #tpu.memory_space<vmem>>
      %gather3A_1831 = tpu.vector_load_idx %gather3A_1830[%add3A_1824, %broadcast_in_dim3A_1795] : memref<64x128xf32, #tpu.memory_space<vmem>>[vector<16xi32>, vector<16xi32>], vector<16xf32>,
      %swap3A_1832 = arith.index_cast %add3A_1790 : i32 to index
      %swap3A_1833 = arith.constant 96 : index
      %swap3A_1834 = tpu.vector_load %arg11[%swap3A_1832, %swap3A_1833] {strides = array<i32>} : memref<256x128xf32, #tpu.memory_space<vmem>>, vector<16xf32>,
      tpu.vector_store %arg11[%swap3A_1832, %swap3A_1833], %gather3A_1831 {strides = array<i32>} : memref<256x128xf32, #tpu.memory_space<vmem>>, vector<16xf32>,
      %add3A_1835 = arith.constant 48 : i32
      %add3A_1836 = vector.broadcast %add3A_1835 : i32 to vector<16xi32>
      %add3A_1837 = arith.addi %iota3A, %add3A_1836 : vector<16xi32>
      %gather3A_1838 = arith.constant 0 : i32
      %gather3A_1839 = arith.constant 1 : i32
      %gather3A_1840 = arith.constant 0 : i32
      %gather3A_1841 = arith.constant 0 : i32
      %gather3A_1842 = tpu.memref_slice %arg10[%gather3A_1838, %gather3A_1839, %gather3A_1840, %gather3A_1841] : memref<2x4x64x128xf32, #tpu.memory_space<vmem>> -> memref<1x1x64x128xf32, #tpu.memory_space<vmem>>
      %gather3A_1843 = tpu.memref_squeeze %gather3A_1842 : memref<1x1x64x128xf32, #tpu.memory_space<vmem>> -> memref<64x128xf32, #tpu.memory_space<vmem>>
      %gather3A_1844 = tpu.vector_load_idx %gather3A_1843[%add3A_1837, %broadcast_in_dim3A_1795] : memref<64x128xf32, #tpu.memory_space<vmem>>[vector<16xi32>, vector<16xi32>], vector<16xf32>,
      %swap3A_1845 = arith.index_cast %add3A_1790 : i32 to index
      %swap3A_1846 = arith.constant 112 : index
      %swap3A_1847 = tpu.vector_load %arg11[%swap3A_1845, %swap3A_1846] {strides = array<i32>} : memref<256x128xf32, #tpu.memory_space<vmem>>, vector<16xf32>,
      tpu.vector_store %arg11[%swap3A_1845, %swap3A_1846], %gather3A_1844 {strides = array<i32>} : memref<256x128xf32, #tpu.memory_space<vmem>>, vector<16xf32>,
      %mul3A_1848 = arith.constant 8 : i32
      %mul3A_1849 = arith.muli %scan3A_680, %mul3A_1848 : i32
      %add3A_1850 = arith.constant 4 : i32
      %add3A_1851 = arith.addi %mul3A_1849, %add3A_1850 : i32
      %add3A_1852 = arith.constant 1 : i32
      %add3A_1853 = arith.addi %add3A_1851, %add3A_1852 : i32
      %slice3A_1854 = vector.extract_strided_slice %min3A_689 {offsets = [10], sizes = [1], strides = [1]} : vector<16xi32> to vector<1xi32>
      %squeeze3A_1855 = vector.extract %slice3A_1854[0] : i32 from vector<1xi32>
      %and3A_1856 = arith.constant 127 : i32
      %and3A_1857 = arith.andi %squeeze3A_1855, %and3A_1856 : i32
      %broadcast_in_dim3A_1858 = vector.broadcast %and3A_1857 : i32 to vector<16xi32>
      %add3A_1859 = arith.constant 0 : i32
      %add3A_1860 = vector.broadcast %add3A_1859 : i32 to vector<16xi32>
      %add3A_1861 = arith.addi %iota3A, %add3A_1860 : vector<16xi32>
      %gather3A_1862 = arith.constant 0 : i32
      %gather3A_1863 = arith.constant 2 : i32
      %gather3A_1864 = arith.constant 0 : i32
      %gather3A_1865 = arith.constant 0 : i32
      %gather3A_1866 = tpu.memref_slice %arg10[%gather3A_1862, %gather3A_1863, %gather3A_1864, %gather3A_1865] : memref<2x4x64x128xf32, #tpu.memory_space<vmem>> -> memref<1x1x64x128xf32, #tpu.memory_space<vmem>>
      %gather3A_1867 = tpu.memref_squeeze %gather3A_1866 : memref<1x1x64x128xf32, #tpu.memory_space<vmem>> -> memref<64x128xf32, #tpu.memory_space<vmem>>
      %gather3A_1868 = tpu.vector_load_idx %gather3A_1867[%add3A_1861, %broadcast_in_dim3A_1858] : memref<64x128xf32, #tpu.memory_space<vmem>>[vector<16xi32>, vector<16xi32>], vector<16xf32>,
      %swap3A_1869 = arith.index_cast %add3A_1853 : i32 to index
      %swap3A_1870 = arith.constant 0 : index
      %swap3A_1871 = tpu.vector_load %arg11[%swap3A_1869, %swap3A_1870] {strides = array<i32>} : memref<256x128xf32, #tpu.memory_space<vmem>>, vector<16xf32>,
      tpu.vector_store %arg11[%swap3A_1869, %swap3A_1870], %gather3A_1868 {strides = array<i32>} : memref<256x128xf32, #tpu.memory_space<vmem>>, vector<16xf32>,
      %add3A_1872 = arith.constant 16 : i32
      %add3A_1873 = vector.broadcast %add3A_1872 : i32 to vector<16xi32>
      %add3A_1874 = arith.addi %iota3A, %add3A_1873 : vector<16xi32>
      %gather3A_1875 = arith.constant 0 : i32
      %gather3A_1876 = arith.constant 2 : i32
      %gather3A_1877 = arith.constant 0 : i32
      %gather3A_1878 = arith.constant 0 : i32
      %gather3A_1879 = tpu.memref_slice %arg10[%gather3A_1875, %gather3A_1876, %gather3A_1877, %gather3A_1878] : memref<2x4x64x128xf32, #tpu.memory_space<vmem>> -> memref<1x1x64x128xf32, #tpu.memory_space<vmem>>
      %gather3A_1880 = tpu.memref_squeeze %gather3A_1879 : memref<1x1x64x128xf32, #tpu.memory_space<vmem>> -> memref<64x128xf32, #tpu.memory_space<vmem>>
      %gather3A_1881 = tpu.vector_load_idx %gather3A_1880[%add3A_1874, %broadcast_in_dim3A_1858] : memref<64x128xf32, #tpu.memory_space<vmem>>[vector<16xi32>, vector<16xi32>], vector<16xf32>,
      %swap3A_1882 = arith.index_cast %add3A_1853 : i32 to index
      %swap3A_1883 = arith.constant 16 : index
      %swap3A_1884 = tpu.vector_load %arg11[%swap3A_1882, %swap3A_1883] {strides = array<i32>} : memref<256x128xf32, #tpu.memory_space<vmem>>, vector<16xf32>,
      tpu.vector_store %arg11[%swap3A_1882, %swap3A_1883], %gather3A_1881 {strides = array<i32>} : memref<256x128xf32, #tpu.memory_space<vmem>>, vector<16xf32>,
      %add3A_1885 = arith.constant 32 : i32
      %add3A_1886 = vector.broadcast %add3A_1885 : i32 to vector<16xi32>
      %add3A_1887 = arith.addi %iota3A, %add3A_1886 : vector<16xi32>
      %gather3A_1888 = arith.constant 0 : i32
      %gather3A_1889 = arith.constant 2 : i32
      %gather3A_1890 = arith.constant 0 : i32
      %gather3A_1891 = arith.constant 0 : i32
      %gather3A_1892 = tpu.memref_slice %arg10[%gather3A_1888, %gather3A_1889, %gather3A_1890, %gather3A_1891] : memref<2x4x64x128xf32, #tpu.memory_space<vmem>> -> memref<1x1x64x128xf32, #tpu.memory_space<vmem>>
      %gather3A_1893 = tpu.memref_squeeze %gather3A_1892 : memref<1x1x64x128xf32, #tpu.memory_space<vmem>> -> memref<64x128xf32, #tpu.memory_space<vmem>>
      %gather3A_1894 = tpu.vector_load_idx %gather3A_1893[%add3A_1887, %broadcast_in_dim3A_1858] : memref<64x128xf32, #tpu.memory_space<vmem>>[vector<16xi32>, vector<16xi32>], vector<16xf32>,
      %swap3A_1895 = arith.index_cast %add3A_1853 : i32 to index
      %swap3A_1896 = arith.constant 32 : index
      %swap3A_1897 = tpu.vector_load %arg11[%swap3A_1895, %swap3A_1896] {strides = array<i32>} : memref<256x128xf32, #tpu.memory_space<vmem>>, vector<16xf32>,
      tpu.vector_store %arg11[%swap3A_1895, %swap3A_1896], %gather3A_1894 {strides = array<i32>} : memref<256x128xf32, #tpu.memory_space<vmem>>, vector<16xf32>,
      %add3A_1898 = arith.constant 48 : i32
      %add3A_1899 = vector.broadcast %add3A_1898 : i32 to vector<16xi32>
      %add3A_1900 = arith.addi %iota3A, %add3A_1899 : vector<16xi32>
      %gather3A_1901 = arith.constant 0 : i32
      %gather3A_1902 = arith.constant 2 : i32
      %gather3A_1903 = arith.constant 0 : i32
      %gather3A_1904 = arith.constant 0 : i32
      %gather3A_1905 = tpu.memref_slice %arg10[%gather3A_1901, %gather3A_1902, %gather3A_1903, %gather3A_1904] : memref<2x4x64x128xf32, #tpu.memory_space<vmem>> -> memref<1x1x64x128xf32, #tpu.memory_space<vmem>>
      %gather3A_1906 = tpu.memref_squeeze %gather3A_1905 : memref<1x1x64x128xf32, #tpu.memory_space<vmem>> -> memref<64x128xf32, #tpu.memory_space<vmem>>
      %gather3A_1907 = tpu.vector_load_idx %gather3A_1906[%add3A_1900, %broadcast_in_dim3A_1858] : memref<64x128xf32, #tpu.memory_space<vmem>>[vector<16xi32>, vector<16xi32>], vector<16xf32>,
      %swap3A_1908 = arith.index_cast %add3A_1853 : i32 to index
      %swap3A_1909 = arith.constant 48 : index
      %swap3A_1910 = tpu.vector_load %arg11[%swap3A_1908, %swap3A_1909] {strides = array<i32>} : memref<256x128xf32, #tpu.memory_space<vmem>>, vector<16xf32>,
      tpu.vector_store %arg11[%swap3A_1908, %swap3A_1909], %gather3A_1907 {strides = array<i32>} : memref<256x128xf32, #tpu.memory_space<vmem>>, vector<16xf32>,
      %mul3A_1911 = arith.constant 8 : i32
      %mul3A_1912 = arith.muli %scan3A_680, %mul3A_1911 : i32
      %add3A_1913 = arith.constant 4 : i32
      %add3A_1914 = arith.addi %mul3A_1912, %add3A_1913 : i32
      %add3A_1915 = arith.constant 1 : i32
      %add3A_1916 = arith.addi %add3A_1914, %add3A_1915 : i32
      %slice3A_1917 = vector.extract_strided_slice %min3A_689 {offsets = [11], sizes = [1], strides = [1]} : vector<16xi32> to vector<1xi32>
      %squeeze3A_1918 = vector.extract %slice3A_1917[0] : i32 from vector<1xi32>
      %and3A_1919 = arith.constant 127 : i32
      %and3A_1920 = arith.andi %squeeze3A_1918, %and3A_1919 : i32
      %broadcast_in_dim3A_1921 = vector.broadcast %and3A_1920 : i32 to vector<16xi32>
      %add3A_1922 = arith.constant 0 : i32
      %add3A_1923 = vector.broadcast %add3A_1922 : i32 to vector<16xi32>
      %add3A_1924 = arith.addi %iota3A, %add3A_1923 : vector<16xi32>
      %gather3A_1925 = arith.constant 0 : i32
      %gather3A_1926 = arith.constant 3 : i32
      %gather3A_1927 = arith.constant 0 : i32
      %gather3A_1928 = arith.constant 0 : i32
      %gather3A_1929 = tpu.memref_slice %arg10[%gather3A_1925, %gather3A_1926, %gather3A_1927, %gather3A_1928] : memref<2x4x64x128xf32, #tpu.memory_space<vmem>> -> memref<1x1x64x128xf32, #tpu.memory_space<vmem>>
      %gather3A_1930 = tpu.memref_squeeze %gather3A_1929 : memref<1x1x64x128xf32, #tpu.memory_space<vmem>> -> memref<64x128xf32, #tpu.memory_space<vmem>>
      %gather3A_1931 = tpu.vector_load_idx %gather3A_1930[%add3A_1924, %broadcast_in_dim3A_1921] : memref<64x128xf32, #tpu.memory_space<vmem>>[vector<16xi32>, vector<16xi32>], vector<16xf32>,
      %swap3A_1932 = arith.index_cast %add3A_1916 : i32 to index
      %swap3A_1933 = arith.constant 64 : index
      %swap3A_1934 = tpu.vector_load %arg11[%swap3A_1932, %swap3A_1933] {strides = array<i32>} : memref<256x128xf32, #tpu.memory_space<vmem>>, vector<16xf32>,
      tpu.vector_store %arg11[%swap3A_1932, %swap3A_1933], %gather3A_1931 {strides = array<i32>} : memref<256x128xf32, #tpu.memory_space<vmem>>, vector<16xf32>,
      %add3A_1935 = arith.constant 16 : i32
      %add3A_1936 = vector.broadcast %add3A_1935 : i32 to vector<16xi32>
      %add3A_1937 = arith.addi %iota3A, %add3A_1936 : vector<16xi32>
      %gather3A_1938 = arith.constant 0 : i32
      %gather3A_1939 = arith.constant 3 : i32
      %gather3A_1940 = arith.constant 0 : i32
      %gather3A_1941 = arith.constant 0 : i32
      %gather3A_1942 = tpu.memref_slice %arg10[%gather3A_1938, %gather3A_1939, %gather3A_1940, %gather3A_1941] : memref<2x4x64x128xf32, #tpu.memory_space<vmem>> -> memref<1x1x64x128xf32, #tpu.memory_space<vmem>>
      %gather3A_1943 = tpu.memref_squeeze %gather3A_1942 : memref<1x1x64x128xf32, #tpu.memory_space<vmem>> -> memref<64x128xf32, #tpu.memory_space<vmem>>
      %gather3A_1944 = tpu.vector_load_idx %gather3A_1943[%add3A_1937, %broadcast_in_dim3A_1921] : memref<64x128xf32, #tpu.memory_space<vmem>>[vector<16xi32>, vector<16xi32>], vector<16xf32>,
      %swap3A_1945 = arith.index_cast %add3A_1916 : i32 to index
      %swap3A_1946 = arith.constant 80 : index
      %swap3A_1947 = tpu.vector_load %arg11[%swap3A_1945, %swap3A_1946] {strides = array<i32>} : memref<256x128xf32, #tpu.memory_space<vmem>>, vector<16xf32>,
      tpu.vector_store %arg11[%swap3A_1945, %swap3A_1946], %gather3A_1944 {strides = array<i32>} : memref<256x128xf32, #tpu.memory_space<vmem>>, vector<16xf32>,
      %add3A_1948 = arith.constant 32 : i32
      %add3A_1949 = vector.broadcast %add3A_1948 : i32 to vector<16xi32>
      %add3A_1950 = arith.addi %iota3A, %add3A_1949 : vector<16xi32>
      %gather3A_1951 = arith.constant 0 : i32
      %gather3A_1952 = arith.constant 3 : i32
      %gather3A_1953 = arith.constant 0 : i32
      %gather3A_1954 = arith.constant 0 : i32
      %gather3A_1955 = tpu.memref_slice %arg10[%gather3A_1951, %gather3A_1952, %gather3A_1953, %gather3A_1954] : memref<2x4x64x128xf32, #tpu.memory_space<vmem>> -> memref<1x1x64x128xf32, #tpu.memory_space<vmem>>
      %gather3A_1956 = tpu.memref_squeeze %gather3A_1955 : memref<1x1x64x128xf32, #tpu.memory_space<vmem>> -> memref<64x128xf32, #tpu.memory_space<vmem>>
      %gather3A_1957 = tpu.vector_load_idx %gather3A_1956[%add3A_1950, %broadcast_in_dim3A_1921] : memref<64x128xf32, #tpu.memory_space<vmem>>[vector<16xi32>, vector<16xi32>], vector<16xf32>,
      %swap3A_1958 = arith.index_cast %add3A_1916 : i32 to index
      %swap3A_1959 = arith.constant 96 : index
      %swap3A_1960 = tpu.vector_load %arg11[%swap3A_1958, %swap3A_1959] {strides = array<i32>} : memref<256x128xf32, #tpu.memory_space<vmem>>, vector<16xf32>,
      tpu.vector_store %arg11[%swap3A_1958, %swap3A_1959], %gather3A_1957 {strides = array<i32>} : memref<256x128xf32, #tpu.memory_space<vmem>>, vector<16xf32>,
      %add3A_1961 = arith.constant 48 : i32
      %add3A_1962 = vector.broadcast %add3A_1961 : i32 to vector<16xi32>
      %add3A_1963 = arith.addi %iota3A, %add3A_1962 : vector<16xi32>
      %gather3A_1964 = arith.constant 0 : i32
      %gather3A_1965 = arith.constant 3 : i32
      %gather3A_1966 = arith.constant 0 : i32
      %gather3A_1967 = arith.constant 0 : i32
      %gather3A_1968 = tpu.memref_slice %arg10[%gather3A_1964, %gather3A_1965, %gather3A_1966, %gather3A_1967] : memref<2x4x64x128xf32, #tpu.memory_space<vmem>> -> memref<1x1x64x128xf32, #tpu.memory_space<vmem>>
      %gather3A_1969 = tpu.memref_squeeze %gather3A_1968 : memref<1x1x64x128xf32, #tpu.memory_space<vmem>> -> memref<64x128xf32, #tpu.memory_space<vmem>>
      %gather3A_1970 = tpu.vector_load_idx %gather3A_1969[%add3A_1963, %broadcast_in_dim3A_1921] : memref<64x128xf32, #tpu.memory_space<vmem>>[vector<16xi32>, vector<16xi32>], vector<16xf32>,
      %swap3A_1971 = arith.index_cast %add3A_1916 : i32 to index
      %swap3A_1972 = arith.constant 112 : index
      %swap3A_1973 = tpu.vector_load %arg11[%swap3A_1971, %swap3A_1972] {strides = array<i32>} : memref<256x128xf32, #tpu.memory_space<vmem>>, vector<16xf32>,
      tpu.vector_store %arg11[%swap3A_1971, %swap3A_1972], %gather3A_1970 {strides = array<i32>} : memref<256x128xf32, #tpu.memory_space<vmem>>, vector<16xf32>,
      %scan3A_1974 = arith.constant 0 : i32
      scf.yield %scan3A_1974 : i32
    }
    %scan3A_8 = arith.constant 32 : i32
    %multiple_of3A = arith.constant 496 : i32
    %multiple_of3A_9 = tpu.assume_multiple %multiple_of3A, 16 : i32
    %get3A = arith.index_cast %multiple_of3A_9 : i32 to index
    %get3A_10 = tpu.vector_load %arg8[%get3A] {strides = array<i32>} : memref<512xi32, #tpu.memory_space<vmem>>, vector<16xi32>,
    %min3A = arith.constant 1000000 : i32
    %min3A_11 = vector.broadcast %min3A : i32 to vector<16xi32>
    %min3A_12 = arith.minsi %get3A_10, %min3A_11 : vector<16xi32>
    %dma_wait3A = arith.constant 1 : i32
    %dma_wait3A_13 = arith.constant 0 : i32
    %dma_wait3A_14 = arith.constant 0 : i32
    %dma_wait3A_15 = arith.constant 0 : i32
    %dma_wait3A_16 = tpu.memref_slice %arg10[%dma_wait3A, %dma_wait3A_13, %dma_wait3A_14, %dma_wait3A_15] : memref<2x4x64x128xf32, #tpu.memory_space<vmem>> -> memref<1x1x64x128xf32, #tpu.memory_space<vmem>>
    %dma_wait3A_17 = tpu.memref_squeeze %dma_wait3A_16 : memref<1x1x64x128xf32, #tpu.memory_space<vmem>> -> memref<64x128xf32, #tpu.memory_space<vmem>>
    %dma_wait3A_18 = arith.constant 0 : i32
    %dma_wait3A_19 = arith.constant 0 : i32
    %dma_wait3A_20 = tpu.memref_slice %arg4[%dma_wait3A_18, %dma_wait3A_19] : memref<64x1000001xf32, #tpu.memory_space<hbm>> -> memref<64x128xf32, #tpu.memory_space<hbm>>
    %dma_wait3A_21 = arith.constant 0 : i32
    %dma_wait3A_22 = arith.constant 0 : i32
    %dma_wait3A_23 = tpu.memref_slice %arg10[%dma_wait3A, %dma_wait3A_13, %dma_wait3A_21, %dma_wait3A_22] : memref<2x4x64x128xf32, #tpu.memory_space<vmem>> -> memref<1x1x64x128xf32, #tpu.memory_space<vmem>>
    %dma_wait3A_24 = tpu.memref_squeeze %dma_wait3A_23 : memref<1x1x64x128xf32, #tpu.memory_space<vmem>> -> memref<64x128xf32, #tpu.memory_space<vmem>>
    %dma_wait3A_25 = arith.constant 0 : i32
    %dma_wait3A_26 = arith.constant 0 : i32
    %dma_wait3A_27 = tpu.memref_slice %arg4[%dma_wait3A_25, %dma_wait3A_26] : memref<64x1000001xf32, #tpu.memory_space<hbm>> -> memref<64x128xf32, #tpu.memory_space<hbm>>
    tpu.wait_dma2 semaphore(%arg13 : memref<!tpu.dma_semaphore, #tpu.memory_space<semaphore_mem>>) src(%dma_wait3A_27 : memref<64x128xf32, #tpu.memory_space<hbm>>) dst(%dma_wait3A_24 : memref<64x128xf32, #tpu.memory_space<vmem>>)
    %dma_wait3A_28 = arith.constant 1 : i32
    %dma_wait3A_29 = arith.constant 1 : i32
    %dma_wait3A_30 = arith.constant 0 : i32
    %dma_wait3A_31 = arith.constant 0 : i32
    %dma_wait3A_32 = tpu.memref_slice %arg10[%dma_wait3A_28, %dma_wait3A_29, %dma_wait3A_30, %dma_wait3A_31] : memref<2x4x64x128xf32, #tpu.memory_space<vmem>> -> memref<1x1x64x128xf32, #tpu.memory_space<vmem>>
    %dma_wait3A_33 = tpu.memref_squeeze %dma_wait3A_32 : memref<1x1x64x128xf32, #tpu.memory_space<vmem>> -> memref<64x128xf32, #tpu.memory_space<vmem>>
    %dma_wait3A_34 = arith.constant 0 : i32
    %dma_wait3A_35 = arith.constant 0 : i32
    %dma_wait3A_36 = tpu.memref_slice %arg4[%dma_wait3A_34, %dma_wait3A_35] : memref<64x1000001xf32, #tpu.memory_space<hbm>> -> memref<64x128xf32, #tpu.memory_space<hbm>>
    %dma_wait3A_37 = arith.constant 0 : i32
    %dma_wait3A_38 = arith.constant 0 : i32
    %dma_wait3A_39 = tpu.memref_slice %arg10[%dma_wait3A_28, %dma_wait3A_29, %dma_wait3A_37, %dma_wait3A_38] : memref<2x4x64x128xf32, #tpu.memory_space<vmem>> -> memref<1x1x64x128xf32, #tpu.memory_space<vmem>>
    %dma_wait3A_40 = tpu.memref_squeeze %dma_wait3A_39 : memref<1x1x64x128xf32, #tpu.memory_space<vmem>> -> memref<64x128xf32, #tpu.memory_space<vmem>>
    %dma_wait3A_41 = arith.constant 0 : i32
    %dma_wait3A_42 = arith.constant 0 : i32
    %dma_wait3A_43 = tpu.memref_slice %arg4[%dma_wait3A_41, %dma_wait3A_42] : memref<64x1000001xf32, #tpu.memory_space<hbm>> -> memref<64x128xf32, #tpu.memory_space<hbm>>
    tpu.wait_dma2 semaphore(%arg13 : memref<!tpu.dma_semaphore, #tpu.memory_space<semaphore_mem>>) src(%dma_wait3A_43 : memref<64x128xf32, #tpu.memory_space<hbm>>) dst(%dma_wait3A_40 : memref<64x128xf32, #tpu.memory_space<vmem>>)
    %dma_wait3A_44 = arith.constant 1 : i32
    %dma_wait3A_45 = arith.constant 2 : i32
    %dma_wait3A_46 = arith.constant 0 : i32
    %dma_wait3A_47 = arith.constant 0 : i32
    %dma_wait3A_48 = tpu.memref_slice %arg10[%dma_wait3A_44, %dma_wait3A_45, %dma_wait3A_46, %dma_wait3A_47] : memref<2x4x64x128xf32, #tpu.memory_space<vmem>> -> memref<1x1x64x128xf32, #tpu.memory_space<vmem>>
    %dma_wait3A_49 = tpu.memref_squeeze %dma_wait3A_48 : memref<1x1x64x128xf32, #tpu.memory_space<vmem>> -> memref<64x128xf32, #tpu.memory_space<vmem>>
    %dma_wait3A_50 = arith.constant 0 : i32
    %dma_wait3A_51 = arith.constant 0 : i32
    %dma_wait3A_52 = tpu.memref_slice %arg4[%dma_wait3A_50, %dma_wait3A_51] : memref<64x1000001xf32, #tpu.memory_space<hbm>> -> memref<64x128xf32, #tpu.memory_space<hbm>>
    %dma_wait3A_53 = arith.constant 0 : i32
    %dma_wait3A_54 = arith.constant 0 : i32
    %dma_wait3A_55 = tpu.memref_slice %arg10[%dma_wait3A_44, %dma_wait3A_45, %dma_wait3A_53, %dma_wait3A_54] : memref<2x4x64x128xf32, #tpu.memory_space<vmem>> -> memref<1x1x64x128xf32, #tpu.memory_space<vmem>>
    %dma_wait3A_56 = tpu.memref_squeeze %dma_wait3A_55 : memref<1x1x64x128xf32, #tpu.memory_space<vmem>> -> memref<64x128xf32, #tpu.memory_space<vmem>>
    %dma_wait3A_57 = arith.constant 0 : i32
    %dma_wait3A_58 = arith.constant 0 : i32
    %dma_wait3A_59 = tpu.memref_slice %arg4[%dma_wait3A_57, %dma_wait3A_58] : memref<64x1000001xf32, #tpu.memory_space<hbm>> -> memref<64x128xf32, #tpu.memory_space<hbm>>
    tpu.wait_dma2 semaphore(%arg13 : memref<!tpu.dma_semaphore, #tpu.memory_space<semaphore_mem>>) src(%dma_wait3A_59 : memref<64x128xf32, #tpu.memory_space<hbm>>) dst(%dma_wait3A_56 : memref<64x128xf32, #tpu.memory_space<vmem>>)
    %dma_wait3A_60 = arith.constant 1 : i32
    %dma_wait3A_61 = arith.constant 3 : i32
    %dma_wait3A_62 = arith.constant 0 : i32
    %dma_wait3A_63 = arith.constant 0 : i32
    %dma_wait3A_64 = tpu.memref_slice %arg10[%dma_wait3A_60, %dma_wait3A_61, %dma_wait3A_62, %dma_wait3A_63] : memref<2x4x64x128xf32, #tpu.memory_space<vmem>> -> memref<1x1x64x128xf32, #tpu.memory_space<vmem>>
    %dma_wait3A_65 = tpu.memref_squeeze %dma_wait3A_64 : memref<1x1x64x128xf32, #tpu.memory_space<vmem>> -> memref<64x128xf32, #tpu.memory_space<vmem>>
    %dma_wait3A_66 = arith.constant 0 : i32
    %dma_wait3A_67 = arith.constant 0 : i32
    %dma_wait3A_68 = tpu.memref_slice %arg4[%dma_wait3A_66, %dma_wait3A_67] : memref<64x1000001xf32, #tpu.memory_space<hbm>> -> memref<64x128xf32, #tpu.memory_space<hbm>>
    %dma_wait3A_69 = arith.constant 0 : i32
    %dma_wait3A_70 = arith.constant 0 : i32
    %dma_wait3A_71 = tpu.memref_slice %arg10[%dma_wait3A_60, %dma_wait3A_61, %dma_wait3A_69, %dma_wait3A_70] : memref<2x4x64x128xf32, #tpu.memory_space<vmem>> -> memref<1x1x64x128xf32, #tpu.memory_space<vmem>>
    %dma_wait3A_72 = tpu.memref_squeeze %dma_wait3A_71 : memref<1x1x64x128xf32, #tpu.memory_space<vmem>> -> memref<64x128xf32, #tpu.memory_space<vmem>>
    %dma_wait3A_73 = arith.constant 0 : i32
    %dma_wait3A_74 = arith.constant 0 : i32
    %dma_wait3A_75 = tpu.memref_slice %arg4[%dma_wait3A_73, %dma_wait3A_74] : memref<64x1000001xf32, #tpu.memory_space<hbm>> -> memref<64x128xf32, #tpu.memory_space<hbm>>
    tpu.wait_dma2 semaphore(%arg13 : memref<!tpu.dma_semaphore, #tpu.memory_space<semaphore_mem>>) src(%dma_wait3A_75 : memref<64x128xf32, #tpu.memory_space<hbm>>) dst(%dma_wait3A_72 : memref<64x128xf32, #tpu.memory_space<vmem>>)
    %slice3A = vector.extract_strided_slice %min3A_12 {offsets = [12], sizes = [1], strides = [1]} : vector<16xi32> to vector<1xi32>
    %squeeze3A = vector.extract %slice3A[0] : i32 from vector<1xi32>
    %and3A = arith.constant 127 : i32
    %and3A_76 = arith.andi %squeeze3A, %and3A : i32
    %broadcast_in_dim3A = vector.broadcast %and3A_76 : i32 to vector<16xi32>
    %add3A_77 = arith.constant 0 : i32
    %add3A_78 = vector.broadcast %add3A_77 : i32 to vector<16xi32>
    %add3A_79 = arith.addi %iota3A, %add3A_78 : vector<16xi32>
    %gather3A = arith.constant 1 : i32
    %gather3A_80 = arith.constant 0 : i32
    %gather3A_81 = arith.constant 0 : i32
    %gather3A_82 = arith.constant 0 : i32
    %gather3A_83 = tpu.memref_slice %arg10[%gather3A, %gather3A_80, %gather3A_81, %gather3A_82] : memref<2x4x64x128xf32, #tpu.memory_space<vmem>> -> memref<1x1x64x128xf32, #tpu.memory_space<vmem>>
    %gather3A_84 = tpu.memref_squeeze %gather3A_83 : memref<1x1x64x128xf32, #tpu.memory_space<vmem>> -> memref<64x128xf32, #tpu.memory_space<vmem>>
    %gather3A_85 = tpu.vector_load_idx %gather3A_84[%add3A_79, %broadcast_in_dim3A] : memref<64x128xf32, #tpu.memory_space<vmem>>[vector<16xi32>, vector<16xi32>], vector<16xf32>,
    %swap3A = arith.constant 254 : i32
    %swap3A_86 = arith.index_cast %swap3A : i32 to index
    %swap3A_87 = arith.constant 0 : index
    %swap3A_88 = tpu.vector_load %arg11[%swap3A_86, %swap3A_87] {strides = array<i32>} : memref<256x128xf32, #tpu.memory_space<vmem>>, vector<16xf32>,
    tpu.vector_store %arg11[%swap3A_86, %swap3A_87], %gather3A_85 {strides = array<i32>} : memref<256x128xf32, #tpu.memory_space<vmem>>, vector<16xf32>,
    %add3A_89 = arith.constant 16 : i32
    %add3A_90 = vector.broadcast %add3A_89 : i32 to vector<16xi32>
    %add3A_91 = arith.addi %iota3A, %add3A_90 : vector<16xi32>
    %gather3A_92 = arith.constant 1 : i32
    %gather3A_93 = arith.constant 0 : i32
    %gather3A_94 = arith.constant 0 : i32
    %gather3A_95 = arith.constant 0 : i32
    %gather3A_96 = tpu.memref_slice %arg10[%gather3A_92, %gather3A_93, %gather3A_94, %gather3A_95] : memref<2x4x64x128xf32, #tpu.memory_space<vmem>> -> memref<1x1x64x128xf32, #tpu.memory_space<vmem>>
    %gather3A_97 = tpu.memref_squeeze %gather3A_96 : memref<1x1x64x128xf32, #tpu.memory_space<vmem>> -> memref<64x128xf32, #tpu.memory_space<vmem>>
    %gather3A_98 = tpu.vector_load_idx %gather3A_97[%add3A_91, %broadcast_in_dim3A] : memref<64x128xf32, #tpu.memory_space<vmem>>[vector<16xi32>, vector<16xi32>], vector<16xf32>,
    %swap3A_99 = arith.constant 254 : i32
    %swap3A_100 = arith.index_cast %swap3A_99 : i32 to index
    %swap3A_101 = arith.constant 16 : index
    %swap3A_102 = tpu.vector_load %arg11[%swap3A_100, %swap3A_101] {strides = array<i32>} : memref<256x128xf32, #tpu.memory_space<vmem>>, vector<16xf32>,
    tpu.vector_store %arg11[%swap3A_100, %swap3A_101], %gather3A_98 {strides = array<i32>} : memref<256x128xf32, #tpu.memory_space<vmem>>, vector<16xf32>,
    %add3A_103 = arith.constant 32 : i32
    %add3A_104 = vector.broadcast %add3A_103 : i32 to vector<16xi32>
    %add3A_105 = arith.addi %iota3A, %add3A_104 : vector<16xi32>
    %gather3A_106 = arith.constant 1 : i32
    %gather3A_107 = arith.constant 0 : i32
    %gather3A_108 = arith.constant 0 : i32
    %gather3A_109 = arith.constant 0 : i32
    %gather3A_110 = tpu.memref_slice %arg10[%gather3A_106, %gather3A_107, %gather3A_108, %gather3A_109] : memref<2x4x64x128xf32, #tpu.memory_space<vmem>> -> memref<1x1x64x128xf32, #tpu.memory_space<vmem>>
    %gather3A_111 = tpu.memref_squeeze %gather3A_110 : memref<1x1x64x128xf32, #tpu.memory_space<vmem>> -> memref<64x128xf32, #tpu.memory_space<vmem>>
    %gather3A_112 = tpu.vector_load_idx %gather3A_111[%add3A_105, %broadcast_in_dim3A] : memref<64x128xf32, #tpu.memory_space<vmem>>[vector<16xi32>, vector<16xi32>], vector<16xf32>,
    %swap3A_113 = arith.constant 254 : i32
    %swap3A_114 = arith.index_cast %swap3A_113 : i32 to index
    %swap3A_115 = arith.constant 32 : index
    %swap3A_116 = tpu.vector_load %arg11[%swap3A_114, %swap3A_115] {strides = array<i32>} : memref<256x128xf32, #tpu.memory_space<vmem>>, vector<16xf32>,
    tpu.vector_store %arg11[%swap3A_114, %swap3A_115], %gather3A_112 {strides = array<i32>} : memref<256x128xf32, #tpu.memory_space<vmem>>, vector<16xf32>,
    %add3A_117 = arith.constant 48 : i32
    %add3A_118 = vector.broadcast %add3A_117 : i32 to vector<16xi32>
    %add3A_119 = arith.addi %iota3A, %add3A_118 : vector<16xi32>
    %gather3A_120 = arith.constant 1 : i32
    %gather3A_121 = arith.constant 0 : i32
    %gather3A_122 = arith.constant 0 : i32
    %gather3A_123 = arith.constant 0 : i32
    %gather3A_124 = tpu.memref_slice %arg10[%gather3A_120, %gather3A_121, %gather3A_122, %gather3A_123] : memref<2x4x64x128xf32, #tpu.memory_space<vmem>> -> memref<1x1x64x128xf32, #tpu.memory_space<vmem>>
    %gather3A_125 = tpu.memref_squeeze %gather3A_124 : memref<1x1x64x128xf32, #tpu.memory_space<vmem>> -> memref<64x128xf32, #tpu.memory_space<vmem>>
    %gather3A_126 = tpu.vector_load_idx %gather3A_125[%add3A_119, %broadcast_in_dim3A] : memref<64x128xf32, #tpu.memory_space<vmem>>[vector<16xi32>, vector<16xi32>], vector<16xf32>,
    %swap3A_127 = arith.constant 254 : i32
    %swap3A_128 = arith.index_cast %swap3A_127 : i32 to index
    %swap3A_129 = arith.constant 48 : index
    %swap3A_130 = tpu.vector_load %arg11[%swap3A_128, %swap3A_129] {strides = array<i32>} : memref<256x128xf32, #tpu.memory_space<vmem>>, vector<16xf32>,
    tpu.vector_store %arg11[%swap3A_128, %swap3A_129], %gather3A_126 {strides = array<i32>} : memref<256x128xf32, #tpu.memory_space<vmem>>, vector<16xf32>,
    %slice3A_131 = vector.extract_strided_slice %min3A_12 {offsets = [13], sizes = [1], strides = [1]} : vector<16xi32> to vector<1xi32>
    %squeeze3A_132 = vector.extract %slice3A_131[0] : i32 from vector<1xi32>
    %and3A_133 = arith.constant 127 : i32
    %and3A_134 = arith.andi %squeeze3A_132, %and3A_133 : i32
    %broadcast_in_dim3A_135 = vector.broadcast %and3A_134 : i32 to vector<16xi32>
    %add3A_136 = arith.constant 0 : i32
    %add3A_137 = vector.broadcast %add3A_136 : i32 to vector<16xi32>
    %add3A_138 = arith.addi %iota3A, %add3A_137 : vector<16xi32>
    %gather3A_139 = arith.constant 1 : i32
    %gather3A_140 = arith.constant 1 : i32
    %gather3A_141 = arith.constant 0 : i32
    %gather3A_142 = arith.constant 0 : i32
    %gather3A_143 = tpu.memref_slice %arg10[%gather3A_139, %gather3A_140, %gather3A_141, %gather3A_142] : memref<2x4x64x128xf32, #tpu.memory_space<vmem>> -> memref<1x1x64x128xf32, #tpu.memory_space<vmem>>
    %gather3A_144 = tpu.memref_squeeze %gather3A_143 : memref<1x1x64x128xf32, #tpu.memory_space<vmem>> -> memref<64x128xf32, #tpu.memory_space<vmem>>
    %gather3A_145 = tpu.vector_load_idx %gather3A_144[%add3A_138, %broadcast_in_dim3A_135] : memref<64x128xf32, #tpu.memory_space<vmem>>[vector<16xi32>, vector<16xi32>], vector<16xf32>,
    %swap3A_146 = arith.constant 254 : i32
    %swap3A_147 = arith.index_cast %swap3A_146 : i32 to index
    %swap3A_148 = arith.constant 64 : index
    %swap3A_149 = tpu.vector_load %arg11[%swap3A_147, %swap3A_148] {strides = array<i32>} : memref<256x128xf32, #tpu.memory_space<vmem>>, vector<16xf32>,
    tpu.vector_store %arg11[%swap3A_147, %swap3A_148], %gather3A_145 {strides = array<i32>} : memref<256x128xf32, #tpu.memory_space<vmem>>, vector<16xf32>,
    %add3A_150 = arith.constant 16 : i32
    %add3A_151 = vector.broadcast %add3A_150 : i32 to vector<16xi32>
    %add3A_152 = arith.addi %iota3A, %add3A_151 : vector<16xi32>
    %gather3A_153 = arith.constant 1 : i32
    %gather3A_154 = arith.constant 1 : i32
    %gather3A_155 = arith.constant 0 : i32
    %gather3A_156 = arith.constant 0 : i32
    %gather3A_157 = tpu.memref_slice %arg10[%gather3A_153, %gather3A_154, %gather3A_155, %gather3A_156] : memref<2x4x64x128xf32, #tpu.memory_space<vmem>> -> memref<1x1x64x128xf32, #tpu.memory_space<vmem>>
    %gather3A_158 = tpu.memref_squeeze %gather3A_157 : memref<1x1x64x128xf32, #tpu.memory_space<vmem>> -> memref<64x128xf32, #tpu.memory_space<vmem>>
    %gather3A_159 = tpu.vector_load_idx %gather3A_158[%add3A_152, %broadcast_in_dim3A_135] : memref<64x128xf32, #tpu.memory_space<vmem>>[vector<16xi32>, vector<16xi32>], vector<16xf32>,
    %swap3A_160 = arith.constant 254 : i32
    %swap3A_161 = arith.index_cast %swap3A_160 : i32 to index
    %swap3A_162 = arith.constant 80 : index
    %swap3A_163 = tpu.vector_load %arg11[%swap3A_161, %swap3A_162] {strides = array<i32>} : memref<256x128xf32, #tpu.memory_space<vmem>>, vector<16xf32>,
    tpu.vector_store %arg11[%swap3A_161, %swap3A_162], %gather3A_159 {strides = array<i32>} : memref<256x128xf32, #tpu.memory_space<vmem>>, vector<16xf32>,
    %add3A_164 = arith.constant 32 : i32
    %add3A_165 = vector.broadcast %add3A_164 : i32 to vector<16xi32>
    %add3A_166 = arith.addi %iota3A, %add3A_165 : vector<16xi32>
    %gather3A_167 = arith.constant 1 : i32
    %gather3A_168 = arith.constant 1 : i32
    %gather3A_169 = arith.constant 0 : i32
    %gather3A_170 = arith.constant 0 : i32
    %gather3A_171 = tpu.memref_slice %arg10[%gather3A_167, %gather3A_168, %gather3A_169, %gather3A_170] : memref<2x4x64x128xf32, #tpu.memory_space<vmem>> -> memref<1x1x64x128xf32, #tpu.memory_space<vmem>>
    %gather3A_172 = tpu.memref_squeeze %gather3A_171 : memref<1x1x64x128xf32, #tpu.memory_space<vmem>> -> memref<64x128xf32, #tpu.memory_space<vmem>>
    %gather3A_173 = tpu.vector_load_idx %gather3A_172[%add3A_166, %broadcast_in_dim3A_135] : memref<64x128xf32, #tpu.memory_space<vmem>>[vector<16xi32>, vector<16xi32>], vector<16xf32>,
    %swap3A_174 = arith.constant 254 : i32
    %swap3A_175 = arith.index_cast %swap3A_174 : i32 to index
    %swap3A_176 = arith.constant 96 : index
    %swap3A_177 = tpu.vector_load %arg11[%swap3A_175, %swap3A_176] {strides = array<i32>} : memref<256x128xf32, #tpu.memory_space<vmem>>, vector<16xf32>,
    tpu.vector_store %arg11[%swap3A_175, %swap3A_176], %gather3A_173 {strides = array<i32>} : memref<256x128xf32, #tpu.memory_space<vmem>>, vector<16xf32>,
    %add3A_178 = arith.constant 48 : i32
    %add3A_179 = vector.broadcast %add3A_178 : i32 to vector<16xi32>
    %add3A_180 = arith.addi %iota3A, %add3A_179 : vector<16xi32>
    %gather3A_181 = arith.constant 1 : i32
    %gather3A_182 = arith.constant 1 : i32
    %gather3A_183 = arith.constant 0 : i32
    %gather3A_184 = arith.constant 0 : i32
    %gather3A_185 = tpu.memref_slice %arg10[%gather3A_181, %gather3A_182, %gather3A_183, %gather3A_184] : memref<2x4x64x128xf32, #tpu.memory_space<vmem>> -> memref<1x1x64x128xf32, #tpu.memory_space<vmem>>
    %gather3A_186 = tpu.memref_squeeze %gather3A_185 : memref<1x1x64x128xf32, #tpu.memory_space<vmem>> -> memref<64x128xf32, #tpu.memory_space<vmem>>
    %gather3A_187 = tpu.vector_load_idx %gather3A_186[%add3A_180, %broadcast_in_dim3A_135] : memref<64x128xf32, #tpu.memory_space<vmem>>[vector<16xi32>, vector<16xi32>], vector<16xf32>,
    %swap3A_188 = arith.constant 254 : i32
    %swap3A_189 = arith.index_cast %swap3A_188 : i32 to index
    %swap3A_190 = arith.constant 112 : index
    %swap3A_191 = tpu.vector_load %arg11[%swap3A_189, %swap3A_190] {strides = array<i32>} : memref<256x128xf32, #tpu.memory_space<vmem>>, vector<16xf32>,
    tpu.vector_store %arg11[%swap3A_189, %swap3A_190], %gather3A_187 {strides = array<i32>} : memref<256x128xf32, #tpu.memory_space<vmem>>, vector<16xf32>,
    %slice3A_192 = vector.extract_strided_slice %min3A_12 {offsets = [14], sizes = [1], strides = [1]} : vector<16xi32> to vector<1xi32>
    %squeeze3A_193 = vector.extract %slice3A_192[0] : i32 from vector<1xi32>
    %and3A_194 = arith.constant 127 : i32
    %and3A_195 = arith.andi %squeeze3A_193, %and3A_194 : i32
    %broadcast_in_dim3A_196 = vector.broadcast %and3A_195 : i32 to vector<16xi32>
    %add3A_197 = arith.constant 0 : i32
    %add3A_198 = vector.broadcast %add3A_197 : i32 to vector<16xi32>
    %add3A_199 = arith.addi %iota3A, %add3A_198 : vector<16xi32>
    %gather3A_200 = arith.constant 1 : i32
    %gather3A_201 = arith.constant 2 : i32
    %gather3A_202 = arith.constant 0 : i32
    %gather3A_203 = arith.constant 0 : i32
    %gather3A_204 = tpu.memref_slice %arg10[%gather3A_200, %gather3A_201, %gather3A_202, %gather3A_203] : memref<2x4x64x128xf32, #tpu.memory_space<vmem>> -> memref<1x1x64x128xf32, #tpu.memory_space<vmem>>
    %gather3A_205 = tpu.memref_squeeze %gather3A_204 : memref<1x1x64x128xf32, #tpu.memory_space<vmem>> -> memref<64x128xf32, #tpu.memory_space<vmem>>
    %gather3A_206 = tpu.vector_load_idx %gather3A_205[%add3A_199, %broadcast_in_dim3A_196] : memref<64x128xf32, #tpu.memory_space<vmem>>[vector<16xi32>, vector<16xi32>], vector<16xf32>,
    %swap3A_207 = arith.constant 255 : i32
    %swap3A_208 = arith.index_cast %swap3A_207 : i32 to index
    %swap3A_209 = arith.constant 0 : index
    %swap3A_210 = tpu.vector_load %arg11[%swap3A_208, %swap3A_209] {strides = array<i32>} : memref<256x128xf32, #tpu.memory_space<vmem>>, vector<16xf32>,
    tpu.vector_store %arg11[%swap3A_208, %swap3A_209], %gather3A_206 {strides = array<i32>} : memref<256x128xf32, #tpu.memory_space<vmem>>, vector<16xf32>,
    %add3A_211 = arith.constant 16 : i32
    %add3A_212 = vector.broadcast %add3A_211 : i32 to vector<16xi32>
    %add3A_213 = arith.addi %iota3A, %add3A_212 : vector<16xi32>
    %gather3A_214 = arith.constant 1 : i32
    %gather3A_215 = arith.constant 2 : i32
    %gather3A_216 = arith.constant 0 : i32
    %gather3A_217 = arith.constant 0 : i32
    %gather3A_218 = tpu.memref_slice %arg10[%gather3A_214, %gather3A_215, %gather3A_216, %gather3A_217] : memref<2x4x64x128xf32, #tpu.memory_space<vmem>> -> memref<1x1x64x128xf32, #tpu.memory_space<vmem>>
    %gather3A_219 = tpu.memref_squeeze %gather3A_218 : memref<1x1x64x128xf32, #tpu.memory_space<vmem>> -> memref<64x128xf32, #tpu.memory_space<vmem>>
    %gather3A_220 = tpu.vector_load_idx %gather3A_219[%add3A_213, %broadcast_in_dim3A_196] : memref<64x128xf32, #tpu.memory_space<vmem>>[vector<16xi32>, vector<16xi32>], vector<16xf32>,
    %swap3A_221 = arith.constant 255 : i32
    %swap3A_222 = arith.index_cast %swap3A_221 : i32 to index
    %swap3A_223 = arith.constant 16 : index
    %swap3A_224 = tpu.vector_load %arg11[%swap3A_222, %swap3A_223] {strides = array<i32>} : memref<256x128xf32, #tpu.memory_space<vmem>>, vector<16xf32>,
    tpu.vector_store %arg11[%swap3A_222, %swap3A_223], %gather3A_220 {strides = array<i32>} : memref<256x128xf32, #tpu.memory_space<vmem>>, vector<16xf32>,
    %add3A_225 = arith.constant 32 : i32
    %add3A_226 = vector.broadcast %add3A_225 : i32 to vector<16xi32>
    %add3A_227 = arith.addi %iota3A, %add3A_226 : vector<16xi32>
    %gather3A_228 = arith.constant 1 : i32
    %gather3A_229 = arith.constant 2 : i32
    %gather3A_230 = arith.constant 0 : i32
    %gather3A_231 = arith.constant 0 : i32
    %gather3A_232 = tpu.memref_slice %arg10[%gather3A_228, %gather3A_229, %gather3A_230, %gather3A_231] : memref<2x4x64x128xf32, #tpu.memory_space<vmem>> -> memref<1x1x64x128xf32, #tpu.memory_space<vmem>>
    %gather3A_233 = tpu.memref_squeeze %gather3A_232 : memref<1x1x64x128xf32, #tpu.memory_space<vmem>> -> memref<64x128xf32, #tpu.memory_space<vmem>>
    %gather3A_234 = tpu.vector_load_idx %gather3A_233[%add3A_227, %broadcast_in_dim3A_196] : memref<64x128xf32, #tpu.memory_space<vmem>>[vector<16xi32>, vector<16xi32>], vector<16xf32>,
    %swap3A_235 = arith.constant 255 : i32
    %swap3A_236 = arith.index_cast %swap3A_235 : i32 to index
    %swap3A_237 = arith.constant 32 : index
    %swap3A_238 = tpu.vector_load %arg11[%swap3A_236, %swap3A_237] {strides = array<i32>} : memref<256x128xf32, #tpu.memory_space<vmem>>, vector<16xf32>,
    tpu.vector_store %arg11[%swap3A_236, %swap3A_237], %gather3A_234 {strides = array<i32>} : memref<256x128xf32, #tpu.memory_space<vmem>>, vector<16xf32>,
    %add3A_239 = arith.constant 48 : i32
    %add3A_240 = vector.broadcast %add3A_239 : i32 to vector<16xi32>
    %add3A_241 = arith.addi %iota3A, %add3A_240 : vector<16xi32>
    %gather3A_242 = arith.constant 1 : i32
    %gather3A_243 = arith.constant 2 : i32
    %gather3A_244 = arith.constant 0 : i32
    %gather3A_245 = arith.constant 0 : i32
    %gather3A_246 = tpu.memref_slice %arg10[%gather3A_242, %gather3A_243, %gather3A_244, %gather3A_245] : memref<2x4x64x128xf32, #tpu.memory_space<vmem>> -> memref<1x1x64x128xf32, #tpu.memory_space<vmem>>
    %gather3A_247 = tpu.memref_squeeze %gather3A_246 : memref<1x1x64x128xf32, #tpu.memory_space<vmem>> -> memref<64x128xf32, #tpu.memory_space<vmem>>
    %gather3A_248 = tpu.vector_load_idx %gather3A_247[%add3A_241, %broadcast_in_dim3A_196] : memref<64x128xf32, #tpu.memory_space<vmem>>[vector<16xi32>, vector<16xi32>], vector<16xf32>,
    %swap3A_249 = arith.constant 255 : i32
    %swap3A_250 = arith.index_cast %swap3A_249 : i32 to index
    %swap3A_251 = arith.constant 48 : index
    %swap3A_252 = tpu.vector_load %arg11[%swap3A_250, %swap3A_251] {strides = array<i32>} : memref<256x128xf32, #tpu.memory_space<vmem>>, vector<16xf32>,
    tpu.vector_store %arg11[%swap3A_250, %swap3A_251], %gather3A_248 {strides = array<i32>} : memref<256x128xf32, #tpu.memory_space<vmem>>, vector<16xf32>,
    %slice3A_253 = vector.extract_strided_slice %min3A_12 {offsets = [15], sizes = [1], strides = [1]} : vector<16xi32> to vector<1xi32>
    %squeeze3A_254 = vector.extract %slice3A_253[0] : i32 from vector<1xi32>
    %and3A_255 = arith.constant 127 : i32
    %and3A_256 = arith.andi %squeeze3A_254, %and3A_255 : i32
    %broadcast_in_dim3A_257 = vector.broadcast %and3A_256 : i32 to vector<16xi32>
    %add3A_258 = arith.constant 0 : i32
    %add3A_259 = vector.broadcast %add3A_258 : i32 to vector<16xi32>
    %add3A_260 = arith.addi %iota3A, %add3A_259 : vector<16xi32>
    %gather3A_261 = arith.constant 1 : i32
    %gather3A_262 = arith.constant 3 : i32
    %gather3A_263 = arith.constant 0 : i32
    %gather3A_264 = arith.constant 0 : i32
    %gather3A_265 = tpu.memref_slice %arg10[%gather3A_261, %gather3A_262, %gather3A_263, %gather3A_264] : memref<2x4x64x128xf32, #tpu.memory_space<vmem>> -> memref<1x1x64x128xf32, #tpu.memory_space<vmem>>
    %gather3A_266 = tpu.memref_squeeze %gather3A_265 : memref<1x1x64x128xf32, #tpu.memory_space<vmem>> -> memref<64x128xf32, #tpu.memory_space<vmem>>
    %gather3A_267 = tpu.vector_load_idx %gather3A_266[%add3A_260, %broadcast_in_dim3A_257] : memref<64x128xf32, #tpu.memory_space<vmem>>[vector<16xi32>, vector<16xi32>], vector<16xf32>,
    %swap3A_268 = arith.constant 255 : i32
    %swap3A_269 = arith.index_cast %swap3A_268 : i32 to index
    %swap3A_270 = arith.constant 64 : index
    %swap3A_271 = tpu.vector_load %arg11[%swap3A_269, %swap3A_270] {strides = array<i32>} : memref<256x128xf32, #tpu.memory_space<vmem>>, vector<16xf32>,
    tpu.vector_store %arg11[%swap3A_269, %swap3A_270], %gather3A_267 {strides = array<i32>} : memref<256x128xf32, #tpu.memory_space<vmem>>, vector<16xf32>,
    %add3A_272 = arith.constant 16 : i32
    %add3A_273 = vector.broadcast %add3A_272 : i32 to vector<16xi32>
    %add3A_274 = arith.addi %iota3A, %add3A_273 : vector<16xi32>
    %gather3A_275 = arith.constant 1 : i32
    %gather3A_276 = arith.constant 3 : i32
    %gather3A_277 = arith.constant 0 : i32
    %gather3A_278 = arith.constant 0 : i32
    %gather3A_279 = tpu.memref_slice %arg10[%gather3A_275, %gather3A_276, %gather3A_277, %gather3A_278] : memref<2x4x64x128xf32, #tpu.memory_space<vmem>> -> memref<1x1x64x128xf32, #tpu.memory_space<vmem>>
    %gather3A_280 = tpu.memref_squeeze %gather3A_279 : memref<1x1x64x128xf32, #tpu.memory_space<vmem>> -> memref<64x128xf32, #tpu.memory_space<vmem>>
    %gather3A_281 = tpu.vector_load_idx %gather3A_280[%add3A_274, %broadcast_in_dim3A_257] : memref<64x128xf32, #tpu.memory_space<vmem>>[vector<16xi32>, vector<16xi32>], vector<16xf32>,
    %swap3A_282 = arith.constant 255 : i32
    %swap3A_283 = arith.index_cast %swap3A_282 : i32 to index
    %swap3A_284 = arith.constant 80 : index
    %swap3A_285 = tpu.vector_load %arg11[%swap3A_283, %swap3A_284] {strides = array<i32>} : memref<256x128xf32, #tpu.memory_space<vmem>>, vector<16xf32>,
    tpu.vector_store %arg11[%swap3A_283, %swap3A_284], %gather3A_281 {strides = array<i32>} : memref<256x128xf32, #tpu.memory_space<vmem>>, vector<16xf32>,
    %add3A_286 = arith.constant 32 : i32
    %add3A_287 = vector.broadcast %add3A_286 : i32 to vector<16xi32>
    %add3A_288 = arith.addi %iota3A, %add3A_287 : vector<16xi32>
    %gather3A_289 = arith.constant 1 : i32
    %gather3A_290 = arith.constant 3 : i32
    %gather3A_291 = arith.constant 0 : i32
    %gather3A_292 = arith.constant 0 : i32
    %gather3A_293 = tpu.memref_slice %arg10[%gather3A_289, %gather3A_290, %gather3A_291, %gather3A_292] : memref<2x4x64x128xf32, #tpu.memory_space<vmem>> -> memref<1x1x64x128xf32, #tpu.memory_space<vmem>>
    %gather3A_294 = tpu.memref_squeeze %gather3A_293 : memref<1x1x64x128xf32, #tpu.memory_space<vmem>> -> memref<64x128xf32, #tpu.memory_space<vmem>>
    %gather3A_295 = tpu.vector_load_idx %gather3A_294[%add3A_288, %broadcast_in_dim3A_257] : memref<64x128xf32, #tpu.memory_space<vmem>>[vector<16xi32>, vector<16xi32>], vector<16xf32>,
    %swap3A_296 = arith.constant 255 : i32
    %swap3A_297 = arith.index_cast %swap3A_296 : i32 to index
    %swap3A_298 = arith.constant 96 : index
    %swap3A_299 = tpu.vector_load %arg11[%swap3A_297, %swap3A_298] {strides = array<i32>} : memref<256x128xf32, #tpu.memory_space<vmem>>, vector<16xf32>,
    tpu.vector_store %arg11[%swap3A_297, %swap3A_298], %gather3A_295 {strides = array<i32>} : memref<256x128xf32, #tpu.memory_space<vmem>>, vector<16xf32>,
    %add3A_300 = arith.constant 48 : i32
    %add3A_301 = vector.broadcast %add3A_300 : i32 to vector<16xi32>
    %add3A_302 = arith.addi %iota3A, %add3A_301 : vector<16xi32>
    %gather3A_303 = arith.constant 1 : i32
    %gather3A_304 = arith.constant 3 : i32
    %gather3A_305 = arith.constant 0 : i32
    %gather3A_306 = arith.constant 0 : i32
    %gather3A_307 = tpu.memref_slice %arg10[%gather3A_303, %gather3A_304, %gather3A_305, %gather3A_306] : memref<2x4x64x128xf32, #tpu.memory_space<vmem>> -> memref<1x1x64x128xf32, #tpu.memory_space<vmem>>
    %gather3A_308 = tpu.memref_squeeze %gather3A_307 : memref<1x1x64x128xf32, #tpu.memory_space<vmem>> -> memref<64x128xf32, #tpu.memory_space<vmem>>
    %gather3A_309 = tpu.vector_load_idx %gather3A_308[%add3A_302, %broadcast_in_dim3A_257] : memref<64x128xf32, #tpu.memory_space<vmem>>[vector<16xi32>, vector<16xi32>], vector<16xf32>,
    %swap3A_310 = arith.constant 255 : i32
    %swap3A_311 = arith.index_cast %swap3A_310 : i32 to index
    %swap3A_312 = arith.constant 112 : index
    %swap3A_313 = tpu.vector_load %arg11[%swap3A_311, %swap3A_312] {strides = array<i32>} : memref<256x128xf32, #tpu.memory_space<vmem>>, vector<16xf32>,
    tpu.vector_store %arg11[%swap3A_311, %swap3A_312], %gather3A_309 {strides = array<i32>} : memref<256x128xf32, #tpu.memory_space<vmem>>, vector<16xf32>,
    %jit3A = arith.constant 2 : i32
    %div3A = arith.divsi %mul3A_2, %jit3A : i32
    %sign3A = arith.constant 0 : i32
    %sign3A_314 = arith.cmpi sgt, %mul3A_2, %sign3A : i32
    %sign3A_315 = arith.extui %sign3A_314 : i1 to i32
    %sign3A_316 = arith.constant 0 : i32
    %sign3A_317 = arith.cmpi slt, %mul3A_2, %sign3A_316 : i32
    %sign3A_318 = arith.extui %sign3A_317 : i1 to i32
    %sign3A_319 = arith.subi %sign3A_315, %sign3A_318 : i32
    %sign3A_320 = arith.constant 0 : i32
    %sign3A_321 = arith.cmpi sgt, %jit3A, %sign3A_320 : i32
    %sign3A_322 = arith.extui %sign3A_321 : i1 to i32
    %sign3A_323 = arith.constant 0 : i32
    %sign3A_324 = arith.cmpi slt, %jit3A, %sign3A_323 : i32
    %sign3A_325 = arith.extui %sign3A_324 : i1 to i32
    %sign3A_326 = arith.subi %sign3A_322, %sign3A_325 : i32
    %ne3A = arith.cmpi ne, %sign3A_319, %sign3A_326 : i32
    %rem3A = arith.remsi %mul3A_2, %jit3A : i32
    %ne3A_327 = arith.constant 0 : i32
    %ne3A_328 = arith.cmpi ne, %rem3A, %ne3A_327 : i32
    %and3A_329 = arith.andi %ne3A, %ne3A_328 : i1
    %sub3A = arith.constant 1 : i32
    %sub3A_330 = arith.subi %div3A, %sub3A : i32
    %select_n3A = arith.select %and3A_329, %sub3A_330, %div3A : i32
    %multiple_of3A_331 = tpu.assume_multiple %select_n3A, 8 : i32
    "tpu.region"() ({
      %run_scoped3A = tpu.sem_alloc : memref<!tpu.dma_semaphore, #tpu.memory_space<semaphore_mem>>
      %dma_start3A = arith.constant 0 : i32
      %dma_start3A_680 = tpu.memref_slice %arg6[%multiple_of3A_331, %dma_start3A] : memref<8192x128xf32, #tpu.memory_space<hbm>> -> memref<256x128xf32, #tpu.memory_space<hbm>>
      %dma_start3A_681 = arith.constant 0 : i32
      %dma_start3A_682 = tpu.memref_slice %arg6[%multiple_of3A_331, %dma_start3A_681] : memref<8192x128xf32, #tpu.memory_space<hbm>> -> memref<256x128xf32, #tpu.memory_space<hbm>>
      tpu.enqueue_dma source(%arg11 : memref<256x128xf32, #tpu.memory_space<vmem>>) target(%dma_start3A_682 : memref<256x128xf32, #tpu.memory_space<hbm>>) target_semaphore(%run_scoped3A : memref<!tpu.dma_semaphore, #tpu.memory_space<semaphore_mem>>)
      %dma_wait3A_683 = arith.constant 0 : i32
      %dma_wait3A_684 = tpu.memref_slice %arg6[%multiple_of3A_331, %dma_wait3A_683] : memref<8192x128xf32, #tpu.memory_space<hbm>> -> memref<256x128xf32, #tpu.memory_space<hbm>>
      %dma_wait3A_685 = arith.constant 0 : i32
      %dma_wait3A_686 = tpu.memref_slice %arg6[%multiple_of3A_331, %dma_wait3A_685] : memref<8192x128xf32, #tpu.memory_space<hbm>> -> memref<256x128xf32, #tpu.memory_space<hbm>>
      tpu.wait_dma2 semaphore(%run_scoped3A : memref<!tpu.dma_semaphore, #tpu.memory_space<semaphore_mem>>) src(%arg11 : memref<256x128xf32, #tpu.memory_space<vmem>>) dst(%dma_wait3A_686 : memref<256x128xf32, #tpu.memory_space<hbm>>)
      tpu.yield
    }) : () -> ()
    %iota3A_332 = tpu.iota {dimensions = array<i32: 0>} : vector<16xi32>
    %scan3A_333 = arith.constant 0 : i32
    %scan3A_334 = arith.constant 0 : i32
    %scan3A_335 = arith.constant 32 : i32
    %scan3A_336 = arith.addi %scan3A_334, %scan3A_335 : i32
    %scan3A_337 = arith.constant 1 : i32
    %scan3A_338 = scf.for %scan3A_680 = %scan3A_334 to %scan3A_336 step %scan3A_337 iter_args(%scan3A_681 = %scan3A_333) -> (i32)  : i32 {
      %mul3A_682 = arith.constant 16 : i32
      %mul3A_683 = arith.muli %scan3A_680, %mul3A_682 : i32
      %multiple_of3A_684 = tpu.assume_multiple %mul3A_683, 16 : i32
      %get3A_685 = arith.index_cast %multiple_of3A_684 : i32 to index
      %get3A_686 = tpu.vector_load %arg9[%get3A_685] {strides = array<i32>} : memref<512xi32, #tpu.memory_space<vmem>>, vector<16xi32>,
      %min3A_687 = arith.constant 1000000 : i32
      %min3A_688 = vector.broadcast %min3A_687 : i32 to vector<16xi32>
      %min3A_689 = arith.minsi %get3A_686, %min3A_688 : vector<16xi32>
      %slice3A_690 = vector.extract_strided_slice %min3A_689 {offsets = [0], sizes = [1], strides = [1]} : vector<16xi32> to vector<1xi32>
      %squeeze3A_691 = vector.extract %slice3A_690[0] : i32 from vector<1xi32>
      %shift_right_arithmetic3A = arith.constant 7 : i32
      %shift_right_arithmetic3A_692 = arith.shrsi %squeeze3A_691, %shift_right_arithmetic3A : i32
      %mul3A_693 = arith.constant 128 : i32
      %mul3A_694 = arith.muli %shift_right_arithmetic3A_692, %mul3A_693 : i32
      %multiple_of3A_695 = tpu.assume_multiple %mul3A_694, 128 : i32
      %dma_start3A = arith.constant 0 : i32
      %dma_start3A_696 = arith.constant 0 : i32
      %dma_start3A_697 = arith.constant 0 : i32
      %dma_start3A_698 = arith.constant 0 : i32
      %dma_start3A_699 = tpu.memref_slice %arg10[%dma_start3A, %dma_start3A_696, %dma_start3A_697, %dma_start3A_698] : memref<2x4x64x128xf32, #tpu.memory_space<vmem>> -> memref<1x1x64x128xf32, #tpu.memory_space<vmem>>
      %dma_start3A_700 = tpu.memref_squeeze %dma_start3A_699 : memref<1x1x64x128xf32, #tpu.memory_space<vmem>> -> memref<64x128xf32, #tpu.memory_space<vmem>>
      %dma_start3A_701 = arith.constant 0 : i32
      %dma_start3A_702 = tpu.memref_slice %arg5[%dma_start3A_701, %multiple_of3A_695] : memref<64x1000001xf32, #tpu.memory_space<hbm>> -> memref<64x128xf32, #tpu.memory_space<hbm>>
      %dma_start3A_703 = arith.constant 0 : i32
      %dma_start3A_704 = arith.constant 0 : i32
      %dma_start3A_705 = tpu.memref_slice %arg10[%dma_start3A, %dma_start3A_696, %dma_start3A_703, %dma_start3A_704] : memref<2x4x64x128xf32, #tpu.memory_space<vmem>> -> memref<1x1x64x128xf32, #tpu.memory_space<vmem>>
      %dma_start3A_706 = tpu.memref_squeeze %dma_start3A_705 : memref<1x1x64x128xf32, #tpu.memory_space<vmem>> -> memref<64x128xf32, #tpu.memory_space<vmem>>
      %dma_start3A_707 = arith.constant 0 : i32
      %dma_start3A_708 = tpu.memref_slice %arg5[%dma_start3A_707, %multiple_of3A_695] : memref<64x1000001xf32, #tpu.memory_space<hbm>> -> memref<64x128xf32, #tpu.memory_space<hbm>>
      tpu.enqueue_dma source(%dma_start3A_708 : memref<64x128xf32, #tpu.memory_space<hbm>>) target(%dma_start3A_706 : memref<64x128xf32, #tpu.memory_space<vmem>>) target_semaphore(%arg12 : memref<!tpu.dma_semaphore, #tpu.memory_space<semaphore_mem>>)
      %slice3A_709 = vector.extract_strided_slice %min3A_689 {offsets = [1], sizes = [1], strides = [1]} : vector<16xi32> to vector<1xi32>
      %squeeze3A_710 = vector.extract %slice3A_709[0] : i32 from vector<1xi32>
      %shift_right_arithmetic3A_711 = arith.constant 7 : i32
      %shift_right_arithmetic3A_712 = arith.shrsi %squeeze3A_710, %shift_right_arithmetic3A_711 : i32
      %mul3A_713 = arith.constant 128 : i32
      %mul3A_714 = arith.muli %shift_right_arithmetic3A_712, %mul3A_713 : i32
      %multiple_of3A_715 = tpu.assume_multiple %mul3A_714, 128 : i32
      %dma_start3A_716 = arith.constant 0 : i32
      %dma_start3A_717 = arith.constant 1 : i32
      %dma_start3A_718 = arith.constant 0 : i32
      %dma_start3A_719 = arith.constant 0 : i32
      %dma_start3A_720 = tpu.memref_slice %arg10[%dma_start3A_716, %dma_start3A_717, %dma_start3A_718, %dma_start3A_719] : memref<2x4x64x128xf32, #tpu.memory_space<vmem>> -> memref<1x1x64x128xf32, #tpu.memory_space<vmem>>
      %dma_start3A_721 = tpu.memref_squeeze %dma_start3A_720 : memref<1x1x64x128xf32, #tpu.memory_space<vmem>> -> memref<64x128xf32, #tpu.memory_space<vmem>>
      %dma_start3A_722 = arith.constant 0 : i32
      %dma_start3A_723 = tpu.memref_slice %arg5[%dma_start3A_722, %multiple_of3A_715] : memref<64x1000001xf32, #tpu.memory_space<hbm>> -> memref<64x128xf32, #tpu.memory_space<hbm>>
      %dma_start3A_724 = arith.constant 0 : i32
      %dma_start3A_725 = arith.constant 0 : i32
      %dma_start3A_726 = tpu.memref_slice %arg10[%dma_start3A_716, %dma_start3A_717, %dma_start3A_724, %dma_start3A_725] : memref<2x4x64x128xf32, #tpu.memory_space<vmem>> -> memref<1x1x64x128xf32, #tpu.memory_space<vmem>>
      %dma_start3A_727 = tpu.memref_squeeze %dma_start3A_726 : memref<1x1x64x128xf32, #tpu.memory_space<vmem>> -> memref<64x128xf32, #tpu.memory_space<vmem>>
      %dma_start3A_728 = arith.constant 0 : i32
      %dma_start3A_729 = tpu.memref_slice %arg5[%dma_start3A_728, %multiple_of3A_715] : memref<64x1000001xf32, #tpu.memory_space<hbm>> -> memref<64x128xf32, #tpu.memory_space<hbm>>
      tpu.enqueue_dma source(%dma_start3A_729 : memref<64x128xf32, #tpu.memory_space<hbm>>) target(%dma_start3A_727 : memref<64x128xf32, #tpu.memory_space<vmem>>) target_semaphore(%arg12 : memref<!tpu.dma_semaphore, #tpu.memory_space<semaphore_mem>>)
      %slice3A_730 = vector.extract_strided_slice %min3A_689 {offsets = [2], sizes = [1], strides = [1]} : vector<16xi32> to vector<1xi32>
      %squeeze3A_731 = vector.extract %slice3A_730[0] : i32 from vector<1xi32>
      %shift_right_arithmetic3A_732 = arith.constant 7 : i32
      %shift_right_arithmetic3A_733 = arith.shrsi %squeeze3A_731, %shift_right_arithmetic3A_732 : i32
      %mul3A_734 = arith.constant 128 : i32
      %mul3A_735 = arith.muli %shift_right_arithmetic3A_733, %mul3A_734 : i32
      %multiple_of3A_736 = tpu.assume_multiple %mul3A_735, 128 : i32
      %dma_start3A_737 = arith.constant 0 : i32
      %dma_start3A_738 = arith.constant 2 : i32
      %dma_start3A_739 = arith.constant 0 : i32
      %dma_start3A_740 = arith.constant 0 : i32
      %dma_start3A_741 = tpu.memref_slice %arg10[%dma_start3A_737, %dma_start3A_738, %dma_start3A_739, %dma_start3A_740] : memref<2x4x64x128xf32, #tpu.memory_space<vmem>> -> memref<1x1x64x128xf32, #tpu.memory_space<vmem>>
      %dma_start3A_742 = tpu.memref_squeeze %dma_start3A_741 : memref<1x1x64x128xf32, #tpu.memory_space<vmem>> -> memref<64x128xf32, #tpu.memory_space<vmem>>
      %dma_start3A_743 = arith.constant 0 : i32
      %dma_start3A_744 = tpu.memref_slice %arg5[%dma_start3A_743, %multiple_of3A_736] : memref<64x1000001xf32, #tpu.memory_space<hbm>> -> memref<64x128xf32, #tpu.memory_space<hbm>>
      %dma_start3A_745 = arith.constant 0 : i32
      %dma_start3A_746 = arith.constant 0 : i32
      %dma_start3A_747 = tpu.memref_slice %arg10[%dma_start3A_737, %dma_start3A_738, %dma_start3A_745, %dma_start3A_746] : memref<2x4x64x128xf32, #tpu.memory_space<vmem>> -> memref<1x1x64x128xf32, #tpu.memory_space<vmem>>
      %dma_start3A_748 = tpu.memref_squeeze %dma_start3A_747 : memref<1x1x64x128xf32, #tpu.memory_space<vmem>> -> memref<64x128xf32, #tpu.memory_space<vmem>>
      %dma_start3A_749 = arith.constant 0 : i32
      %dma_start3A_750 = tpu.memref_slice %arg5[%dma_start3A_749, %multiple_of3A_736] : memref<64x1000001xf32, #tpu.memory_space<hbm>> -> memref<64x128xf32, #tpu.memory_space<hbm>>
      tpu.enqueue_dma source(%dma_start3A_750 : memref<64x128xf32, #tpu.memory_space<hbm>>) target(%dma_start3A_748 : memref<64x128xf32, #tpu.memory_space<vmem>>) target_semaphore(%arg12 : memref<!tpu.dma_semaphore, #tpu.memory_space<semaphore_mem>>)
      %slice3A_751 = vector.extract_strided_slice %min3A_689 {offsets = [3], sizes = [1], strides = [1]} : vector<16xi32> to vector<1xi32>
      %squeeze3A_752 = vector.extract %slice3A_751[0] : i32 from vector<1xi32>
      %shift_right_arithmetic3A_753 = arith.constant 7 : i32
      %shift_right_arithmetic3A_754 = arith.shrsi %squeeze3A_752, %shift_right_arithmetic3A_753 : i32
      %mul3A_755 = arith.constant 128 : i32
      %mul3A_756 = arith.muli %shift_right_arithmetic3A_754, %mul3A_755 : i32
      %multiple_of3A_757 = tpu.assume_multiple %mul3A_756, 128 : i32
      %dma_start3A_758 = arith.constant 0 : i32
      %dma_start3A_759 = arith.constant 3 : i32
      %dma_start3A_760 = arith.constant 0 : i32
      %dma_start3A_761 = arith.constant 0 : i32
      %dma_start3A_762 = tpu.memref_slice %arg10[%dma_start3A_758, %dma_start3A_759, %dma_start3A_760, %dma_start3A_761] : memref<2x4x64x128xf32, #tpu.memory_space<vmem>> -> memref<1x1x64x128xf32, #tpu.memory_space<vmem>>
      %dma_start3A_763 = tpu.memref_squeeze %dma_start3A_762 : memref<1x1x64x128xf32, #tpu.memory_space<vmem>> -> memref<64x128xf32, #tpu.memory_space<vmem>>
      %dma_start3A_764 = arith.constant 0 : i32
      %dma_start3A_765 = tpu.memref_slice %arg5[%dma_start3A_764, %multiple_of3A_757] : memref<64x1000001xf32, #tpu.memory_space<hbm>> -> memref<64x128xf32, #tpu.memory_space<hbm>>
      %dma_start3A_766 = arith.constant 0 : i32
      %dma_start3A_767 = arith.constant 0 : i32
      %dma_start3A_768 = tpu.memref_slice %arg10[%dma_start3A_758, %dma_start3A_759, %dma_start3A_766, %dma_start3A_767] : memref<2x4x64x128xf32, #tpu.memory_space<vmem>> -> memref<1x1x64x128xf32, #tpu.memory_space<vmem>>
      %dma_start3A_769 = tpu.memref_squeeze %dma_start3A_768 : memref<1x1x64x128xf32, #tpu.memory_space<vmem>> -> memref<64x128xf32, #tpu.memory_space<vmem>>
      %dma_start3A_770 = arith.constant 0 : i32
      %dma_start3A_771 = tpu.memref_slice %arg5[%dma_start3A_770, %multiple_of3A_757] : memref<64x1000001xf32, #tpu.memory_space<hbm>> -> memref<64x128xf32, #tpu.memory_space<hbm>>
      tpu.enqueue_dma source(%dma_start3A_771 : memref<64x128xf32, #tpu.memory_space<hbm>>) target(%dma_start3A_769 : memref<64x128xf32, #tpu.memory_space<vmem>>) target_semaphore(%arg12 : memref<!tpu.dma_semaphore, #tpu.memory_space<semaphore_mem>>)
      %gt3A = arith.constant 0 : i32
      %gt3A_772 = arith.cmpi sgt, %scan3A_680, %gt3A : i32
      %convert_element_type3A = arith.extui %gt3A_772 : i1 to i32
      %cond3A = arith.constant 0 : i32
      %cond3A_773 = arith.cmpi ne, %convert_element_type3A, %cond3A : i32
      scf.if %cond3A_773 {
        %sub3A_1975 = arith.constant 1 : i32
        %sub3A_1976 = arith.subi %scan3A_680, %sub3A_1975 : i32
        %mul3A_1977 = arith.constant 16 : i32
        %mul3A_1978 = arith.muli %sub3A_1976, %mul3A_1977 : i32
        %multiple_of3A_1979 = tpu.assume_multiple %mul3A_1978, 16 : i32
        %get3A_1980 = arith.index_cast %multiple_of3A_1979 : i32 to index
        %get3A_1981 = tpu.vector_load %arg9[%get3A_1980] {strides = array<i32>} : memref<512xi32, #tpu.memory_space<vmem>>, vector<16xi32>,
        %min3A_1982 = arith.constant 1000000 : i32
        %min3A_1983 = vector.broadcast %min3A_1982 : i32 to vector<16xi32>
        %min3A_1984 = arith.minsi %get3A_1981, %min3A_1983 : vector<16xi32>
        %dma_wait3A_1985 = arith.constant 1 : i32
        %dma_wait3A_1986 = arith.constant 0 : i32
        %dma_wait3A_1987 = arith.constant 0 : i32
        %dma_wait3A_1988 = arith.constant 0 : i32
        %dma_wait3A_1989 = tpu.memref_slice %arg10[%dma_wait3A_1985, %dma_wait3A_1986, %dma_wait3A_1987, %dma_wait3A_1988] : memref<2x4x64x128xf32, #tpu.memory_space<vmem>> -> memref<1x1x64x128xf32, #tpu.memory_space<vmem>>
        %dma_wait3A_1990 = tpu.memref_squeeze %dma_wait3A_1989 : memref<1x1x64x128xf32, #tpu.memory_space<vmem>> -> memref<64x128xf32, #tpu.memory_space<vmem>>
        %dma_wait3A_1991 = arith.constant 0 : i32
        %dma_wait3A_1992 = arith.constant 0 : i32
        %dma_wait3A_1993 = tpu.memref_slice %arg5[%dma_wait3A_1991, %dma_wait3A_1992] : memref<64x1000001xf32, #tpu.memory_space<hbm>> -> memref<64x128xf32, #tpu.memory_space<hbm>>
        %dma_wait3A_1994 = arith.constant 0 : i32
        %dma_wait3A_1995 = arith.constant 0 : i32
        %dma_wait3A_1996 = tpu.memref_slice %arg10[%dma_wait3A_1985, %dma_wait3A_1986, %dma_wait3A_1994, %dma_wait3A_1995] : memref<2x4x64x128xf32, #tpu.memory_space<vmem>> -> memref<1x1x64x128xf32, #tpu.memory_space<vmem>>
        %dma_wait3A_1997 = tpu.memref_squeeze %dma_wait3A_1996 : memref<1x1x64x128xf32, #tpu.memory_space<vmem>> -> memref<64x128xf32, #tpu.memory_space<vmem>>
        %dma_wait3A_1998 = arith.constant 0 : i32
        %dma_wait3A_1999 = arith.constant 0 : i32
        %dma_wait3A_2000 = tpu.memref_slice %arg5[%dma_wait3A_1998, %dma_wait3A_1999] : memref<64x1000001xf32, #tpu.memory_space<hbm>> -> memref<64x128xf32, #tpu.memory_space<hbm>>
        tpu.wait_dma2 semaphore(%arg13 : memref<!tpu.dma_semaphore, #tpu.memory_space<semaphore_mem>>) src(%dma_wait3A_2000 : memref<64x128xf32, #tpu.memory_space<hbm>>) dst(%dma_wait3A_1997 : memref<64x128xf32, #tpu.memory_space<vmem>>)
        %dma_wait3A_2001 = arith.constant 1 : i32
        %dma_wait3A_2002 = arith.constant 1 : i32
        %dma_wait3A_2003 = arith.constant 0 : i32
        %dma_wait3A_2004 = arith.constant 0 : i32
        %dma_wait3A_2005 = tpu.memref_slice %arg10[%dma_wait3A_2001, %dma_wait3A_2002, %dma_wait3A_2003, %dma_wait3A_2004] : memref<2x4x64x128xf32, #tpu.memory_space<vmem>> -> memref<1x1x64x128xf32, #tpu.memory_space<vmem>>
        %dma_wait3A_2006 = tpu.memref_squeeze %dma_wait3A_2005 : memref<1x1x64x128xf32, #tpu.memory_space<vmem>> -> memref<64x128xf32, #tpu.memory_space<vmem>>
        %dma_wait3A_2007 = arith.constant 0 : i32
        %dma_wait3A_2008 = arith.constant 0 : i32
        %dma_wait3A_2009 = tpu.memref_slice %arg5[%dma_wait3A_2007, %dma_wait3A_2008] : memref<64x1000001xf32, #tpu.memory_space<hbm>> -> memref<64x128xf32, #tpu.memory_space<hbm>>
        %dma_wait3A_2010 = arith.constant 0 : i32
        %dma_wait3A_2011 = arith.constant 0 : i32
        %dma_wait3A_2012 = tpu.memref_slice %arg10[%dma_wait3A_2001, %dma_wait3A_2002, %dma_wait3A_2010, %dma_wait3A_2011] : memref<2x4x64x128xf32, #tpu.memory_space<vmem>> -> memref<1x1x64x128xf32, #tpu.memory_space<vmem>>
        %dma_wait3A_2013 = tpu.memref_squeeze %dma_wait3A_2012 : memref<1x1x64x128xf32, #tpu.memory_space<vmem>> -> memref<64x128xf32, #tpu.memory_space<vmem>>
        %dma_wait3A_2014 = arith.constant 0 : i32
        %dma_wait3A_2015 = arith.constant 0 : i32
        %dma_wait3A_2016 = tpu.memref_slice %arg5[%dma_wait3A_2014, %dma_wait3A_2015] : memref<64x1000001xf32, #tpu.memory_space<hbm>> -> memref<64x128xf32, #tpu.memory_space<hbm>>
        tpu.wait_dma2 semaphore(%arg13 : memref<!tpu.dma_semaphore, #tpu.memory_space<semaphore_mem>>) src(%dma_wait3A_2016 : memref<64x128xf32, #tpu.memory_space<hbm>>) dst(%dma_wait3A_2013 : memref<64x128xf32, #tpu.memory_space<vmem>>)
        %dma_wait3A_2017 = arith.constant 1 : i32
        %dma_wait3A_2018 = arith.constant 2 : i32
        %dma_wait3A_2019 = arith.constant 0 : i32
        %dma_wait3A_2020 = arith.constant 0 : i32
        %dma_wait3A_2021 = tpu.memref_slice %arg10[%dma_wait3A_2017, %dma_wait3A_2018, %dma_wait3A_2019, %dma_wait3A_2020] : memref<2x4x64x128xf32, #tpu.memory_space<vmem>> -> memref<1x1x64x128xf32, #tpu.memory_space<vmem>>
        %dma_wait3A_2022 = tpu.memref_squeeze %dma_wait3A_2021 : memref<1x1x64x128xf32, #tpu.memory_space<vmem>> -> memref<64x128xf32, #tpu.memory_space<vmem>>
        %dma_wait3A_2023 = arith.constant 0 : i32
        %dma_wait3A_2024 = arith.constant 0 : i32
        %dma_wait3A_2025 = tpu.memref_slice %arg5[%dma_wait3A_2023, %dma_wait3A_2024] : memref<64x1000001xf32, #tpu.memory_space<hbm>> -> memref<64x128xf32, #tpu.memory_space<hbm>>
        %dma_wait3A_2026 = arith.constant 0 : i32
        %dma_wait3A_2027 = arith.constant 0 : i32
        %dma_wait3A_2028 = tpu.memref_slice %arg10[%dma_wait3A_2017, %dma_wait3A_2018, %dma_wait3A_2026, %dma_wait3A_2027] : memref<2x4x64x128xf32, #tpu.memory_space<vmem>> -> memref<1x1x64x128xf32, #tpu.memory_space<vmem>>
        %dma_wait3A_2029 = tpu.memref_squeeze %dma_wait3A_2028 : memref<1x1x64x128xf32, #tpu.memory_space<vmem>> -> memref<64x128xf32, #tpu.memory_space<vmem>>
        %dma_wait3A_2030 = arith.constant 0 : i32
        %dma_wait3A_2031 = arith.constant 0 : i32
        %dma_wait3A_2032 = tpu.memref_slice %arg5[%dma_wait3A_2030, %dma_wait3A_2031] : memref<64x1000001xf32, #tpu.memory_space<hbm>> -> memref<64x128xf32, #tpu.memory_space<hbm>>
        tpu.wait_dma2 semaphore(%arg13 : memref<!tpu.dma_semaphore, #tpu.memory_space<semaphore_mem>>) src(%dma_wait3A_2032 : memref<64x128xf32, #tpu.memory_space<hbm>>) dst(%dma_wait3A_2029 : memref<64x128xf32, #tpu.memory_space<vmem>>)
        %dma_wait3A_2033 = arith.constant 1 : i32
        %dma_wait3A_2034 = arith.constant 3 : i32
        %dma_wait3A_2035 = arith.constant 0 : i32
        %dma_wait3A_2036 = arith.constant 0 : i32
        %dma_wait3A_2037 = tpu.memref_slice %arg10[%dma_wait3A_2033, %dma_wait3A_2034, %dma_wait3A_2035, %dma_wait3A_2036] : memref<2x4x64x128xf32, #tpu.memory_space<vmem>> -> memref<1x1x64x128xf32, #tpu.memory_space<vmem>>
        %dma_wait3A_2038 = tpu.memref_squeeze %dma_wait3A_2037 : memref<1x1x64x128xf32, #tpu.memory_space<vmem>> -> memref<64x128xf32, #tpu.memory_space<vmem>>
        %dma_wait3A_2039 = arith.constant 0 : i32
        %dma_wait3A_2040 = arith.constant 0 : i32
        %dma_wait3A_2041 = tpu.memref_slice %arg5[%dma_wait3A_2039, %dma_wait3A_2040] : memref<64x1000001xf32, #tpu.memory_space<hbm>> -> memref<64x128xf32, #tpu.memory_space<hbm>>
        %dma_wait3A_2042 = arith.constant 0 : i32
        %dma_wait3A_2043 = arith.constant 0 : i32
        %dma_wait3A_2044 = tpu.memref_slice %arg10[%dma_wait3A_2033, %dma_wait3A_2034, %dma_wait3A_2042, %dma_wait3A_2043] : memref<2x4x64x128xf32, #tpu.memory_space<vmem>> -> memref<1x1x64x128xf32, #tpu.memory_space<vmem>>
        %dma_wait3A_2045 = tpu.memref_squeeze %dma_wait3A_2044 : memref<1x1x64x128xf32, #tpu.memory_space<vmem>> -> memref<64x128xf32, #tpu.memory_space<vmem>>
        %dma_wait3A_2046 = arith.constant 0 : i32
        %dma_wait3A_2047 = arith.constant 0 : i32
        %dma_wait3A_2048 = tpu.memref_slice %arg5[%dma_wait3A_2046, %dma_wait3A_2047] : memref<64x1000001xf32, #tpu.memory_space<hbm>> -> memref<64x128xf32, #tpu.memory_space<hbm>>
        tpu.wait_dma2 semaphore(%arg13 : memref<!tpu.dma_semaphore, #tpu.memory_space<semaphore_mem>>) src(%dma_wait3A_2048 : memref<64x128xf32, #tpu.memory_space<hbm>>) dst(%dma_wait3A_2045 : memref<64x128xf32, #tpu.memory_space<vmem>>)
        %sub3A_2049 = arith.constant 1 : i32
        %sub3A_2050 = arith.subi %scan3A_680, %sub3A_2049 : i32
        %mul3A_2051 = arith.constant 8 : i32
        %mul3A_2052 = arith.muli %sub3A_2050, %mul3A_2051 : i32
        %add3A_2053 = arith.constant 6 : i32
        %add3A_2054 = arith.addi %mul3A_2052, %add3A_2053 : i32
        %add3A_2055 = arith.constant 0 : i32
        %add3A_2056 = arith.addi %add3A_2054, %add3A_2055 : i32
        %slice3A_2057 = vector.extract_strided_slice %min3A_1984 {offsets = [12], sizes = [1], strides = [1]} : vector<16xi32> to vector<1xi32>
        %squeeze3A_2058 = vector.extract %slice3A_2057[0] : i32 from vector<1xi32>
        %and3A_2059 = arith.constant 127 : i32
        %and3A_2060 = arith.andi %squeeze3A_2058, %and3A_2059 : i32
        %broadcast_in_dim3A_2061 = vector.broadcast %and3A_2060 : i32 to vector<16xi32>
        %add3A_2062 = arith.constant 0 : i32
        %add3A_2063 = vector.broadcast %add3A_2062 : i32 to vector<16xi32>
        %add3A_2064 = arith.addi %iota3A_332, %add3A_2063 : vector<16xi32>
        %gather3A_2065 = arith.constant 1 : i32
        %gather3A_2066 = arith.constant 0 : i32
        %gather3A_2067 = arith.constant 0 : i32
        %gather3A_2068 = arith.constant 0 : i32
        %gather3A_2069 = tpu.memref_slice %arg10[%gather3A_2065, %gather3A_2066, %gather3A_2067, %gather3A_2068] : memref<2x4x64x128xf32, #tpu.memory_space<vmem>> -> memref<1x1x64x128xf32, #tpu.memory_space<vmem>>
        %gather3A_2070 = tpu.memref_squeeze %gather3A_2069 : memref<1x1x64x128xf32, #tpu.memory_space<vmem>> -> memref<64x128xf32, #tpu.memory_space<vmem>>
        %gather3A_2071 = tpu.vector_load_idx %gather3A_2070[%add3A_2064, %broadcast_in_dim3A_2061] : memref<64x128xf32, #tpu.memory_space<vmem>>[vector<16xi32>, vector<16xi32>], vector<16xf32>,
        %swap3A_2072 = arith.index_cast %add3A_2056 : i32 to index
        %swap3A_2073 = arith.constant 0 : index
        %swap3A_2074 = tpu.vector_load %arg11[%swap3A_2072, %swap3A_2073] {strides = array<i32>} : memref<256x128xf32, #tpu.memory_space<vmem>>, vector<16xf32>,
        tpu.vector_store %arg11[%swap3A_2072, %swap3A_2073], %gather3A_2071 {strides = array<i32>} : memref<256x128xf32, #tpu.memory_space<vmem>>, vector<16xf32>,
        %add3A_2075 = arith.constant 16 : i32
        %add3A_2076 = vector.broadcast %add3A_2075 : i32 to vector<16xi32>
        %add3A_2077 = arith.addi %iota3A_332, %add3A_2076 : vector<16xi32>
        %gather3A_2078 = arith.constant 1 : i32
        %gather3A_2079 = arith.constant 0 : i32
        %gather3A_2080 = arith.constant 0 : i32
        %gather3A_2081 = arith.constant 0 : i32
        %gather3A_2082 = tpu.memref_slice %arg10[%gather3A_2078, %gather3A_2079, %gather3A_2080, %gather3A_2081] : memref<2x4x64x128xf32, #tpu.memory_space<vmem>> -> memref<1x1x64x128xf32, #tpu.memory_space<vmem>>
        %gather3A_2083 = tpu.memref_squeeze %gather3A_2082 : memref<1x1x64x128xf32, #tpu.memory_space<vmem>> -> memref<64x128xf32, #tpu.memory_space<vmem>>
        %gather3A_2084 = tpu.vector_load_idx %gather3A_2083[%add3A_2077, %broadcast_in_dim3A_2061] : memref<64x128xf32, #tpu.memory_space<vmem>>[vector<16xi32>, vector<16xi32>], vector<16xf32>,
        %swap3A_2085 = arith.index_cast %add3A_2056 : i32 to index
        %swap3A_2086 = arith.constant 16 : index
        %swap3A_2087 = tpu.vector_load %arg11[%swap3A_2085, %swap3A_2086] {strides = array<i32>} : memref<256x128xf32, #tpu.memory_space<vmem>>, vector<16xf32>,
        tpu.vector_store %arg11[%swap3A_2085, %swap3A_2086], %gather3A_2084 {strides = array<i32>} : memref<256x128xf32, #tpu.memory_space<vmem>>, vector<16xf32>,
        %add3A_2088 = arith.constant 32 : i32
        %add3A_2089 = vector.broadcast %add3A_2088 : i32 to vector<16xi32>
        %add3A_2090 = arith.addi %iota3A_332, %add3A_2089 : vector<16xi32>
        %gather3A_2091 = arith.constant 1 : i32
        %gather3A_2092 = arith.constant 0 : i32
        %gather3A_2093 = arith.constant 0 : i32
        %gather3A_2094 = arith.constant 0 : i32
        %gather3A_2095 = tpu.memref_slice %arg10[%gather3A_2091, %gather3A_2092, %gather3A_2093, %gather3A_2094] : memref<2x4x64x128xf32, #tpu.memory_space<vmem>> -> memref<1x1x64x128xf32, #tpu.memory_space<vmem>>
        %gather3A_2096 = tpu.memref_squeeze %gather3A_2095 : memref<1x1x64x128xf32, #tpu.memory_space<vmem>> -> memref<64x128xf32, #tpu.memory_space<vmem>>
        %gather3A_2097 = tpu.vector_load_idx %gather3A_2096[%add3A_2090, %broadcast_in_dim3A_2061] : memref<64x128xf32, #tpu.memory_space<vmem>>[vector<16xi32>, vector<16xi32>], vector<16xf32>,
        %swap3A_2098 = arith.index_cast %add3A_2056 : i32 to index
        %swap3A_2099 = arith.constant 32 : index
        %swap3A_2100 = tpu.vector_load %arg11[%swap3A_2098, %swap3A_2099] {strides = array<i32>} : memref<256x128xf32, #tpu.memory_space<vmem>>, vector<16xf32>,
        tpu.vector_store %arg11[%swap3A_2098, %swap3A_2099], %gather3A_2097 {strides = array<i32>} : memref<256x128xf32, #tpu.memory_space<vmem>>, vector<16xf32>,
        %add3A_2101 = arith.constant 48 : i32
        %add3A_2102 = vector.broadcast %add3A_2101 : i32 to vector<16xi32>
        %add3A_2103 = arith.addi %iota3A_332, %add3A_2102 : vector<16xi32>
        %gather3A_2104 = arith.constant 1 : i32
        %gather3A_2105 = arith.constant 0 : i32
        %gather3A_2106 = arith.constant 0 : i32
        %gather3A_2107 = arith.constant 0 : i32
        %gather3A_2108 = tpu.memref_slice %arg10[%gather3A_2104, %gather3A_2105, %gather3A_2106, %gather3A_2107] : memref<2x4x64x128xf32, #tpu.memory_space<vmem>> -> memref<1x1x64x128xf32, #tpu.memory_space<vmem>>
        %gather3A_2109 = tpu.memref_squeeze %gather3A_2108 : memref<1x1x64x128xf32, #tpu.memory_space<vmem>> -> memref<64x128xf32, #tpu.memory_space<vmem>>
        %gather3A_2110 = tpu.vector_load_idx %gather3A_2109[%add3A_2103, %broadcast_in_dim3A_2061] : memref<64x128xf32, #tpu.memory_space<vmem>>[vector<16xi32>, vector<16xi32>], vector<16xf32>,
        %swap3A_2111 = arith.index_cast %add3A_2056 : i32 to index
        %swap3A_2112 = arith.constant 48 : index
        %swap3A_2113 = tpu.vector_load %arg11[%swap3A_2111, %swap3A_2112] {strides = array<i32>} : memref<256x128xf32, #tpu.memory_space<vmem>>, vector<16xf32>,
        tpu.vector_store %arg11[%swap3A_2111, %swap3A_2112], %gather3A_2110 {strides = array<i32>} : memref<256x128xf32, #tpu.memory_space<vmem>>, vector<16xf32>,
        %mul3A_2114 = arith.constant 8 : i32
        %mul3A_2115 = arith.muli %sub3A_2050, %mul3A_2114 : i32
        %add3A_2116 = arith.constant 6 : i32
        %add3A_2117 = arith.addi %mul3A_2115, %add3A_2116 : i32
        %add3A_2118 = arith.constant 0 : i32
        %add3A_2119 = arith.addi %add3A_2117, %add3A_2118 : i32
        %slice3A_2120 = vector.extract_strided_slice %min3A_1984 {offsets = [13], sizes = [1], strides = [1]} : vector<16xi32> to vector<1xi32>
        %squeeze3A_2121 = vector.extract %slice3A_2120[0] : i32 from vector<1xi32>
        %and3A_2122 = arith.constant 127 : i32
        %and3A_2123 = arith.andi %squeeze3A_2121, %and3A_2122 : i32
        %broadcast_in_dim3A_2124 = vector.broadcast %and3A_2123 : i32 to vector<16xi32>
        %add3A_2125 = arith.constant 0 : i32
        %add3A_2126 = vector.broadcast %add3A_2125 : i32 to vector<16xi32>
        %add3A_2127 = arith.addi %iota3A_332, %add3A_2126 : vector<16xi32>
        %gather3A_2128 = arith.constant 1 : i32
        %gather3A_2129 = arith.constant 1 : i32
        %gather3A_2130 = arith.constant 0 : i32
        %gather3A_2131 = arith.constant 0 : i32
        %gather3A_2132 = tpu.memref_slice %arg10[%gather3A_2128, %gather3A_2129, %gather3A_2130, %gather3A_2131] : memref<2x4x64x128xf32, #tpu.memory_space<vmem>> -> memref<1x1x64x128xf32, #tpu.memory_space<vmem>>
        %gather3A_2133 = tpu.memref_squeeze %gather3A_2132 : memref<1x1x64x128xf32, #tpu.memory_space<vmem>> -> memref<64x128xf32, #tpu.memory_space<vmem>>
        %gather3A_2134 = tpu.vector_load_idx %gather3A_2133[%add3A_2127, %broadcast_in_dim3A_2124] : memref<64x128xf32, #tpu.memory_space<vmem>>[vector<16xi32>, vector<16xi32>], vector<16xf32>,
        %swap3A_2135 = arith.index_cast %add3A_2119 : i32 to index
        %swap3A_2136 = arith.constant 64 : index
        %swap3A_2137 = tpu.vector_load %arg11[%swap3A_2135, %swap3A_2136] {strides = array<i32>} : memref<256x128xf32, #tpu.memory_space<vmem>>, vector<16xf32>,
        tpu.vector_store %arg11[%swap3A_2135, %swap3A_2136], %gather3A_2134 {strides = array<i32>} : memref<256x128xf32, #tpu.memory_space<vmem>>, vector<16xf32>,
        %add3A_2138 = arith.constant 16 : i32
        %add3A_2139 = vector.broadcast %add3A_2138 : i32 to vector<16xi32>
        %add3A_2140 = arith.addi %iota3A_332, %add3A_2139 : vector<16xi32>
        %gather3A_2141 = arith.constant 1 : i32
        %gather3A_2142 = arith.constant 1 : i32
        %gather3A_2143 = arith.constant 0 : i32
        %gather3A_2144 = arith.constant 0 : i32
        %gather3A_2145 = tpu.memref_slice %arg10[%gather3A_2141, %gather3A_2142, %gather3A_2143, %gather3A_2144] : memref<2x4x64x128xf32, #tpu.memory_space<vmem>> -> memref<1x1x64x128xf32, #tpu.memory_space<vmem>>
        %gather3A_2146 = tpu.memref_squeeze %gather3A_2145 : memref<1x1x64x128xf32, #tpu.memory_space<vmem>> -> memref<64x128xf32, #tpu.memory_space<vmem>>
        %gather3A_2147 = tpu.vector_load_idx %gather3A_2146[%add3A_2140, %broadcast_in_dim3A_2124] : memref<64x128xf32, #tpu.memory_space<vmem>>[vector<16xi32>, vector<16xi32>], vector<16xf32>,
        %swap3A_2148 = arith.index_cast %add3A_2119 : i32 to index
        %swap3A_2149 = arith.constant 80 : index
        %swap3A_2150 = tpu.vector_load %arg11[%swap3A_2148, %swap3A_2149] {strides = array<i32>} : memref<256x128xf32, #tpu.memory_space<vmem>>, vector<16xf32>,
        tpu.vector_store %arg11[%swap3A_2148, %swap3A_2149], %gather3A_2147 {strides = array<i32>} : memref<256x128xf32, #tpu.memory_space<vmem>>, vector<16xf32>,
        %add3A_2151 = arith.constant 32 : i32
        %add3A_2152 = vector.broadcast %add3A_2151 : i32 to vector<16xi32>
        %add3A_2153 = arith.addi %iota3A_332, %add3A_2152 : vector<16xi32>
        %gather3A_2154 = arith.constant 1 : i32
        %gather3A_2155 = arith.constant 1 : i32
        %gather3A_2156 = arith.constant 0 : i32
        %gather3A_2157 = arith.constant 0 : i32
        %gather3A_2158 = tpu.memref_slice %arg10[%gather3A_2154, %gather3A_2155, %gather3A_2156, %gather3A_2157] : memref<2x4x64x128xf32, #tpu.memory_space<vmem>> -> memref<1x1x64x128xf32, #tpu.memory_space<vmem>>
        %gather3A_2159 = tpu.memref_squeeze %gather3A_2158 : memref<1x1x64x128xf32, #tpu.memory_space<vmem>> -> memref<64x128xf32, #tpu.memory_space<vmem>>
        %gather3A_2160 = tpu.vector_load_idx %gather3A_2159[%add3A_2153, %broadcast_in_dim3A_2124] : memref<64x128xf32, #tpu.memory_space<vmem>>[vector<16xi32>, vector<16xi32>], vector<16xf32>,
        %swap3A_2161 = arith.index_cast %add3A_2119 : i32 to index
        %swap3A_2162 = arith.constant 96 : index
        %swap3A_2163 = tpu.vector_load %arg11[%swap3A_2161, %swap3A_2162] {strides = array<i32>} : memref<256x128xf32, #tpu.memory_space<vmem>>, vector<16xf32>,
        tpu.vector_store %arg11[%swap3A_2161, %swap3A_2162], %gather3A_2160 {strides = array<i32>} : memref<256x128xf32, #tpu.memory_space<vmem>>, vector<16xf32>,
        %add3A_2164 = arith.constant 48 : i32
        %add3A_2165 = vector.broadcast %add3A_2164 : i32 to vector<16xi32>
        %add3A_2166 = arith.addi %iota3A_332, %add3A_2165 : vector<16xi32>
        %gather3A_2167 = arith.constant 1 : i32
        %gather3A_2168 = arith.constant 1 : i32
        %gather3A_2169 = arith.constant 0 : i32
        %gather3A_2170 = arith.constant 0 : i32
        %gather3A_2171 = tpu.memref_slice %arg10[%gather3A_2167, %gather3A_2168, %gather3A_2169, %gather3A_2170] : memref<2x4x64x128xf32, #tpu.memory_space<vmem>> -> memref<1x1x64x128xf32, #tpu.memory_space<vmem>>
        %gather3A_2172 = tpu.memref_squeeze %gather3A_2171 : memref<1x1x64x128xf32, #tpu.memory_space<vmem>> -> memref<64x128xf32, #tpu.memory_space<vmem>>
        %gather3A_2173 = tpu.vector_load_idx %gather3A_2172[%add3A_2166, %broadcast_in_dim3A_2124] : memref<64x128xf32, #tpu.memory_space<vmem>>[vector<16xi32>, vector<16xi32>], vector<16xf32>,
        %swap3A_2174 = arith.index_cast %add3A_2119 : i32 to index
        %swap3A_2175 = arith.constant 112 : index
        %swap3A_2176 = tpu.vector_load %arg11[%swap3A_2174, %swap3A_2175] {strides = array<i32>} : memref<256x128xf32, #tpu.memory_space<vmem>>, vector<16xf32>,
        tpu.vector_store %arg11[%swap3A_2174, %swap3A_2175], %gather3A_2173 {strides = array<i32>} : memref<256x128xf32, #tpu.memory_space<vmem>>, vector<16xf32>,
        %mul3A_2177 = arith.constant 8 : i32
        %mul3A_2178 = arith.muli %sub3A_2050, %mul3A_2177 : i32
        %add3A_2179 = arith.constant 6 : i32
        %add3A_2180 = arith.addi %mul3A_2178, %add3A_2179 : i32
        %add3A_2181 = arith.constant 1 : i32
        %add3A_2182 = arith.addi %add3A_2180, %add3A_2181 : i32
        %slice3A_2183 = vector.extract_strided_slice %min3A_1984 {offsets = [14], sizes = [1], strides = [1]} : vector<16xi32> to vector<1xi32>
        %squeeze3A_2184 = vector.extract %slice3A_2183[0] : i32 from vector<1xi32>
        %and3A_2185 = arith.constant 127 : i32
        %and3A_2186 = arith.andi %squeeze3A_2184, %and3A_2185 : i32
        %broadcast_in_dim3A_2187 = vector.broadcast %and3A_2186 : i32 to vector<16xi32>
        %add3A_2188 = arith.constant 0 : i32
        %add3A_2189 = vector.broadcast %add3A_2188 : i32 to vector<16xi32>
        %add3A_2190 = arith.addi %iota3A_332, %add3A_2189 : vector<16xi32>
        %gather3A_2191 = arith.constant 1 : i32
        %gather3A_2192 = arith.constant 2 : i32
        %gather3A_2193 = arith.constant 0 : i32
        %gather3A_2194 = arith.constant 0 : i32
        %gather3A_2195 = tpu.memref_slice %arg10[%gather3A_2191, %gather3A_2192, %gather3A_2193, %gather3A_2194] : memref<2x4x64x128xf32, #tpu.memory_space<vmem>> -> memref<1x1x64x128xf32, #tpu.memory_space<vmem>>
        %gather3A_2196 = tpu.memref_squeeze %gather3A_2195 : memref<1x1x64x128xf32, #tpu.memory_space<vmem>> -> memref<64x128xf32, #tpu.memory_space<vmem>>
        %gather3A_2197 = tpu.vector_load_idx %gather3A_2196[%add3A_2190, %broadcast_in_dim3A_2187] : memref<64x128xf32, #tpu.memory_space<vmem>>[vector<16xi32>, vector<16xi32>], vector<16xf32>,
        %swap3A_2198 = arith.index_cast %add3A_2182 : i32 to index
        %swap3A_2199 = arith.constant 0 : index
        %swap3A_2200 = tpu.vector_load %arg11[%swap3A_2198, %swap3A_2199] {strides = array<i32>} : memref<256x128xf32, #tpu.memory_space<vmem>>, vector<16xf32>,
        tpu.vector_store %arg11[%swap3A_2198, %swap3A_2199], %gather3A_2197 {strides = array<i32>} : memref<256x128xf32, #tpu.memory_space<vmem>>, vector<16xf32>,
        %add3A_2201 = arith.constant 16 : i32
        %add3A_2202 = vector.broadcast %add3A_2201 : i32 to vector<16xi32>
        %add3A_2203 = arith.addi %iota3A_332, %add3A_2202 : vector<16xi32>
        %gather3A_2204 = arith.constant 1 : i32
        %gather3A_2205 = arith.constant 2 : i32
        %gather3A_2206 = arith.constant 0 : i32
        %gather3A_2207 = arith.constant 0 : i32
        %gather3A_2208 = tpu.memref_slice %arg10[%gather3A_2204, %gather3A_2205, %gather3A_2206, %gather3A_2207] : memref<2x4x64x128xf32, #tpu.memory_space<vmem>> -> memref<1x1x64x128xf32, #tpu.memory_space<vmem>>
        %gather3A_2209 = tpu.memref_squeeze %gather3A_2208 : memref<1x1x64x128xf32, #tpu.memory_space<vmem>> -> memref<64x128xf32, #tpu.memory_space<vmem>>
        %gather3A_2210 = tpu.vector_load_idx %gather3A_2209[%add3A_2203, %broadcast_in_dim3A_2187] : memref<64x128xf32, #tpu.memory_space<vmem>>[vector<16xi32>, vector<16xi32>], vector<16xf32>,
        %swap3A_2211 = arith.index_cast %add3A_2182 : i32 to index
        %swap3A_2212 = arith.constant 16 : index
        %swap3A_2213 = tpu.vector_load %arg11[%swap3A_2211, %swap3A_2212] {strides = array<i32>} : memref<256x128xf32, #tpu.memory_space<vmem>>, vector<16xf32>,
        tpu.vector_store %arg11[%swap3A_2211, %swap3A_2212], %gather3A_2210 {strides = array<i32>} : memref<256x128xf32, #tpu.memory_space<vmem>>, vector<16xf32>,
        %add3A_2214 = arith.constant 32 : i32
        %add3A_2215 = vector.broadcast %add3A_2214 : i32 to vector<16xi32>
        %add3A_2216 = arith.addi %iota3A_332, %add3A_2215 : vector<16xi32>
        %gather3A_2217 = arith.constant 1 : i32
        %gather3A_2218 = arith.constant 2 : i32
        %gather3A_2219 = arith.constant 0 : i32
        %gather3A_2220 = arith.constant 0 : i32
        %gather3A_2221 = tpu.memref_slice %arg10[%gather3A_2217, %gather3A_2218, %gather3A_2219, %gather3A_2220] : memref<2x4x64x128xf32, #tpu.memory_space<vmem>> -> memref<1x1x64x128xf32, #tpu.memory_space<vmem>>
        %gather3A_2222 = tpu.memref_squeeze %gather3A_2221 : memref<1x1x64x128xf32, #tpu.memory_space<vmem>> -> memref<64x128xf32, #tpu.memory_space<vmem>>
        %gather3A_2223 = tpu.vector_load_idx %gather3A_2222[%add3A_2216, %broadcast_in_dim3A_2187] : memref<64x128xf32, #tpu.memory_space<vmem>>[vector<16xi32>, vector<16xi32>], vector<16xf32>,
        %swap3A_2224 = arith.index_cast %add3A_2182 : i32 to index
        %swap3A_2225 = arith.constant 32 : index
        %swap3A_2226 = tpu.vector_load %arg11[%swap3A_2224, %swap3A_2225] {strides = array<i32>} : memref<256x128xf32, #tpu.memory_space<vmem>>, vector<16xf32>,
        tpu.vector_store %arg11[%swap3A_2224, %swap3A_2225], %gather3A_2223 {strides = array<i32>} : memref<256x128xf32, #tpu.memory_space<vmem>>, vector<16xf32>,
        %add3A_2227 = arith.constant 48 : i32
        %add3A_2228 = vector.broadcast %add3A_2227 : i32 to vector<16xi32>
        %add3A_2229 = arith.addi %iota3A_332, %add3A_2228 : vector<16xi32>
        %gather3A_2230 = arith.constant 1 : i32
        %gather3A_2231 = arith.constant 2 : i32
        %gather3A_2232 = arith.constant 0 : i32
        %gather3A_2233 = arith.constant 0 : i32
        %gather3A_2234 = tpu.memref_slice %arg10[%gather3A_2230, %gather3A_2231, %gather3A_2232, %gather3A_2233] : memref<2x4x64x128xf32, #tpu.memory_space<vmem>> -> memref<1x1x64x128xf32, #tpu.memory_space<vmem>>
        %gather3A_2235 = tpu.memref_squeeze %gather3A_2234 : memref<1x1x64x128xf32, #tpu.memory_space<vmem>> -> memref<64x128xf32, #tpu.memory_space<vmem>>
        %gather3A_2236 = tpu.vector_load_idx %gather3A_2235[%add3A_2229, %broadcast_in_dim3A_2187] : memref<64x128xf32, #tpu.memory_space<vmem>>[vector<16xi32>, vector<16xi32>], vector<16xf32>,
        %swap3A_2237 = arith.index_cast %add3A_2182 : i32 to index
        %swap3A_2238 = arith.constant 48 : index
        %swap3A_2239 = tpu.vector_load %arg11[%swap3A_2237, %swap3A_2238] {strides = array<i32>} : memref<256x128xf32, #tpu.memory_space<vmem>>, vector<16xf32>,
        tpu.vector_store %arg11[%swap3A_2237, %swap3A_2238], %gather3A_2236 {strides = array<i32>} : memref<256x128xf32, #tpu.memory_space<vmem>>, vector<16xf32>,
        %mul3A_2240 = arith.constant 8 : i32
        %mul3A_2241 = arith.muli %sub3A_2050, %mul3A_2240 : i32
        %add3A_2242 = arith.constant 6 : i32
        %add3A_2243 = arith.addi %mul3A_2241, %add3A_2242 : i32
        %add3A_2244 = arith.constant 1 : i32
        %add3A_2245 = arith.addi %add3A_2243, %add3A_2244 : i32
        %slice3A_2246 = vector.extract_strided_slice %min3A_1984 {offsets = [15], sizes = [1], strides = [1]} : vector<16xi32> to vector<1xi32>
        %squeeze3A_2247 = vector.extract %slice3A_2246[0] : i32 from vector<1xi32>
        %and3A_2248 = arith.constant 127 : i32
        %and3A_2249 = arith.andi %squeeze3A_2247, %and3A_2248 : i32
        %broadcast_in_dim3A_2250 = vector.broadcast %and3A_2249 : i32 to vector<16xi32>
        %add3A_2251 = arith.constant 0 : i32
        %add3A_2252 = vector.broadcast %add3A_2251 : i32 to vector<16xi32>
        %add3A_2253 = arith.addi %iota3A_332, %add3A_2252 : vector<16xi32>
        %gather3A_2254 = arith.constant 1 : i32
        %gather3A_2255 = arith.constant 3 : i32
        %gather3A_2256 = arith.constant 0 : i32
        %gather3A_2257 = arith.constant 0 : i32
        %gather3A_2258 = tpu.memref_slice %arg10[%gather3A_2254, %gather3A_2255, %gather3A_2256, %gather3A_2257] : memref<2x4x64x128xf32, #tpu.memory_space<vmem>> -> memref<1x1x64x128xf32, #tpu.memory_space<vmem>>
        %gather3A_2259 = tpu.memref_squeeze %gather3A_2258 : memref<1x1x64x128xf32, #tpu.memory_space<vmem>> -> memref<64x128xf32, #tpu.memory_space<vmem>>
        %gather3A_2260 = tpu.vector_load_idx %gather3A_2259[%add3A_2253, %broadcast_in_dim3A_2250] : memref<64x128xf32, #tpu.memory_space<vmem>>[vector<16xi32>, vector<16xi32>], vector<16xf32>,
        %swap3A_2261 = arith.index_cast %add3A_2245 : i32 to index
        %swap3A_2262 = arith.constant 64 : index
        %swap3A_2263 = tpu.vector_load %arg11[%swap3A_2261, %swap3A_2262] {strides = array<i32>} : memref<256x128xf32, #tpu.memory_space<vmem>>, vector<16xf32>,
        tpu.vector_store %arg11[%swap3A_2261, %swap3A_2262], %gather3A_2260 {strides = array<i32>} : memref<256x128xf32, #tpu.memory_space<vmem>>, vector<16xf32>,
        %add3A_2264 = arith.constant 16 : i32
        %add3A_2265 = vector.broadcast %add3A_2264 : i32 to vector<16xi32>
        %add3A_2266 = arith.addi %iota3A_332, %add3A_2265 : vector<16xi32>
        %gather3A_2267 = arith.constant 1 : i32
        %gather3A_2268 = arith.constant 3 : i32
        %gather3A_2269 = arith.constant 0 : i32
        %gather3A_2270 = arith.constant 0 : i32
        %gather3A_2271 = tpu.memref_slice %arg10[%gather3A_2267, %gather3A_2268, %gather3A_2269, %gather3A_2270] : memref<2x4x64x128xf32, #tpu.memory_space<vmem>> -> memref<1x1x64x128xf32, #tpu.memory_space<vmem>>
        %gather3A_2272 = tpu.memref_squeeze %gather3A_2271 : memref<1x1x64x128xf32, #tpu.memory_space<vmem>> -> memref<64x128xf32, #tpu.memory_space<vmem>>
        %gather3A_2273 = tpu.vector_load_idx %gather3A_2272[%add3A_2266, %broadcast_in_dim3A_2250] : memref<64x128xf32, #tpu.memory_space<vmem>>[vector<16xi32>, vector<16xi32>], vector<16xf32>,
        %swap3A_2274 = arith.index_cast %add3A_2245 : i32 to index
        %swap3A_2275 = arith.constant 80 : index
        %swap3A_2276 = tpu.vector_load %arg11[%swap3A_2274, %swap3A_2275] {strides = array<i32>} : memref<256x128xf32, #tpu.memory_space<vmem>>, vector<16xf32>,
        tpu.vector_store %arg11[%swap3A_2274, %swap3A_2275], %gather3A_2273 {strides = array<i32>} : memref<256x128xf32, #tpu.memory_space<vmem>>, vector<16xf32>,
        %add3A_2277 = arith.constant 32 : i32
        %add3A_2278 = vector.broadcast %add3A_2277 : i32 to vector<16xi32>
        %add3A_2279 = arith.addi %iota3A_332, %add3A_2278 : vector<16xi32>
        %gather3A_2280 = arith.constant 1 : i32
        %gather3A_2281 = arith.constant 3 : i32
        %gather3A_2282 = arith.constant 0 : i32
        %gather3A_2283 = arith.constant 0 : i32
        %gather3A_2284 = tpu.memref_slice %arg10[%gather3A_2280, %gather3A_2281, %gather3A_2282, %gather3A_2283] : memref<2x4x64x128xf32, #tpu.memory_space<vmem>> -> memref<1x1x64x128xf32, #tpu.memory_space<vmem>>
        %gather3A_2285 = tpu.memref_squeeze %gather3A_2284 : memref<1x1x64x128xf32, #tpu.memory_space<vmem>> -> memref<64x128xf32, #tpu.memory_space<vmem>>
        %gather3A_2286 = tpu.vector_load_idx %gather3A_2285[%add3A_2279, %broadcast_in_dim3A_2250] : memref<64x128xf32, #tpu.memory_space<vmem>>[vector<16xi32>, vector<16xi32>], vector<16xf32>,
        %swap3A_2287 = arith.index_cast %add3A_2245 : i32 to index
        %swap3A_2288 = arith.constant 96 : index
        %swap3A_2289 = tpu.vector_load %arg11[%swap3A_2287, %swap3A_2288] {strides = array<i32>} : memref<256x128xf32, #tpu.memory_space<vmem>>, vector<16xf32>,
        tpu.vector_store %arg11[%swap3A_2287, %swap3A_2288], %gather3A_2286 {strides = array<i32>} : memref<256x128xf32, #tpu.memory_space<vmem>>, vector<16xf32>,
        %add3A_2290 = arith.constant 48 : i32
        %add3A_2291 = vector.broadcast %add3A_2290 : i32 to vector<16xi32>
        %add3A_2292 = arith.addi %iota3A_332, %add3A_2291 : vector<16xi32>
        %gather3A_2293 = arith.constant 1 : i32
        %gather3A_2294 = arith.constant 3 : i32
        %gather3A_2295 = arith.constant 0 : i32
        %gather3A_2296 = arith.constant 0 : i32
        %gather3A_2297 = tpu.memref_slice %arg10[%gather3A_2293, %gather3A_2294, %gather3A_2295, %gather3A_2296] : memref<2x4x64x128xf32, #tpu.memory_space<vmem>> -> memref<1x1x64x128xf32, #tpu.memory_space<vmem>>
        %gather3A_2298 = tpu.memref_squeeze %gather3A_2297 : memref<1x1x64x128xf32, #tpu.memory_space<vmem>> -> memref<64x128xf32, #tpu.memory_space<vmem>>
        %gather3A_2299 = tpu.vector_load_idx %gather3A_2298[%add3A_2292, %broadcast_in_dim3A_2250] : memref<64x128xf32, #tpu.memory_space<vmem>>[vector<16xi32>, vector<16xi32>], vector<16xf32>,
        %swap3A_2300 = arith.index_cast %add3A_2245 : i32 to index
        %swap3A_2301 = arith.constant 112 : index
        %swap3A_2302 = tpu.vector_load %arg11[%swap3A_2300, %swap3A_2301] {strides = array<i32>} : memref<256x128xf32, #tpu.memory_space<vmem>>, vector<16xf32>,
        tpu.vector_store %arg11[%swap3A_2300, %swap3A_2301], %gather3A_2299 {strides = array<i32>} : memref<256x128xf32, #tpu.memory_space<vmem>>, vector<16xf32>,
      } else {
      }
      %slice3A_774 = vector.extract_strided_slice %min3A_689 {offsets = [4], sizes = [1], strides = [1]} : vector<16xi32> to vector<1xi32>
      %squeeze3A_775 = vector.extract %slice3A_774[0] : i32 from vector<1xi32>
      %shift_right_arithmetic3A_776 = arith.constant 7 : i32
      %shift_right_arithmetic3A_777 = arith.shrsi %squeeze3A_775, %shift_right_arithmetic3A_776 : i32
      %mul3A_778 = arith.constant 128 : i32
      %mul3A_779 = arith.muli %shift_right_arithmetic3A_777, %mul3A_778 : i32
      %multiple_of3A_780 = tpu.assume_multiple %mul3A_779, 128 : i32
      %dma_start3A_781 = arith.constant 1 : i32
      %dma_start3A_782 = arith.constant 0 : i32
      %dma_start3A_783 = arith.constant 0 : i32
      %dma_start3A_784 = arith.constant 0 : i32
      %dma_start3A_785 = tpu.memref_slice %arg10[%dma_start3A_781, %dma_start3A_782, %dma_start3A_783, %dma_start3A_784] : memref<2x4x64x128xf32, #tpu.memory_space<vmem>> -> memref<1x1x64x128xf32, #tpu.memory_space<vmem>>
      %dma_start3A_786 = tpu.memref_squeeze %dma_start3A_785 : memref<1x1x64x128xf32, #tpu.memory_space<vmem>> -> memref<64x128xf32, #tpu.memory_space<vmem>>
      %dma_start3A_787 = arith.constant 0 : i32
      %dma_start3A_788 = tpu.memref_slice %arg5[%dma_start3A_787, %multiple_of3A_780] : memref<64x1000001xf32, #tpu.memory_space<hbm>> -> memref<64x128xf32, #tpu.memory_space<hbm>>
      %dma_start3A_789 = arith.constant 0 : i32
      %dma_start3A_790 = arith.constant 0 : i32
      %dma_start3A_791 = tpu.memref_slice %arg10[%dma_start3A_781, %dma_start3A_782, %dma_start3A_789, %dma_start3A_790] : memref<2x4x64x128xf32, #tpu.memory_space<vmem>> -> memref<1x1x64x128xf32, #tpu.memory_space<vmem>>
      %dma_start3A_792 = tpu.memref_squeeze %dma_start3A_791 : memref<1x1x64x128xf32, #tpu.memory_space<vmem>> -> memref<64x128xf32, #tpu.memory_space<vmem>>
      %dma_start3A_793 = arith.constant 0 : i32
      %dma_start3A_794 = tpu.memref_slice %arg5[%dma_start3A_793, %multiple_of3A_780] : memref<64x1000001xf32, #tpu.memory_space<hbm>> -> memref<64x128xf32, #tpu.memory_space<hbm>>
      tpu.enqueue_dma source(%dma_start3A_794 : memref<64x128xf32, #tpu.memory_space<hbm>>) target(%dma_start3A_792 : memref<64x128xf32, #tpu.memory_space<vmem>>) target_semaphore(%arg13 : memref<!tpu.dma_semaphore, #tpu.memory_space<semaphore_mem>>)
      %slice3A_795 = vector.extract_strided_slice %min3A_689 {offsets = [5], sizes = [1], strides = [1]} : vector<16xi32> to vector<1xi32>
      %squeeze3A_796 = vector.extract %slice3A_795[0] : i32 from vector<1xi32>
      %shift_right_arithmetic3A_797 = arith.constant 7 : i32
      %shift_right_arithmetic3A_798 = arith.shrsi %squeeze3A_796, %shift_right_arithmetic3A_797 : i32
      %mul3A_799 = arith.constant 128 : i32
      %mul3A_800 = arith.muli %shift_right_arithmetic3A_798, %mul3A_799 : i32
      %multiple_of3A_801 = tpu.assume_multiple %mul3A_800, 128 : i32
      %dma_start3A_802 = arith.constant 1 : i32
      %dma_start3A_803 = arith.constant 1 : i32
      %dma_start3A_804 = arith.constant 0 : i32
      %dma_start3A_805 = arith.constant 0 : i32
      %dma_start3A_806 = tpu.memref_slice %arg10[%dma_start3A_802, %dma_start3A_803, %dma_start3A_804, %dma_start3A_805] : memref<2x4x64x128xf32, #tpu.memory_space<vmem>> -> memref<1x1x64x128xf32, #tpu.memory_space<vmem>>
      %dma_start3A_807 = tpu.memref_squeeze %dma_start3A_806 : memref<1x1x64x128xf32, #tpu.memory_space<vmem>> -> memref<64x128xf32, #tpu.memory_space<vmem>>
      %dma_start3A_808 = arith.constant 0 : i32
      %dma_start3A_809 = tpu.memref_slice %arg5[%dma_start3A_808, %multiple_of3A_801] : memref<64x1000001xf32, #tpu.memory_space<hbm>> -> memref<64x128xf32, #tpu.memory_space<hbm>>
      %dma_start3A_810 = arith.constant 0 : i32
      %dma_start3A_811 = arith.constant 0 : i32
      %dma_start3A_812 = tpu.memref_slice %arg10[%dma_start3A_802, %dma_start3A_803, %dma_start3A_810, %dma_start3A_811] : memref<2x4x64x128xf32, #tpu.memory_space<vmem>> -> memref<1x1x64x128xf32, #tpu.memory_space<vmem>>
      %dma_start3A_813 = tpu.memref_squeeze %dma_start3A_812 : memref<1x1x64x128xf32, #tpu.memory_space<vmem>> -> memref<64x128xf32, #tpu.memory_space<vmem>>
      %dma_start3A_814 = arith.constant 0 : i32
      %dma_start3A_815 = tpu.memref_slice %arg5[%dma_start3A_814, %multiple_of3A_801] : memref<64x1000001xf32, #tpu.memory_space<hbm>> -> memref<64x128xf32, #tpu.memory_space<hbm>>
      tpu.enqueue_dma source(%dma_start3A_815 : memref<64x128xf32, #tpu.memory_space<hbm>>) target(%dma_start3A_813 : memref<64x128xf32, #tpu.memory_space<vmem>>) target_semaphore(%arg13 : memref<!tpu.dma_semaphore, #tpu.memory_space<semaphore_mem>>)
      %slice3A_816 = vector.extract_strided_slice %min3A_689 {offsets = [6], sizes = [1], strides = [1]} : vector<16xi32> to vector<1xi32>
      %squeeze3A_817 = vector.extract %slice3A_816[0] : i32 from vector<1xi32>
      %shift_right_arithmetic3A_818 = arith.constant 7 : i32
      %shift_right_arithmetic3A_819 = arith.shrsi %squeeze3A_817, %shift_right_arithmetic3A_818 : i32
      %mul3A_820 = arith.constant 128 : i32
      %mul3A_821 = arith.muli %shift_right_arithmetic3A_819, %mul3A_820 : i32
      %multiple_of3A_822 = tpu.assume_multiple %mul3A_821, 128 : i32
      %dma_start3A_823 = arith.constant 1 : i32
      %dma_start3A_824 = arith.constant 2 : i32
      %dma_start3A_825 = arith.constant 0 : i32
      %dma_start3A_826 = arith.constant 0 : i32
      %dma_start3A_827 = tpu.memref_slice %arg10[%dma_start3A_823, %dma_start3A_824, %dma_start3A_825, %dma_start3A_826] : memref<2x4x64x128xf32, #tpu.memory_space<vmem>> -> memref<1x1x64x128xf32, #tpu.memory_space<vmem>>
      %dma_start3A_828 = tpu.memref_squeeze %dma_start3A_827 : memref<1x1x64x128xf32, #tpu.memory_space<vmem>> -> memref<64x128xf32, #tpu.memory_space<vmem>>
      %dma_start3A_829 = arith.constant 0 : i32
      %dma_start3A_830 = tpu.memref_slice %arg5[%dma_start3A_829, %multiple_of3A_822] : memref<64x1000001xf32, #tpu.memory_space<hbm>> -> memref<64x128xf32, #tpu.memory_space<hbm>>
      %dma_start3A_831 = arith.constant 0 : i32
      %dma_start3A_832 = arith.constant 0 : i32
      %dma_start3A_833 = tpu.memref_slice %arg10[%dma_start3A_823, %dma_start3A_824, %dma_start3A_831, %dma_start3A_832] : memref<2x4x64x128xf32, #tpu.memory_space<vmem>> -> memref<1x1x64x128xf32, #tpu.memory_space<vmem>>
      %dma_start3A_834 = tpu.memref_squeeze %dma_start3A_833 : memref<1x1x64x128xf32, #tpu.memory_space<vmem>> -> memref<64x128xf32, #tpu.memory_space<vmem>>
      %dma_start3A_835 = arith.constant 0 : i32
      %dma_start3A_836 = tpu.memref_slice %arg5[%dma_start3A_835, %multiple_of3A_822] : memref<64x1000001xf32, #tpu.memory_space<hbm>> -> memref<64x128xf32, #tpu.memory_space<hbm>>
      tpu.enqueue_dma source(%dma_start3A_836 : memref<64x128xf32, #tpu.memory_space<hbm>>) target(%dma_start3A_834 : memref<64x128xf32, #tpu.memory_space<vmem>>) target_semaphore(%arg13 : memref<!tpu.dma_semaphore, #tpu.memory_space<semaphore_mem>>)
      %slice3A_837 = vector.extract_strided_slice %min3A_689 {offsets = [7], sizes = [1], strides = [1]} : vector<16xi32> to vector<1xi32>
      %squeeze3A_838 = vector.extract %slice3A_837[0] : i32 from vector<1xi32>
      %shift_right_arithmetic3A_839 = arith.constant 7 : i32
      %shift_right_arithmetic3A_840 = arith.shrsi %squeeze3A_838, %shift_right_arithmetic3A_839 : i32
      %mul3A_841 = arith.constant 128 : i32
      %mul3A_842 = arith.muli %shift_right_arithmetic3A_840, %mul3A_841 : i32
      %multiple_of3A_843 = tpu.assume_multiple %mul3A_842, 128 : i32
      %dma_start3A_844 = arith.constant 1 : i32
      %dma_start3A_845 = arith.constant 3 : i32
      %dma_start3A_846 = arith.constant 0 : i32
      %dma_start3A_847 = arith.constant 0 : i32
      %dma_start3A_848 = tpu.memref_slice %arg10[%dma_start3A_844, %dma_start3A_845, %dma_start3A_846, %dma_start3A_847] : memref<2x4x64x128xf32, #tpu.memory_space<vmem>> -> memref<1x1x64x128xf32, #tpu.memory_space<vmem>>
      %dma_start3A_849 = tpu.memref_squeeze %dma_start3A_848 : memref<1x1x64x128xf32, #tpu.memory_space<vmem>> -> memref<64x128xf32, #tpu.memory_space<vmem>>
      %dma_start3A_850 = arith.constant 0 : i32
      %dma_start3A_851 = tpu.memref_slice %arg5[%dma_start3A_850, %multiple_of3A_843] : memref<64x1000001xf32, #tpu.memory_space<hbm>> -> memref<64x128xf32, #tpu.memory_space<hbm>>
      %dma_start3A_852 = arith.constant 0 : i32
      %dma_start3A_853 = arith.constant 0 : i32
      %dma_start3A_854 = tpu.memref_slice %arg10[%dma_start3A_844, %dma_start3A_845, %dma_start3A_852, %dma_start3A_853] : memref<2x4x64x128xf32, #tpu.memory_space<vmem>> -> memref<1x1x64x128xf32, #tpu.memory_space<vmem>>
      %dma_start3A_855 = tpu.memref_squeeze %dma_start3A_854 : memref<1x1x64x128xf32, #tpu.memory_space<vmem>> -> memref<64x128xf32, #tpu.memory_space<vmem>>
      %dma_start3A_856 = arith.constant 0 : i32
      %dma_start3A_857 = tpu.memref_slice %arg5[%dma_start3A_856, %multiple_of3A_843] : memref<64x1000001xf32, #tpu.memory_space<hbm>> -> memref<64x128xf32, #tpu.memory_space<hbm>>
      tpu.enqueue_dma source(%dma_start3A_857 : memref<64x128xf32, #tpu.memory_space<hbm>>) target(%dma_start3A_855 : memref<64x128xf32, #tpu.memory_space<vmem>>) target_semaphore(%arg13 : memref<!tpu.dma_semaphore, #tpu.memory_space<semaphore_mem>>)
      %dma_wait3A_858 = arith.constant 0 : i32
      %dma_wait3A_859 = arith.constant 0 : i32
      %dma_wait3A_860 = arith.constant 0 : i32
      %dma_wait3A_861 = arith.constant 0 : i32
      %dma_wait3A_862 = tpu.memref_slice %arg10[%dma_wait3A_858, %dma_wait3A_859, %dma_wait3A_860, %dma_wait3A_861] : memref<2x4x64x128xf32, #tpu.memory_space<vmem>> -> memref<1x1x64x128xf32, #tpu.memory_space<vmem>>
      %dma_wait3A_863 = tpu.memref_squeeze %dma_wait3A_862 : memref<1x1x64x128xf32, #tpu.memory_space<vmem>> -> memref<64x128xf32, #tpu.memory_space<vmem>>
      %dma_wait3A_864 = arith.constant 0 : i32
      %dma_wait3A_865 = arith.constant 0 : i32
      %dma_wait3A_866 = tpu.memref_slice %arg5[%dma_wait3A_864, %dma_wait3A_865] : memref<64x1000001xf32, #tpu.memory_space<hbm>> -> memref<64x128xf32, #tpu.memory_space<hbm>>
      %dma_wait3A_867 = arith.constant 0 : i32
      %dma_wait3A_868 = arith.constant 0 : i32
      %dma_wait3A_869 = tpu.memref_slice %arg10[%dma_wait3A_858, %dma_wait3A_859, %dma_wait3A_867, %dma_wait3A_868] : memref<2x4x64x128xf32, #tpu.memory_space<vmem>> -> memref<1x1x64x128xf32, #tpu.memory_space<vmem>>
      %dma_wait3A_870 = tpu.memref_squeeze %dma_wait3A_869 : memref<1x1x64x128xf32, #tpu.memory_space<vmem>> -> memref<64x128xf32, #tpu.memory_space<vmem>>
      %dma_wait3A_871 = arith.constant 0 : i32
      %dma_wait3A_872 = arith.constant 0 : i32
      %dma_wait3A_873 = tpu.memref_slice %arg5[%dma_wait3A_871, %dma_wait3A_872] : memref<64x1000001xf32, #tpu.memory_space<hbm>> -> memref<64x128xf32, #tpu.memory_space<hbm>>
      tpu.wait_dma2 semaphore(%arg12 : memref<!tpu.dma_semaphore, #tpu.memory_space<semaphore_mem>>) src(%dma_wait3A_873 : memref<64x128xf32, #tpu.memory_space<hbm>>) dst(%dma_wait3A_870 : memref<64x128xf32, #tpu.memory_space<vmem>>)
      %dma_wait3A_874 = arith.constant 0 : i32
      %dma_wait3A_875 = arith.constant 1 : i32
      %dma_wait3A_876 = arith.constant 0 : i32
      %dma_wait3A_877 = arith.constant 0 : i32
      %dma_wait3A_878 = tpu.memref_slice %arg10[%dma_wait3A_874, %dma_wait3A_875, %dma_wait3A_876, %dma_wait3A_877] : memref<2x4x64x128xf32, #tpu.memory_space<vmem>> -> memref<1x1x64x128xf32, #tpu.memory_space<vmem>>
      %dma_wait3A_879 = tpu.memref_squeeze %dma_wait3A_878 : memref<1x1x64x128xf32, #tpu.memory_space<vmem>> -> memref<64x128xf32, #tpu.memory_space<vmem>>
      %dma_wait3A_880 = arith.constant 0 : i32
      %dma_wait3A_881 = arith.constant 0 : i32
      %dma_wait3A_882 = tpu.memref_slice %arg5[%dma_wait3A_880, %dma_wait3A_881] : memref<64x1000001xf32, #tpu.memory_space<hbm>> -> memref<64x128xf32, #tpu.memory_space<hbm>>
      %dma_wait3A_883 = arith.constant 0 : i32
      %dma_wait3A_884 = arith.constant 0 : i32
      %dma_wait3A_885 = tpu.memref_slice %arg10[%dma_wait3A_874, %dma_wait3A_875, %dma_wait3A_883, %dma_wait3A_884] : memref<2x4x64x128xf32, #tpu.memory_space<vmem>> -> memref<1x1x64x128xf32, #tpu.memory_space<vmem>>
      %dma_wait3A_886 = tpu.memref_squeeze %dma_wait3A_885 : memref<1x1x64x128xf32, #tpu.memory_space<vmem>> -> memref<64x128xf32, #tpu.memory_space<vmem>>
      %dma_wait3A_887 = arith.constant 0 : i32
      %dma_wait3A_888 = arith.constant 0 : i32
      %dma_wait3A_889 = tpu.memref_slice %arg5[%dma_wait3A_887, %dma_wait3A_888] : memref<64x1000001xf32, #tpu.memory_space<hbm>> -> memref<64x128xf32, #tpu.memory_space<hbm>>
      tpu.wait_dma2 semaphore(%arg12 : memref<!tpu.dma_semaphore, #tpu.memory_space<semaphore_mem>>) src(%dma_wait3A_889 : memref<64x128xf32, #tpu.memory_space<hbm>>) dst(%dma_wait3A_886 : memref<64x128xf32, #tpu.memory_space<vmem>>)
      %dma_wait3A_890 = arith.constant 0 : i32
      %dma_wait3A_891 = arith.constant 2 : i32
      %dma_wait3A_892 = arith.constant 0 : i32
      %dma_wait3A_893 = arith.constant 0 : i32
      %dma_wait3A_894 = tpu.memref_slice %arg10[%dma_wait3A_890, %dma_wait3A_891, %dma_wait3A_892, %dma_wait3A_893] : memref<2x4x64x128xf32, #tpu.memory_space<vmem>> -> memref<1x1x64x128xf32, #tpu.memory_space<vmem>>
      %dma_wait3A_895 = tpu.memref_squeeze %dma_wait3A_894 : memref<1x1x64x128xf32, #tpu.memory_space<vmem>> -> memref<64x128xf32, #tpu.memory_space<vmem>>
      %dma_wait3A_896 = arith.constant 0 : i32
      %dma_wait3A_897 = arith.constant 0 : i32
      %dma_wait3A_898 = tpu.memref_slice %arg5[%dma_wait3A_896, %dma_wait3A_897] : memref<64x1000001xf32, #tpu.memory_space<hbm>> -> memref<64x128xf32, #tpu.memory_space<hbm>>
      %dma_wait3A_899 = arith.constant 0 : i32
      %dma_wait3A_900 = arith.constant 0 : i32
      %dma_wait3A_901 = tpu.memref_slice %arg10[%dma_wait3A_890, %dma_wait3A_891, %dma_wait3A_899, %dma_wait3A_900] : memref<2x4x64x128xf32, #tpu.memory_space<vmem>> -> memref<1x1x64x128xf32, #tpu.memory_space<vmem>>
      %dma_wait3A_902 = tpu.memref_squeeze %dma_wait3A_901 : memref<1x1x64x128xf32, #tpu.memory_space<vmem>> -> memref<64x128xf32, #tpu.memory_space<vmem>>
      %dma_wait3A_903 = arith.constant 0 : i32
      %dma_wait3A_904 = arith.constant 0 : i32
      %dma_wait3A_905 = tpu.memref_slice %arg5[%dma_wait3A_903, %dma_wait3A_904] : memref<64x1000001xf32, #tpu.memory_space<hbm>> -> memref<64x128xf32, #tpu.memory_space<hbm>>
      tpu.wait_dma2 semaphore(%arg12 : memref<!tpu.dma_semaphore, #tpu.memory_space<semaphore_mem>>) src(%dma_wait3A_905 : memref<64x128xf32, #tpu.memory_space<hbm>>) dst(%dma_wait3A_902 : memref<64x128xf32, #tpu.memory_space<vmem>>)
      %dma_wait3A_906 = arith.constant 0 : i32
      %dma_wait3A_907 = arith.constant 3 : i32
      %dma_wait3A_908 = arith.constant 0 : i32
      %dma_wait3A_909 = arith.constant 0 : i32
      %dma_wait3A_910 = tpu.memref_slice %arg10[%dma_wait3A_906, %dma_wait3A_907, %dma_wait3A_908, %dma_wait3A_909] : memref<2x4x64x128xf32, #tpu.memory_space<vmem>> -> memref<1x1x64x128xf32, #tpu.memory_space<vmem>>
      %dma_wait3A_911 = tpu.memref_squeeze %dma_wait3A_910 : memref<1x1x64x128xf32, #tpu.memory_space<vmem>> -> memref<64x128xf32, #tpu.memory_space<vmem>>
      %dma_wait3A_912 = arith.constant 0 : i32
      %dma_wait3A_913 = arith.constant 0 : i32
      %dma_wait3A_914 = tpu.memref_slice %arg5[%dma_wait3A_912, %dma_wait3A_913] : memref<64x1000001xf32, #tpu.memory_space<hbm>> -> memref<64x128xf32, #tpu.memory_space<hbm>>
      %dma_wait3A_915 = arith.constant 0 : i32
      %dma_wait3A_916 = arith.constant 0 : i32
      %dma_wait3A_917 = tpu.memref_slice %arg10[%dma_wait3A_906, %dma_wait3A_907, %dma_wait3A_915, %dma_wait3A_916] : memref<2x4x64x128xf32, #tpu.memory_space<vmem>> -> memref<1x1x64x128xf32, #tpu.memory_space<vmem>>
      %dma_wait3A_918 = tpu.memref_squeeze %dma_wait3A_917 : memref<1x1x64x128xf32, #tpu.memory_space<vmem>> -> memref<64x128xf32, #tpu.memory_space<vmem>>
      %dma_wait3A_919 = arith.constant 0 : i32
      %dma_wait3A_920 = arith.constant 0 : i32
      %dma_wait3A_921 = tpu.memref_slice %arg5[%dma_wait3A_919, %dma_wait3A_920] : memref<64x1000001xf32, #tpu.memory_space<hbm>> -> memref<64x128xf32, #tpu.memory_space<hbm>>
      tpu.wait_dma2 semaphore(%arg12 : memref<!tpu.dma_semaphore, #tpu.memory_space<semaphore_mem>>) src(%dma_wait3A_921 : memref<64x128xf32, #tpu.memory_space<hbm>>) dst(%dma_wait3A_918 : memref<64x128xf32, #tpu.memory_space<vmem>>)
      %mul3A_922 = arith.constant 8 : i32
      %mul3A_923 = arith.muli %scan3A_680, %mul3A_922 : i32
      %add3A_924 = arith.constant 0 : i32
      %add3A_925 = arith.addi %mul3A_923, %add3A_924 : i32
      %add3A_926 = arith.constant 0 : i32
      %add3A_927 = arith.addi %add3A_925, %add3A_926 : i32
      %slice3A_928 = vector.extract_strided_slice %min3A_689 {offsets = [0], sizes = [1], strides = [1]} : vector<16xi32> to vector<1xi32>
      %squeeze3A_929 = vector.extract %slice3A_928[0] : i32 from vector<1xi32>
      %and3A_930 = arith.constant 127 : i32
      %and3A_931 = arith.andi %squeeze3A_929, %and3A_930 : i32
      %broadcast_in_dim3A_932 = vector.broadcast %and3A_931 : i32 to vector<16xi32>
      %add3A_933 = arith.constant 0 : i32
      %add3A_934 = vector.broadcast %add3A_933 : i32 to vector<16xi32>
      %add3A_935 = arith.addi %iota3A_332, %add3A_934 : vector<16xi32>
      %gather3A_936 = arith.constant 0 : i32
      %gather3A_937 = arith.constant 0 : i32
      %gather3A_938 = arith.constant 0 : i32
      %gather3A_939 = arith.constant 0 : i32
      %gather3A_940 = tpu.memref_slice %arg10[%gather3A_936, %gather3A_937, %gather3A_938, %gather3A_939] : memref<2x4x64x128xf32, #tpu.memory_space<vmem>> -> memref<1x1x64x128xf32, #tpu.memory_space<vmem>>
      %gather3A_941 = tpu.memref_squeeze %gather3A_940 : memref<1x1x64x128xf32, #tpu.memory_space<vmem>> -> memref<64x128xf32, #tpu.memory_space<vmem>>
      %gather3A_942 = tpu.vector_load_idx %gather3A_941[%add3A_935, %broadcast_in_dim3A_932] : memref<64x128xf32, #tpu.memory_space<vmem>>[vector<16xi32>, vector<16xi32>], vector<16xf32>,
      %swap3A_943 = arith.index_cast %add3A_927 : i32 to index
      %swap3A_944 = arith.constant 0 : index
      %swap3A_945 = tpu.vector_load %arg11[%swap3A_943, %swap3A_944] {strides = array<i32>} : memref<256x128xf32, #tpu.memory_space<vmem>>, vector<16xf32>,
      tpu.vector_store %arg11[%swap3A_943, %swap3A_944], %gather3A_942 {strides = array<i32>} : memref<256x128xf32, #tpu.memory_space<vmem>>, vector<16xf32>,
      %add3A_946 = arith.constant 16 : i32
      %add3A_947 = vector.broadcast %add3A_946 : i32 to vector<16xi32>
      %add3A_948 = arith.addi %iota3A_332, %add3A_947 : vector<16xi32>
      %gather3A_949 = arith.constant 0 : i32
      %gather3A_950 = arith.constant 0 : i32
      %gather3A_951 = arith.constant 0 : i32
      %gather3A_952 = arith.constant 0 : i32
      %gather3A_953 = tpu.memref_slice %arg10[%gather3A_949, %gather3A_950, %gather3A_951, %gather3A_952] : memref<2x4x64x128xf32, #tpu.memory_space<vmem>> -> memref<1x1x64x128xf32, #tpu.memory_space<vmem>>
      %gather3A_954 = tpu.memref_squeeze %gather3A_953 : memref<1x1x64x128xf32, #tpu.memory_space<vmem>> -> memref<64x128xf32, #tpu.memory_space<vmem>>
      %gather3A_955 = tpu.vector_load_idx %gather3A_954[%add3A_948, %broadcast_in_dim3A_932] : memref<64x128xf32, #tpu.memory_space<vmem>>[vector<16xi32>, vector<16xi32>], vector<16xf32>,
      %swap3A_956 = arith.index_cast %add3A_927 : i32 to index
      %swap3A_957 = arith.constant 16 : index
      %swap3A_958 = tpu.vector_load %arg11[%swap3A_956, %swap3A_957] {strides = array<i32>} : memref<256x128xf32, #tpu.memory_space<vmem>>, vector<16xf32>,
      tpu.vector_store %arg11[%swap3A_956, %swap3A_957], %gather3A_955 {strides = array<i32>} : memref<256x128xf32, #tpu.memory_space<vmem>>, vector<16xf32>,
      %add3A_959 = arith.constant 32 : i32
      %add3A_960 = vector.broadcast %add3A_959 : i32 to vector<16xi32>
      %add3A_961 = arith.addi %iota3A_332, %add3A_960 : vector<16xi32>
      %gather3A_962 = arith.constant 0 : i32
      %gather3A_963 = arith.constant 0 : i32
      %gather3A_964 = arith.constant 0 : i32
      %gather3A_965 = arith.constant 0 : i32
      %gather3A_966 = tpu.memref_slice %arg10[%gather3A_962, %gather3A_963, %gather3A_964, %gather3A_965] : memref<2x4x64x128xf32, #tpu.memory_space<vmem>> -> memref<1x1x64x128xf32, #tpu.memory_space<vmem>>
      %gather3A_967 = tpu.memref_squeeze %gather3A_966 : memref<1x1x64x128xf32, #tpu.memory_space<vmem>> -> memref<64x128xf32, #tpu.memory_space<vmem>>
      %gather3A_968 = tpu.vector_load_idx %gather3A_967[%add3A_961, %broadcast_in_dim3A_932] : memref<64x128xf32, #tpu.memory_space<vmem>>[vector<16xi32>, vector<16xi32>], vector<16xf32>,
      %swap3A_969 = arith.index_cast %add3A_927 : i32 to index
      %swap3A_970 = arith.constant 32 : index
      %swap3A_971 = tpu.vector_load %arg11[%swap3A_969, %swap3A_970] {strides = array<i32>} : memref<256x128xf32, #tpu.memory_space<vmem>>, vector<16xf32>,
      tpu.vector_store %arg11[%swap3A_969, %swap3A_970], %gather3A_968 {strides = array<i32>} : memref<256x128xf32, #tpu.memory_space<vmem>>, vector<16xf32>,
      %add3A_972 = arith.constant 48 : i32
      %add3A_973 = vector.broadcast %add3A_972 : i32 to vector<16xi32>
      %add3A_974 = arith.addi %iota3A_332, %add3A_973 : vector<16xi32>
      %gather3A_975 = arith.constant 0 : i32
      %gather3A_976 = arith.constant 0 : i32
      %gather3A_977 = arith.constant 0 : i32
      %gather3A_978 = arith.constant 0 : i32
      %gather3A_979 = tpu.memref_slice %arg10[%gather3A_975, %gather3A_976, %gather3A_977, %gather3A_978] : memref<2x4x64x128xf32, #tpu.memory_space<vmem>> -> memref<1x1x64x128xf32, #tpu.memory_space<vmem>>
      %gather3A_980 = tpu.memref_squeeze %gather3A_979 : memref<1x1x64x128xf32, #tpu.memory_space<vmem>> -> memref<64x128xf32, #tpu.memory_space<vmem>>
      %gather3A_981 = tpu.vector_load_idx %gather3A_980[%add3A_974, %broadcast_in_dim3A_932] : memref<64x128xf32, #tpu.memory_space<vmem>>[vector<16xi32>, vector<16xi32>], vector<16xf32>,
      %swap3A_982 = arith.index_cast %add3A_927 : i32 to index
      %swap3A_983 = arith.constant 48 : index
      %swap3A_984 = tpu.vector_load %arg11[%swap3A_982, %swap3A_983] {strides = array<i32>} : memref<256x128xf32, #tpu.memory_space<vmem>>, vector<16xf32>,
      tpu.vector_store %arg11[%swap3A_982, %swap3A_983], %gather3A_981 {strides = array<i32>} : memref<256x128xf32, #tpu.memory_space<vmem>>, vector<16xf32>,
      %mul3A_985 = arith.constant 8 : i32
      %mul3A_986 = arith.muli %scan3A_680, %mul3A_985 : i32
      %add3A_987 = arith.constant 0 : i32
      %add3A_988 = arith.addi %mul3A_986, %add3A_987 : i32
      %add3A_989 = arith.constant 0 : i32
      %add3A_990 = arith.addi %add3A_988, %add3A_989 : i32
      %slice3A_991 = vector.extract_strided_slice %min3A_689 {offsets = [1], sizes = [1], strides = [1]} : vector<16xi32> to vector<1xi32>
      %squeeze3A_992 = vector.extract %slice3A_991[0] : i32 from vector<1xi32>
      %and3A_993 = arith.constant 127 : i32
      %and3A_994 = arith.andi %squeeze3A_992, %and3A_993 : i32
      %broadcast_in_dim3A_995 = vector.broadcast %and3A_994 : i32 to vector<16xi32>
      %add3A_996 = arith.constant 0 : i32
      %add3A_997 = vector.broadcast %add3A_996 : i32 to vector<16xi32>
      %add3A_998 = arith.addi %iota3A_332, %add3A_997 : vector<16xi32>
      %gather3A_999 = arith.constant 0 : i32
      %gather3A_1000 = arith.constant 1 : i32
      %gather3A_1001 = arith.constant 0 : i32
      %gather3A_1002 = arith.constant 0 : i32
      %gather3A_1003 = tpu.memref_slice %arg10[%gather3A_999, %gather3A_1000, %gather3A_1001, %gather3A_1002] : memref<2x4x64x128xf32, #tpu.memory_space<vmem>> -> memref<1x1x64x128xf32, #tpu.memory_space<vmem>>
      %gather3A_1004 = tpu.memref_squeeze %gather3A_1003 : memref<1x1x64x128xf32, #tpu.memory_space<vmem>> -> memref<64x128xf32, #tpu.memory_space<vmem>>
      %gather3A_1005 = tpu.vector_load_idx %gather3A_1004[%add3A_998, %broadcast_in_dim3A_995] : memref<64x128xf32, #tpu.memory_space<vmem>>[vector<16xi32>, vector<16xi32>], vector<16xf32>,
      %swap3A_1006 = arith.index_cast %add3A_990 : i32 to index
      %swap3A_1007 = arith.constant 64 : index
      %swap3A_1008 = tpu.vector_load %arg11[%swap3A_1006, %swap3A_1007] {strides = array<i32>} : memref<256x128xf32, #tpu.memory_space<vmem>>, vector<16xf32>,
      tpu.vector_store %arg11[%swap3A_1006, %swap3A_1007], %gather3A_1005 {strides = array<i32>} : memref<256x128xf32, #tpu.memory_space<vmem>>, vector<16xf32>,
      %add3A_1009 = arith.constant 16 : i32
      %add3A_1010 = vector.broadcast %add3A_1009 : i32 to vector<16xi32>
      %add3A_1011 = arith.addi %iota3A_332, %add3A_1010 : vector<16xi32>
      %gather3A_1012 = arith.constant 0 : i32
      %gather3A_1013 = arith.constant 1 : i32
      %gather3A_1014 = arith.constant 0 : i32
      %gather3A_1015 = arith.constant 0 : i32
      %gather3A_1016 = tpu.memref_slice %arg10[%gather3A_1012, %gather3A_1013, %gather3A_1014, %gather3A_1015] : memref<2x4x64x128xf32, #tpu.memory_space<vmem>> -> memref<1x1x64x128xf32, #tpu.memory_space<vmem>>
      %gather3A_1017 = tpu.memref_squeeze %gather3A_1016 : memref<1x1x64x128xf32, #tpu.memory_space<vmem>> -> memref<64x128xf32, #tpu.memory_space<vmem>>
      %gather3A_1018 = tpu.vector_load_idx %gather3A_1017[%add3A_1011, %broadcast_in_dim3A_995] : memref<64x128xf32, #tpu.memory_space<vmem>>[vector<16xi32>, vector<16xi32>], vector<16xf32>,
      %swap3A_1019 = arith.index_cast %add3A_990 : i32 to index
      %swap3A_1020 = arith.constant 80 : index
      %swap3A_1021 = tpu.vector_load %arg11[%swap3A_1019, %swap3A_1020] {strides = array<i32>} : memref<256x128xf32, #tpu.memory_space<vmem>>, vector<16xf32>,
      tpu.vector_store %arg11[%swap3A_1019, %swap3A_1020], %gather3A_1018 {strides = array<i32>} : memref<256x128xf32, #tpu.memory_space<vmem>>, vector<16xf32>,
      %add3A_1022 = arith.constant 32 : i32
      %add3A_1023 = vector.broadcast %add3A_1022 : i32 to vector<16xi32>
      %add3A_1024 = arith.addi %iota3A_332, %add3A_1023 : vector<16xi32>
      %gather3A_1025 = arith.constant 0 : i32
      %gather3A_1026 = arith.constant 1 : i32
      %gather3A_1027 = arith.constant 0 : i32
      %gather3A_1028 = arith.constant 0 : i32
      %gather3A_1029 = tpu.memref_slice %arg10[%gather3A_1025, %gather3A_1026, %gather3A_1027, %gather3A_1028] : memref<2x4x64x128xf32, #tpu.memory_space<vmem>> -> memref<1x1x64x128xf32, #tpu.memory_space<vmem>>
      %gather3A_1030 = tpu.memref_squeeze %gather3A_1029 : memref<1x1x64x128xf32, #tpu.memory_space<vmem>> -> memref<64x128xf32, #tpu.memory_space<vmem>>
      %gather3A_1031 = tpu.vector_load_idx %gather3A_1030[%add3A_1024, %broadcast_in_dim3A_995] : memref<64x128xf32, #tpu.memory_space<vmem>>[vector<16xi32>, vector<16xi32>], vector<16xf32>,
      %swap3A_1032 = arith.index_cast %add3A_990 : i32 to index
      %swap3A_1033 = arith.constant 96 : index
      %swap3A_1034 = tpu.vector_load %arg11[%swap3A_1032, %swap3A_1033] {strides = array<i32>} : memref<256x128xf32, #tpu.memory_space<vmem>>, vector<16xf32>,
      tpu.vector_store %arg11[%swap3A_1032, %swap3A_1033], %gather3A_1031 {strides = array<i32>} : memref<256x128xf32, #tpu.memory_space<vmem>>, vector<16xf32>,
      %add3A_1035 = arith.constant 48 : i32
      %add3A_1036 = vector.broadcast %add3A_1035 : i32 to vector<16xi32>
      %add3A_1037 = arith.addi %iota3A_332, %add3A_1036 : vector<16xi32>
      %gather3A_1038 = arith.constant 0 : i32
      %gather3A_1039 = arith.constant 1 : i32
      %gather3A_1040 = arith.constant 0 : i32
      %gather3A_1041 = arith.constant 0 : i32
      %gather3A_1042 = tpu.memref_slice %arg10[%gather3A_1038, %gather3A_1039, %gather3A_1040, %gather3A_1041] : memref<2x4x64x128xf32, #tpu.memory_space<vmem>> -> memref<1x1x64x128xf32, #tpu.memory_space<vmem>>
      %gather3A_1043 = tpu.memref_squeeze %gather3A_1042 : memref<1x1x64x128xf32, #tpu.memory_space<vmem>> -> memref<64x128xf32, #tpu.memory_space<vmem>>
      %gather3A_1044 = tpu.vector_load_idx %gather3A_1043[%add3A_1037, %broadcast_in_dim3A_995] : memref<64x128xf32, #tpu.memory_space<vmem>>[vector<16xi32>, vector<16xi32>], vector<16xf32>,
      %swap3A_1045 = arith.index_cast %add3A_990 : i32 to index
      %swap3A_1046 = arith.constant 112 : index
      %swap3A_1047 = tpu.vector_load %arg11[%swap3A_1045, %swap3A_1046] {strides = array<i32>} : memref<256x128xf32, #tpu.memory_space<vmem>>, vector<16xf32>,
      tpu.vector_store %arg11[%swap3A_1045, %swap3A_1046], %gather3A_1044 {strides = array<i32>} : memref<256x128xf32, #tpu.memory_space<vmem>>, vector<16xf32>,
      %mul3A_1048 = arith.constant 8 : i32
      %mul3A_1049 = arith.muli %scan3A_680, %mul3A_1048 : i32
      %add3A_1050 = arith.constant 0 : i32
      %add3A_1051 = arith.addi %mul3A_1049, %add3A_1050 : i32
      %add3A_1052 = arith.constant 1 : i32
      %add3A_1053 = arith.addi %add3A_1051, %add3A_1052 : i32
      %slice3A_1054 = vector.extract_strided_slice %min3A_689 {offsets = [2], sizes = [1], strides = [1]} : vector<16xi32> to vector<1xi32>
      %squeeze3A_1055 = vector.extract %slice3A_1054[0] : i32 from vector<1xi32>
      %and3A_1056 = arith.constant 127 : i32
      %and3A_1057 = arith.andi %squeeze3A_1055, %and3A_1056 : i32
      %broadcast_in_dim3A_1058 = vector.broadcast %and3A_1057 : i32 to vector<16xi32>
      %add3A_1059 = arith.constant 0 : i32
      %add3A_1060 = vector.broadcast %add3A_1059 : i32 to vector<16xi32>
      %add3A_1061 = arith.addi %iota3A_332, %add3A_1060 : vector<16xi32>
      %gather3A_1062 = arith.constant 0 : i32
      %gather3A_1063 = arith.constant 2 : i32
      %gather3A_1064 = arith.constant 0 : i32
      %gather3A_1065 = arith.constant 0 : i32
      %gather3A_1066 = tpu.memref_slice %arg10[%gather3A_1062, %gather3A_1063, %gather3A_1064, %gather3A_1065] : memref<2x4x64x128xf32, #tpu.memory_space<vmem>> -> memref<1x1x64x128xf32, #tpu.memory_space<vmem>>
      %gather3A_1067 = tpu.memref_squeeze %gather3A_1066 : memref<1x1x64x128xf32, #tpu.memory_space<vmem>> -> memref<64x128xf32, #tpu.memory_space<vmem>>
      %gather3A_1068 = tpu.vector_load_idx %gather3A_1067[%add3A_1061, %broadcast_in_dim3A_1058] : memref<64x128xf32, #tpu.memory_space<vmem>>[vector<16xi32>, vector<16xi32>], vector<16xf32>,
      %swap3A_1069 = arith.index_cast %add3A_1053 : i32 to index
      %swap3A_1070 = arith.constant 0 : index
      %swap3A_1071 = tpu.vector_load %arg11[%swap3A_1069, %swap3A_1070] {strides = array<i32>} : memref<256x128xf32, #tpu.memory_space<vmem>>, vector<16xf32>,
      tpu.vector_store %arg11[%swap3A_1069, %swap3A_1070], %gather3A_1068 {strides = array<i32>} : memref<256x128xf32, #tpu.memory_space<vmem>>, vector<16xf32>,
      %add3A_1072 = arith.constant 16 : i32
      %add3A_1073 = vector.broadcast %add3A_1072 : i32 to vector<16xi32>
      %add3A_1074 = arith.addi %iota3A_332, %add3A_1073 : vector<16xi32>
      %gather3A_1075 = arith.constant 0 : i32
      %gather3A_1076 = arith.constant 2 : i32
      %gather3A_1077 = arith.constant 0 : i32
      %gather3A_1078 = arith.constant 0 : i32
      %gather3A_1079 = tpu.memref_slice %arg10[%gather3A_1075, %gather3A_1076, %gather3A_1077, %gather3A_1078] : memref<2x4x64x128xf32, #tpu.memory_space<vmem>> -> memref<1x1x64x128xf32, #tpu.memory_space<vmem>>
      %gather3A_1080 = tpu.memref_squeeze %gather3A_1079 : memref<1x1x64x128xf32, #tpu.memory_space<vmem>> -> memref<64x128xf32, #tpu.memory_space<vmem>>
      %gather3A_1081 = tpu.vector_load_idx %gather3A_1080[%add3A_1074, %broadcast_in_dim3A_1058] : memref<64x128xf32, #tpu.memory_space<vmem>>[vector<16xi32>, vector<16xi32>], vector<16xf32>,
      %swap3A_1082 = arith.index_cast %add3A_1053 : i32 to index
      %swap3A_1083 = arith.constant 16 : index
      %swap3A_1084 = tpu.vector_load %arg11[%swap3A_1082, %swap3A_1083] {strides = array<i32>} : memref<256x128xf32, #tpu.memory_space<vmem>>, vector<16xf32>,
      tpu.vector_store %arg11[%swap3A_1082, %swap3A_1083], %gather3A_1081 {strides = array<i32>} : memref<256x128xf32, #tpu.memory_space<vmem>>, vector<16xf32>,
      %add3A_1085 = arith.constant 32 : i32
      %add3A_1086 = vector.broadcast %add3A_1085 : i32 to vector<16xi32>
      %add3A_1087 = arith.addi %iota3A_332, %add3A_1086 : vector<16xi32>
      %gather3A_1088 = arith.constant 0 : i32
      %gather3A_1089 = arith.constant 2 : i32
      %gather3A_1090 = arith.constant 0 : i32
      %gather3A_1091 = arith.constant 0 : i32
      %gather3A_1092 = tpu.memref_slice %arg10[%gather3A_1088, %gather3A_1089, %gather3A_1090, %gather3A_1091] : memref<2x4x64x128xf32, #tpu.memory_space<vmem>> -> memref<1x1x64x128xf32, #tpu.memory_space<vmem>>
      %gather3A_1093 = tpu.memref_squeeze %gather3A_1092 : memref<1x1x64x128xf32, #tpu.memory_space<vmem>> -> memref<64x128xf32, #tpu.memory_space<vmem>>
      %gather3A_1094 = tpu.vector_load_idx %gather3A_1093[%add3A_1087, %broadcast_in_dim3A_1058] : memref<64x128xf32, #tpu.memory_space<vmem>>[vector<16xi32>, vector<16xi32>], vector<16xf32>,
      %swap3A_1095 = arith.index_cast %add3A_1053 : i32 to index
      %swap3A_1096 = arith.constant 32 : index
      %swap3A_1097 = tpu.vector_load %arg11[%swap3A_1095, %swap3A_1096] {strides = array<i32>} : memref<256x128xf32, #tpu.memory_space<vmem>>, vector<16xf32>,
      tpu.vector_store %arg11[%swap3A_1095, %swap3A_1096], %gather3A_1094 {strides = array<i32>} : memref<256x128xf32, #tpu.memory_space<vmem>>, vector<16xf32>,
      %add3A_1098 = arith.constant 48 : i32
      %add3A_1099 = vector.broadcast %add3A_1098 : i32 to vector<16xi32>
      %add3A_1100 = arith.addi %iota3A_332, %add3A_1099 : vector<16xi32>
      %gather3A_1101 = arith.constant 0 : i32
      %gather3A_1102 = arith.constant 2 : i32
      %gather3A_1103 = arith.constant 0 : i32
      %gather3A_1104 = arith.constant 0 : i32
      %gather3A_1105 = tpu.memref_slice %arg10[%gather3A_1101, %gather3A_1102, %gather3A_1103, %gather3A_1104] : memref<2x4x64x128xf32, #tpu.memory_space<vmem>> -> memref<1x1x64x128xf32, #tpu.memory_space<vmem>>
      %gather3A_1106 = tpu.memref_squeeze %gather3A_1105 : memref<1x1x64x128xf32, #tpu.memory_space<vmem>> -> memref<64x128xf32, #tpu.memory_space<vmem>>
      %gather3A_1107 = tpu.vector_load_idx %gather3A_1106[%add3A_1100, %broadcast_in_dim3A_1058] : memref<64x128xf32, #tpu.memory_space<vmem>>[vector<16xi32>, vector<16xi32>], vector<16xf32>,
      %swap3A_1108 = arith.index_cast %add3A_1053 : i32 to index
      %swap3A_1109 = arith.constant 48 : index
      %swap3A_1110 = tpu.vector_load %arg11[%swap3A_1108, %swap3A_1109] {strides = array<i32>} : memref<256x128xf32, #tpu.memory_space<vmem>>, vector<16xf32>,
      tpu.vector_store %arg11[%swap3A_1108, %swap3A_1109], %gather3A_1107 {strides = array<i32>} : memref<256x128xf32, #tpu.memory_space<vmem>>, vector<16xf32>,
      %mul3A_1111 = arith.constant 8 : i32
      %mul3A_1112 = arith.muli %scan3A_680, %mul3A_1111 : i32
      %add3A_1113 = arith.constant 0 : i32
      %add3A_1114 = arith.addi %mul3A_1112, %add3A_1113 : i32
      %add3A_1115 = arith.constant 1 : i32
      %add3A_1116 = arith.addi %add3A_1114, %add3A_1115 : i32
      %slice3A_1117 = vector.extract_strided_slice %min3A_689 {offsets = [3], sizes = [1], strides = [1]} : vector<16xi32> to vector<1xi32>
      %squeeze3A_1118 = vector.extract %slice3A_1117[0] : i32 from vector<1xi32>
      %and3A_1119 = arith.constant 127 : i32
      %and3A_1120 = arith.andi %squeeze3A_1118, %and3A_1119 : i32
      %broadcast_in_dim3A_1121 = vector.broadcast %and3A_1120 : i32 to vector<16xi32>
      %add3A_1122 = arith.constant 0 : i32
      %add3A_1123 = vector.broadcast %add3A_1122 : i32 to vector<16xi32>
      %add3A_1124 = arith.addi %iota3A_332, %add3A_1123 : vector<16xi32>
      %gather3A_1125 = arith.constant 0 : i32
      %gather3A_1126 = arith.constant 3 : i32
      %gather3A_1127 = arith.constant 0 : i32
      %gather3A_1128 = arith.constant 0 : i32
      %gather3A_1129 = tpu.memref_slice %arg10[%gather3A_1125, %gather3A_1126, %gather3A_1127, %gather3A_1128] : memref<2x4x64x128xf32, #tpu.memory_space<vmem>> -> memref<1x1x64x128xf32, #tpu.memory_space<vmem>>
      %gather3A_1130 = tpu.memref_squeeze %gather3A_1129 : memref<1x1x64x128xf32, #tpu.memory_space<vmem>> -> memref<64x128xf32, #tpu.memory_space<vmem>>
      %gather3A_1131 = tpu.vector_load_idx %gather3A_1130[%add3A_1124, %broadcast_in_dim3A_1121] : memref<64x128xf32, #tpu.memory_space<vmem>>[vector<16xi32>, vector<16xi32>], vector<16xf32>,
      %swap3A_1132 = arith.index_cast %add3A_1116 : i32 to index
      %swap3A_1133 = arith.constant 64 : index
      %swap3A_1134 = tpu.vector_load %arg11[%swap3A_1132, %swap3A_1133] {strides = array<i32>} : memref<256x128xf32, #tpu.memory_space<vmem>>, vector<16xf32>,
      tpu.vector_store %arg11[%swap3A_1132, %swap3A_1133], %gather3A_1131 {strides = array<i32>} : memref<256x128xf32, #tpu.memory_space<vmem>>, vector<16xf32>,
      %add3A_1135 = arith.constant 16 : i32
      %add3A_1136 = vector.broadcast %add3A_1135 : i32 to vector<16xi32>
      %add3A_1137 = arith.addi %iota3A_332, %add3A_1136 : vector<16xi32>
      %gather3A_1138 = arith.constant 0 : i32
      %gather3A_1139 = arith.constant 3 : i32
      %gather3A_1140 = arith.constant 0 : i32
      %gather3A_1141 = arith.constant 0 : i32
      %gather3A_1142 = tpu.memref_slice %arg10[%gather3A_1138, %gather3A_1139, %gather3A_1140, %gather3A_1141] : memref<2x4x64x128xf32, #tpu.memory_space<vmem>> -> memref<1x1x64x128xf32, #tpu.memory_space<vmem>>
      %gather3A_1143 = tpu.memref_squeeze %gather3A_1142 : memref<1x1x64x128xf32, #tpu.memory_space<vmem>> -> memref<64x128xf32, #tpu.memory_space<vmem>>
      %gather3A_1144 = tpu.vector_load_idx %gather3A_1143[%add3A_1137, %broadcast_in_dim3A_1121] : memref<64x128xf32, #tpu.memory_space<vmem>>[vector<16xi32>, vector<16xi32>], vector<16xf32>,
      %swap3A_1145 = arith.index_cast %add3A_1116 : i32 to index
      %swap3A_1146 = arith.constant 80 : index
      %swap3A_1147 = tpu.vector_load %arg11[%swap3A_1145, %swap3A_1146] {strides = array<i32>} : memref<256x128xf32, #tpu.memory_space<vmem>>, vector<16xf32>,
      tpu.vector_store %arg11[%swap3A_1145, %swap3A_1146], %gather3A_1144 {strides = array<i32>} : memref<256x128xf32, #tpu.memory_space<vmem>>, vector<16xf32>,
      %add3A_1148 = arith.constant 32 : i32
      %add3A_1149 = vector.broadcast %add3A_1148 : i32 to vector<16xi32>
      %add3A_1150 = arith.addi %iota3A_332, %add3A_1149 : vector<16xi32>
      %gather3A_1151 = arith.constant 0 : i32
      %gather3A_1152 = arith.constant 3 : i32
      %gather3A_1153 = arith.constant 0 : i32
      %gather3A_1154 = arith.constant 0 : i32
      %gather3A_1155 = tpu.memref_slice %arg10[%gather3A_1151, %gather3A_1152, %gather3A_1153, %gather3A_1154] : memref<2x4x64x128xf32, #tpu.memory_space<vmem>> -> memref<1x1x64x128xf32, #tpu.memory_space<vmem>>
      %gather3A_1156 = tpu.memref_squeeze %gather3A_1155 : memref<1x1x64x128xf32, #tpu.memory_space<vmem>> -> memref<64x128xf32, #tpu.memory_space<vmem>>
      %gather3A_1157 = tpu.vector_load_idx %gather3A_1156[%add3A_1150, %broadcast_in_dim3A_1121] : memref<64x128xf32, #tpu.memory_space<vmem>>[vector<16xi32>, vector<16xi32>], vector<16xf32>,
      %swap3A_1158 = arith.index_cast %add3A_1116 : i32 to index
      %swap3A_1159 = arith.constant 96 : index
      %swap3A_1160 = tpu.vector_load %arg11[%swap3A_1158, %swap3A_1159] {strides = array<i32>} : memref<256x128xf32, #tpu.memory_space<vmem>>, vector<16xf32>,
      tpu.vector_store %arg11[%swap3A_1158, %swap3A_1159], %gather3A_1157 {strides = array<i32>} : memref<256x128xf32, #tpu.memory_space<vmem>>, vector<16xf32>,
      %add3A_1161 = arith.constant 48 : i32
      %add3A_1162 = vector.broadcast %add3A_1161 : i32 to vector<16xi32>
      %add3A_1163 = arith.addi %iota3A_332, %add3A_1162 : vector<16xi32>
      %gather3A_1164 = arith.constant 0 : i32
      %gather3A_1165 = arith.constant 3 : i32
      %gather3A_1166 = arith.constant 0 : i32
      %gather3A_1167 = arith.constant 0 : i32
      %gather3A_1168 = tpu.memref_slice %arg10[%gather3A_1164, %gather3A_1165, %gather3A_1166, %gather3A_1167] : memref<2x4x64x128xf32, #tpu.memory_space<vmem>> -> memref<1x1x64x128xf32, #tpu.memory_space<vmem>>
      %gather3A_1169 = tpu.memref_squeeze %gather3A_1168 : memref<1x1x64x128xf32, #tpu.memory_space<vmem>> -> memref<64x128xf32, #tpu.memory_space<vmem>>
      %gather3A_1170 = tpu.vector_load_idx %gather3A_1169[%add3A_1163, %broadcast_in_dim3A_1121] : memref<64x128xf32, #tpu.memory_space<vmem>>[vector<16xi32>, vector<16xi32>], vector<16xf32>,
      %swap3A_1171 = arith.index_cast %add3A_1116 : i32 to index
      %swap3A_1172 = arith.constant 112 : index
      %swap3A_1173 = tpu.vector_load %arg11[%swap3A_1171, %swap3A_1172] {strides = array<i32>} : memref<256x128xf32, #tpu.memory_space<vmem>>, vector<16xf32>,
      tpu.vector_store %arg11[%swap3A_1171, %swap3A_1172], %gather3A_1170 {strides = array<i32>} : memref<256x128xf32, #tpu.memory_space<vmem>>, vector<16xf32>,
      %slice3A_1174 = vector.extract_strided_slice %min3A_689 {offsets = [8], sizes = [1], strides = [1]} : vector<16xi32> to vector<1xi32>
      %squeeze3A_1175 = vector.extract %slice3A_1174[0] : i32 from vector<1xi32>
      %shift_right_arithmetic3A_1176 = arith.constant 7 : i32
      %shift_right_arithmetic3A_1177 = arith.shrsi %squeeze3A_1175, %shift_right_arithmetic3A_1176 : i32
      %mul3A_1178 = arith.constant 128 : i32
      %mul3A_1179 = arith.muli %shift_right_arithmetic3A_1177, %mul3A_1178 : i32
      %multiple_of3A_1180 = tpu.assume_multiple %mul3A_1179, 128 : i32
      %dma_start3A_1181 = arith.constant 0 : i32
      %dma_start3A_1182 = arith.constant 0 : i32
      %dma_start3A_1183 = arith.constant 0 : i32
      %dma_start3A_1184 = arith.constant 0 : i32
      %dma_start3A_1185 = tpu.memref_slice %arg10[%dma_start3A_1181, %dma_start3A_1182, %dma_start3A_1183, %dma_start3A_1184] : memref<2x4x64x128xf32, #tpu.memory_space<vmem>> -> memref<1x1x64x128xf32, #tpu.memory_space<vmem>>
      %dma_start3A_1186 = tpu.memref_squeeze %dma_start3A_1185 : memref<1x1x64x128xf32, #tpu.memory_space<vmem>> -> memref<64x128xf32, #tpu.memory_space<vmem>>
      %dma_start3A_1187 = arith.constant 0 : i32
      %dma_start3A_1188 = tpu.memref_slice %arg5[%dma_start3A_1187, %multiple_of3A_1180] : memref<64x1000001xf32, #tpu.memory_space<hbm>> -> memref<64x128xf32, #tpu.memory_space<hbm>>
      %dma_start3A_1189 = arith.constant 0 : i32
      %dma_start3A_1190 = arith.constant 0 : i32
      %dma_start3A_1191 = tpu.memref_slice %arg10[%dma_start3A_1181, %dma_start3A_1182, %dma_start3A_1189, %dma_start3A_1190] : memref<2x4x64x128xf32, #tpu.memory_space<vmem>> -> memref<1x1x64x128xf32, #tpu.memory_space<vmem>>
      %dma_start3A_1192 = tpu.memref_squeeze %dma_start3A_1191 : memref<1x1x64x128xf32, #tpu.memory_space<vmem>> -> memref<64x128xf32, #tpu.memory_space<vmem>>
      %dma_start3A_1193 = arith.constant 0 : i32
      %dma_start3A_1194 = tpu.memref_slice %arg5[%dma_start3A_1193, %multiple_of3A_1180] : memref<64x1000001xf32, #tpu.memory_space<hbm>> -> memref<64x128xf32, #tpu.memory_space<hbm>>
      tpu.enqueue_dma source(%dma_start3A_1194 : memref<64x128xf32, #tpu.memory_space<hbm>>) target(%dma_start3A_1192 : memref<64x128xf32, #tpu.memory_space<vmem>>) target_semaphore(%arg12 : memref<!tpu.dma_semaphore, #tpu.memory_space<semaphore_mem>>)
      %slice3A_1195 = vector.extract_strided_slice %min3A_689 {offsets = [9], sizes = [1], strides = [1]} : vector<16xi32> to vector<1xi32>
      %squeeze3A_1196 = vector.extract %slice3A_1195[0] : i32 from vector<1xi32>
      %shift_right_arithmetic3A_1197 = arith.constant 7 : i32
      %shift_right_arithmetic3A_1198 = arith.shrsi %squeeze3A_1196, %shift_right_arithmetic3A_1197 : i32
      %mul3A_1199 = arith.constant 128 : i32
      %mul3A_1200 = arith.muli %shift_right_arithmetic3A_1198, %mul3A_1199 : i32
      %multiple_of3A_1201 = tpu.assume_multiple %mul3A_1200, 128 : i32
      %dma_start3A_1202 = arith.constant 0 : i32
      %dma_start3A_1203 = arith.constant 1 : i32
      %dma_start3A_1204 = arith.constant 0 : i32
      %dma_start3A_1205 = arith.constant 0 : i32
      %dma_start3A_1206 = tpu.memref_slice %arg10[%dma_start3A_1202, %dma_start3A_1203, %dma_start3A_1204, %dma_start3A_1205] : memref<2x4x64x128xf32, #tpu.memory_space<vmem>> -> memref<1x1x64x128xf32, #tpu.memory_space<vmem>>
      %dma_start3A_1207 = tpu.memref_squeeze %dma_start3A_1206 : memref<1x1x64x128xf32, #tpu.memory_space<vmem>> -> memref<64x128xf32, #tpu.memory_space<vmem>>
      %dma_start3A_1208 = arith.constant 0 : i32
      %dma_start3A_1209 = tpu.memref_slice %arg5[%dma_start3A_1208, %multiple_of3A_1201] : memref<64x1000001xf32, #tpu.memory_space<hbm>> -> memref<64x128xf32, #tpu.memory_space<hbm>>
      %dma_start3A_1210 = arith.constant 0 : i32
      %dma_start3A_1211 = arith.constant 0 : i32
      %dma_start3A_1212 = tpu.memref_slice %arg10[%dma_start3A_1202, %dma_start3A_1203, %dma_start3A_1210, %dma_start3A_1211] : memref<2x4x64x128xf32, #tpu.memory_space<vmem>> -> memref<1x1x64x128xf32, #tpu.memory_space<vmem>>
      %dma_start3A_1213 = tpu.memref_squeeze %dma_start3A_1212 : memref<1x1x64x128xf32, #tpu.memory_space<vmem>> -> memref<64x128xf32, #tpu.memory_space<vmem>>
      %dma_start3A_1214 = arith.constant 0 : i32
      %dma_start3A_1215 = tpu.memref_slice %arg5[%dma_start3A_1214, %multiple_of3A_1201] : memref<64x1000001xf32, #tpu.memory_space<hbm>> -> memref<64x128xf32, #tpu.memory_space<hbm>>
      tpu.enqueue_dma source(%dma_start3A_1215 : memref<64x128xf32, #tpu.memory_space<hbm>>) target(%dma_start3A_1213 : memref<64x128xf32, #tpu.memory_space<vmem>>) target_semaphore(%arg12 : memref<!tpu.dma_semaphore, #tpu.memory_space<semaphore_mem>>)
      %slice3A_1216 = vector.extract_strided_slice %min3A_689 {offsets = [10], sizes = [1], strides = [1]} : vector<16xi32> to vector<1xi32>
      %squeeze3A_1217 = vector.extract %slice3A_1216[0] : i32 from vector<1xi32>
      %shift_right_arithmetic3A_1218 = arith.constant 7 : i32
      %shift_right_arithmetic3A_1219 = arith.shrsi %squeeze3A_1217, %shift_right_arithmetic3A_1218 : i32
      %mul3A_1220 = arith.constant 128 : i32
      %mul3A_1221 = arith.muli %shift_right_arithmetic3A_1219, %mul3A_1220 : i32
      %multiple_of3A_1222 = tpu.assume_multiple %mul3A_1221, 128 : i32
      %dma_start3A_1223 = arith.constant 0 : i32
      %dma_start3A_1224 = arith.constant 2 : i32
      %dma_start3A_1225 = arith.constant 0 : i32
      %dma_start3A_1226 = arith.constant 0 : i32
      %dma_start3A_1227 = tpu.memref_slice %arg10[%dma_start3A_1223, %dma_start3A_1224, %dma_start3A_1225, %dma_start3A_1226] : memref<2x4x64x128xf32, #tpu.memory_space<vmem>> -> memref<1x1x64x128xf32, #tpu.memory_space<vmem>>
      %dma_start3A_1228 = tpu.memref_squeeze %dma_start3A_1227 : memref<1x1x64x128xf32, #tpu.memory_space<vmem>> -> memref<64x128xf32, #tpu.memory_space<vmem>>
      %dma_start3A_1229 = arith.constant 0 : i32
      %dma_start3A_1230 = tpu.memref_slice %arg5[%dma_start3A_1229, %multiple_of3A_1222] : memref<64x1000001xf32, #tpu.memory_space<hbm>> -> memref<64x128xf32, #tpu.memory_space<hbm>>
      %dma_start3A_1231 = arith.constant 0 : i32
      %dma_start3A_1232 = arith.constant 0 : i32
      %dma_start3A_1233 = tpu.memref_slice %arg10[%dma_start3A_1223, %dma_start3A_1224, %dma_start3A_1231, %dma_start3A_1232] : memref<2x4x64x128xf32, #tpu.memory_space<vmem>> -> memref<1x1x64x128xf32, #tpu.memory_space<vmem>>
      %dma_start3A_1234 = tpu.memref_squeeze %dma_start3A_1233 : memref<1x1x64x128xf32, #tpu.memory_space<vmem>> -> memref<64x128xf32, #tpu.memory_space<vmem>>
      %dma_start3A_1235 = arith.constant 0 : i32
      %dma_start3A_1236 = tpu.memref_slice %arg5[%dma_start3A_1235, %multiple_of3A_1222] : memref<64x1000001xf32, #tpu.memory_space<hbm>> -> memref<64x128xf32, #tpu.memory_space<hbm>>
      tpu.enqueue_dma source(%dma_start3A_1236 : memref<64x128xf32, #tpu.memory_space<hbm>>) target(%dma_start3A_1234 : memref<64x128xf32, #tpu.memory_space<vmem>>) target_semaphore(%arg12 : memref<!tpu.dma_semaphore, #tpu.memory_space<semaphore_mem>>)
      %slice3A_1237 = vector.extract_strided_slice %min3A_689 {offsets = [11], sizes = [1], strides = [1]} : vector<16xi32> to vector<1xi32>
      %squeeze3A_1238 = vector.extract %slice3A_1237[0] : i32 from vector<1xi32>
      %shift_right_arithmetic3A_1239 = arith.constant 7 : i32
      %shift_right_arithmetic3A_1240 = arith.shrsi %squeeze3A_1238, %shift_right_arithmetic3A_1239 : i32
      %mul3A_1241 = arith.constant 128 : i32
      %mul3A_1242 = arith.muli %shift_right_arithmetic3A_1240, %mul3A_1241 : i32
      %multiple_of3A_1243 = tpu.assume_multiple %mul3A_1242, 128 : i32
      %dma_start3A_1244 = arith.constant 0 : i32
      %dma_start3A_1245 = arith.constant 3 : i32
      %dma_start3A_1246 = arith.constant 0 : i32
      %dma_start3A_1247 = arith.constant 0 : i32
      %dma_start3A_1248 = tpu.memref_slice %arg10[%dma_start3A_1244, %dma_start3A_1245, %dma_start3A_1246, %dma_start3A_1247] : memref<2x4x64x128xf32, #tpu.memory_space<vmem>> -> memref<1x1x64x128xf32, #tpu.memory_space<vmem>>
      %dma_start3A_1249 = tpu.memref_squeeze %dma_start3A_1248 : memref<1x1x64x128xf32, #tpu.memory_space<vmem>> -> memref<64x128xf32, #tpu.memory_space<vmem>>
      %dma_start3A_1250 = arith.constant 0 : i32
      %dma_start3A_1251 = tpu.memref_slice %arg5[%dma_start3A_1250, %multiple_of3A_1243] : memref<64x1000001xf32, #tpu.memory_space<hbm>> -> memref<64x128xf32, #tpu.memory_space<hbm>>
      %dma_start3A_1252 = arith.constant 0 : i32
      %dma_start3A_1253 = arith.constant 0 : i32
      %dma_start3A_1254 = tpu.memref_slice %arg10[%dma_start3A_1244, %dma_start3A_1245, %dma_start3A_1252, %dma_start3A_1253] : memref<2x4x64x128xf32, #tpu.memory_space<vmem>> -> memref<1x1x64x128xf32, #tpu.memory_space<vmem>>
      %dma_start3A_1255 = tpu.memref_squeeze %dma_start3A_1254 : memref<1x1x64x128xf32, #tpu.memory_space<vmem>> -> memref<64x128xf32, #tpu.memory_space<vmem>>
      %dma_start3A_1256 = arith.constant 0 : i32
      %dma_start3A_1257 = tpu.memref_slice %arg5[%dma_start3A_1256, %multiple_of3A_1243] : memref<64x1000001xf32, #tpu.memory_space<hbm>> -> memref<64x128xf32, #tpu.memory_space<hbm>>
      tpu.enqueue_dma source(%dma_start3A_1257 : memref<64x128xf32, #tpu.memory_space<hbm>>) target(%dma_start3A_1255 : memref<64x128xf32, #tpu.memory_space<vmem>>) target_semaphore(%arg12 : memref<!tpu.dma_semaphore, #tpu.memory_space<semaphore_mem>>)
      %dma_wait3A_1258 = arith.constant 1 : i32
      %dma_wait3A_1259 = arith.constant 0 : i32
      %dma_wait3A_1260 = arith.constant 0 : i32
      %dma_wait3A_1261 = arith.constant 0 : i32
      %dma_wait3A_1262 = tpu.memref_slice %arg10[%dma_wait3A_1258, %dma_wait3A_1259, %dma_wait3A_1260, %dma_wait3A_1261] : memref<2x4x64x128xf32, #tpu.memory_space<vmem>> -> memref<1x1x64x128xf32, #tpu.memory_space<vmem>>
      %dma_wait3A_1263 = tpu.memref_squeeze %dma_wait3A_1262 : memref<1x1x64x128xf32, #tpu.memory_space<vmem>> -> memref<64x128xf32, #tpu.memory_space<vmem>>
      %dma_wait3A_1264 = arith.constant 0 : i32
      %dma_wait3A_1265 = arith.constant 0 : i32
      %dma_wait3A_1266 = tpu.memref_slice %arg5[%dma_wait3A_1264, %dma_wait3A_1265] : memref<64x1000001xf32, #tpu.memory_space<hbm>> -> memref<64x128xf32, #tpu.memory_space<hbm>>
      %dma_wait3A_1267 = arith.constant 0 : i32
      %dma_wait3A_1268 = arith.constant 0 : i32
      %dma_wait3A_1269 = tpu.memref_slice %arg10[%dma_wait3A_1258, %dma_wait3A_1259, %dma_wait3A_1267, %dma_wait3A_1268] : memref<2x4x64x128xf32, #tpu.memory_space<vmem>> -> memref<1x1x64x128xf32, #tpu.memory_space<vmem>>
      %dma_wait3A_1270 = tpu.memref_squeeze %dma_wait3A_1269 : memref<1x1x64x128xf32, #tpu.memory_space<vmem>> -> memref<64x128xf32, #tpu.memory_space<vmem>>
      %dma_wait3A_1271 = arith.constant 0 : i32
      %dma_wait3A_1272 = arith.constant 0 : i32
      %dma_wait3A_1273 = tpu.memref_slice %arg5[%dma_wait3A_1271, %dma_wait3A_1272] : memref<64x1000001xf32, #tpu.memory_space<hbm>> -> memref<64x128xf32, #tpu.memory_space<hbm>>
      tpu.wait_dma2 semaphore(%arg13 : memref<!tpu.dma_semaphore, #tpu.memory_space<semaphore_mem>>) src(%dma_wait3A_1273 : memref<64x128xf32, #tpu.memory_space<hbm>>) dst(%dma_wait3A_1270 : memref<64x128xf32, #tpu.memory_space<vmem>>)
      %dma_wait3A_1274 = arith.constant 1 : i32
      %dma_wait3A_1275 = arith.constant 1 : i32
      %dma_wait3A_1276 = arith.constant 0 : i32
      %dma_wait3A_1277 = arith.constant 0 : i32
      %dma_wait3A_1278 = tpu.memref_slice %arg10[%dma_wait3A_1274, %dma_wait3A_1275, %dma_wait3A_1276, %dma_wait3A_1277] : memref<2x4x64x128xf32, #tpu.memory_space<vmem>> -> memref<1x1x64x128xf32, #tpu.memory_space<vmem>>
      %dma_wait3A_1279 = tpu.memref_squeeze %dma_wait3A_1278 : memref<1x1x64x128xf32, #tpu.memory_space<vmem>> -> memref<64x128xf32, #tpu.memory_space<vmem>>
      %dma_wait3A_1280 = arith.constant 0 : i32
      %dma_wait3A_1281 = arith.constant 0 : i32
      %dma_wait3A_1282 = tpu.memref_slice %arg5[%dma_wait3A_1280, %dma_wait3A_1281] : memref<64x1000001xf32, #tpu.memory_space<hbm>> -> memref<64x128xf32, #tpu.memory_space<hbm>>
      %dma_wait3A_1283 = arith.constant 0 : i32
      %dma_wait3A_1284 = arith.constant 0 : i32
      %dma_wait3A_1285 = tpu.memref_slice %arg10[%dma_wait3A_1274, %dma_wait3A_1275, %dma_wait3A_1283, %dma_wait3A_1284] : memref<2x4x64x128xf32, #tpu.memory_space<vmem>> -> memref<1x1x64x128xf32, #tpu.memory_space<vmem>>
      %dma_wait3A_1286 = tpu.memref_squeeze %dma_wait3A_1285 : memref<1x1x64x128xf32, #tpu.memory_space<vmem>> -> memref<64x128xf32, #tpu.memory_space<vmem>>
      %dma_wait3A_1287 = arith.constant 0 : i32
      %dma_wait3A_1288 = arith.constant 0 : i32
      %dma_wait3A_1289 = tpu.memref_slice %arg5[%dma_wait3A_1287, %dma_wait3A_1288] : memref<64x1000001xf32, #tpu.memory_space<hbm>> -> memref<64x128xf32, #tpu.memory_space<hbm>>
      tpu.wait_dma2 semaphore(%arg13 : memref<!tpu.dma_semaphore, #tpu.memory_space<semaphore_mem>>) src(%dma_wait3A_1289 : memref<64x128xf32, #tpu.memory_space<hbm>>) dst(%dma_wait3A_1286 : memref<64x128xf32, #tpu.memory_space<vmem>>)
      %dma_wait3A_1290 = arith.constant 1 : i32
      %dma_wait3A_1291 = arith.constant 2 : i32
      %dma_wait3A_1292 = arith.constant 0 : i32
      %dma_wait3A_1293 = arith.constant 0 : i32
      %dma_wait3A_1294 = tpu.memref_slice %arg10[%dma_wait3A_1290, %dma_wait3A_1291, %dma_wait3A_1292, %dma_wait3A_1293] : memref<2x4x64x128xf32, #tpu.memory_space<vmem>> -> memref<1x1x64x128xf32, #tpu.memory_space<vmem>>
      %dma_wait3A_1295 = tpu.memref_squeeze %dma_wait3A_1294 : memref<1x1x64x128xf32, #tpu.memory_space<vmem>> -> memref<64x128xf32, #tpu.memory_space<vmem>>
      %dma_wait3A_1296 = arith.constant 0 : i32
      %dma_wait3A_1297 = arith.constant 0 : i32
      %dma_wait3A_1298 = tpu.memref_slice %arg5[%dma_wait3A_1296, %dma_wait3A_1297] : memref<64x1000001xf32, #tpu.memory_space<hbm>> -> memref<64x128xf32, #tpu.memory_space<hbm>>
      %dma_wait3A_1299 = arith.constant 0 : i32
      %dma_wait3A_1300 = arith.constant 0 : i32
      %dma_wait3A_1301 = tpu.memref_slice %arg10[%dma_wait3A_1290, %dma_wait3A_1291, %dma_wait3A_1299, %dma_wait3A_1300] : memref<2x4x64x128xf32, #tpu.memory_space<vmem>> -> memref<1x1x64x128xf32, #tpu.memory_space<vmem>>
      %dma_wait3A_1302 = tpu.memref_squeeze %dma_wait3A_1301 : memref<1x1x64x128xf32, #tpu.memory_space<vmem>> -> memref<64x128xf32, #tpu.memory_space<vmem>>
      %dma_wait3A_1303 = arith.constant 0 : i32
      %dma_wait3A_1304 = arith.constant 0 : i32
      %dma_wait3A_1305 = tpu.memref_slice %arg5[%dma_wait3A_1303, %dma_wait3A_1304] : memref<64x1000001xf32, #tpu.memory_space<hbm>> -> memref<64x128xf32, #tpu.memory_space<hbm>>
      tpu.wait_dma2 semaphore(%arg13 : memref<!tpu.dma_semaphore, #tpu.memory_space<semaphore_mem>>) src(%dma_wait3A_1305 : memref<64x128xf32, #tpu.memory_space<hbm>>) dst(%dma_wait3A_1302 : memref<64x128xf32, #tpu.memory_space<vmem>>)
      %dma_wait3A_1306 = arith.constant 1 : i32
      %dma_wait3A_1307 = arith.constant 3 : i32
      %dma_wait3A_1308 = arith.constant 0 : i32
      %dma_wait3A_1309 = arith.constant 0 : i32
      %dma_wait3A_1310 = tpu.memref_slice %arg10[%dma_wait3A_1306, %dma_wait3A_1307, %dma_wait3A_1308, %dma_wait3A_1309] : memref<2x4x64x128xf32, #tpu.memory_space<vmem>> -> memref<1x1x64x128xf32, #tpu.memory_space<vmem>>
      %dma_wait3A_1311 = tpu.memref_squeeze %dma_wait3A_1310 : memref<1x1x64x128xf32, #tpu.memory_space<vmem>> -> memref<64x128xf32, #tpu.memory_space<vmem>>
      %dma_wait3A_1312 = arith.constant 0 : i32
      %dma_wait3A_1313 = arith.constant 0 : i32
      %dma_wait3A_1314 = tpu.memref_slice %arg5[%dma_wait3A_1312, %dma_wait3A_1313] : memref<64x1000001xf32, #tpu.memory_space<hbm>> -> memref<64x128xf32, #tpu.memory_space<hbm>>
      %dma_wait3A_1315 = arith.constant 0 : i32
      %dma_wait3A_1316 = arith.constant 0 : i32
      %dma_wait3A_1317 = tpu.memref_slice %arg10[%dma_wait3A_1306, %dma_wait3A_1307, %dma_wait3A_1315, %dma_wait3A_1316] : memref<2x4x64x128xf32, #tpu.memory_space<vmem>> -> memref<1x1x64x128xf32, #tpu.memory_space<vmem>>
      %dma_wait3A_1318 = tpu.memref_squeeze %dma_wait3A_1317 : memref<1x1x64x128xf32, #tpu.memory_space<vmem>> -> memref<64x128xf32, #tpu.memory_space<vmem>>
      %dma_wait3A_1319 = arith.constant 0 : i32
      %dma_wait3A_1320 = arith.constant 0 : i32
      %dma_wait3A_1321 = tpu.memref_slice %arg5[%dma_wait3A_1319, %dma_wait3A_1320] : memref<64x1000001xf32, #tpu.memory_space<hbm>> -> memref<64x128xf32, #tpu.memory_space<hbm>>
      tpu.wait_dma2 semaphore(%arg13 : memref<!tpu.dma_semaphore, #tpu.memory_space<semaphore_mem>>) src(%dma_wait3A_1321 : memref<64x128xf32, #tpu.memory_space<hbm>>) dst(%dma_wait3A_1318 : memref<64x128xf32, #tpu.memory_space<vmem>>)
      %mul3A_1322 = arith.constant 8 : i32
      %mul3A_1323 = arith.muli %scan3A_680, %mul3A_1322 : i32
      %add3A_1324 = arith.constant 2 : i32
      %add3A_1325 = arith.addi %mul3A_1323, %add3A_1324 : i32
      %add3A_1326 = arith.constant 0 : i32
      %add3A_1327 = arith.addi %add3A_1325, %add3A_1326 : i32
      %slice3A_1328 = vector.extract_strided_slice %min3A_689 {offsets = [4], sizes = [1], strides = [1]} : vector<16xi32> to vector<1xi32>
      %squeeze3A_1329 = vector.extract %slice3A_1328[0] : i32 from vector<1xi32>
      %and3A_1330 = arith.constant 127 : i32
      %and3A_1331 = arith.andi %squeeze3A_1329, %and3A_1330 : i32
      %broadcast_in_dim3A_1332 = vector.broadcast %and3A_1331 : i32 to vector<16xi32>
      %add3A_1333 = arith.constant 0 : i32
      %add3A_1334 = vector.broadcast %add3A_1333 : i32 to vector<16xi32>
      %add3A_1335 = arith.addi %iota3A_332, %add3A_1334 : vector<16xi32>
      %gather3A_1336 = arith.constant 1 : i32
      %gather3A_1337 = arith.constant 0 : i32
      %gather3A_1338 = arith.constant 0 : i32
      %gather3A_1339 = arith.constant 0 : i32
      %gather3A_1340 = tpu.memref_slice %arg10[%gather3A_1336, %gather3A_1337, %gather3A_1338, %gather3A_1339] : memref<2x4x64x128xf32, #tpu.memory_space<vmem>> -> memref<1x1x64x128xf32, #tpu.memory_space<vmem>>
      %gather3A_1341 = tpu.memref_squeeze %gather3A_1340 : memref<1x1x64x128xf32, #tpu.memory_space<vmem>> -> memref<64x128xf32, #tpu.memory_space<vmem>>
      %gather3A_1342 = tpu.vector_load_idx %gather3A_1341[%add3A_1335, %broadcast_in_dim3A_1332] : memref<64x128xf32, #tpu.memory_space<vmem>>[vector<16xi32>, vector<16xi32>], vector<16xf32>,
      %swap3A_1343 = arith.index_cast %add3A_1327 : i32 to index
      %swap3A_1344 = arith.constant 0 : index
      %swap3A_1345 = tpu.vector_load %arg11[%swap3A_1343, %swap3A_1344] {strides = array<i32>} : memref<256x128xf32, #tpu.memory_space<vmem>>, vector<16xf32>,
      tpu.vector_store %arg11[%swap3A_1343, %swap3A_1344], %gather3A_1342 {strides = array<i32>} : memref<256x128xf32, #tpu.memory_space<vmem>>, vector<16xf32>,
      %add3A_1346 = arith.constant 16 : i32
      %add3A_1347 = vector.broadcast %add3A_1346 : i32 to vector<16xi32>
      %add3A_1348 = arith.addi %iota3A_332, %add3A_1347 : vector<16xi32>
      %gather3A_1349 = arith.constant 1 : i32
      %gather3A_1350 = arith.constant 0 : i32
      %gather3A_1351 = arith.constant 0 : i32
      %gather3A_1352 = arith.constant 0 : i32
      %gather3A_1353 = tpu.memref_slice %arg10[%gather3A_1349, %gather3A_1350, %gather3A_1351, %gather3A_1352] : memref<2x4x64x128xf32, #tpu.memory_space<vmem>> -> memref<1x1x64x128xf32, #tpu.memory_space<vmem>>
      %gather3A_1354 = tpu.memref_squeeze %gather3A_1353 : memref<1x1x64x128xf32, #tpu.memory_space<vmem>> -> memref<64x128xf32, #tpu.memory_space<vmem>>
      %gather3A_1355 = tpu.vector_load_idx %gather3A_1354[%add3A_1348, %broadcast_in_dim3A_1332] : memref<64x128xf32, #tpu.memory_space<vmem>>[vector<16xi32>, vector<16xi32>], vector<16xf32>,
      %swap3A_1356 = arith.index_cast %add3A_1327 : i32 to index
      %swap3A_1357 = arith.constant 16 : index
      %swap3A_1358 = tpu.vector_load %arg11[%swap3A_1356, %swap3A_1357] {strides = array<i32>} : memref<256x128xf32, #tpu.memory_space<vmem>>, vector<16xf32>,
      tpu.vector_store %arg11[%swap3A_1356, %swap3A_1357], %gather3A_1355 {strides = array<i32>} : memref<256x128xf32, #tpu.memory_space<vmem>>, vector<16xf32>,
      %add3A_1359 = arith.constant 32 : i32
      %add3A_1360 = vector.broadcast %add3A_1359 : i32 to vector<16xi32>
      %add3A_1361 = arith.addi %iota3A_332, %add3A_1360 : vector<16xi32>
      %gather3A_1362 = arith.constant 1 : i32
      %gather3A_1363 = arith.constant 0 : i32
      %gather3A_1364 = arith.constant 0 : i32
      %gather3A_1365 = arith.constant 0 : i32
      %gather3A_1366 = tpu.memref_slice %arg10[%gather3A_1362, %gather3A_1363, %gather3A_1364, %gather3A_1365] : memref<2x4x64x128xf32, #tpu.memory_space<vmem>> -> memref<1x1x64x128xf32, #tpu.memory_space<vmem>>
      %gather3A_1367 = tpu.memref_squeeze %gather3A_1366 : memref<1x1x64x128xf32, #tpu.memory_space<vmem>> -> memref<64x128xf32, #tpu.memory_space<vmem>>
      %gather3A_1368 = tpu.vector_load_idx %gather3A_1367[%add3A_1361, %broadcast_in_dim3A_1332] : memref<64x128xf32, #tpu.memory_space<vmem>>[vector<16xi32>, vector<16xi32>], vector<16xf32>,
      %swap3A_1369 = arith.index_cast %add3A_1327 : i32 to index
      %swap3A_1370 = arith.constant 32 : index
      %swap3A_1371 = tpu.vector_load %arg11[%swap3A_1369, %swap3A_1370] {strides = array<i32>} : memref<256x128xf32, #tpu.memory_space<vmem>>, vector<16xf32>,
      tpu.vector_store %arg11[%swap3A_1369, %swap3A_1370], %gather3A_1368 {strides = array<i32>} : memref<256x128xf32, #tpu.memory_space<vmem>>, vector<16xf32>,
      %add3A_1372 = arith.constant 48 : i32
      %add3A_1373 = vector.broadcast %add3A_1372 : i32 to vector<16xi32>
      %add3A_1374 = arith.addi %iota3A_332, %add3A_1373 : vector<16xi32>
      %gather3A_1375 = arith.constant 1 : i32
      %gather3A_1376 = arith.constant 0 : i32
      %gather3A_1377 = arith.constant 0 : i32
      %gather3A_1378 = arith.constant 0 : i32
      %gather3A_1379 = tpu.memref_slice %arg10[%gather3A_1375, %gather3A_1376, %gather3A_1377, %gather3A_1378] : memref<2x4x64x128xf32, #tpu.memory_space<vmem>> -> memref<1x1x64x128xf32, #tpu.memory_space<vmem>>
      %gather3A_1380 = tpu.memref_squeeze %gather3A_1379 : memref<1x1x64x128xf32, #tpu.memory_space<vmem>> -> memref<64x128xf32, #tpu.memory_space<vmem>>
      %gather3A_1381 = tpu.vector_load_idx %gather3A_1380[%add3A_1374, %broadcast_in_dim3A_1332] : memref<64x128xf32, #tpu.memory_space<vmem>>[vector<16xi32>, vector<16xi32>], vector<16xf32>,
      %swap3A_1382 = arith.index_cast %add3A_1327 : i32 to index
      %swap3A_1383 = arith.constant 48 : index
      %swap3A_1384 = tpu.vector_load %arg11[%swap3A_1382, %swap3A_1383] {strides = array<i32>} : memref<256x128xf32, #tpu.memory_space<vmem>>, vector<16xf32>,
      tpu.vector_store %arg11[%swap3A_1382, %swap3A_1383], %gather3A_1381 {strides = array<i32>} : memref<256x128xf32, #tpu.memory_space<vmem>>, vector<16xf32>,
      %mul3A_1385 = arith.constant 8 : i32
      %mul3A_1386 = arith.muli %scan3A_680, %mul3A_1385 : i32
      %add3A_1387 = arith.constant 2 : i32
      %add3A_1388 = arith.addi %mul3A_1386, %add3A_1387 : i32
      %add3A_1389 = arith.constant 0 : i32
      %add3A_1390 = arith.addi %add3A_1388, %add3A_1389 : i32
      %slice3A_1391 = vector.extract_strided_slice %min3A_689 {offsets = [5], sizes = [1], strides = [1]} : vector<16xi32> to vector<1xi32>
      %squeeze3A_1392 = vector.extract %slice3A_1391[0] : i32 from vector<1xi32>
      %and3A_1393 = arith.constant 127 : i32
      %and3A_1394 = arith.andi %squeeze3A_1392, %and3A_1393 : i32
      %broadcast_in_dim3A_1395 = vector.broadcast %and3A_1394 : i32 to vector<16xi32>
      %add3A_1396 = arith.constant 0 : i32
      %add3A_1397 = vector.broadcast %add3A_1396 : i32 to vector<16xi32>
      %add3A_1398 = arith.addi %iota3A_332, %add3A_1397 : vector<16xi32>
      %gather3A_1399 = arith.constant 1 : i32
      %gather3A_1400 = arith.constant 1 : i32
      %gather3A_1401 = arith.constant 0 : i32
      %gather3A_1402 = arith.constant 0 : i32
      %gather3A_1403 = tpu.memref_slice %arg10[%gather3A_1399, %gather3A_1400, %gather3A_1401, %gather3A_1402] : memref<2x4x64x128xf32, #tpu.memory_space<vmem>> -> memref<1x1x64x128xf32, #tpu.memory_space<vmem>>
      %gather3A_1404 = tpu.memref_squeeze %gather3A_1403 : memref<1x1x64x128xf32, #tpu.memory_space<vmem>> -> memref<64x128xf32, #tpu.memory_space<vmem>>
      %gather3A_1405 = tpu.vector_load_idx %gather3A_1404[%add3A_1398, %broadcast_in_dim3A_1395] : memref<64x128xf32, #tpu.memory_space<vmem>>[vector<16xi32>, vector<16xi32>], vector<16xf32>,
      %swap3A_1406 = arith.index_cast %add3A_1390 : i32 to index
      %swap3A_1407 = arith.constant 64 : index
      %swap3A_1408 = tpu.vector_load %arg11[%swap3A_1406, %swap3A_1407] {strides = array<i32>} : memref<256x128xf32, #tpu.memory_space<vmem>>, vector<16xf32>,
      tpu.vector_store %arg11[%swap3A_1406, %swap3A_1407], %gather3A_1405 {strides = array<i32>} : memref<256x128xf32, #tpu.memory_space<vmem>>, vector<16xf32>,
      %add3A_1409 = arith.constant 16 : i32
      %add3A_1410 = vector.broadcast %add3A_1409 : i32 to vector<16xi32>
      %add3A_1411 = arith.addi %iota3A_332, %add3A_1410 : vector<16xi32>
      %gather3A_1412 = arith.constant 1 : i32
      %gather3A_1413 = arith.constant 1 : i32
      %gather3A_1414 = arith.constant 0 : i32
      %gather3A_1415 = arith.constant 0 : i32
      %gather3A_1416 = tpu.memref_slice %arg10[%gather3A_1412, %gather3A_1413, %gather3A_1414, %gather3A_1415] : memref<2x4x64x128xf32, #tpu.memory_space<vmem>> -> memref<1x1x64x128xf32, #tpu.memory_space<vmem>>
      %gather3A_1417 = tpu.memref_squeeze %gather3A_1416 : memref<1x1x64x128xf32, #tpu.memory_space<vmem>> -> memref<64x128xf32, #tpu.memory_space<vmem>>
      %gather3A_1418 = tpu.vector_load_idx %gather3A_1417[%add3A_1411, %broadcast_in_dim3A_1395] : memref<64x128xf32, #tpu.memory_space<vmem>>[vector<16xi32>, vector<16xi32>], vector<16xf32>,
      %swap3A_1419 = arith.index_cast %add3A_1390 : i32 to index
      %swap3A_1420 = arith.constant 80 : index
      %swap3A_1421 = tpu.vector_load %arg11[%swap3A_1419, %swap3A_1420] {strides = array<i32>} : memref<256x128xf32, #tpu.memory_space<vmem>>, vector<16xf32>,
      tpu.vector_store %arg11[%swap3A_1419, %swap3A_1420], %gather3A_1418 {strides = array<i32>} : memref<256x128xf32, #tpu.memory_space<vmem>>, vector<16xf32>,
      %add3A_1422 = arith.constant 32 : i32
      %add3A_1423 = vector.broadcast %add3A_1422 : i32 to vector<16xi32>
      %add3A_1424 = arith.addi %iota3A_332, %add3A_1423 : vector<16xi32>
      %gather3A_1425 = arith.constant 1 : i32
      %gather3A_1426 = arith.constant 1 : i32
      %gather3A_1427 = arith.constant 0 : i32
      %gather3A_1428 = arith.constant 0 : i32
      %gather3A_1429 = tpu.memref_slice %arg10[%gather3A_1425, %gather3A_1426, %gather3A_1427, %gather3A_1428] : memref<2x4x64x128xf32, #tpu.memory_space<vmem>> -> memref<1x1x64x128xf32, #tpu.memory_space<vmem>>
      %gather3A_1430 = tpu.memref_squeeze %gather3A_1429 : memref<1x1x64x128xf32, #tpu.memory_space<vmem>> -> memref<64x128xf32, #tpu.memory_space<vmem>>
      %gather3A_1431 = tpu.vector_load_idx %gather3A_1430[%add3A_1424, %broadcast_in_dim3A_1395] : memref<64x128xf32, #tpu.memory_space<vmem>>[vector<16xi32>, vector<16xi32>], vector<16xf32>,
      %swap3A_1432 = arith.index_cast %add3A_1390 : i32 to index
      %swap3A_1433 = arith.constant 96 : index
      %swap3A_1434 = tpu.vector_load %arg11[%swap3A_1432, %swap3A_1433] {strides = array<i32>} : memref<256x128xf32, #tpu.memory_space<vmem>>, vector<16xf32>,
      tpu.vector_store %arg11[%swap3A_1432, %swap3A_1433], %gather3A_1431 {strides = array<i32>} : memref<256x128xf32, #tpu.memory_space<vmem>>, vector<16xf32>,
      %add3A_1435 = arith.constant 48 : i32
      %add3A_1436 = vector.broadcast %add3A_1435 : i32 to vector<16xi32>
      %add3A_1437 = arith.addi %iota3A_332, %add3A_1436 : vector<16xi32>
      %gather3A_1438 = arith.constant 1 : i32
      %gather3A_1439 = arith.constant 1 : i32
      %gather3A_1440 = arith.constant 0 : i32
      %gather3A_1441 = arith.constant 0 : i32
      %gather3A_1442 = tpu.memref_slice %arg10[%gather3A_1438, %gather3A_1439, %gather3A_1440, %gather3A_1441] : memref<2x4x64x128xf32, #tpu.memory_space<vmem>> -> memref<1x1x64x128xf32, #tpu.memory_space<vmem>>
      %gather3A_1443 = tpu.memref_squeeze %gather3A_1442 : memref<1x1x64x128xf32, #tpu.memory_space<vmem>> -> memref<64x128xf32, #tpu.memory_space<vmem>>
      %gather3A_1444 = tpu.vector_load_idx %gather3A_1443[%add3A_1437, %broadcast_in_dim3A_1395] : memref<64x128xf32, #tpu.memory_space<vmem>>[vector<16xi32>, vector<16xi32>], vector<16xf32>,
      %swap3A_1445 = arith.index_cast %add3A_1390 : i32 to index
      %swap3A_1446 = arith.constant 112 : index
      %swap3A_1447 = tpu.vector_load %arg11[%swap3A_1445, %swap3A_1446] {strides = array<i32>} : memref<256x128xf32, #tpu.memory_space<vmem>>, vector<16xf32>,
      tpu.vector_store %arg11[%swap3A_1445, %swap3A_1446], %gather3A_1444 {strides = array<i32>} : memref<256x128xf32, #tpu.memory_space<vmem>>, vector<16xf32>,
      %mul3A_1448 = arith.constant 8 : i32
      %mul3A_1449 = arith.muli %scan3A_680, %mul3A_1448 : i32
      %add3A_1450 = arith.constant 2 : i32
      %add3A_1451 = arith.addi %mul3A_1449, %add3A_1450 : i32
      %add3A_1452 = arith.constant 1 : i32
      %add3A_1453 = arith.addi %add3A_1451, %add3A_1452 : i32
      %slice3A_1454 = vector.extract_strided_slice %min3A_689 {offsets = [6], sizes = [1], strides = [1]} : vector<16xi32> to vector<1xi32>
      %squeeze3A_1455 = vector.extract %slice3A_1454[0] : i32 from vector<1xi32>
      %and3A_1456 = arith.constant 127 : i32
      %and3A_1457 = arith.andi %squeeze3A_1455, %and3A_1456 : i32
      %broadcast_in_dim3A_1458 = vector.broadcast %and3A_1457 : i32 to vector<16xi32>
      %add3A_1459 = arith.constant 0 : i32
      %add3A_1460 = vector.broadcast %add3A_1459 : i32 to vector<16xi32>
      %add3A_1461 = arith.addi %iota3A_332, %add3A_1460 : vector<16xi32>
      %gather3A_1462 = arith.constant 1 : i32
      %gather3A_1463 = arith.constant 2 : i32
      %gather3A_1464 = arith.constant 0 : i32
      %gather3A_1465 = arith.constant 0 : i32
      %gather3A_1466 = tpu.memref_slice %arg10[%gather3A_1462, %gather3A_1463, %gather3A_1464, %gather3A_1465] : memref<2x4x64x128xf32, #tpu.memory_space<vmem>> -> memref<1x1x64x128xf32, #tpu.memory_space<vmem>>
      %gather3A_1467 = tpu.memref_squeeze %gather3A_1466 : memref<1x1x64x128xf32, #tpu.memory_space<vmem>> -> memref<64x128xf32, #tpu.memory_space<vmem>>
      %gather3A_1468 = tpu.vector_load_idx %gather3A_1467[%add3A_1461, %broadcast_in_dim3A_1458] : memref<64x128xf32, #tpu.memory_space<vmem>>[vector<16xi32>, vector<16xi32>], vector<16xf32>,
      %swap3A_1469 = arith.index_cast %add3A_1453 : i32 to index
      %swap3A_1470 = arith.constant 0 : index
      %swap3A_1471 = tpu.vector_load %arg11[%swap3A_1469, %swap3A_1470] {strides = array<i32>} : memref<256x128xf32, #tpu.memory_space<vmem>>, vector<16xf32>,
      tpu.vector_store %arg11[%swap3A_1469, %swap3A_1470], %gather3A_1468 {strides = array<i32>} : memref<256x128xf32, #tpu.memory_space<vmem>>, vector<16xf32>,
      %add3A_1472 = arith.constant 16 : i32
      %add3A_1473 = vector.broadcast %add3A_1472 : i32 to vector<16xi32>
      %add3A_1474 = arith.addi %iota3A_332, %add3A_1473 : vector<16xi32>
      %gather3A_1475 = arith.constant 1 : i32
      %gather3A_1476 = arith.constant 2 : i32
      %gather3A_1477 = arith.constant 0 : i32
      %gather3A_1478 = arith.constant 0 : i32
      %gather3A_1479 = tpu.memref_slice %arg10[%gather3A_1475, %gather3A_1476, %gather3A_1477, %gather3A_1478] : memref<2x4x64x128xf32, #tpu.memory_space<vmem>> -> memref<1x1x64x128xf32, #tpu.memory_space<vmem>>
      %gather3A_1480 = tpu.memref_squeeze %gather3A_1479 : memref<1x1x64x128xf32, #tpu.memory_space<vmem>> -> memref<64x128xf32, #tpu.memory_space<vmem>>
      %gather3A_1481 = tpu.vector_load_idx %gather3A_1480[%add3A_1474, %broadcast_in_dim3A_1458] : memref<64x128xf32, #tpu.memory_space<vmem>>[vector<16xi32>, vector<16xi32>], vector<16xf32>,
      %swap3A_1482 = arith.index_cast %add3A_1453 : i32 to index
      %swap3A_1483 = arith.constant 16 : index
      %swap3A_1484 = tpu.vector_load %arg11[%swap3A_1482, %swap3A_1483] {strides = array<i32>} : memref<256x128xf32, #tpu.memory_space<vmem>>, vector<16xf32>,
      tpu.vector_store %arg11[%swap3A_1482, %swap3A_1483], %gather3A_1481 {strides = array<i32>} : memref<256x128xf32, #tpu.memory_space<vmem>>, vector<16xf32>,
      %add3A_1485 = arith.constant 32 : i32
      %add3A_1486 = vector.broadcast %add3A_1485 : i32 to vector<16xi32>
      %add3A_1487 = arith.addi %iota3A_332, %add3A_1486 : vector<16xi32>
      %gather3A_1488 = arith.constant 1 : i32
      %gather3A_1489 = arith.constant 2 : i32
      %gather3A_1490 = arith.constant 0 : i32
      %gather3A_1491 = arith.constant 0 : i32
      %gather3A_1492 = tpu.memref_slice %arg10[%gather3A_1488, %gather3A_1489, %gather3A_1490, %gather3A_1491] : memref<2x4x64x128xf32, #tpu.memory_space<vmem>> -> memref<1x1x64x128xf32, #tpu.memory_space<vmem>>
      %gather3A_1493 = tpu.memref_squeeze %gather3A_1492 : memref<1x1x64x128xf32, #tpu.memory_space<vmem>> -> memref<64x128xf32, #tpu.memory_space<vmem>>
      %gather3A_1494 = tpu.vector_load_idx %gather3A_1493[%add3A_1487, %broadcast_in_dim3A_1458] : memref<64x128xf32, #tpu.memory_space<vmem>>[vector<16xi32>, vector<16xi32>], vector<16xf32>,
      %swap3A_1495 = arith.index_cast %add3A_1453 : i32 to index
      %swap3A_1496 = arith.constant 32 : index
      %swap3A_1497 = tpu.vector_load %arg11[%swap3A_1495, %swap3A_1496] {strides = array<i32>} : memref<256x128xf32, #tpu.memory_space<vmem>>, vector<16xf32>,
      tpu.vector_store %arg11[%swap3A_1495, %swap3A_1496], %gather3A_1494 {strides = array<i32>} : memref<256x128xf32, #tpu.memory_space<vmem>>, vector<16xf32>,
      %add3A_1498 = arith.constant 48 : i32
      %add3A_1499 = vector.broadcast %add3A_1498 : i32 to vector<16xi32>
      %add3A_1500 = arith.addi %iota3A_332, %add3A_1499 : vector<16xi32>
      %gather3A_1501 = arith.constant 1 : i32
      %gather3A_1502 = arith.constant 2 : i32
      %gather3A_1503 = arith.constant 0 : i32
      %gather3A_1504 = arith.constant 0 : i32
      %gather3A_1505 = tpu.memref_slice %arg10[%gather3A_1501, %gather3A_1502, %gather3A_1503, %gather3A_1504] : memref<2x4x64x128xf32, #tpu.memory_space<vmem>> -> memref<1x1x64x128xf32, #tpu.memory_space<vmem>>
      %gather3A_1506 = tpu.memref_squeeze %gather3A_1505 : memref<1x1x64x128xf32, #tpu.memory_space<vmem>> -> memref<64x128xf32, #tpu.memory_space<vmem>>
      %gather3A_1507 = tpu.vector_load_idx %gather3A_1506[%add3A_1500, %broadcast_in_dim3A_1458] : memref<64x128xf32, #tpu.memory_space<vmem>>[vector<16xi32>, vector<16xi32>], vector<16xf32>,
      %swap3A_1508 = arith.index_cast %add3A_1453 : i32 to index
      %swap3A_1509 = arith.constant 48 : index
      %swap3A_1510 = tpu.vector_load %arg11[%swap3A_1508, %swap3A_1509] {strides = array<i32>} : memref<256x128xf32, #tpu.memory_space<vmem>>, vector<16xf32>,
      tpu.vector_store %arg11[%swap3A_1508, %swap3A_1509], %gather3A_1507 {strides = array<i32>} : memref<256x128xf32, #tpu.memory_space<vmem>>, vector<16xf32>,
      %mul3A_1511 = arith.constant 8 : i32
      %mul3A_1512 = arith.muli %scan3A_680, %mul3A_1511 : i32
      %add3A_1513 = arith.constant 2 : i32
      %add3A_1514 = arith.addi %mul3A_1512, %add3A_1513 : i32
      %add3A_1515 = arith.constant 1 : i32
      %add3A_1516 = arith.addi %add3A_1514, %add3A_1515 : i32
      %slice3A_1517 = vector.extract_strided_slice %min3A_689 {offsets = [7], sizes = [1], strides = [1]} : vector<16xi32> to vector<1xi32>
      %squeeze3A_1518 = vector.extract %slice3A_1517[0] : i32 from vector<1xi32>
      %and3A_1519 = arith.constant 127 : i32
      %and3A_1520 = arith.andi %squeeze3A_1518, %and3A_1519 : i32
      %broadcast_in_dim3A_1521 = vector.broadcast %and3A_1520 : i32 to vector<16xi32>
      %add3A_1522 = arith.constant 0 : i32
      %add3A_1523 = vector.broadcast %add3A_1522 : i32 to vector<16xi32>
      %add3A_1524 = arith.addi %iota3A_332, %add3A_1523 : vector<16xi32>
      %gather3A_1525 = arith.constant 1 : i32
      %gather3A_1526 = arith.constant 3 : i32
      %gather3A_1527 = arith.constant 0 : i32
      %gather3A_1528 = arith.constant 0 : i32
      %gather3A_1529 = tpu.memref_slice %arg10[%gather3A_1525, %gather3A_1526, %gather3A_1527, %gather3A_1528] : memref<2x4x64x128xf32, #tpu.memory_space<vmem>> -> memref<1x1x64x128xf32, #tpu.memory_space<vmem>>
      %gather3A_1530 = tpu.memref_squeeze %gather3A_1529 : memref<1x1x64x128xf32, #tpu.memory_space<vmem>> -> memref<64x128xf32, #tpu.memory_space<vmem>>
      %gather3A_1531 = tpu.vector_load_idx %gather3A_1530[%add3A_1524, %broadcast_in_dim3A_1521] : memref<64x128xf32, #tpu.memory_space<vmem>>[vector<16xi32>, vector<16xi32>], vector<16xf32>,
      %swap3A_1532 = arith.index_cast %add3A_1516 : i32 to index
      %swap3A_1533 = arith.constant 64 : index
      %swap3A_1534 = tpu.vector_load %arg11[%swap3A_1532, %swap3A_1533] {strides = array<i32>} : memref<256x128xf32, #tpu.memory_space<vmem>>, vector<16xf32>,
      tpu.vector_store %arg11[%swap3A_1532, %swap3A_1533], %gather3A_1531 {strides = array<i32>} : memref<256x128xf32, #tpu.memory_space<vmem>>, vector<16xf32>,
      %add3A_1535 = arith.constant 16 : i32
      %add3A_1536 = vector.broadcast %add3A_1535 : i32 to vector<16xi32>
      %add3A_1537 = arith.addi %iota3A_332, %add3A_1536 : vector<16xi32>
      %gather3A_1538 = arith.constant 1 : i32
      %gather3A_1539 = arith.constant 3 : i32
      %gather3A_1540 = arith.constant 0 : i32
      %gather3A_1541 = arith.constant 0 : i32
      %gather3A_1542 = tpu.memref_slice %arg10[%gather3A_1538, %gather3A_1539, %gather3A_1540, %gather3A_1541] : memref<2x4x64x128xf32, #tpu.memory_space<vmem>> -> memref<1x1x64x128xf32, #tpu.memory_space<vmem>>
      %gather3A_1543 = tpu.memref_squeeze %gather3A_1542 : memref<1x1x64x128xf32, #tpu.memory_space<vmem>> -> memref<64x128xf32, #tpu.memory_space<vmem>>
      %gather3A_1544 = tpu.vector_load_idx %gather3A_1543[%add3A_1537, %broadcast_in_dim3A_1521] : memref<64x128xf32, #tpu.memory_space<vmem>>[vector<16xi32>, vector<16xi32>], vector<16xf32>,
      %swap3A_1545 = arith.index_cast %add3A_1516 : i32 to index
      %swap3A_1546 = arith.constant 80 : index
      %swap3A_1547 = tpu.vector_load %arg11[%swap3A_1545, %swap3A_1546] {strides = array<i32>} : memref<256x128xf32, #tpu.memory_space<vmem>>, vector<16xf32>,
      tpu.vector_store %arg11[%swap3A_1545, %swap3A_1546], %gather3A_1544 {strides = array<i32>} : memref<256x128xf32, #tpu.memory_space<vmem>>, vector<16xf32>,
      %add3A_1548 = arith.constant 32 : i32
      %add3A_1549 = vector.broadcast %add3A_1548 : i32 to vector<16xi32>
      %add3A_1550 = arith.addi %iota3A_332, %add3A_1549 : vector<16xi32>
      %gather3A_1551 = arith.constant 1 : i32
      %gather3A_1552 = arith.constant 3 : i32
      %gather3A_1553 = arith.constant 0 : i32
      %gather3A_1554 = arith.constant 0 : i32
      %gather3A_1555 = tpu.memref_slice %arg10[%gather3A_1551, %gather3A_1552, %gather3A_1553, %gather3A_1554] : memref<2x4x64x128xf32, #tpu.memory_space<vmem>> -> memref<1x1x64x128xf32, #tpu.memory_space<vmem>>
      %gather3A_1556 = tpu.memref_squeeze %gather3A_1555 : memref<1x1x64x128xf32, #tpu.memory_space<vmem>> -> memref<64x128xf32, #tpu.memory_space<vmem>>
      %gather3A_1557 = tpu.vector_load_idx %gather3A_1556[%add3A_1550, %broadcast_in_dim3A_1521] : memref<64x128xf32, #tpu.memory_space<vmem>>[vector<16xi32>, vector<16xi32>], vector<16xf32>,
      %swap3A_1558 = arith.index_cast %add3A_1516 : i32 to index
      %swap3A_1559 = arith.constant 96 : index
      %swap3A_1560 = tpu.vector_load %arg11[%swap3A_1558, %swap3A_1559] {strides = array<i32>} : memref<256x128xf32, #tpu.memory_space<vmem>>, vector<16xf32>,
      tpu.vector_store %arg11[%swap3A_1558, %swap3A_1559], %gather3A_1557 {strides = array<i32>} : memref<256x128xf32, #tpu.memory_space<vmem>>, vector<16xf32>,
      %add3A_1561 = arith.constant 48 : i32
      %add3A_1562 = vector.broadcast %add3A_1561 : i32 to vector<16xi32>
      %add3A_1563 = arith.addi %iota3A_332, %add3A_1562 : vector<16xi32>
      %gather3A_1564 = arith.constant 1 : i32
      %gather3A_1565 = arith.constant 3 : i32
      %gather3A_1566 = arith.constant 0 : i32
      %gather3A_1567 = arith.constant 0 : i32
      %gather3A_1568 = tpu.memref_slice %arg10[%gather3A_1564, %gather3A_1565, %gather3A_1566, %gather3A_1567] : memref<2x4x64x128xf32, #tpu.memory_space<vmem>> -> memref<1x1x64x128xf32, #tpu.memory_space<vmem>>
      %gather3A_1569 = tpu.memref_squeeze %gather3A_1568 : memref<1x1x64x128xf32, #tpu.memory_space<vmem>> -> memref<64x128xf32, #tpu.memory_space<vmem>>
      %gather3A_1570 = tpu.vector_load_idx %gather3A_1569[%add3A_1563, %broadcast_in_dim3A_1521] : memref<64x128xf32, #tpu.memory_space<vmem>>[vector<16xi32>, vector<16xi32>], vector<16xf32>,
      %swap3A_1571 = arith.index_cast %add3A_1516 : i32 to index
      %swap3A_1572 = arith.constant 112 : index
      %swap3A_1573 = tpu.vector_load %arg11[%swap3A_1571, %swap3A_1572] {strides = array<i32>} : memref<256x128xf32, #tpu.memory_space<vmem>>, vector<16xf32>,
      tpu.vector_store %arg11[%swap3A_1571, %swap3A_1572], %gather3A_1570 {strides = array<i32>} : memref<256x128xf32, #tpu.memory_space<vmem>>, vector<16xf32>,
      %slice3A_1574 = vector.extract_strided_slice %min3A_689 {offsets = [12], sizes = [1], strides = [1]} : vector<16xi32> to vector<1xi32>
      %squeeze3A_1575 = vector.extract %slice3A_1574[0] : i32 from vector<1xi32>
      %shift_right_arithmetic3A_1576 = arith.constant 7 : i32
      %shift_right_arithmetic3A_1577 = arith.shrsi %squeeze3A_1575, %shift_right_arithmetic3A_1576 : i32
      %mul3A_1578 = arith.constant 128 : i32
      %mul3A_1579 = arith.muli %shift_right_arithmetic3A_1577, %mul3A_1578 : i32
      %multiple_of3A_1580 = tpu.assume_multiple %mul3A_1579, 128 : i32
      %dma_start3A_1581 = arith.constant 1 : i32
      %dma_start3A_1582 = arith.constant 0 : i32
      %dma_start3A_1583 = arith.constant 0 : i32
      %dma_start3A_1584 = arith.constant 0 : i32
      %dma_start3A_1585 = tpu.memref_slice %arg10[%dma_start3A_1581, %dma_start3A_1582, %dma_start3A_1583, %dma_start3A_1584] : memref<2x4x64x128xf32, #tpu.memory_space<vmem>> -> memref<1x1x64x128xf32, #tpu.memory_space<vmem>>
      %dma_start3A_1586 = tpu.memref_squeeze %dma_start3A_1585 : memref<1x1x64x128xf32, #tpu.memory_space<vmem>> -> memref<64x128xf32, #tpu.memory_space<vmem>>
      %dma_start3A_1587 = arith.constant 0 : i32
      %dma_start3A_1588 = tpu.memref_slice %arg5[%dma_start3A_1587, %multiple_of3A_1580] : memref<64x1000001xf32, #tpu.memory_space<hbm>> -> memref<64x128xf32, #tpu.memory_space<hbm>>
      %dma_start3A_1589 = arith.constant 0 : i32
      %dma_start3A_1590 = arith.constant 0 : i32
      %dma_start3A_1591 = tpu.memref_slice %arg10[%dma_start3A_1581, %dma_start3A_1582, %dma_start3A_1589, %dma_start3A_1590] : memref<2x4x64x128xf32, #tpu.memory_space<vmem>> -> memref<1x1x64x128xf32, #tpu.memory_space<vmem>>
      %dma_start3A_1592 = tpu.memref_squeeze %dma_start3A_1591 : memref<1x1x64x128xf32, #tpu.memory_space<vmem>> -> memref<64x128xf32, #tpu.memory_space<vmem>>
      %dma_start3A_1593 = arith.constant 0 : i32
      %dma_start3A_1594 = tpu.memref_slice %arg5[%dma_start3A_1593, %multiple_of3A_1580] : memref<64x1000001xf32, #tpu.memory_space<hbm>> -> memref<64x128xf32, #tpu.memory_space<hbm>>
      tpu.enqueue_dma source(%dma_start3A_1594 : memref<64x128xf32, #tpu.memory_space<hbm>>) target(%dma_start3A_1592 : memref<64x128xf32, #tpu.memory_space<vmem>>) target_semaphore(%arg13 : memref<!tpu.dma_semaphore, #tpu.memory_space<semaphore_mem>>)
      %slice3A_1595 = vector.extract_strided_slice %min3A_689 {offsets = [13], sizes = [1], strides = [1]} : vector<16xi32> to vector<1xi32>
      %squeeze3A_1596 = vector.extract %slice3A_1595[0] : i32 from vector<1xi32>
      %shift_right_arithmetic3A_1597 = arith.constant 7 : i32
      %shift_right_arithmetic3A_1598 = arith.shrsi %squeeze3A_1596, %shift_right_arithmetic3A_1597 : i32
      %mul3A_1599 = arith.constant 128 : i32
      %mul3A_1600 = arith.muli %shift_right_arithmetic3A_1598, %mul3A_1599 : i32
      %multiple_of3A_1601 = tpu.assume_multiple %mul3A_1600, 128 : i32
      %dma_start3A_1602 = arith.constant 1 : i32
      %dma_start3A_1603 = arith.constant 1 : i32
      %dma_start3A_1604 = arith.constant 0 : i32
      %dma_start3A_1605 = arith.constant 0 : i32
      %dma_start3A_1606 = tpu.memref_slice %arg10[%dma_start3A_1602, %dma_start3A_1603, %dma_start3A_1604, %dma_start3A_1605] : memref<2x4x64x128xf32, #tpu.memory_space<vmem>> -> memref<1x1x64x128xf32, #tpu.memory_space<vmem>>
      %dma_start3A_1607 = tpu.memref_squeeze %dma_start3A_1606 : memref<1x1x64x128xf32, #tpu.memory_space<vmem>> -> memref<64x128xf32, #tpu.memory_space<vmem>>
      %dma_start3A_1608 = arith.constant 0 : i32
      %dma_start3A_1609 = tpu.memref_slice %arg5[%dma_start3A_1608, %multiple_of3A_1601] : memref<64x1000001xf32, #tpu.memory_space<hbm>> -> memref<64x128xf32, #tpu.memory_space<hbm>>
      %dma_start3A_1610 = arith.constant 0 : i32
      %dma_start3A_1611 = arith.constant 0 : i32
      %dma_start3A_1612 = tpu.memref_slice %arg10[%dma_start3A_1602, %dma_start3A_1603, %dma_start3A_1610, %dma_start3A_1611] : memref<2x4x64x128xf32, #tpu.memory_space<vmem>> -> memref<1x1x64x128xf32, #tpu.memory_space<vmem>>
      %dma_start3A_1613 = tpu.memref_squeeze %dma_start3A_1612 : memref<1x1x64x128xf32, #tpu.memory_space<vmem>> -> memref<64x128xf32, #tpu.memory_space<vmem>>
      %dma_start3A_1614 = arith.constant 0 : i32
      %dma_start3A_1615 = tpu.memref_slice %arg5[%dma_start3A_1614, %multiple_of3A_1601] : memref<64x1000001xf32, #tpu.memory_space<hbm>> -> memref<64x128xf32, #tpu.memory_space<hbm>>
      tpu.enqueue_dma source(%dma_start3A_1615 : memref<64x128xf32, #tpu.memory_space<hbm>>) target(%dma_start3A_1613 : memref<64x128xf32, #tpu.memory_space<vmem>>) target_semaphore(%arg13 : memref<!tpu.dma_semaphore, #tpu.memory_space<semaphore_mem>>)
      %slice3A_1616 = vector.extract_strided_slice %min3A_689 {offsets = [14], sizes = [1], strides = [1]} : vector<16xi32> to vector<1xi32>
      %squeeze3A_1617 = vector.extract %slice3A_1616[0] : i32 from vector<1xi32>
      %shift_right_arithmetic3A_1618 = arith.constant 7 : i32
      %shift_right_arithmetic3A_1619 = arith.shrsi %squeeze3A_1617, %shift_right_arithmetic3A_1618 : i32
      %mul3A_1620 = arith.constant 128 : i32
      %mul3A_1621 = arith.muli %shift_right_arithmetic3A_1619, %mul3A_1620 : i32
      %multiple_of3A_1622 = tpu.assume_multiple %mul3A_1621, 128 : i32
      %dma_start3A_1623 = arith.constant 1 : i32
      %dma_start3A_1624 = arith.constant 2 : i32
      %dma_start3A_1625 = arith.constant 0 : i32
      %dma_start3A_1626 = arith.constant 0 : i32
      %dma_start3A_1627 = tpu.memref_slice %arg10[%dma_start3A_1623, %dma_start3A_1624, %dma_start3A_1625, %dma_start3A_1626] : memref<2x4x64x128xf32, #tpu.memory_space<vmem>> -> memref<1x1x64x128xf32, #tpu.memory_space<vmem>>
      %dma_start3A_1628 = tpu.memref_squeeze %dma_start3A_1627 : memref<1x1x64x128xf32, #tpu.memory_space<vmem>> -> memref<64x128xf32, #tpu.memory_space<vmem>>
      %dma_start3A_1629 = arith.constant 0 : i32
      %dma_start3A_1630 = tpu.memref_slice %arg5[%dma_start3A_1629, %multiple_of3A_1622] : memref<64x1000001xf32, #tpu.memory_space<hbm>> -> memref<64x128xf32, #tpu.memory_space<hbm>>
      %dma_start3A_1631 = arith.constant 0 : i32
      %dma_start3A_1632 = arith.constant 0 : i32
      %dma_start3A_1633 = tpu.memref_slice %arg10[%dma_start3A_1623, %dma_start3A_1624, %dma_start3A_1631, %dma_start3A_1632] : memref<2x4x64x128xf32, #tpu.memory_space<vmem>> -> memref<1x1x64x128xf32, #tpu.memory_space<vmem>>
      %dma_start3A_1634 = tpu.memref_squeeze %dma_start3A_1633 : memref<1x1x64x128xf32, #tpu.memory_space<vmem>> -> memref<64x128xf32, #tpu.memory_space<vmem>>
      %dma_start3A_1635 = arith.constant 0 : i32
      %dma_start3A_1636 = tpu.memref_slice %arg5[%dma_start3A_1635, %multiple_of3A_1622] : memref<64x1000001xf32, #tpu.memory_space<hbm>> -> memref<64x128xf32, #tpu.memory_space<hbm>>
      tpu.enqueue_dma source(%dma_start3A_1636 : memref<64x128xf32, #tpu.memory_space<hbm>>) target(%dma_start3A_1634 : memref<64x128xf32, #tpu.memory_space<vmem>>) target_semaphore(%arg13 : memref<!tpu.dma_semaphore, #tpu.memory_space<semaphore_mem>>)
      %slice3A_1637 = vector.extract_strided_slice %min3A_689 {offsets = [15], sizes = [1], strides = [1]} : vector<16xi32> to vector<1xi32>
      %squeeze3A_1638 = vector.extract %slice3A_1637[0] : i32 from vector<1xi32>
      %shift_right_arithmetic3A_1639 = arith.constant 7 : i32
      %shift_right_arithmetic3A_1640 = arith.shrsi %squeeze3A_1638, %shift_right_arithmetic3A_1639 : i32
      %mul3A_1641 = arith.constant 128 : i32
      %mul3A_1642 = arith.muli %shift_right_arithmetic3A_1640, %mul3A_1641 : i32
      %multiple_of3A_1643 = tpu.assume_multiple %mul3A_1642, 128 : i32
      %dma_start3A_1644 = arith.constant 1 : i32
      %dma_start3A_1645 = arith.constant 3 : i32
      %dma_start3A_1646 = arith.constant 0 : i32
      %dma_start3A_1647 = arith.constant 0 : i32
      %dma_start3A_1648 = tpu.memref_slice %arg10[%dma_start3A_1644, %dma_start3A_1645, %dma_start3A_1646, %dma_start3A_1647] : memref<2x4x64x128xf32, #tpu.memory_space<vmem>> -> memref<1x1x64x128xf32, #tpu.memory_space<vmem>>
      %dma_start3A_1649 = tpu.memref_squeeze %dma_start3A_1648 : memref<1x1x64x128xf32, #tpu.memory_space<vmem>> -> memref<64x128xf32, #tpu.memory_space<vmem>>
      %dma_start3A_1650 = arith.constant 0 : i32
      %dma_start3A_1651 = tpu.memref_slice %arg5[%dma_start3A_1650, %multiple_of3A_1643] : memref<64x1000001xf32, #tpu.memory_space<hbm>> -> memref<64x128xf32, #tpu.memory_space<hbm>>
      %dma_start3A_1652 = arith.constant 0 : i32
      %dma_start3A_1653 = arith.constant 0 : i32
      %dma_start3A_1654 = tpu.memref_slice %arg10[%dma_start3A_1644, %dma_start3A_1645, %dma_start3A_1652, %dma_start3A_1653] : memref<2x4x64x128xf32, #tpu.memory_space<vmem>> -> memref<1x1x64x128xf32, #tpu.memory_space<vmem>>
      %dma_start3A_1655 = tpu.memref_squeeze %dma_start3A_1654 : memref<1x1x64x128xf32, #tpu.memory_space<vmem>> -> memref<64x128xf32, #tpu.memory_space<vmem>>
      %dma_start3A_1656 = arith.constant 0 : i32
      %dma_start3A_1657 = tpu.memref_slice %arg5[%dma_start3A_1656, %multiple_of3A_1643] : memref<64x1000001xf32, #tpu.memory_space<hbm>> -> memref<64x128xf32, #tpu.memory_space<hbm>>
      tpu.enqueue_dma source(%dma_start3A_1657 : memref<64x128xf32, #tpu.memory_space<hbm>>) target(%dma_start3A_1655 : memref<64x128xf32, #tpu.memory_space<vmem>>) target_semaphore(%arg13 : memref<!tpu.dma_semaphore, #tpu.memory_space<semaphore_mem>>)
      %dma_wait3A_1658 = arith.constant 0 : i32
      %dma_wait3A_1659 = arith.constant 0 : i32
      %dma_wait3A_1660 = arith.constant 0 : i32
      %dma_wait3A_1661 = arith.constant 0 : i32
      %dma_wait3A_1662 = tpu.memref_slice %arg10[%dma_wait3A_1658, %dma_wait3A_1659, %dma_wait3A_1660, %dma_wait3A_1661] : memref<2x4x64x128xf32, #tpu.memory_space<vmem>> -> memref<1x1x64x128xf32, #tpu.memory_space<vmem>>
      %dma_wait3A_1663 = tpu.memref_squeeze %dma_wait3A_1662 : memref<1x1x64x128xf32, #tpu.memory_space<vmem>> -> memref<64x128xf32, #tpu.memory_space<vmem>>
      %dma_wait3A_1664 = arith.constant 0 : i32
      %dma_wait3A_1665 = arith.constant 0 : i32
      %dma_wait3A_1666 = tpu.memref_slice %arg5[%dma_wait3A_1664, %dma_wait3A_1665] : memref<64x1000001xf32, #tpu.memory_space<hbm>> -> memref<64x128xf32, #tpu.memory_space<hbm>>
      %dma_wait3A_1667 = arith.constant 0 : i32
      %dma_wait3A_1668 = arith.constant 0 : i32
      %dma_wait3A_1669 = tpu.memref_slice %arg10[%dma_wait3A_1658, %dma_wait3A_1659, %dma_wait3A_1667, %dma_wait3A_1668] : memref<2x4x64x128xf32, #tpu.memory_space<vmem>> -> memref<1x1x64x128xf32, #tpu.memory_space<vmem>>
      %dma_wait3A_1670 = tpu.memref_squeeze %dma_wait3A_1669 : memref<1x1x64x128xf32, #tpu.memory_space<vmem>> -> memref<64x128xf32, #tpu.memory_space<vmem>>
      %dma_wait3A_1671 = arith.constant 0 : i32
      %dma_wait3A_1672 = arith.constant 0 : i32
      %dma_wait3A_1673 = tpu.memref_slice %arg5[%dma_wait3A_1671, %dma_wait3A_1672] : memref<64x1000001xf32, #tpu.memory_space<hbm>> -> memref<64x128xf32, #tpu.memory_space<hbm>>
      tpu.wait_dma2 semaphore(%arg12 : memref<!tpu.dma_semaphore, #tpu.memory_space<semaphore_mem>>) src(%dma_wait3A_1673 : memref<64x128xf32, #tpu.memory_space<hbm>>) dst(%dma_wait3A_1670 : memref<64x128xf32, #tpu.memory_space<vmem>>)
      %dma_wait3A_1674 = arith.constant 0 : i32
      %dma_wait3A_1675 = arith.constant 1 : i32
      %dma_wait3A_1676 = arith.constant 0 : i32
      %dma_wait3A_1677 = arith.constant 0 : i32
      %dma_wait3A_1678 = tpu.memref_slice %arg10[%dma_wait3A_1674, %dma_wait3A_1675, %dma_wait3A_1676, %dma_wait3A_1677] : memref<2x4x64x128xf32, #tpu.memory_space<vmem>> -> memref<1x1x64x128xf32, #tpu.memory_space<vmem>>
      %dma_wait3A_1679 = tpu.memref_squeeze %dma_wait3A_1678 : memref<1x1x64x128xf32, #tpu.memory_space<vmem>> -> memref<64x128xf32, #tpu.memory_space<vmem>>
      %dma_wait3A_1680 = arith.constant 0 : i32
      %dma_wait3A_1681 = arith.constant 0 : i32
      %dma_wait3A_1682 = tpu.memref_slice %arg5[%dma_wait3A_1680, %dma_wait3A_1681] : memref<64x1000001xf32, #tpu.memory_space<hbm>> -> memref<64x128xf32, #tpu.memory_space<hbm>>
      %dma_wait3A_1683 = arith.constant 0 : i32
      %dma_wait3A_1684 = arith.constant 0 : i32
      %dma_wait3A_1685 = tpu.memref_slice %arg10[%dma_wait3A_1674, %dma_wait3A_1675, %dma_wait3A_1683, %dma_wait3A_1684] : memref<2x4x64x128xf32, #tpu.memory_space<vmem>> -> memref<1x1x64x128xf32, #tpu.memory_space<vmem>>
      %dma_wait3A_1686 = tpu.memref_squeeze %dma_wait3A_1685 : memref<1x1x64x128xf32, #tpu.memory_space<vmem>> -> memref<64x128xf32, #tpu.memory_space<vmem>>
      %dma_wait3A_1687 = arith.constant 0 : i32
      %dma_wait3A_1688 = arith.constant 0 : i32
      %dma_wait3A_1689 = tpu.memref_slice %arg5[%dma_wait3A_1687, %dma_wait3A_1688] : memref<64x1000001xf32, #tpu.memory_space<hbm>> -> memref<64x128xf32, #tpu.memory_space<hbm>>
      tpu.wait_dma2 semaphore(%arg12 : memref<!tpu.dma_semaphore, #tpu.memory_space<semaphore_mem>>) src(%dma_wait3A_1689 : memref<64x128xf32, #tpu.memory_space<hbm>>) dst(%dma_wait3A_1686 : memref<64x128xf32, #tpu.memory_space<vmem>>)
      %dma_wait3A_1690 = arith.constant 0 : i32
      %dma_wait3A_1691 = arith.constant 2 : i32
      %dma_wait3A_1692 = arith.constant 0 : i32
      %dma_wait3A_1693 = arith.constant 0 : i32
      %dma_wait3A_1694 = tpu.memref_slice %arg10[%dma_wait3A_1690, %dma_wait3A_1691, %dma_wait3A_1692, %dma_wait3A_1693] : memref<2x4x64x128xf32, #tpu.memory_space<vmem>> -> memref<1x1x64x128xf32, #tpu.memory_space<vmem>>
      %dma_wait3A_1695 = tpu.memref_squeeze %dma_wait3A_1694 : memref<1x1x64x128xf32, #tpu.memory_space<vmem>> -> memref<64x128xf32, #tpu.memory_space<vmem>>
      %dma_wait3A_1696 = arith.constant 0 : i32
      %dma_wait3A_1697 = arith.constant 0 : i32
      %dma_wait3A_1698 = tpu.memref_slice %arg5[%dma_wait3A_1696, %dma_wait3A_1697] : memref<64x1000001xf32, #tpu.memory_space<hbm>> -> memref<64x128xf32, #tpu.memory_space<hbm>>
      %dma_wait3A_1699 = arith.constant 0 : i32
      %dma_wait3A_1700 = arith.constant 0 : i32
      %dma_wait3A_1701 = tpu.memref_slice %arg10[%dma_wait3A_1690, %dma_wait3A_1691, %dma_wait3A_1699, %dma_wait3A_1700] : memref<2x4x64x128xf32, #tpu.memory_space<vmem>> -> memref<1x1x64x128xf32, #tpu.memory_space<vmem>>
      %dma_wait3A_1702 = tpu.memref_squeeze %dma_wait3A_1701 : memref<1x1x64x128xf32, #tpu.memory_space<vmem>> -> memref<64x128xf32, #tpu.memory_space<vmem>>
      %dma_wait3A_1703 = arith.constant 0 : i32
      %dma_wait3A_1704 = arith.constant 0 : i32
      %dma_wait3A_1705 = tpu.memref_slice %arg5[%dma_wait3A_1703, %dma_wait3A_1704] : memref<64x1000001xf32, #tpu.memory_space<hbm>> -> memref<64x128xf32, #tpu.memory_space<hbm>>
      tpu.wait_dma2 semaphore(%arg12 : memref<!tpu.dma_semaphore, #tpu.memory_space<semaphore_mem>>) src(%dma_wait3A_1705 : memref<64x128xf32, #tpu.memory_space<hbm>>) dst(%dma_wait3A_1702 : memref<64x128xf32, #tpu.memory_space<vmem>>)
      %dma_wait3A_1706 = arith.constant 0 : i32
      %dma_wait3A_1707 = arith.constant 3 : i32
      %dma_wait3A_1708 = arith.constant 0 : i32
      %dma_wait3A_1709 = arith.constant 0 : i32
      %dma_wait3A_1710 = tpu.memref_slice %arg10[%dma_wait3A_1706, %dma_wait3A_1707, %dma_wait3A_1708, %dma_wait3A_1709] : memref<2x4x64x128xf32, #tpu.memory_space<vmem>> -> memref<1x1x64x128xf32, #tpu.memory_space<vmem>>
      %dma_wait3A_1711 = tpu.memref_squeeze %dma_wait3A_1710 : memref<1x1x64x128xf32, #tpu.memory_space<vmem>> -> memref<64x128xf32, #tpu.memory_space<vmem>>
      %dma_wait3A_1712 = arith.constant 0 : i32
      %dma_wait3A_1713 = arith.constant 0 : i32
      %dma_wait3A_1714 = tpu.memref_slice %arg5[%dma_wait3A_1712, %dma_wait3A_1713] : memref<64x1000001xf32, #tpu.memory_space<hbm>> -> memref<64x128xf32, #tpu.memory_space<hbm>>
      %dma_wait3A_1715 = arith.constant 0 : i32
      %dma_wait3A_1716 = arith.constant 0 : i32
      %dma_wait3A_1717 = tpu.memref_slice %arg10[%dma_wait3A_1706, %dma_wait3A_1707, %dma_wait3A_1715, %dma_wait3A_1716] : memref<2x4x64x128xf32, #tpu.memory_space<vmem>> -> memref<1x1x64x128xf32, #tpu.memory_space<vmem>>
      %dma_wait3A_1718 = tpu.memref_squeeze %dma_wait3A_1717 : memref<1x1x64x128xf32, #tpu.memory_space<vmem>> -> memref<64x128xf32, #tpu.memory_space<vmem>>
      %dma_wait3A_1719 = arith.constant 0 : i32
      %dma_wait3A_1720 = arith.constant 0 : i32
      %dma_wait3A_1721 = tpu.memref_slice %arg5[%dma_wait3A_1719, %dma_wait3A_1720] : memref<64x1000001xf32, #tpu.memory_space<hbm>> -> memref<64x128xf32, #tpu.memory_space<hbm>>
      tpu.wait_dma2 semaphore(%arg12 : memref<!tpu.dma_semaphore, #tpu.memory_space<semaphore_mem>>) src(%dma_wait3A_1721 : memref<64x128xf32, #tpu.memory_space<hbm>>) dst(%dma_wait3A_1718 : memref<64x128xf32, #tpu.memory_space<vmem>>)
      %mul3A_1722 = arith.constant 8 : i32
      %mul3A_1723 = arith.muli %scan3A_680, %mul3A_1722 : i32
      %add3A_1724 = arith.constant 4 : i32
      %add3A_1725 = arith.addi %mul3A_1723, %add3A_1724 : i32
      %add3A_1726 = arith.constant 0 : i32
      %add3A_1727 = arith.addi %add3A_1725, %add3A_1726 : i32
      %slice3A_1728 = vector.extract_strided_slice %min3A_689 {offsets = [8], sizes = [1], strides = [1]} : vector<16xi32> to vector<1xi32>
      %squeeze3A_1729 = vector.extract %slice3A_1728[0] : i32 from vector<1xi32>
      %and3A_1730 = arith.constant 127 : i32
      %and3A_1731 = arith.andi %squeeze3A_1729, %and3A_1730 : i32
      %broadcast_in_dim3A_1732 = vector.broadcast %and3A_1731 : i32 to vector<16xi32>
      %add3A_1733 = arith.constant 0 : i32
      %add3A_1734 = vector.broadcast %add3A_1733 : i32 to vector<16xi32>
      %add3A_1735 = arith.addi %iota3A_332, %add3A_1734 : vector<16xi32>
      %gather3A_1736 = arith.constant 0 : i32
      %gather3A_1737 = arith.constant 0 : i32
      %gather3A_1738 = arith.constant 0 : i32
      %gather3A_1739 = arith.constant 0 : i32
      %gather3A_1740 = tpu.memref_slice %arg10[%gather3A_1736, %gather3A_1737, %gather3A_1738, %gather3A_1739] : memref<2x4x64x128xf32, #tpu.memory_space<vmem>> -> memref<1x1x64x128xf32, #tpu.memory_space<vmem>>
      %gather3A_1741 = tpu.memref_squeeze %gather3A_1740 : memref<1x1x64x128xf32, #tpu.memory_space<vmem>> -> memref<64x128xf32, #tpu.memory_space<vmem>>
      %gather3A_1742 = tpu.vector_load_idx %gather3A_1741[%add3A_1735, %broadcast_in_dim3A_1732] : memref<64x128xf32, #tpu.memory_space<vmem>>[vector<16xi32>, vector<16xi32>], vector<16xf32>,
      %swap3A_1743 = arith.index_cast %add3A_1727 : i32 to index
      %swap3A_1744 = arith.constant 0 : index
      %swap3A_1745 = tpu.vector_load %arg11[%swap3A_1743, %swap3A_1744] {strides = array<i32>} : memref<256x128xf32, #tpu.memory_space<vmem>>, vector<16xf32>,
      tpu.vector_store %arg11[%swap3A_1743, %swap3A_1744], %gather3A_1742 {strides = array<i32>} : memref<256x128xf32, #tpu.memory_space<vmem>>, vector<16xf32>,
      %add3A_1746 = arith.constant 16 : i32
      %add3A_1747 = vector.broadcast %add3A_1746 : i32 to vector<16xi32>
      %add3A_1748 = arith.addi %iota3A_332, %add3A_1747 : vector<16xi32>
      %gather3A_1749 = arith.constant 0 : i32
      %gather3A_1750 = arith.constant 0 : i32
      %gather3A_1751 = arith.constant 0 : i32
      %gather3A_1752 = arith.constant 0 : i32
      %gather3A_1753 = tpu.memref_slice %arg10[%gather3A_1749, %gather3A_1750, %gather3A_1751, %gather3A_1752] : memref<2x4x64x128xf32, #tpu.memory_space<vmem>> -> memref<1x1x64x128xf32, #tpu.memory_space<vmem>>
      %gather3A_1754 = tpu.memref_squeeze %gather3A_1753 : memref<1x1x64x128xf32, #tpu.memory_space<vmem>> -> memref<64x128xf32, #tpu.memory_space<vmem>>
      %gather3A_1755 = tpu.vector_load_idx %gather3A_1754[%add3A_1748, %broadcast_in_dim3A_1732] : memref<64x128xf32, #tpu.memory_space<vmem>>[vector<16xi32>, vector<16xi32>], vector<16xf32>,
      %swap3A_1756 = arith.index_cast %add3A_1727 : i32 to index
      %swap3A_1757 = arith.constant 16 : index
      %swap3A_1758 = tpu.vector_load %arg11[%swap3A_1756, %swap3A_1757] {strides = array<i32>} : memref<256x128xf32, #tpu.memory_space<vmem>>, vector<16xf32>,
      tpu.vector_store %arg11[%swap3A_1756, %swap3A_1757], %gather3A_1755 {strides = array<i32>} : memref<256x128xf32, #tpu.memory_space<vmem>>, vector<16xf32>,
      %add3A_1759 = arith.constant 32 : i32
      %add3A_1760 = vector.broadcast %add3A_1759 : i32 to vector<16xi32>
      %add3A_1761 = arith.addi %iota3A_332, %add3A_1760 : vector<16xi32>
      %gather3A_1762 = arith.constant 0 : i32
      %gather3A_1763 = arith.constant 0 : i32
      %gather3A_1764 = arith.constant 0 : i32
      %gather3A_1765 = arith.constant 0 : i32
      %gather3A_1766 = tpu.memref_slice %arg10[%gather3A_1762, %gather3A_1763, %gather3A_1764, %gather3A_1765] : memref<2x4x64x128xf32, #tpu.memory_space<vmem>> -> memref<1x1x64x128xf32, #tpu.memory_space<vmem>>
      %gather3A_1767 = tpu.memref_squeeze %gather3A_1766 : memref<1x1x64x128xf32, #tpu.memory_space<vmem>> -> memref<64x128xf32, #tpu.memory_space<vmem>>
      %gather3A_1768 = tpu.vector_load_idx %gather3A_1767[%add3A_1761, %broadcast_in_dim3A_1732] : memref<64x128xf32, #tpu.memory_space<vmem>>[vector<16xi32>, vector<16xi32>], vector<16xf32>,
      %swap3A_1769 = arith.index_cast %add3A_1727 : i32 to index
      %swap3A_1770 = arith.constant 32 : index
      %swap3A_1771 = tpu.vector_load %arg11[%swap3A_1769, %swap3A_1770] {strides = array<i32>} : memref<256x128xf32, #tpu.memory_space<vmem>>, vector<16xf32>,
      tpu.vector_store %arg11[%swap3A_1769, %swap3A_1770], %gather3A_1768 {strides = array<i32>} : memref<256x128xf32, #tpu.memory_space<vmem>>, vector<16xf32>,
      %add3A_1772 = arith.constant 48 : i32
      %add3A_1773 = vector.broadcast %add3A_1772 : i32 to vector<16xi32>
      %add3A_1774 = arith.addi %iota3A_332, %add3A_1773 : vector<16xi32>
      %gather3A_1775 = arith.constant 0 : i32
      %gather3A_1776 = arith.constant 0 : i32
      %gather3A_1777 = arith.constant 0 : i32
      %gather3A_1778 = arith.constant 0 : i32
      %gather3A_1779 = tpu.memref_slice %arg10[%gather3A_1775, %gather3A_1776, %gather3A_1777, %gather3A_1778] : memref<2x4x64x128xf32, #tpu.memory_space<vmem>> -> memref<1x1x64x128xf32, #tpu.memory_space<vmem>>
      %gather3A_1780 = tpu.memref_squeeze %gather3A_1779 : memref<1x1x64x128xf32, #tpu.memory_space<vmem>> -> memref<64x128xf32, #tpu.memory_space<vmem>>
      %gather3A_1781 = tpu.vector_load_idx %gather3A_1780[%add3A_1774, %broadcast_in_dim3A_1732] : memref<64x128xf32, #tpu.memory_space<vmem>>[vector<16xi32>, vector<16xi32>], vector<16xf32>,
      %swap3A_1782 = arith.index_cast %add3A_1727 : i32 to index
      %swap3A_1783 = arith.constant 48 : index
      %swap3A_1784 = tpu.vector_load %arg11[%swap3A_1782, %swap3A_1783] {strides = array<i32>} : memref<256x128xf32, #tpu.memory_space<vmem>>, vector<16xf32>,
      tpu.vector_store %arg11[%swap3A_1782, %swap3A_1783], %gather3A_1781 {strides = array<i32>} : memref<256x128xf32, #tpu.memory_space<vmem>>, vector<16xf32>,
      %mul3A_1785 = arith.constant 8 : i32
      %mul3A_1786 = arith.muli %scan3A_680, %mul3A_1785 : i32
      %add3A_1787 = arith.constant 4 : i32
      %add3A_1788 = arith.addi %mul3A_1786, %add3A_1787 : i32
      %add3A_1789 = arith.constant 0 : i32
      %add3A_1790 = arith.addi %add3A_1788, %add3A_1789 : i32
      %slice3A_1791 = vector.extract_strided_slice %min3A_689 {offsets = [9], sizes = [1], strides = [1]} : vector<16xi32> to vector<1xi32>
      %squeeze3A_1792 = vector.extract %slice3A_1791[0] : i32 from vector<1xi32>
      %and3A_1793 = arith.constant 127 : i32
      %and3A_1794 = arith.andi %squeeze3A_1792, %and3A_1793 : i32
      %broadcast_in_dim3A_1795 = vector.broadcast %and3A_1794 : i32 to vector<16xi32>
      %add3A_1796 = arith.constant 0 : i32
      %add3A_1797 = vector.broadcast %add3A_1796 : i32 to vector<16xi32>
      %add3A_1798 = arith.addi %iota3A_332, %add3A_1797 : vector<16xi32>
      %gather3A_1799 = arith.constant 0 : i32
      %gather3A_1800 = arith.constant 1 : i32
      %gather3A_1801 = arith.constant 0 : i32
      %gather3A_1802 = arith.constant 0 : i32
      %gather3A_1803 = tpu.memref_slice %arg10[%gather3A_1799, %gather3A_1800, %gather3A_1801, %gather3A_1802] : memref<2x4x64x128xf32, #tpu.memory_space<vmem>> -> memref<1x1x64x128xf32, #tpu.memory_space<vmem>>
      %gather3A_1804 = tpu.memref_squeeze %gather3A_1803 : memref<1x1x64x128xf32, #tpu.memory_space<vmem>> -> memref<64x128xf32, #tpu.memory_space<vmem>>
      %gather3A_1805 = tpu.vector_load_idx %gather3A_1804[%add3A_1798, %broadcast_in_dim3A_1795] : memref<64x128xf32, #tpu.memory_space<vmem>>[vector<16xi32>, vector<16xi32>], vector<16xf32>,
      %swap3A_1806 = arith.index_cast %add3A_1790 : i32 to index
      %swap3A_1807 = arith.constant 64 : index
      %swap3A_1808 = tpu.vector_load %arg11[%swap3A_1806, %swap3A_1807] {strides = array<i32>} : memref<256x128xf32, #tpu.memory_space<vmem>>, vector<16xf32>,
      tpu.vector_store %arg11[%swap3A_1806, %swap3A_1807], %gather3A_1805 {strides = array<i32>} : memref<256x128xf32, #tpu.memory_space<vmem>>, vector<16xf32>,
      %add3A_1809 = arith.constant 16 : i32
      %add3A_1810 = vector.broadcast %add3A_1809 : i32 to vector<16xi32>
      %add3A_1811 = arith.addi %iota3A_332, %add3A_1810 : vector<16xi32>
      %gather3A_1812 = arith.constant 0 : i32
      %gather3A_1813 = arith.constant 1 : i32
      %gather3A_1814 = arith.constant 0 : i32
      %gather3A_1815 = arith.constant 0 : i32
      %gather3A_1816 = tpu.memref_slice %arg10[%gather3A_1812, %gather3A_1813, %gather3A_1814, %gather3A_1815] : memref<2x4x64x128xf32, #tpu.memory_space<vmem>> -> memref<1x1x64x128xf32, #tpu.memory_space<vmem>>
      %gather3A_1817 = tpu.memref_squeeze %gather3A_1816 : memref<1x1x64x128xf32, #tpu.memory_space<vmem>> -> memref<64x128xf32, #tpu.memory_space<vmem>>
      %gather3A_1818 = tpu.vector_load_idx %gather3A_1817[%add3A_1811, %broadcast_in_dim3A_1795] : memref<64x128xf32, #tpu.memory_space<vmem>>[vector<16xi32>, vector<16xi32>], vector<16xf32>,
      %swap3A_1819 = arith.index_cast %add3A_1790 : i32 to index
      %swap3A_1820 = arith.constant 80 : index
      %swap3A_1821 = tpu.vector_load %arg11[%swap3A_1819, %swap3A_1820] {strides = array<i32>} : memref<256x128xf32, #tpu.memory_space<vmem>>, vector<16xf32>,
      tpu.vector_store %arg11[%swap3A_1819, %swap3A_1820], %gather3A_1818 {strides = array<i32>} : memref<256x128xf32, #tpu.memory_space<vmem>>, vector<16xf32>,
      %add3A_1822 = arith.constant 32 : i32
      %add3A_1823 = vector.broadcast %add3A_1822 : i32 to vector<16xi32>
      %add3A_1824 = arith.addi %iota3A_332, %add3A_1823 : vector<16xi32>
      %gather3A_1825 = arith.constant 0 : i32
      %gather3A_1826 = arith.constant 1 : i32
      %gather3A_1827 = arith.constant 0 : i32
      %gather3A_1828 = arith.constant 0 : i32
      %gather3A_1829 = tpu.memref_slice %arg10[%gather3A_1825, %gather3A_1826, %gather3A_1827, %gather3A_1828] : memref<2x4x64x128xf32, #tpu.memory_space<vmem>> -> memref<1x1x64x128xf32, #tpu.memory_space<vmem>>
      %gather3A_1830 = tpu.memref_squeeze %gather3A_1829 : memref<1x1x64x128xf32, #tpu.memory_space<vmem>> -> memref<64x128xf32, #tpu.memory_space<vmem>>
      %gather3A_1831 = tpu.vector_load_idx %gather3A_1830[%add3A_1824, %broadcast_in_dim3A_1795] : memref<64x128xf32, #tpu.memory_space<vmem>>[vector<16xi32>, vector<16xi32>], vector<16xf32>,
      %swap3A_1832 = arith.index_cast %add3A_1790 : i32 to index
      %swap3A_1833 = arith.constant 96 : index
      %swap3A_1834 = tpu.vector_load %arg11[%swap3A_1832, %swap3A_1833] {strides = array<i32>} : memref<256x128xf32, #tpu.memory_space<vmem>>, vector<16xf32>,
      tpu.vector_store %arg11[%swap3A_1832, %swap3A_1833], %gather3A_1831 {strides = array<i32>} : memref<256x128xf32, #tpu.memory_space<vmem>>, vector<16xf32>,
      %add3A_1835 = arith.constant 48 : i32
      %add3A_1836 = vector.broadcast %add3A_1835 : i32 to vector<16xi32>
      %add3A_1837 = arith.addi %iota3A_332, %add3A_1836 : vector<16xi32>
      %gather3A_1838 = arith.constant 0 : i32
      %gather3A_1839 = arith.constant 1 : i32
      %gather3A_1840 = arith.constant 0 : i32
      %gather3A_1841 = arith.constant 0 : i32
      %gather3A_1842 = tpu.memref_slice %arg10[%gather3A_1838, %gather3A_1839, %gather3A_1840, %gather3A_1841] : memref<2x4x64x128xf32, #tpu.memory_space<vmem>> -> memref<1x1x64x128xf32, #tpu.memory_space<vmem>>
      %gather3A_1843 = tpu.memref_squeeze %gather3A_1842 : memref<1x1x64x128xf32, #tpu.memory_space<vmem>> -> memref<64x128xf32, #tpu.memory_space<vmem>>
      %gather3A_1844 = tpu.vector_load_idx %gather3A_1843[%add3A_1837, %broadcast_in_dim3A_1795] : memref<64x128xf32, #tpu.memory_space<vmem>>[vector<16xi32>, vector<16xi32>], vector<16xf32>,
      %swap3A_1845 = arith.index_cast %add3A_1790 : i32 to index
      %swap3A_1846 = arith.constant 112 : index
      %swap3A_1847 = tpu.vector_load %arg11[%swap3A_1845, %swap3A_1846] {strides = array<i32>} : memref<256x128xf32, #tpu.memory_space<vmem>>, vector<16xf32>,
      tpu.vector_store %arg11[%swap3A_1845, %swap3A_1846], %gather3A_1844 {strides = array<i32>} : memref<256x128xf32, #tpu.memory_space<vmem>>, vector<16xf32>,
      %mul3A_1848 = arith.constant 8 : i32
      %mul3A_1849 = arith.muli %scan3A_680, %mul3A_1848 : i32
      %add3A_1850 = arith.constant 4 : i32
      %add3A_1851 = arith.addi %mul3A_1849, %add3A_1850 : i32
      %add3A_1852 = arith.constant 1 : i32
      %add3A_1853 = arith.addi %add3A_1851, %add3A_1852 : i32
      %slice3A_1854 = vector.extract_strided_slice %min3A_689 {offsets = [10], sizes = [1], strides = [1]} : vector<16xi32> to vector<1xi32>
      %squeeze3A_1855 = vector.extract %slice3A_1854[0] : i32 from vector<1xi32>
      %and3A_1856 = arith.constant 127 : i32
      %and3A_1857 = arith.andi %squeeze3A_1855, %and3A_1856 : i32
      %broadcast_in_dim3A_1858 = vector.broadcast %and3A_1857 : i32 to vector<16xi32>
      %add3A_1859 = arith.constant 0 : i32
      %add3A_1860 = vector.broadcast %add3A_1859 : i32 to vector<16xi32>
      %add3A_1861 = arith.addi %iota3A_332, %add3A_1860 : vector<16xi32>
      %gather3A_1862 = arith.constant 0 : i32
      %gather3A_1863 = arith.constant 2 : i32
      %gather3A_1864 = arith.constant 0 : i32
      %gather3A_1865 = arith.constant 0 : i32
      %gather3A_1866 = tpu.memref_slice %arg10[%gather3A_1862, %gather3A_1863, %gather3A_1864, %gather3A_1865] : memref<2x4x64x128xf32, #tpu.memory_space<vmem>> -> memref<1x1x64x128xf32, #tpu.memory_space<vmem>>
      %gather3A_1867 = tpu.memref_squeeze %gather3A_1866 : memref<1x1x64x128xf32, #tpu.memory_space<vmem>> -> memref<64x128xf32, #tpu.memory_space<vmem>>
      %gather3A_1868 = tpu.vector_load_idx %gather3A_1867[%add3A_1861, %broadcast_in_dim3A_1858] : memref<64x128xf32, #tpu.memory_space<vmem>>[vector<16xi32>, vector<16xi32>], vector<16xf32>,
      %swap3A_1869 = arith.index_cast %add3A_1853 : i32 to index
      %swap3A_1870 = arith.constant 0 : index
      %swap3A_1871 = tpu.vector_load %arg11[%swap3A_1869, %swap3A_1870] {strides = array<i32>} : memref<256x128xf32, #tpu.memory_space<vmem>>, vector<16xf32>,
      tpu.vector_store %arg11[%swap3A_1869, %swap3A_1870], %gather3A_1868 {strides = array<i32>} : memref<256x128xf32, #tpu.memory_space<vmem>>, vector<16xf32>,
      %add3A_1872 = arith.constant 16 : i32
      %add3A_1873 = vector.broadcast %add3A_1872 : i32 to vector<16xi32>
      %add3A_1874 = arith.addi %iota3A_332, %add3A_1873 : vector<16xi32>
      %gather3A_1875 = arith.constant 0 : i32
      %gather3A_1876 = arith.constant 2 : i32
      %gather3A_1877 = arith.constant 0 : i32
      %gather3A_1878 = arith.constant 0 : i32
      %gather3A_1879 = tpu.memref_slice %arg10[%gather3A_1875, %gather3A_1876, %gather3A_1877, %gather3A_1878] : memref<2x4x64x128xf32, #tpu.memory_space<vmem>> -> memref<1x1x64x128xf32, #tpu.memory_space<vmem>>
      %gather3A_1880 = tpu.memref_squeeze %gather3A_1879 : memref<1x1x64x128xf32, #tpu.memory_space<vmem>> -> memref<64x128xf32, #tpu.memory_space<vmem>>
      %gather3A_1881 = tpu.vector_load_idx %gather3A_1880[%add3A_1874, %broadcast_in_dim3A_1858] : memref<64x128xf32, #tpu.memory_space<vmem>>[vector<16xi32>, vector<16xi32>], vector<16xf32>,
      %swap3A_1882 = arith.index_cast %add3A_1853 : i32 to index
      %swap3A_1883 = arith.constant 16 : index
      %swap3A_1884 = tpu.vector_load %arg11[%swap3A_1882, %swap3A_1883] {strides = array<i32>} : memref<256x128xf32, #tpu.memory_space<vmem>>, vector<16xf32>,
      tpu.vector_store %arg11[%swap3A_1882, %swap3A_1883], %gather3A_1881 {strides = array<i32>} : memref<256x128xf32, #tpu.memory_space<vmem>>, vector<16xf32>,
      %add3A_1885 = arith.constant 32 : i32
      %add3A_1886 = vector.broadcast %add3A_1885 : i32 to vector<16xi32>
      %add3A_1887 = arith.addi %iota3A_332, %add3A_1886 : vector<16xi32>
      %gather3A_1888 = arith.constant 0 : i32
      %gather3A_1889 = arith.constant 2 : i32
      %gather3A_1890 = arith.constant 0 : i32
      %gather3A_1891 = arith.constant 0 : i32
      %gather3A_1892 = tpu.memref_slice %arg10[%gather3A_1888, %gather3A_1889, %gather3A_1890, %gather3A_1891] : memref<2x4x64x128xf32, #tpu.memory_space<vmem>> -> memref<1x1x64x128xf32, #tpu.memory_space<vmem>>
      %gather3A_1893 = tpu.memref_squeeze %gather3A_1892 : memref<1x1x64x128xf32, #tpu.memory_space<vmem>> -> memref<64x128xf32, #tpu.memory_space<vmem>>
      %gather3A_1894 = tpu.vector_load_idx %gather3A_1893[%add3A_1887, %broadcast_in_dim3A_1858] : memref<64x128xf32, #tpu.memory_space<vmem>>[vector<16xi32>, vector<16xi32>], vector<16xf32>,
      %swap3A_1895 = arith.index_cast %add3A_1853 : i32 to index
      %swap3A_1896 = arith.constant 32 : index
      %swap3A_1897 = tpu.vector_load %arg11[%swap3A_1895, %swap3A_1896] {strides = array<i32>} : memref<256x128xf32, #tpu.memory_space<vmem>>, vector<16xf32>,
      tpu.vector_store %arg11[%swap3A_1895, %swap3A_1896], %gather3A_1894 {strides = array<i32>} : memref<256x128xf32, #tpu.memory_space<vmem>>, vector<16xf32>,
      %add3A_1898 = arith.constant 48 : i32
      %add3A_1899 = vector.broadcast %add3A_1898 : i32 to vector<16xi32>
      %add3A_1900 = arith.addi %iota3A_332, %add3A_1899 : vector<16xi32>
      %gather3A_1901 = arith.constant 0 : i32
      %gather3A_1902 = arith.constant 2 : i32
      %gather3A_1903 = arith.constant 0 : i32
      %gather3A_1904 = arith.constant 0 : i32
      %gather3A_1905 = tpu.memref_slice %arg10[%gather3A_1901, %gather3A_1902, %gather3A_1903, %gather3A_1904] : memref<2x4x64x128xf32, #tpu.memory_space<vmem>> -> memref<1x1x64x128xf32, #tpu.memory_space<vmem>>
      %gather3A_1906 = tpu.memref_squeeze %gather3A_1905 : memref<1x1x64x128xf32, #tpu.memory_space<vmem>> -> memref<64x128xf32, #tpu.memory_space<vmem>>
      %gather3A_1907 = tpu.vector_load_idx %gather3A_1906[%add3A_1900, %broadcast_in_dim3A_1858] : memref<64x128xf32, #tpu.memory_space<vmem>>[vector<16xi32>, vector<16xi32>], vector<16xf32>,
      %swap3A_1908 = arith.index_cast %add3A_1853 : i32 to index
      %swap3A_1909 = arith.constant 48 : index
      %swap3A_1910 = tpu.vector_load %arg11[%swap3A_1908, %swap3A_1909] {strides = array<i32>} : memref<256x128xf32, #tpu.memory_space<vmem>>, vector<16xf32>,
      tpu.vector_store %arg11[%swap3A_1908, %swap3A_1909], %gather3A_1907 {strides = array<i32>} : memref<256x128xf32, #tpu.memory_space<vmem>>, vector<16xf32>,
      %mul3A_1911 = arith.constant 8 : i32
      %mul3A_1912 = arith.muli %scan3A_680, %mul3A_1911 : i32
      %add3A_1913 = arith.constant 4 : i32
      %add3A_1914 = arith.addi %mul3A_1912, %add3A_1913 : i32
      %add3A_1915 = arith.constant 1 : i32
      %add3A_1916 = arith.addi %add3A_1914, %add3A_1915 : i32
      %slice3A_1917 = vector.extract_strided_slice %min3A_689 {offsets = [11], sizes = [1], strides = [1]} : vector<16xi32> to vector<1xi32>
      %squeeze3A_1918 = vector.extract %slice3A_1917[0] : i32 from vector<1xi32>
      %and3A_1919 = arith.constant 127 : i32
      %and3A_1920 = arith.andi %squeeze3A_1918, %and3A_1919 : i32
      %broadcast_in_dim3A_1921 = vector.broadcast %and3A_1920 : i32 to vector<16xi32>
      %add3A_1922 = arith.constant 0 : i32
      %add3A_1923 = vector.broadcast %add3A_1922 : i32 to vector<16xi32>
      %add3A_1924 = arith.addi %iota3A_332, %add3A_1923 : vector<16xi32>
      %gather3A_1925 = arith.constant 0 : i32
      %gather3A_1926 = arith.constant 3 : i32
      %gather3A_1927 = arith.constant 0 : i32
      %gather3A_1928 = arith.constant 0 : i32
      %gather3A_1929 = tpu.memref_slice %arg10[%gather3A_1925, %gather3A_1926, %gather3A_1927, %gather3A_1928] : memref<2x4x64x128xf32, #tpu.memory_space<vmem>> -> memref<1x1x64x128xf32, #tpu.memory_space<vmem>>
      %gather3A_1930 = tpu.memref_squeeze %gather3A_1929 : memref<1x1x64x128xf32, #tpu.memory_space<vmem>> -> memref<64x128xf32, #tpu.memory_space<vmem>>
      %gather3A_1931 = tpu.vector_load_idx %gather3A_1930[%add3A_1924, %broadcast_in_dim3A_1921] : memref<64x128xf32, #tpu.memory_space<vmem>>[vector<16xi32>, vector<16xi32>], vector<16xf32>,
      %swap3A_1932 = arith.index_cast %add3A_1916 : i32 to index
      %swap3A_1933 = arith.constant 64 : index
      %swap3A_1934 = tpu.vector_load %arg11[%swap3A_1932, %swap3A_1933] {strides = array<i32>} : memref<256x128xf32, #tpu.memory_space<vmem>>, vector<16xf32>,
      tpu.vector_store %arg11[%swap3A_1932, %swap3A_1933], %gather3A_1931 {strides = array<i32>} : memref<256x128xf32, #tpu.memory_space<vmem>>, vector<16xf32>,
      %add3A_1935 = arith.constant 16 : i32
      %add3A_1936 = vector.broadcast %add3A_1935 : i32 to vector<16xi32>
      %add3A_1937 = arith.addi %iota3A_332, %add3A_1936 : vector<16xi32>
      %gather3A_1938 = arith.constant 0 : i32
      %gather3A_1939 = arith.constant 3 : i32
      %gather3A_1940 = arith.constant 0 : i32
      %gather3A_1941 = arith.constant 0 : i32
      %gather3A_1942 = tpu.memref_slice %arg10[%gather3A_1938, %gather3A_1939, %gather3A_1940, %gather3A_1941] : memref<2x4x64x128xf32, #tpu.memory_space<vmem>> -> memref<1x1x64x128xf32, #tpu.memory_space<vmem>>
      %gather3A_1943 = tpu.memref_squeeze %gather3A_1942 : memref<1x1x64x128xf32, #tpu.memory_space<vmem>> -> memref<64x128xf32, #tpu.memory_space<vmem>>
      %gather3A_1944 = tpu.vector_load_idx %gather3A_1943[%add3A_1937, %broadcast_in_dim3A_1921] : memref<64x128xf32, #tpu.memory_space<vmem>>[vector<16xi32>, vector<16xi32>], vector<16xf32>,
      %swap3A_1945 = arith.index_cast %add3A_1916 : i32 to index
      %swap3A_1946 = arith.constant 80 : index
      %swap3A_1947 = tpu.vector_load %arg11[%swap3A_1945, %swap3A_1946] {strides = array<i32>} : memref<256x128xf32, #tpu.memory_space<vmem>>, vector<16xf32>,
      tpu.vector_store %arg11[%swap3A_1945, %swap3A_1946], %gather3A_1944 {strides = array<i32>} : memref<256x128xf32, #tpu.memory_space<vmem>>, vector<16xf32>,
      %add3A_1948 = arith.constant 32 : i32
      %add3A_1949 = vector.broadcast %add3A_1948 : i32 to vector<16xi32>
      %add3A_1950 = arith.addi %iota3A_332, %add3A_1949 : vector<16xi32>
      %gather3A_1951 = arith.constant 0 : i32
      %gather3A_1952 = arith.constant 3 : i32
      %gather3A_1953 = arith.constant 0 : i32
      %gather3A_1954 = arith.constant 0 : i32
      %gather3A_1955 = tpu.memref_slice %arg10[%gather3A_1951, %gather3A_1952, %gather3A_1953, %gather3A_1954] : memref<2x4x64x128xf32, #tpu.memory_space<vmem>> -> memref<1x1x64x128xf32, #tpu.memory_space<vmem>>
      %gather3A_1956 = tpu.memref_squeeze %gather3A_1955 : memref<1x1x64x128xf32, #tpu.memory_space<vmem>> -> memref<64x128xf32, #tpu.memory_space<vmem>>
      %gather3A_1957 = tpu.vector_load_idx %gather3A_1956[%add3A_1950, %broadcast_in_dim3A_1921] : memref<64x128xf32, #tpu.memory_space<vmem>>[vector<16xi32>, vector<16xi32>], vector<16xf32>,
      %swap3A_1958 = arith.index_cast %add3A_1916 : i32 to index
      %swap3A_1959 = arith.constant 96 : index
      %swap3A_1960 = tpu.vector_load %arg11[%swap3A_1958, %swap3A_1959] {strides = array<i32>} : memref<256x128xf32, #tpu.memory_space<vmem>>, vector<16xf32>,
      tpu.vector_store %arg11[%swap3A_1958, %swap3A_1959], %gather3A_1957 {strides = array<i32>} : memref<256x128xf32, #tpu.memory_space<vmem>>, vector<16xf32>,
      %add3A_1961 = arith.constant 48 : i32
      %add3A_1962 = vector.broadcast %add3A_1961 : i32 to vector<16xi32>
      %add3A_1963 = arith.addi %iota3A_332, %add3A_1962 : vector<16xi32>
      %gather3A_1964 = arith.constant 0 : i32
      %gather3A_1965 = arith.constant 3 : i32
      %gather3A_1966 = arith.constant 0 : i32
      %gather3A_1967 = arith.constant 0 : i32
      %gather3A_1968 = tpu.memref_slice %arg10[%gather3A_1964, %gather3A_1965, %gather3A_1966, %gather3A_1967] : memref<2x4x64x128xf32, #tpu.memory_space<vmem>> -> memref<1x1x64x128xf32, #tpu.memory_space<vmem>>
      %gather3A_1969 = tpu.memref_squeeze %gather3A_1968 : memref<1x1x64x128xf32, #tpu.memory_space<vmem>> -> memref<64x128xf32, #tpu.memory_space<vmem>>
      %gather3A_1970 = tpu.vector_load_idx %gather3A_1969[%add3A_1963, %broadcast_in_dim3A_1921] : memref<64x128xf32, #tpu.memory_space<vmem>>[vector<16xi32>, vector<16xi32>], vector<16xf32>,
      %swap3A_1971 = arith.index_cast %add3A_1916 : i32 to index
      %swap3A_1972 = arith.constant 112 : index
      %swap3A_1973 = tpu.vector_load %arg11[%swap3A_1971, %swap3A_1972] {strides = array<i32>} : memref<256x128xf32, #tpu.memory_space<vmem>>, vector<16xf32>,
      tpu.vector_store %arg11[%swap3A_1971, %swap3A_1972], %gather3A_1970 {strides = array<i32>} : memref<256x128xf32, #tpu.memory_space<vmem>>, vector<16xf32>,
      %scan3A_1974 = arith.constant 0 : i32
      scf.yield %scan3A_1974 : i32
    }
    %scan3A_339 = arith.constant 32 : i32
    %multiple_of3A_340 = arith.constant 496 : i32
    %multiple_of3A_341 = tpu.assume_multiple %multiple_of3A_340, 16 : i32
    %get3A_342 = arith.index_cast %multiple_of3A_341 : i32 to index
    %get3A_343 = tpu.vector_load %arg9[%get3A_342] {strides = array<i32>} : memref<512xi32, #tpu.memory_space<vmem>>, vector<16xi32>,
    %min3A_344 = arith.constant 1000000 : i32
    %min3A_345 = vector.broadcast %min3A_344 : i32 to vector<16xi32>
    %min3A_346 = arith.minsi %get3A_343, %min3A_345 : vector<16xi32>
    %dma_wait3A_347 = arith.constant 1 : i32
    %dma_wait3A_348 = arith.constant 0 : i32
    %dma_wait3A_349 = arith.constant 0 : i32
    %dma_wait3A_350 = arith.constant 0 : i32
    %dma_wait3A_351 = tpu.memref_slice %arg10[%dma_wait3A_347, %dma_wait3A_348, %dma_wait3A_349, %dma_wait3A_350] : memref<2x4x64x128xf32, #tpu.memory_space<vmem>> -> memref<1x1x64x128xf32, #tpu.memory_space<vmem>>
    %dma_wait3A_352 = tpu.memref_squeeze %dma_wait3A_351 : memref<1x1x64x128xf32, #tpu.memory_space<vmem>> -> memref<64x128xf32, #tpu.memory_space<vmem>>
    %dma_wait3A_353 = arith.constant 0 : i32
    %dma_wait3A_354 = arith.constant 0 : i32
    %dma_wait3A_355 = tpu.memref_slice %arg5[%dma_wait3A_353, %dma_wait3A_354] : memref<64x1000001xf32, #tpu.memory_space<hbm>> -> memref<64x128xf32, #tpu.memory_space<hbm>>
    %dma_wait3A_356 = arith.constant 0 : i32
    %dma_wait3A_357 = arith.constant 0 : i32
    %dma_wait3A_358 = tpu.memref_slice %arg10[%dma_wait3A_347, %dma_wait3A_348, %dma_wait3A_356, %dma_wait3A_357] : memref<2x4x64x128xf32, #tpu.memory_space<vmem>> -> memref<1x1x64x128xf32, #tpu.memory_space<vmem>>
    %dma_wait3A_359 = tpu.memref_squeeze %dma_wait3A_358 : memref<1x1x64x128xf32, #tpu.memory_space<vmem>> -> memref<64x128xf32, #tpu.memory_space<vmem>>
    %dma_wait3A_360 = arith.constant 0 : i32
    %dma_wait3A_361 = arith.constant 0 : i32
    %dma_wait3A_362 = tpu.memref_slice %arg5[%dma_wait3A_360, %dma_wait3A_361] : memref<64x1000001xf32, #tpu.memory_space<hbm>> -> memref<64x128xf32, #tpu.memory_space<hbm>>
    tpu.wait_dma2 semaphore(%arg13 : memref<!tpu.dma_semaphore, #tpu.memory_space<semaphore_mem>>) src(%dma_wait3A_362 : memref<64x128xf32, #tpu.memory_space<hbm>>) dst(%dma_wait3A_359 : memref<64x128xf32, #tpu.memory_space<vmem>>)
    %dma_wait3A_363 = arith.constant 1 : i32
    %dma_wait3A_364 = arith.constant 1 : i32
    %dma_wait3A_365 = arith.constant 0 : i32
    %dma_wait3A_366 = arith.constant 0 : i32
    %dma_wait3A_367 = tpu.memref_slice %arg10[%dma_wait3A_363, %dma_wait3A_364, %dma_wait3A_365, %dma_wait3A_366] : memref<2x4x64x128xf32, #tpu.memory_space<vmem>> -> memref<1x1x64x128xf32, #tpu.memory_space<vmem>>
    %dma_wait3A_368 = tpu.memref_squeeze %dma_wait3A_367 : memref<1x1x64x128xf32, #tpu.memory_space<vmem>> -> memref<64x128xf32, #tpu.memory_space<vmem>>
    %dma_wait3A_369 = arith.constant 0 : i32
    %dma_wait3A_370 = arith.constant 0 : i32
    %dma_wait3A_371 = tpu.memref_slice %arg5[%dma_wait3A_369, %dma_wait3A_370] : memref<64x1000001xf32, #tpu.memory_space<hbm>> -> memref<64x128xf32, #tpu.memory_space<hbm>>
    %dma_wait3A_372 = arith.constant 0 : i32
    %dma_wait3A_373 = arith.constant 0 : i32
    %dma_wait3A_374 = tpu.memref_slice %arg10[%dma_wait3A_363, %dma_wait3A_364, %dma_wait3A_372, %dma_wait3A_373] : memref<2x4x64x128xf32, #tpu.memory_space<vmem>> -> memref<1x1x64x128xf32, #tpu.memory_space<vmem>>
    %dma_wait3A_375 = tpu.memref_squeeze %dma_wait3A_374 : memref<1x1x64x128xf32, #tpu.memory_space<vmem>> -> memref<64x128xf32, #tpu.memory_space<vmem>>
    %dma_wait3A_376 = arith.constant 0 : i32
    %dma_wait3A_377 = arith.constant 0 : i32
    %dma_wait3A_378 = tpu.memref_slice %arg5[%dma_wait3A_376, %dma_wait3A_377] : memref<64x1000001xf32, #tpu.memory_space<hbm>> -> memref<64x128xf32, #tpu.memory_space<hbm>>
    tpu.wait_dma2 semaphore(%arg13 : memref<!tpu.dma_semaphore, #tpu.memory_space<semaphore_mem>>) src(%dma_wait3A_378 : memref<64x128xf32, #tpu.memory_space<hbm>>) dst(%dma_wait3A_375 : memref<64x128xf32, #tpu.memory_space<vmem>>)
    %dma_wait3A_379 = arith.constant 1 : i32
    %dma_wait3A_380 = arith.constant 2 : i32
    %dma_wait3A_381 = arith.constant 0 : i32
    %dma_wait3A_382 = arith.constant 0 : i32
    %dma_wait3A_383 = tpu.memref_slice %arg10[%dma_wait3A_379, %dma_wait3A_380, %dma_wait3A_381, %dma_wait3A_382] : memref<2x4x64x128xf32, #tpu.memory_space<vmem>> -> memref<1x1x64x128xf32, #tpu.memory_space<vmem>>
    %dma_wait3A_384 = tpu.memref_squeeze %dma_wait3A_383 : memref<1x1x64x128xf32, #tpu.memory_space<vmem>> -> memref<64x128xf32, #tpu.memory_space<vmem>>
    %dma_wait3A_385 = arith.constant 0 : i32
    %dma_wait3A_386 = arith.constant 0 : i32
    %dma_wait3A_387 = tpu.memref_slice %arg5[%dma_wait3A_385, %dma_wait3A_386] : memref<64x1000001xf32, #tpu.memory_space<hbm>> -> memref<64x128xf32, #tpu.memory_space<hbm>>
    %dma_wait3A_388 = arith.constant 0 : i32
    %dma_wait3A_389 = arith.constant 0 : i32
    %dma_wait3A_390 = tpu.memref_slice %arg10[%dma_wait3A_379, %dma_wait3A_380, %dma_wait3A_388, %dma_wait3A_389] : memref<2x4x64x128xf32, #tpu.memory_space<vmem>> -> memref<1x1x64x128xf32, #tpu.memory_space<vmem>>
    %dma_wait3A_391 = tpu.memref_squeeze %dma_wait3A_390 : memref<1x1x64x128xf32, #tpu.memory_space<vmem>> -> memref<64x128xf32, #tpu.memory_space<vmem>>
    %dma_wait3A_392 = arith.constant 0 : i32
    %dma_wait3A_393 = arith.constant 0 : i32
    %dma_wait3A_394 = tpu.memref_slice %arg5[%dma_wait3A_392, %dma_wait3A_393] : memref<64x1000001xf32, #tpu.memory_space<hbm>> -> memref<64x128xf32, #tpu.memory_space<hbm>>
    tpu.wait_dma2 semaphore(%arg13 : memref<!tpu.dma_semaphore, #tpu.memory_space<semaphore_mem>>) src(%dma_wait3A_394 : memref<64x128xf32, #tpu.memory_space<hbm>>) dst(%dma_wait3A_391 : memref<64x128xf32, #tpu.memory_space<vmem>>)
    %dma_wait3A_395 = arith.constant 1 : i32
    %dma_wait3A_396 = arith.constant 3 : i32
    %dma_wait3A_397 = arith.constant 0 : i32
    %dma_wait3A_398 = arith.constant 0 : i32
    %dma_wait3A_399 = tpu.memref_slice %arg10[%dma_wait3A_395, %dma_wait3A_396, %dma_wait3A_397, %dma_wait3A_398] : memref<2x4x64x128xf32, #tpu.memory_space<vmem>> -> memref<1x1x64x128xf32, #tpu.memory_space<vmem>>
    %dma_wait3A_400 = tpu.memref_squeeze %dma_wait3A_399 : memref<1x1x64x128xf32, #tpu.memory_space<vmem>> -> memref<64x128xf32, #tpu.memory_space<vmem>>
    %dma_wait3A_401 = arith.constant 0 : i32
    %dma_wait3A_402 = arith.constant 0 : i32
    %dma_wait3A_403 = tpu.memref_slice %arg5[%dma_wait3A_401, %dma_wait3A_402] : memref<64x1000001xf32, #tpu.memory_space<hbm>> -> memref<64x128xf32, #tpu.memory_space<hbm>>
    %dma_wait3A_404 = arith.constant 0 : i32
    %dma_wait3A_405 = arith.constant 0 : i32
    %dma_wait3A_406 = tpu.memref_slice %arg10[%dma_wait3A_395, %dma_wait3A_396, %dma_wait3A_404, %dma_wait3A_405] : memref<2x4x64x128xf32, #tpu.memory_space<vmem>> -> memref<1x1x64x128xf32, #tpu.memory_space<vmem>>
    %dma_wait3A_407 = tpu.memref_squeeze %dma_wait3A_406 : memref<1x1x64x128xf32, #tpu.memory_space<vmem>> -> memref<64x128xf32, #tpu.memory_space<vmem>>
    %dma_wait3A_408 = arith.constant 0 : i32
    %dma_wait3A_409 = arith.constant 0 : i32
    %dma_wait3A_410 = tpu.memref_slice %arg5[%dma_wait3A_408, %dma_wait3A_409] : memref<64x1000001xf32, #tpu.memory_space<hbm>> -> memref<64x128xf32, #tpu.memory_space<hbm>>
    tpu.wait_dma2 semaphore(%arg13 : memref<!tpu.dma_semaphore, #tpu.memory_space<semaphore_mem>>) src(%dma_wait3A_410 : memref<64x128xf32, #tpu.memory_space<hbm>>) dst(%dma_wait3A_407 : memref<64x128xf32, #tpu.memory_space<vmem>>)
    %slice3A_411 = vector.extract_strided_slice %min3A_346 {offsets = [12], sizes = [1], strides = [1]} : vector<16xi32> to vector<1xi32>
    %squeeze3A_412 = vector.extract %slice3A_411[0] : i32 from vector<1xi32>
    %and3A_413 = arith.constant 127 : i32
    %and3A_414 = arith.andi %squeeze3A_412, %and3A_413 : i32
    %broadcast_in_dim3A_415 = vector.broadcast %and3A_414 : i32 to vector<16xi32>
    %add3A_416 = arith.constant 0 : i32
    %add3A_417 = vector.broadcast %add3A_416 : i32 to vector<16xi32>
    %add3A_418 = arith.addi %iota3A_332, %add3A_417 : vector<16xi32>
    %gather3A_419 = arith.constant 1 : i32
    %gather3A_420 = arith.constant 0 : i32
    %gather3A_421 = arith.constant 0 : i32
    %gather3A_422 = arith.constant 0 : i32
    %gather3A_423 = tpu.memref_slice %arg10[%gather3A_419, %gather3A_420, %gather3A_421, %gather3A_422] : memref<2x4x64x128xf32, #tpu.memory_space<vmem>> -> memref<1x1x64x128xf32, #tpu.memory_space<vmem>>
    %gather3A_424 = tpu.memref_squeeze %gather3A_423 : memref<1x1x64x128xf32, #tpu.memory_space<vmem>> -> memref<64x128xf32, #tpu.memory_space<vmem>>
    %gather3A_425 = tpu.vector_load_idx %gather3A_424[%add3A_418, %broadcast_in_dim3A_415] : memref<64x128xf32, #tpu.memory_space<vmem>>[vector<16xi32>, vector<16xi32>], vector<16xf32>,
    %swap3A_426 = arith.constant 254 : i32
    %swap3A_427 = arith.index_cast %swap3A_426 : i32 to index
    %swap3A_428 = arith.constant 0 : index
    %swap3A_429 = tpu.vector_load %arg11[%swap3A_427, %swap3A_428] {strides = array<i32>} : memref<256x128xf32, #tpu.memory_space<vmem>>, vector<16xf32>,
    tpu.vector_store %arg11[%swap3A_427, %swap3A_428], %gather3A_425 {strides = array<i32>} : memref<256x128xf32, #tpu.memory_space<vmem>>, vector<16xf32>,
    %add3A_430 = arith.constant 16 : i32
    %add3A_431 = vector.broadcast %add3A_430 : i32 to vector<16xi32>
    %add3A_432 = arith.addi %iota3A_332, %add3A_431 : vector<16xi32>
    %gather3A_433 = arith.constant 1 : i32
    %gather3A_434 = arith.constant 0 : i32
    %gather3A_435 = arith.constant 0 : i32
    %gather3A_436 = arith.constant 0 : i32
    %gather3A_437 = tpu.memref_slice %arg10[%gather3A_433, %gather3A_434, %gather3A_435, %gather3A_436] : memref<2x4x64x128xf32, #tpu.memory_space<vmem>> -> memref<1x1x64x128xf32, #tpu.memory_space<vmem>>
    %gather3A_438 = tpu.memref_squeeze %gather3A_437 : memref<1x1x64x128xf32, #tpu.memory_space<vmem>> -> memref<64x128xf32, #tpu.memory_space<vmem>>
    %gather3A_439 = tpu.vector_load_idx %gather3A_438[%add3A_432, %broadcast_in_dim3A_415] : memref<64x128xf32, #tpu.memory_space<vmem>>[vector<16xi32>, vector<16xi32>], vector<16xf32>,
    %swap3A_440 = arith.constant 254 : i32
    %swap3A_441 = arith.index_cast %swap3A_440 : i32 to index
    %swap3A_442 = arith.constant 16 : index
    %swap3A_443 = tpu.vector_load %arg11[%swap3A_441, %swap3A_442] {strides = array<i32>} : memref<256x128xf32, #tpu.memory_space<vmem>>, vector<16xf32>,
    tpu.vector_store %arg11[%swap3A_441, %swap3A_442], %gather3A_439 {strides = array<i32>} : memref<256x128xf32, #tpu.memory_space<vmem>>, vector<16xf32>,
    %add3A_444 = arith.constant 32 : i32
    %add3A_445 = vector.broadcast %add3A_444 : i32 to vector<16xi32>
    %add3A_446 = arith.addi %iota3A_332, %add3A_445 : vector<16xi32>
    %gather3A_447 = arith.constant 1 : i32
    %gather3A_448 = arith.constant 0 : i32
    %gather3A_449 = arith.constant 0 : i32
    %gather3A_450 = arith.constant 0 : i32
    %gather3A_451 = tpu.memref_slice %arg10[%gather3A_447, %gather3A_448, %gather3A_449, %gather3A_450] : memref<2x4x64x128xf32, #tpu.memory_space<vmem>> -> memref<1x1x64x128xf32, #tpu.memory_space<vmem>>
    %gather3A_452 = tpu.memref_squeeze %gather3A_451 : memref<1x1x64x128xf32, #tpu.memory_space<vmem>> -> memref<64x128xf32, #tpu.memory_space<vmem>>
    %gather3A_453 = tpu.vector_load_idx %gather3A_452[%add3A_446, %broadcast_in_dim3A_415] : memref<64x128xf32, #tpu.memory_space<vmem>>[vector<16xi32>, vector<16xi32>], vector<16xf32>,
    %swap3A_454 = arith.constant 254 : i32
    %swap3A_455 = arith.index_cast %swap3A_454 : i32 to index
    %swap3A_456 = arith.constant 32 : index
    %swap3A_457 = tpu.vector_load %arg11[%swap3A_455, %swap3A_456] {strides = array<i32>} : memref<256x128xf32, #tpu.memory_space<vmem>>, vector<16xf32>,
    tpu.vector_store %arg11[%swap3A_455, %swap3A_456], %gather3A_453 {strides = array<i32>} : memref<256x128xf32, #tpu.memory_space<vmem>>, vector<16xf32>,
    %add3A_458 = arith.constant 48 : i32
    %add3A_459 = vector.broadcast %add3A_458 : i32 to vector<16xi32>
    %add3A_460 = arith.addi %iota3A_332, %add3A_459 : vector<16xi32>
    %gather3A_461 = arith.constant 1 : i32
    %gather3A_462 = arith.constant 0 : i32
    %gather3A_463 = arith.constant 0 : i32
    %gather3A_464 = arith.constant 0 : i32
    %gather3A_465 = tpu.memref_slice %arg10[%gather3A_461, %gather3A_462, %gather3A_463, %gather3A_464] : memref<2x4x64x128xf32, #tpu.memory_space<vmem>> -> memref<1x1x64x128xf32, #tpu.memory_space<vmem>>
    %gather3A_466 = tpu.memref_squeeze %gather3A_465 : memref<1x1x64x128xf32, #tpu.memory_space<vmem>> -> memref<64x128xf32, #tpu.memory_space<vmem>>
    %gather3A_467 = tpu.vector_load_idx %gather3A_466[%add3A_460, %broadcast_in_dim3A_415] : memref<64x128xf32, #tpu.memory_space<vmem>>[vector<16xi32>, vector<16xi32>], vector<16xf32>,
    %swap3A_468 = arith.constant 254 : i32
    %swap3A_469 = arith.index_cast %swap3A_468 : i32 to index
    %swap3A_470 = arith.constant 48 : index
    %swap3A_471 = tpu.vector_load %arg11[%swap3A_469, %swap3A_470] {strides = array<i32>} : memref<256x128xf32, #tpu.memory_space<vmem>>, vector<16xf32>,
    tpu.vector_store %arg11[%swap3A_469, %swap3A_470], %gather3A_467 {strides = array<i32>} : memref<256x128xf32, #tpu.memory_space<vmem>>, vector<16xf32>,
    %slice3A_472 = vector.extract_strided_slice %min3A_346 {offsets = [13], sizes = [1], strides = [1]} : vector<16xi32> to vector<1xi32>
    %squeeze3A_473 = vector.extract %slice3A_472[0] : i32 from vector<1xi32>
    %and3A_474 = arith.constant 127 : i32
    %and3A_475 = arith.andi %squeeze3A_473, %and3A_474 : i32
    %broadcast_in_dim3A_476 = vector.broadcast %and3A_475 : i32 to vector<16xi32>
    %add3A_477 = arith.constant 0 : i32
    %add3A_478 = vector.broadcast %add3A_477 : i32 to vector<16xi32>
    %add3A_479 = arith.addi %iota3A_332, %add3A_478 : vector<16xi32>
    %gather3A_480 = arith.constant 1 : i32
    %gather3A_481 = arith.constant 1 : i32
    %gather3A_482 = arith.constant 0 : i32
    %gather3A_483 = arith.constant 0 : i32
    %gather3A_484 = tpu.memref_slice %arg10[%gather3A_480, %gather3A_481, %gather3A_482, %gather3A_483] : memref<2x4x64x128xf32, #tpu.memory_space<vmem>> -> memref<1x1x64x128xf32, #tpu.memory_space<vmem>>
    %gather3A_485 = tpu.memref_squeeze %gather3A_484 : memref<1x1x64x128xf32, #tpu.memory_space<vmem>> -> memref<64x128xf32, #tpu.memory_space<vmem>>
    %gather3A_486 = tpu.vector_load_idx %gather3A_485[%add3A_479, %broadcast_in_dim3A_476] : memref<64x128xf32, #tpu.memory_space<vmem>>[vector<16xi32>, vector<16xi32>], vector<16xf32>,
    %swap3A_487 = arith.constant 254 : i32
    %swap3A_488 = arith.index_cast %swap3A_487 : i32 to index
    %swap3A_489 = arith.constant 64 : index
    %swap3A_490 = tpu.vector_load %arg11[%swap3A_488, %swap3A_489] {strides = array<i32>} : memref<256x128xf32, #tpu.memory_space<vmem>>, vector<16xf32>,
    tpu.vector_store %arg11[%swap3A_488, %swap3A_489], %gather3A_486 {strides = array<i32>} : memref<256x128xf32, #tpu.memory_space<vmem>>, vector<16xf32>,
    %add3A_491 = arith.constant 16 : i32
    %add3A_492 = vector.broadcast %add3A_491 : i32 to vector<16xi32>
    %add3A_493 = arith.addi %iota3A_332, %add3A_492 : vector<16xi32>
    %gather3A_494 = arith.constant 1 : i32
    %gather3A_495 = arith.constant 1 : i32
    %gather3A_496 = arith.constant 0 : i32
    %gather3A_497 = arith.constant 0 : i32
    %gather3A_498 = tpu.memref_slice %arg10[%gather3A_494, %gather3A_495, %gather3A_496, %gather3A_497] : memref<2x4x64x128xf32, #tpu.memory_space<vmem>> -> memref<1x1x64x128xf32, #tpu.memory_space<vmem>>
    %gather3A_499 = tpu.memref_squeeze %gather3A_498 : memref<1x1x64x128xf32, #tpu.memory_space<vmem>> -> memref<64x128xf32, #tpu.memory_space<vmem>>
    %gather3A_500 = tpu.vector_load_idx %gather3A_499[%add3A_493, %broadcast_in_dim3A_476] : memref<64x128xf32, #tpu.memory_space<vmem>>[vector<16xi32>, vector<16xi32>], vector<16xf32>,
    %swap3A_501 = arith.constant 254 : i32
    %swap3A_502 = arith.index_cast %swap3A_501 : i32 to index
    %swap3A_503 = arith.constant 80 : index
    %swap3A_504 = tpu.vector_load %arg11[%swap3A_502, %swap3A_503] {strides = array<i32>} : memref<256x128xf32, #tpu.memory_space<vmem>>, vector<16xf32>,
    tpu.vector_store %arg11[%swap3A_502, %swap3A_503], %gather3A_500 {strides = array<i32>} : memref<256x128xf32, #tpu.memory_space<vmem>>, vector<16xf32>,
    %add3A_505 = arith.constant 32 : i32
    %add3A_506 = vector.broadcast %add3A_505 : i32 to vector<16xi32>
    %add3A_507 = arith.addi %iota3A_332, %add3A_506 : vector<16xi32>
    %gather3A_508 = arith.constant 1 : i32
    %gather3A_509 = arith.constant 1 : i32
    %gather3A_510 = arith.constant 0 : i32
    %gather3A_511 = arith.constant 0 : i32
    %gather3A_512 = tpu.memref_slice %arg10[%gather3A_508, %gather3A_509, %gather3A_510, %gather3A_511] : memref<2x4x64x128xf32, #tpu.memory_space<vmem>> -> memref<1x1x64x128xf32, #tpu.memory_space<vmem>>
    %gather3A_513 = tpu.memref_squeeze %gather3A_512 : memref<1x1x64x128xf32, #tpu.memory_space<vmem>> -> memref<64x128xf32, #tpu.memory_space<vmem>>
    %gather3A_514 = tpu.vector_load_idx %gather3A_513[%add3A_507, %broadcast_in_dim3A_476] : memref<64x128xf32, #tpu.memory_space<vmem>>[vector<16xi32>, vector<16xi32>], vector<16xf32>,
    %swap3A_515 = arith.constant 254 : i32
    %swap3A_516 = arith.index_cast %swap3A_515 : i32 to index
    %swap3A_517 = arith.constant 96 : index
    %swap3A_518 = tpu.vector_load %arg11[%swap3A_516, %swap3A_517] {strides = array<i32>} : memref<256x128xf32, #tpu.memory_space<vmem>>, vector<16xf32>,
    tpu.vector_store %arg11[%swap3A_516, %swap3A_517], %gather3A_514 {strides = array<i32>} : memref<256x128xf32, #tpu.memory_space<vmem>>, vector<16xf32>,
    %add3A_519 = arith.constant 48 : i32
    %add3A_520 = vector.broadcast %add3A_519 : i32 to vector<16xi32>
    %add3A_521 = arith.addi %iota3A_332, %add3A_520 : vector<16xi32>
    %gather3A_522 = arith.constant 1 : i32
    %gather3A_523 = arith.constant 1 : i32
    %gather3A_524 = arith.constant 0 : i32
    %gather3A_525 = arith.constant 0 : i32
    %gather3A_526 = tpu.memref_slice %arg10[%gather3A_522, %gather3A_523, %gather3A_524, %gather3A_525] : memref<2x4x64x128xf32, #tpu.memory_space<vmem>> -> memref<1x1x64x128xf32, #tpu.memory_space<vmem>>
    %gather3A_527 = tpu.memref_squeeze %gather3A_526 : memref<1x1x64x128xf32, #tpu.memory_space<vmem>> -> memref<64x128xf32, #tpu.memory_space<vmem>>
    %gather3A_528 = tpu.vector_load_idx %gather3A_527[%add3A_521, %broadcast_in_dim3A_476] : memref<64x128xf32, #tpu.memory_space<vmem>>[vector<16xi32>, vector<16xi32>], vector<16xf32>,
    %swap3A_529 = arith.constant 254 : i32
    %swap3A_530 = arith.index_cast %swap3A_529 : i32 to index
    %swap3A_531 = arith.constant 112 : index
    %swap3A_532 = tpu.vector_load %arg11[%swap3A_530, %swap3A_531] {strides = array<i32>} : memref<256x128xf32, #tpu.memory_space<vmem>>, vector<16xf32>,
    tpu.vector_store %arg11[%swap3A_530, %swap3A_531], %gather3A_528 {strides = array<i32>} : memref<256x128xf32, #tpu.memory_space<vmem>>, vector<16xf32>,
    %slice3A_533 = vector.extract_strided_slice %min3A_346 {offsets = [14], sizes = [1], strides = [1]} : vector<16xi32> to vector<1xi32>
    %squeeze3A_534 = vector.extract %slice3A_533[0] : i32 from vector<1xi32>
    %and3A_535 = arith.constant 127 : i32
    %and3A_536 = arith.andi %squeeze3A_534, %and3A_535 : i32
    %broadcast_in_dim3A_537 = vector.broadcast %and3A_536 : i32 to vector<16xi32>
    %add3A_538 = arith.constant 0 : i32
    %add3A_539 = vector.broadcast %add3A_538 : i32 to vector<16xi32>
    %add3A_540 = arith.addi %iota3A_332, %add3A_539 : vector<16xi32>
    %gather3A_541 = arith.constant 1 : i32
    %gather3A_542 = arith.constant 2 : i32
    %gather3A_543 = arith.constant 0 : i32
    %gather3A_544 = arith.constant 0 : i32
    %gather3A_545 = tpu.memref_slice %arg10[%gather3A_541, %gather3A_542, %gather3A_543, %gather3A_544] : memref<2x4x64x128xf32, #tpu.memory_space<vmem>> -> memref<1x1x64x128xf32, #tpu.memory_space<vmem>>
    %gather3A_546 = tpu.memref_squeeze %gather3A_545 : memref<1x1x64x128xf32, #tpu.memory_space<vmem>> -> memref<64x128xf32, #tpu.memory_space<vmem>>
    %gather3A_547 = tpu.vector_load_idx %gather3A_546[%add3A_540, %broadcast_in_dim3A_537] : memref<64x128xf32, #tpu.memory_space<vmem>>[vector<16xi32>, vector<16xi32>], vector<16xf32>,
    %swap3A_548 = arith.constant 255 : i32
    %swap3A_549 = arith.index_cast %swap3A_548 : i32 to index
    %swap3A_550 = arith.constant 0 : index
    %swap3A_551 = tpu.vector_load %arg11[%swap3A_549, %swap3A_550] {strides = array<i32>} : memref<256x128xf32, #tpu.memory_space<vmem>>, vector<16xf32>,
    tpu.vector_store %arg11[%swap3A_549, %swap3A_550], %gather3A_547 {strides = array<i32>} : memref<256x128xf32, #tpu.memory_space<vmem>>, vector<16xf32>,
    %add3A_552 = arith.constant 16 : i32
    %add3A_553 = vector.broadcast %add3A_552 : i32 to vector<16xi32>
    %add3A_554 = arith.addi %iota3A_332, %add3A_553 : vector<16xi32>
    %gather3A_555 = arith.constant 1 : i32
    %gather3A_556 = arith.constant 2 : i32
    %gather3A_557 = arith.constant 0 : i32
    %gather3A_558 = arith.constant 0 : i32
    %gather3A_559 = tpu.memref_slice %arg10[%gather3A_555, %gather3A_556, %gather3A_557, %gather3A_558] : memref<2x4x64x128xf32, #tpu.memory_space<vmem>> -> memref<1x1x64x128xf32, #tpu.memory_space<vmem>>
    %gather3A_560 = tpu.memref_squeeze %gather3A_559 : memref<1x1x64x128xf32, #tpu.memory_space<vmem>> -> memref<64x128xf32, #tpu.memory_space<vmem>>
    %gather3A_561 = tpu.vector_load_idx %gather3A_560[%add3A_554, %broadcast_in_dim3A_537] : memref<64x128xf32, #tpu.memory_space<vmem>>[vector<16xi32>, vector<16xi32>], vector<16xf32>,
    %swap3A_562 = arith.constant 255 : i32
    %swap3A_563 = arith.index_cast %swap3A_562 : i32 to index
    %swap3A_564 = arith.constant 16 : index
    %swap3A_565 = tpu.vector_load %arg11[%swap3A_563, %swap3A_564] {strides = array<i32>} : memref<256x128xf32, #tpu.memory_space<vmem>>, vector<16xf32>,
    tpu.vector_store %arg11[%swap3A_563, %swap3A_564], %gather3A_561 {strides = array<i32>} : memref<256x128xf32, #tpu.memory_space<vmem>>, vector<16xf32>,
    %add3A_566 = arith.constant 32 : i32
    %add3A_567 = vector.broadcast %add3A_566 : i32 to vector<16xi32>
    %add3A_568 = arith.addi %iota3A_332, %add3A_567 : vector<16xi32>
    %gather3A_569 = arith.constant 1 : i32
    %gather3A_570 = arith.constant 2 : i32
    %gather3A_571 = arith.constant 0 : i32
    %gather3A_572 = arith.constant 0 : i32
    %gather3A_573 = tpu.memref_slice %arg10[%gather3A_569, %gather3A_570, %gather3A_571, %gather3A_572] : memref<2x4x64x128xf32, #tpu.memory_space<vmem>> -> memref<1x1x64x128xf32, #tpu.memory_space<vmem>>
    %gather3A_574 = tpu.memref_squeeze %gather3A_573 : memref<1x1x64x128xf32, #tpu.memory_space<vmem>> -> memref<64x128xf32, #tpu.memory_space<vmem>>
    %gather3A_575 = tpu.vector_load_idx %gather3A_574[%add3A_568, %broadcast_in_dim3A_537] : memref<64x128xf32, #tpu.memory_space<vmem>>[vector<16xi32>, vector<16xi32>], vector<16xf32>,
    %swap3A_576 = arith.constant 255 : i32
    %swap3A_577 = arith.index_cast %swap3A_576 : i32 to index
    %swap3A_578 = arith.constant 32 : index
    %swap3A_579 = tpu.vector_load %arg11[%swap3A_577, %swap3A_578] {strides = array<i32>} : memref<256x128xf32, #tpu.memory_space<vmem>>, vector<16xf32>,
    tpu.vector_store %arg11[%swap3A_577, %swap3A_578], %gather3A_575 {strides = array<i32>} : memref<256x128xf32, #tpu.memory_space<vmem>>, vector<16xf32>,
    %add3A_580 = arith.constant 48 : i32
    %add3A_581 = vector.broadcast %add3A_580 : i32 to vector<16xi32>
    %add3A_582 = arith.addi %iota3A_332, %add3A_581 : vector<16xi32>
    %gather3A_583 = arith.constant 1 : i32
    %gather3A_584 = arith.constant 2 : i32
    %gather3A_585 = arith.constant 0 : i32
    %gather3A_586 = arith.constant 0 : i32
    %gather3A_587 = tpu.memref_slice %arg10[%gather3A_583, %gather3A_584, %gather3A_585, %gather3A_586] : memref<2x4x64x128xf32, #tpu.memory_space<vmem>> -> memref<1x1x64x128xf32, #tpu.memory_space<vmem>>
    %gather3A_588 = tpu.memref_squeeze %gather3A_587 : memref<1x1x64x128xf32, #tpu.memory_space<vmem>> -> memref<64x128xf32, #tpu.memory_space<vmem>>
    %gather3A_589 = tpu.vector_load_idx %gather3A_588[%add3A_582, %broadcast_in_dim3A_537] : memref<64x128xf32, #tpu.memory_space<vmem>>[vector<16xi32>, vector<16xi32>], vector<16xf32>,
    %swap3A_590 = arith.constant 255 : i32
    %swap3A_591 = arith.index_cast %swap3A_590 : i32 to index
    %swap3A_592 = arith.constant 48 : index
    %swap3A_593 = tpu.vector_load %arg11[%swap3A_591, %swap3A_592] {strides = array<i32>} : memref<256x128xf32, #tpu.memory_space<vmem>>, vector<16xf32>,
    tpu.vector_store %arg11[%swap3A_591, %swap3A_592], %gather3A_589 {strides = array<i32>} : memref<256x128xf32, #tpu.memory_space<vmem>>, vector<16xf32>,
    %slice3A_594 = vector.extract_strided_slice %min3A_346 {offsets = [15], sizes = [1], strides = [1]} : vector<16xi32> to vector<1xi32>
    %squeeze3A_595 = vector.extract %slice3A_594[0] : i32 from vector<1xi32>
    %and3A_596 = arith.constant 127 : i32
    %and3A_597 = arith.andi %squeeze3A_595, %and3A_596 : i32
    %broadcast_in_dim3A_598 = vector.broadcast %and3A_597 : i32 to vector<16xi32>
    %add3A_599 = arith.constant 0 : i32
    %add3A_600 = vector.broadcast %add3A_599 : i32 to vector<16xi32>
    %add3A_601 = arith.addi %iota3A_332, %add3A_600 : vector<16xi32>
    %gather3A_602 = arith.constant 1 : i32
    %gather3A_603 = arith.constant 3 : i32
    %gather3A_604 = arith.constant 0 : i32
    %gather3A_605 = arith.constant 0 : i32
    %gather3A_606 = tpu.memref_slice %arg10[%gather3A_602, %gather3A_603, %gather3A_604, %gather3A_605] : memref<2x4x64x128xf32, #tpu.memory_space<vmem>> -> memref<1x1x64x128xf32, #tpu.memory_space<vmem>>
    %gather3A_607 = tpu.memref_squeeze %gather3A_606 : memref<1x1x64x128xf32, #tpu.memory_space<vmem>> -> memref<64x128xf32, #tpu.memory_space<vmem>>
    %gather3A_608 = tpu.vector_load_idx %gather3A_607[%add3A_601, %broadcast_in_dim3A_598] : memref<64x128xf32, #tpu.memory_space<vmem>>[vector<16xi32>, vector<16xi32>], vector<16xf32>,
    %swap3A_609 = arith.constant 255 : i32
    %swap3A_610 = arith.index_cast %swap3A_609 : i32 to index
    %swap3A_611 = arith.constant 64 : index
    %swap3A_612 = tpu.vector_load %arg11[%swap3A_610, %swap3A_611] {strides = array<i32>} : memref<256x128xf32, #tpu.memory_space<vmem>>, vector<16xf32>,
    tpu.vector_store %arg11[%swap3A_610, %swap3A_611], %gather3A_608 {strides = array<i32>} : memref<256x128xf32, #tpu.memory_space<vmem>>, vector<16xf32>,
    %add3A_613 = arith.constant 16 : i32
    %add3A_614 = vector.broadcast %add3A_613 : i32 to vector<16xi32>
    %add3A_615 = arith.addi %iota3A_332, %add3A_614 : vector<16xi32>
    %gather3A_616 = arith.constant 1 : i32
    %gather3A_617 = arith.constant 3 : i32
    %gather3A_618 = arith.constant 0 : i32
    %gather3A_619 = arith.constant 0 : i32
    %gather3A_620 = tpu.memref_slice %arg10[%gather3A_616, %gather3A_617, %gather3A_618, %gather3A_619] : memref<2x4x64x128xf32, #tpu.memory_space<vmem>> -> memref<1x1x64x128xf32, #tpu.memory_space<vmem>>
    %gather3A_621 = tpu.memref_squeeze %gather3A_620 : memref<1x1x64x128xf32, #tpu.memory_space<vmem>> -> memref<64x128xf32, #tpu.memory_space<vmem>>
    %gather3A_622 = tpu.vector_load_idx %gather3A_621[%add3A_615, %broadcast_in_dim3A_598] : memref<64x128xf32, #tpu.memory_space<vmem>>[vector<16xi32>, vector<16xi32>], vector<16xf32>,
    %swap3A_623 = arith.constant 255 : i32
    %swap3A_624 = arith.index_cast %swap3A_623 : i32 to index
    %swap3A_625 = arith.constant 80 : index
    %swap3A_626 = tpu.vector_load %arg11[%swap3A_624, %swap3A_625] {strides = array<i32>} : memref<256x128xf32, #tpu.memory_space<vmem>>, vector<16xf32>,
    tpu.vector_store %arg11[%swap3A_624, %swap3A_625], %gather3A_622 {strides = array<i32>} : memref<256x128xf32, #tpu.memory_space<vmem>>, vector<16xf32>,
    %add3A_627 = arith.constant 32 : i32
    %add3A_628 = vector.broadcast %add3A_627 : i32 to vector<16xi32>
    %add3A_629 = arith.addi %iota3A_332, %add3A_628 : vector<16xi32>
    %gather3A_630 = arith.constant 1 : i32
    %gather3A_631 = arith.constant 3 : i32
    %gather3A_632 = arith.constant 0 : i32
    %gather3A_633 = arith.constant 0 : i32
    %gather3A_634 = tpu.memref_slice %arg10[%gather3A_630, %gather3A_631, %gather3A_632, %gather3A_633] : memref<2x4x64x128xf32, #tpu.memory_space<vmem>> -> memref<1x1x64x128xf32, #tpu.memory_space<vmem>>
    %gather3A_635 = tpu.memref_squeeze %gather3A_634 : memref<1x1x64x128xf32, #tpu.memory_space<vmem>> -> memref<64x128xf32, #tpu.memory_space<vmem>>
    %gather3A_636 = tpu.vector_load_idx %gather3A_635[%add3A_629, %broadcast_in_dim3A_598] : memref<64x128xf32, #tpu.memory_space<vmem>>[vector<16xi32>, vector<16xi32>], vector<16xf32>,
    %swap3A_637 = arith.constant 255 : i32
    %swap3A_638 = arith.index_cast %swap3A_637 : i32 to index
    %swap3A_639 = arith.constant 96 : index
    %swap3A_640 = tpu.vector_load %arg11[%swap3A_638, %swap3A_639] {strides = array<i32>} : memref<256x128xf32, #tpu.memory_space<vmem>>, vector<16xf32>,
    tpu.vector_store %arg11[%swap3A_638, %swap3A_639], %gather3A_636 {strides = array<i32>} : memref<256x128xf32, #tpu.memory_space<vmem>>, vector<16xf32>,
    %add3A_641 = arith.constant 48 : i32
    %add3A_642 = vector.broadcast %add3A_641 : i32 to vector<16xi32>
    %add3A_643 = arith.addi %iota3A_332, %add3A_642 : vector<16xi32>
    %gather3A_644 = arith.constant 1 : i32
    %gather3A_645 = arith.constant 3 : i32
    %gather3A_646 = arith.constant 0 : i32
    %gather3A_647 = arith.constant 0 : i32
    %gather3A_648 = tpu.memref_slice %arg10[%gather3A_644, %gather3A_645, %gather3A_646, %gather3A_647] : memref<2x4x64x128xf32, #tpu.memory_space<vmem>> -> memref<1x1x64x128xf32, #tpu.memory_space<vmem>>
    %gather3A_649 = tpu.memref_squeeze %gather3A_648 : memref<1x1x64x128xf32, #tpu.memory_space<vmem>> -> memref<64x128xf32, #tpu.memory_space<vmem>>
    %gather3A_650 = tpu.vector_load_idx %gather3A_649[%add3A_643, %broadcast_in_dim3A_598] : memref<64x128xf32, #tpu.memory_space<vmem>>[vector<16xi32>, vector<16xi32>], vector<16xf32>,
    %swap3A_651 = arith.constant 255 : i32
    %swap3A_652 = arith.index_cast %swap3A_651 : i32 to index
    %swap3A_653 = arith.constant 112 : index
    %swap3A_654 = tpu.vector_load %arg11[%swap3A_652, %swap3A_653] {strides = array<i32>} : memref<256x128xf32, #tpu.memory_space<vmem>>, vector<16xf32>,
    tpu.vector_store %arg11[%swap3A_652, %swap3A_653], %gather3A_650 {strides = array<i32>} : memref<256x128xf32, #tpu.memory_space<vmem>>, vector<16xf32>,
    %jit3A_655 = arith.constant 2 : i32
    %div3A_656 = arith.divsi %mul3A_2, %jit3A_655 : i32
    %sign3A_657 = arith.constant 0 : i32
    %sign3A_658 = arith.cmpi sgt, %mul3A_2, %sign3A_657 : i32
    %sign3A_659 = arith.extui %sign3A_658 : i1 to i32
    %sign3A_660 = arith.constant 0 : i32
    %sign3A_661 = arith.cmpi slt, %mul3A_2, %sign3A_660 : i32
    %sign3A_662 = arith.extui %sign3A_661 : i1 to i32
    %sign3A_663 = arith.subi %sign3A_659, %sign3A_662 : i32
    %sign3A_664 = arith.constant 0 : i32
    %sign3A_665 = arith.cmpi sgt, %jit3A_655, %sign3A_664 : i32
    %sign3A_666 = arith.extui %sign3A_665 : i1 to i32
    %sign3A_667 = arith.constant 0 : i32
    %sign3A_668 = arith.cmpi slt, %jit3A_655, %sign3A_667 : i32
    %sign3A_669 = arith.extui %sign3A_668 : i1 to i32
    %sign3A_670 = arith.subi %sign3A_666, %sign3A_669 : i32
    %ne3A_671 = arith.cmpi ne, %sign3A_663, %sign3A_670 : i32
    %rem3A_672 = arith.remsi %mul3A_2, %jit3A_655 : i32
    %ne3A_673 = arith.constant 0 : i32
    %ne3A_674 = arith.cmpi ne, %rem3A_672, %ne3A_673 : i32
    %and3A_675 = arith.andi %ne3A_671, %ne3A_674 : i1
    %sub3A_676 = arith.constant 1 : i32
    %sub3A_677 = arith.subi %div3A_656, %sub3A_676 : i32
    %select_n3A_678 = arith.select %and3A_675, %sub3A_677, %div3A_656 : i32
    %multiple_of3A_679 = tpu.assume_multiple %select_n3A_678, 8 : i32
    "tpu.region"() ({
      %run_scoped3A = tpu.sem_alloc : memref<!tpu.dma_semaphore, #tpu.memory_space<semaphore_mem>>
      %dma_start3A = arith.constant 0 : i32
      %dma_start3A_680 = tpu.memref_slice %arg7[%multiple_of3A_679, %dma_start3A] : memref<8192x128xf32, #tpu.memory_space<hbm>> -> memref<256x128xf32, #tpu.memory_space<hbm>>
      %dma_start3A_681 = arith.constant 0 : i32
      %dma_start3A_682 = tpu.memref_slice %arg7[%multiple_of3A_679, %dma_start3A_681] : memref<8192x128xf32, #tpu.memory_space<hbm>> -> memref<256x128xf32, #tpu.memory_space<hbm>>
      tpu.enqueue_dma source(%arg11 : memref<256x128xf32, #tpu.memory_space<vmem>>) target(%dma_start3A_682 : memref<256x128xf32, #tpu.memory_space<hbm>>) target_semaphore(%run_scoped3A : memref<!tpu.dma_semaphore, #tpu.memory_space<semaphore_mem>>)
      %dma_wait3A_683 = arith.constant 0 : i32
      %dma_wait3A_684 = tpu.memref_slice %arg7[%multiple_of3A_679, %dma_wait3A_683] : memref<8192x128xf32, #tpu.memory_space<hbm>> -> memref<256x128xf32, #tpu.memory_space<hbm>>
      %dma_wait3A_685 = arith.constant 0 : i32
      %dma_wait3A_686 = tpu.memref_slice %arg7[%multiple_of3A_679, %dma_wait3A_685] : memref<8192x128xf32, #tpu.memory_space<hbm>> -> memref<256x128xf32, #tpu.memory_space<hbm>>
      tpu.wait_dma2 semaphore(%run_scoped3A : memref<!tpu.dma_semaphore, #tpu.memory_space<semaphore_mem>>) src(%arg11 : memref<256x128xf32, #tpu.memory_space<vmem>>) dst(%dma_wait3A_686 : memref<256x128xf32, #tpu.memory_space<hbm>>)
      tpu.yield
    }) : () -> ()
    return
  }
}

module attributes {stable_mosaic.version = 14 : i64} {
  func.func @_mlp_body(%arg0: i32, %arg1: memref<512x128xf32, #tpu.memory_space<vmem>>, %arg2: memref<512x128xf32, #tpu.memory_space<vmem>>, %arg3: memref<64x64xf32, #tpu.memory_space<vmem>>, %arg4: memref<64x64xf32, #tpu.memory_space<vmem>>, %arg5: memref<1x64xf32, #tpu.memory_space<vmem>>, %arg6: memref<1x64xf32, #tpu.memory_space<vmem>>, %arg7: memref<512x2xf32, #tpu.memory_space<vmem>>) attributes {dimension_semantics = [#tpu.dimension_semantics<arbitrary>], iteration_bounds = array<i64: 16>, scalar_prefetch = 0 : i64, scratch_operands = 0 : i64, tpu.core_type = #tpu.core_type<tc>, window_params = [{transform_indices = @transform_0, window_bounds = array<i64: 512, 128>}, {transform_indices = @transform_1, window_bounds = array<i64: 512, 128>}, {pipeline_mode = #tpu.pipeline_mode<synchronous>, transform_indices = @transform_2, window_bounds = array<i64: 64, 64>}, {pipeline_mode = #tpu.pipeline_mode<synchronous>, transform_indices = @transform_3, window_bounds = array<i64: 64, 64>}, {pipeline_mode = #tpu.pipeline_mode<synchronous>, transform_indices = @transform_4, window_bounds = array<i64: 1, 64>}, {pipeline_mode = #tpu.pipeline_mode<synchronous>, transform_indices = @transform_5, window_bounds = array<i64: 1, 64>}, {transform_indices = @transform_6, window_bounds = array<i64: 512, 2>}]} {
    %get3A = arith.constant 0 : index
    %get3A_0 = arith.constant 0 : index
    %get3A_1 = vector.load %arg1[%get3A, %get3A_0] : memref<512x128xf32, #tpu.memory_space<vmem>>, vector<512x64xf32>
    %get3A_2 = arith.constant 0 : index
    %get3A_3 = arith.constant 64 : index
    %get3A_4 = vector.load %arg1[%get3A_2, %get3A_3] : memref<512x128xf32, #tpu.memory_space<vmem>>, vector<512x64xf32>
    %get3A_5 = arith.constant 0 : index
    %get3A_6 = arith.constant 0 : index
    %get3A_7 = vector.load %arg2[%get3A_5, %get3A_6] : memref<512x128xf32, #tpu.memory_space<vmem>>, vector<512x64xf32>
    %get3A_8 = arith.constant 0 : index
    %get3A_9 = arith.constant 64 : index
    %get3A_10 = vector.load %arg2[%get3A_8, %get3A_9] : memref<512x128xf32, #tpu.memory_space<vmem>>, vector<512x64xf32>
    %get3A_11 = arith.constant 0 : index
    %get3A_12 = arith.constant 0 : index
    %get3A_13 = vector.load %arg3[%get3A_11, %get3A_12] : memref<64x64xf32, #tpu.memory_space<vmem>>, vector<64x64xf32>
    %dot_general3A = arith.constant dense<0.000000e+00> : vector<512x64xf32>
    %dot_general3A_14 = tpu.matmul %get3A_1, %get3A_13, %dot_general3A {dimension_numbers = #tpu.dot_dimension_numbers<[1], [1], [0], [0], [0, 0, 1, 0], [], []>, transpose_lhs_hint = false} : vector<512x64xf32>, vector<64x64xf32>, vector<512x64xf32> -> vector<512x64xf32>
    %get3A_15 = arith.constant 0 : index
    %get3A_16 = arith.constant 0 : index
    %get3A_17 = vector.load %arg5[%get3A_15, %get3A_16] : memref<1x64xf32, #tpu.memory_space<vmem>>, vector<1x64xf32>
    %add3A = vector.broadcast %get3A_17 : vector<1x64xf32> to vector<512x64xf32>
    %add3A_18 = arith.addf %dot_general3A_14, %add3A : vector<512x64xf32>
    %max3A = arith.constant 0.000000e+00 : f32
    %max3A_19 = vector.broadcast %max3A : f32 to vector<512x64xf32>
    %max3A_20 = arith.maximumf %add3A_18, %max3A_19 : vector<512x64xf32>
    %get3A_21 = arith.constant 0 : index
    %get3A_22 = arith.constant 0 : index
    %get3A_23 = vector.load %arg3[%get3A_21, %get3A_22] : memref<64x64xf32, #tpu.memory_space<vmem>>, vector<64x64xf32>
    %dot_general3A_24 = arith.constant dense<0.000000e+00> : vector<512x64xf32>
    %dot_general3A_25 = tpu.matmul %get3A_4, %get3A_23, %dot_general3A_24 {dimension_numbers = #tpu.dot_dimension_numbers<[1], [1], [0], [0], [0, 0, 1, 0], [], []>, transpose_lhs_hint = false} : vector<512x64xf32>, vector<64x64xf32>, vector<512x64xf32> -> vector<512x64xf32>
    %get3A_26 = arith.constant 0 : index
    %get3A_27 = arith.constant 0 : index
    %get3A_28 = vector.load %arg5[%get3A_26, %get3A_27] : memref<1x64xf32, #tpu.memory_space<vmem>>, vector<1x64xf32>
    %add3A_29 = vector.broadcast %get3A_28 : vector<1x64xf32> to vector<512x64xf32>
    %add3A_30 = arith.addf %dot_general3A_25, %add3A_29 : vector<512x64xf32>
    %max3A_31 = arith.constant 0.000000e+00 : f32
    %max3A_32 = vector.broadcast %max3A_31 : f32 to vector<512x64xf32>
    %max3A_33 = arith.maximumf %add3A_30, %max3A_32 : vector<512x64xf32>
    %get3A_34 = arith.constant 0 : index
    %get3A_35 = arith.constant 0 : index
    %get3A_36 = vector.load %arg4[%get3A_34, %get3A_35] : memref<64x64xf32, #tpu.memory_space<vmem>>, vector<64x64xf32>
    %dot_general3A_37 = arith.constant dense<0.000000e+00> : vector<512x64xf32>
    %dot_general3A_38 = tpu.matmul %get3A_7, %get3A_36, %dot_general3A_37 {dimension_numbers = #tpu.dot_dimension_numbers<[1], [1], [0], [0], [0, 0, 1, 0], [], []>, transpose_lhs_hint = false} : vector<512x64xf32>, vector<64x64xf32>, vector<512x64xf32> -> vector<512x64xf32>
    %get3A_39 = arith.constant 0 : index
    %get3A_40 = arith.constant 0 : index
    %get3A_41 = vector.load %arg6[%get3A_39, %get3A_40] : memref<1x64xf32, #tpu.memory_space<vmem>>, vector<1x64xf32>
    %add3A_42 = vector.broadcast %get3A_41 : vector<1x64xf32> to vector<512x64xf32>
    %add3A_43 = arith.addf %dot_general3A_38, %add3A_42 : vector<512x64xf32>
    %max3A_44 = arith.constant 0.000000e+00 : f32
    %max3A_45 = vector.broadcast %max3A_44 : f32 to vector<512x64xf32>
    %max3A_46 = arith.maximumf %add3A_43, %max3A_45 : vector<512x64xf32>
    %get3A_47 = arith.constant 0 : index
    %get3A_48 = arith.constant 0 : index
    %get3A_49 = vector.load %arg4[%get3A_47, %get3A_48] : memref<64x64xf32, #tpu.memory_space<vmem>>, vector<64x64xf32>
    %dot_general3A_50 = arith.constant dense<0.000000e+00> : vector<512x64xf32>
    %dot_general3A_51 = tpu.matmul %get3A_10, %get3A_49, %dot_general3A_50 {dimension_numbers = #tpu.dot_dimension_numbers<[1], [1], [0], [0], [0, 0, 1, 0], [], []>, transpose_lhs_hint = false} : vector<512x64xf32>, vector<64x64xf32>, vector<512x64xf32> -> vector<512x64xf32>
    %get3A_52 = arith.constant 0 : index
    %get3A_53 = arith.constant 0 : index
    %get3A_54 = vector.load %arg6[%get3A_52, %get3A_53] : memref<1x64xf32, #tpu.memory_space<vmem>>, vector<1x64xf32>
    %add3A_55 = vector.broadcast %get3A_54 : vector<1x64xf32> to vector<512x64xf32>
    %add3A_56 = arith.addf %dot_general3A_51, %add3A_55 : vector<512x64xf32>
    %max3A_57 = arith.constant 0.000000e+00 : f32
    %max3A_58 = vector.broadcast %max3A_57 : f32 to vector<512x64xf32>
    %max3A_59 = arith.maximumf %add3A_56, %max3A_58 : vector<512x64xf32>
    %mul3A = arith.mulf %max3A_20, %max3A_46 : vector<512x64xf32>
    %reduce_sum3A = arith.constant dense<0.000000e+00> : vector<512xf32>
    %reduce_sum3A_60 = vector.multi_reduction <add>, %mul3A, %reduce_sum3A [1] : vector<512x64xf32> to vector<512xf32>
    %broadcast_in_dim3A = vector.shape_cast %reduce_sum3A_60 : vector<512xf32> to vector<512x1xf32>
    %mul3A_61 = arith.mulf %max3A_33, %max3A_59 : vector<512x64xf32>
    %reduce_sum3A_62 = arith.constant dense<0.000000e+00> : vector<512xf32>
    %reduce_sum3A_63 = vector.multi_reduction <add>, %mul3A_61, %reduce_sum3A_62 [1] : vector<512x64xf32> to vector<512xf32>
    %broadcast_in_dim3A_64 = vector.shape_cast %reduce_sum3A_63 : vector<512xf32> to vector<512x1xf32>
    %concatenate3A = tpu.concatenate %broadcast_in_dim3A, %broadcast_in_dim3A_64 in 1 : vector<512x1xf32>, vector<512x1xf32> -> vector<512x2xf32>
    %swap3A = arith.constant 0 : index
    %swap3A_65 = arith.constant 0 : index
    %swap3A_66 = vector.load %arg7[%swap3A, %swap3A_65] : memref<512x2xf32, #tpu.memory_space<vmem>>, vector<512x2xf32>
    tpu.vector_store %arg7[%swap3A, %swap3A_65], %concatenate3A {strides = array<i32>} : memref<512x2xf32, #tpu.memory_space<vmem>>, vector<512x2xf32>,
    return
  }
  func.func @transform_0(%arg0: i32) -> (i32, i32) {
    %c0_i32 = arith.constant 0 : i32
    %c0_i32_0 = arith.constant 0 : i32
    return %arg0, %c0_i32 : i32, i32
  }
  func.func @transform_1(%arg0: i32) -> (i32, i32) {
    %c0_i32 = arith.constant 0 : i32
    %c0_i32_0 = arith.constant 0 : i32
    return %arg0, %c0_i32 : i32, i32
  }
  func.func @transform_2(%arg0: i32) -> (i32, i32) {
    %c0_i32 = arith.constant 0 : i32
    %c0_i32_0 = arith.constant 0 : i32
    %c0_i32_1 = arith.constant 0 : i32
    return %c0_i32, %c0_i32_0 : i32, i32
  }
  func.func @transform_3(%arg0: i32) -> (i32, i32) {
    %c0_i32 = arith.constant 0 : i32
    %c0_i32_0 = arith.constant 0 : i32
    %c0_i32_1 = arith.constant 0 : i32
    return %c0_i32, %c0_i32_0 : i32, i32
  }
  func.func @transform_4(%arg0: i32) -> (i32, i32) {
    %c0_i32 = arith.constant 0 : i32
    %c0_i32_0 = arith.constant 0 : i32
    %c0_i32_1 = arith.constant 0 : i32
    return %c0_i32, %c0_i32_0 : i32, i32
  }
  func.func @transform_5(%arg0: i32) -> (i32, i32) {
    %c0_i32 = arith.constant 0 : i32
    %c0_i32_0 = arith.constant 0 : i32
    %c0_i32_1 = arith.constant 0 : i32
    return %c0_i32, %c0_i32_0 : i32, i32
  }
  func.func @transform_6(%arg0: i32) -> (i32, i32) {
    %c0_i32 = arith.constant 0 : i32
    %c0_i32_0 = arith.constant 0 : i32
    return %arg0, %c0_i32 : i32, i32
  }
}

</mosaic_0001>

<sc_bundles>
// kernel: kernel.4.cloned.1.call-start
scs
__scs_entry_jumppad:
0x0: {  	(pc) =	sbr.rel $0x88, $3  }
0x1: {  	(tag) =	ssettag $0x0;
	lr =	simm.s32 $0x1  }
0x2: {  	[smem:$0x3F99] =	sst lr;
	_ =	strace $0xD0000000  }
0x3: {  	_ = 	snop  }
0x4: {  	_ = 	snop  }
0x5: {  	_ = 	snop  }
0x6: {  	_ = 	snop  }
0x7: {  	_ = 	snop  }
__scs_overlays_trampoline_lowered:
0x8: {  	[smem:$0x3FA8] =	sst s0  }
0x9: {  	[smem:$0x3FA9] =	sst s1  }
0xa: {  	[smem:$0x3FAA] =	sst s2  }
0xb: {  	[smem:$0x3FAB] =	sst s3  }
0xc: {  	[smem:$0x3FAC] =	sst s4  }
0xd: {  	[smem:$0x3FAD] =	sst s5  }
0xe: {  	[smem:$0x3FAE] =	sst s6  }
0xf: {  	[smem:$0x3FAF] =	sst s7  }
0x10: {  	[smem:$0x3FB0] =	sst s8  }
0x11: {  	[smem:$0x3FB1] =	sst s9;
	s0 =	simm.s32 @!p0 $0x0  }
0x12: {  	s1 =	sld [smem:$0x3F97];
	s0 =	simm.s32 @p0 $0x1  }
0x13: {  	[smem:$0x3FB2] =	sst s0;
	s0 =	simm.s32 @!p1 $0x0  }
0x14: {  	s2 =	sld [smem:$0x3F96];
	s0 =	simm.s32 @p1 $0x1  }
0x15: {  	[smem:$0x3FB3] =	sst s0;
	s0 =	simm.s32 @!p2 $0x0  }
0x16: {  	s3 =	sld [smem:$0x3FDB];
	s0 =	simm.s32 @p2 $0x1  }
0x17: {  	s4 =	simm.s32 $0x1BF5;
	[smem:$0x3FB5] =	sst s0  }
0x18: {  	s0 =	sld [smem:$0x3F98];
	_ =	swait.ge [sflag:s4], $0x0  }
0x19: {  	s7 =	sld [smem:$0x3F99]  }
0x1a: {  	s8 =	sadd.s32 $0xFFFFE003, lr  }
0x1b: {  	s9 =	sadd.s32 $0xFFFFFEF7, lr;
	s5 =	simm.s32 $0xFFFFFFFF;
	p2 =	slt.u32 s8, $0xFFFFF086  }
0x1c: {  	p1 =	slt.u32 s9, $0xF7A;
	s5 =	simm.s32 @!p2 $0x0  }
0x1d: {  	s5 =	simm.s32 @p1 $0x1;
	p0 =	seq.s32 s7, s2  }
0x1e: {  	s7 =	smul.u32 @!p0 $0xF7A, s2;
	p2 =	seq.s32 @!p0 s5, $0x0  }
0x1f: {  	s9 =	smul.u32 $0xF7A, s1;
	s8 =	simm.s32 @!p0 $0x1BF5;
	p2 =	por !p2, p0  }
0x20: {  	[sflag:s8] =	ssyncset.s32 @!p0 $0xFFFFF086;
	s6 =	sadd.s32 @!p0 s3, s7;
	s7 =	simm.s32 @!p0 $0x108  }
0x21: {  	s3 =	sadd.s32 s3, s9;
	s6 =	sadd.s32 @!p0 $0x88, s6;
	s7 =	simm.s32 @p2 $0x1082  }
0x22: {  	[simem:s7], [sflag:s8] =	dma.local @!p0 [hbm:s6], $0xF7A  }
0x23: {  	s9 =	sor.u32 $0xD0000000, s2;
	s6 =	simm.s32 $0x108;
	_ =	swait.ge @!p0 [sflag:s8], $0x0  }
0x24: {  	s3 =	sadd.s32 $0x88, s3;
	s6 =	simm.s32 @!p1 $0x1082;
	[sflag:s4] =	ssyncset.s32 $0xFFFFF086  }
0x25: {  	[simem:s6], [sflag:s4] =	dma.local [hbm:s3], $0xF7A  }
0x26: {  	[smem:$0x3F99] =	sst s1;
	(tag) =	ssettag s2;
	_ =	strace s9  }
0x27: {  	s1 =	sld [smem:$0x3FA9]  }
0x28: {  	s2 =	sld [smem:$0x3FAA]  }
0x29: {  	s4 =	sld [smem:$0x3FAC]  }
0x2a: {  	p0 =	seq.s32 s5, $0x0;
	s5 =	sld [smem:$0x3FAD]  }
0x2b: {  	s6 =	sld [smem:$0x3FAE]  }
0x2c: {  	s7 =	sld [smem:$0x3FAF]  }
0x2d: {  	s3 =	simm.s32 $0x108;
	s8 =	sld [smem:$0x3FB0]  }
0x2e: {  	s3 =	simm.s32 @!p0 $0x1082;
	s9 =	sld [smem:$0x3FB1]  }
0x2f: {  	lr =	sadd.s32 s0, s3;
	s0 =	sld [smem:$0x3FA8]  }
0x30: {  	s3 =	sld [smem:$0x3FAB]  }
0x31: {  	[smem:$0x3FB4] =	sst s10  }
0x32: {  	s10 =	sld [smem:$0x3FB2];
	_ =	sdelay $0x3  }
0x33: {  	p0 =	seq.s32 s10, $0x1;
	s10 =	sld [smem:$0x3FB4];
	_ =	sdelay $0x3  }
0x34: {  	[smem:$0x3FB4] =	sst s10  }
0x35: {  	s10 =	sld [smem:$0x3FB3];
	_ =	sdelay $0x3  }
0x36: {  	p1 =	seq.s32 s10, $0x1;
	s10 =	sld [smem:$0x3FB4];
	_ =	sdelay $0x3  }
0x37: {  	[smem:$0x3FB4] =	sst s10  }
0x38: {  	s10 =	sld [smem:$0x3FB5]  }
0x39: {  	_ = 	snop;
	(pc) =	sbr.ind lr, $3  }
0x3a: {  	_ = 	snop  }
0x3b: {  	_ = 	snop  }
0x3c: {  	p2 =	seq.s32 s10, $0x1;
	s10 =	sld [smem:$0x3FB4]  }
0x3d: {  	_ =	shalt  }
0x3e: {  	_ =	shalt  }
0x3f: {  	_ =	shalt  }
0x40: {  	_ =	shalt  }
0x41: {  	_ =	shalt  }
0x42: {  	_ =	shalt  }
0x43: {  	_ =	shalt  }
0x44: {  	_ =	shalt  }
0x45: {  	_ =	shalt  }
0x46: {  	_ =	shalt  }
0x47: {  	_ =	shalt  }
0x48: {  	_ =	shalt  }
0x49: {  	_ =	shalt  }
0x4a: {  	_ =	shalt  }
0x4b: {  	_ =	shalt  }
0x4c: {  	_ =	shalt  }
0x4d: {  	_ =	shalt  }
0x4e: {  	_ =	shalt  }
0x4f: {  	_ =	shalt  }
0x50: {  	_ =	shalt  }
0x51: {  	_ =	shalt  }
0x52: {  	_ =	shalt  }
0x53: {  	_ =	shalt  }
0x54: {  	_ =	shalt  }
0x55: {  	_ =	shalt  }
0x56: {  	_ =	shalt  }
0x57: {  	_ =	shalt  }
0x58: {  	_ =	shalt  }
0x59: {  	_ =	shalt  }
0x5a: {  	_ =	shalt  }
0x5b: {  	_ =	shalt  }
0x5c: {  	_ =	shalt  }
0x5d: {  	_ =	shalt  }
0x5e: {  	_ =	shalt  }
0x5f: {  	_ =	shalt  }
0x60: {  	_ =	shalt  }
0x61: {  	_ =	shalt  }
0x62: {  	_ =	shalt  }
0x63: {  	_ =	shalt  }
0x64: {  	_ =	shalt  }
0x65: {  	_ =	shalt  }
0x66: {  	_ =	shalt  }
0x67: {  	_ =	shalt  }
0x68: {  	_ =	shalt  }
0x69: {  	_ =	shalt  }
0x6a: {  	_ =	shalt  }
0x6b: {  	_ =	shalt  }
0x6c: {  	_ =	shalt  }
0x6d: {  	_ =	shalt  }
0x6e: {  	_ =	shalt  }
0x6f: {  	_ =	shalt  }
0x70: {  	_ =	shalt  }
0x71: {  	_ =	shalt  }
0x72: {  	_ =	shalt  }
0x73: {  	_ =	shalt  }
0x74: {  	_ =	shalt  }
0x75: {  	_ =	shalt  }
0x76: {  	_ =	shalt  }
0x77: {  	_ =	shalt  }
0x78: {  	_ =	shalt  }
0x79: {  	_ =	shalt  }
0x7a: {  	_ =	shalt  }
0x7b: {  	_ =	shalt  }
0x7c: {  	_ =	shalt  }
0x7d: {  	_ =	shalt  }
0x7e: {  	_ =	shalt  }
0x7f: {  	_ =	shalt  }
0x80: {  	_ =	shalt  }
0x81: {  	_ =	shalt  }
0x82: {  	_ =	shalt  }
0x83: {  	_ =	shalt  }
0x84: {  	_ =	shalt  }
0x85: {  	_ =	shalt  }
0x86: {  	_ =	shalt  }
0x87: {  	_ =	shalt  }
.Lfunc_end0:
.L_simem_size_0:
called_computation_lowered:
.L_overlay_start_0:
0x88: {  	s2 =	sld [smem:$0x3FD9]  }
0x89: {  	s3 =	sld [smem:$0x3FFE];
	_ =	sdelay $0x1  }
0x8a: {  	s1 =	srdreg.scid  }
0x8b: {  	s0 =	sand.u32 $0x1, s1  }
0x8c: {  	s17 =	sshll.u32 s0, $0xA;
	s2 =	sadd.s32 s3, s2  }
0x8d: {  	s2 =	sadd.s32 s2, s17  }
0x8e: {  	[smem:$0x3FC0] =	sst s2  }
0x8f: {  	_ = 	snop  }
0x90: {  	s2 =	sld [smem:$0x3FC9]  }
0x91: {  	s18 =	sld [smem:$0x3FC8]  }
0x92: {  	s4 =	sld [smem:$0x3FC7]  }
0x93: {  	s5 =	sld [smem:$0x3FC6];
	(tm) =	ssettm $0x1  }
0x94: {  	s6 =	sld [smem:$0x3FFB];
	_ =	sdelay $0x3  }
0x95: {  	_ =	strace s6  }
0x96: {  	s6 =	sld [smem:$0x3FFC];
	_ =	sdelay $0x3  }
0x97: {  	_ =	strace s6  }
0x98: {  	s6 =	sld [smem:$0x3FFD];
	_ =	sdelay $0x3  }
0x99: {  	_ =	strace s6  }
0x9a: {  	_ =	strace $0x8FFFFFFF  }
0x9b: {  	s19 =	sld [smem:$0x3FDB];
	_ =	sdelay $0x1  }
0x9c: {  	s7 =	simm.s32 $_scs_section_size  }
0x9d: {  	s8 =	simm.s32 $_size__tile_overlayer_lowered;
	s9 =	simm.s32 $_tile_overlayer_lowered  }
0x9e: {  	s22 =	simm.s32 $0x1BFF;
	s21 =	sshll.u32 s9, $0x1;
	s6 =	sadd.s32 s7, s19  }
0x9f: {  	s10 =	simm.s32 $0x0;
	s20 =	sshll.u32 s8, $0x1;
	s8 =	sadd.s32 s21, s6  }
0xa0: {  	[timem:s10], [sflag:s22] =	dma.local [hbm:s8], s20  }
0xa1: {  	_ =	swait.ge [sflag:s22], s20  }
0xa2: {  	s7 =	ssub.s32 $0x0, s20;
	[sflag:s22] =	ssyncset.done $0x0  }
0xa3: {  	[sflag:s22] =	ssyncadd.s32 s7;
	_ =	sdelay $0x1  }
0xa4: {  	s23 =	simm.s32 $0x1B8B  }
0xa5: {  	_ =	swait.ge [sflag:s23], $0x1  }
0xa6: {  	[sflag:s23] =	ssyncset.done $0x0  }
0xa7: {  	s25 =	simm.s32 $0x1B8E;
	s24 =	sld [smem:$0x3FFE];
	[sflag:s23] =	ssyncadd.s32 $0xFFFFFFFF  }
0xa8: {  	s26 =	simm.s32 $execute0_lowered;
	[smem:$0x3FD2] =	sst s25  }
0xa9: {  	s8 =	sshll.u32 s26, $0x1;
	_ =	strace $0x80000046;
	[dreg:$0x1] =	wrdreg $0xFFFFFFFF  }
0xaa: {  	s28 =	simm.s32 $_size_execute0_lowered;
	s6 =	sadd.s32 s6, s8;
	[dreg:$0x0] =	wrdreg $0x0  }
0xab: {  	s8 =	sshll.u32 s28, $0x1;
	[dreg:$0x2] =	wrdreg s6  }
0xac: {  	[dreg:$0x3] =	wrdreg s8  }
0xad: {  	[dreg:$0x4] =	wrdreg $0xC0  }
0xae: {  	_ =	task [dreg:s10], $0x5FFFF  }
0xaf: {  	[dreg:$0x1] =	wrdreg $0xFFFFFFFF  }
0xb0: {  	[dreg:$0x0] =	wrdreg $0x60  }
0xb1: {  	[dreg:$0x2] =	wrdreg s2  }
0xb2: {  	[dreg:$0x3] =	wrdreg s18  }
0xb3: {  	[dreg:$0x4] =	wrdreg s4  }
0xb4: {  	[dreg:$0x5] =	wrdreg s5  }
0xb5: {  	[dreg:$0x6] =	wrdreg s24  }
0xb6: {  	[dreg:$0x7] =	wrdreg $0x9  }
0xb7: {  	_ =	task.clear_ibuf [dreg:s10], $0x8FFFF;
	_ =	strace $0x90000046  }
0xb8: {  	s29 =	simm.s32 $0x9;
	_ =	strace $0x80000048  }
0xb9: {  	_ =	swait.ge [sflag:s29], $0x1  }
0xba: {  	[sflag:s29] =	ssyncadd.s32 $0xFFFFFFFF  }
0xbb: {  	_ =	strace $0x90000048  }
0xbc: {  	_ =	sfence  }
0xbd: {  	s30 =	sld [smem:$0x0];
	_ =	sdelay $0x2  }
0xbe: {  	s31 =	sshll.u32 s1, $0xD;
	s1 =	sshrl.u32 s1, $0x2  }
0xbf: {  	s3 =	sand.u32 $0x4000, s31;
	s1 =	sadd.s32 s1, s30  }
0xc0: {  	s0 =	sor.u32 s3, s0;
	s1 =	sshll.u32 s1, $0x11  }
0xc1: {  	s0 =	sor.u32 s1, s0  }
0xc2: {  	s0 =	sadd.s32 $0x8F2B, s0  }
0xc3: {  	[sflag:s0] =	ssyncadd.remote.s32 $0x1  }
0xc4: {  	_ =	sfence.sel $0xFFFF  }
0xc5: {  	[dreg:$0x0] =	wrdreg $0xFFFFFFFF;
	(pc) =	sbr.abs _section_cstart, $3  }
0xc6: {  	[dreg:$0x1] =	wrdreg $0xFFFFFFFF  }
0xc7: {  	_ =	task.clear_ibuf [dreg:s10], $0x2FFFF;
	_ =	strace $0x9FFFFFFF  }
0xc8: {  	(tm) =	ssettm $0x7FFFFFFF  }
0xc9: {  	_ =	shalt  }
tec
execute0_lowered:
.L_overlay_start_1:
0x0: {  	(tag) =	ssettag $0x1  }
0x1: {  	s0 =	rddreg [dreg:$0x0]  }
0x2: {  	s2 =	rddreg [dreg:$0x1]  }
0x3: {  	s1 =	rddreg [dreg:$0x2]  }
0x4: {  	s3 =	rddreg [dreg:$0x3]  }
0x5: {  	s5 =	rddreg [dreg:$0x4];
	s4 =	srdreg.scid  }
0x6: {  	s7 =	stileid.u32;
	s10 =	simm.s32 $0x3;
	s12 =	simm.s32 $0x7A1400  }
0x7: {  	s13 =	simm.s32 $0x400;
	s14 =	simm.s32 $0x2400;
	s15 =	simm.s32 $0x4400  }
0x8: {  	s16 =	simm.s32 $0x6400;
	s17 =	simm.s32 $0x8400;
	s18 =	simm.s32 $0xA400  }
0x9: {  	s19 =	simm.s32 $0xC400;
	s20 =	simm.s32 $0xE400;
	s21 =	simm.s32 $0x1  }
0xa: {  	s22 =	simm.s32 $0x2;
	s23 =	simm.s32 $0x10400;
	s24 =	simm.s32 $0x0  }
0xb: {  	s6 =	sand.u32 $0x1, s4;
	s4 =	simm.s32 $0x0;
	s7 =	sshll.u32 s7, $0xA  }
0xc: {  	s8 =	sshll.u32 s6, $0x9;
	[smem:$0x7FF] =	sst s4;
	s6 =	ssub.s32 $0x2, s6  }
.Ltmp0:
0xd: {  	s7 =	sor.u32 s8, s7;
	_ =	strace $0x80000047;
	(pc) =	sbr.rel .LBB2_1-.Ltmp0, $4  }
0xe: {  	v0 =	vlaneseq.u32;
	s30 =	sshrl.u32 s6, $0x1;
	s8 =	sshll.u32 s7, $0x3;
	s7 =	sshrl.u32 s7, $0x3  }
0xf: {  	v0 =	vmul.u32 $0x80, v0;
	s9 =	ssub.s32 s6, s30;
	s5 =	sadd.s32 s8, s5;
	s0 =	sadd.s32 s0, s7  }
0x10: {  	s31 =	sadd.s32 s2, s7;
	s9 =	smax.u32 s9, $0x1;
	[dreg:$0x6] =	wrdreg s0  }
0x11: {  	v1 =	vor.u32 $0x800, v0;
	v2 =	vor.u32 $0x1000, v0;
	v3 =	vor.u32 $0x1800, v0;
	[dreg:$0x7] =	wrdreg s31;
	s7 =	sadd.s32 $0x1400, s5;
	s8 =	sadd.s32 $0x21400, s5  }
.LBB2_9:
0x12: {  	v4 =	vld [tilespmem:$0x3F0];
	_ =	swait.ge [sflag:s22], $0x2000  }
0x13: {  	[sflag:s22] =	ssyncset.done $0x0  }
0x14: {  	[sflag:s22] =	ssyncadd.s32 $0xFFFFE000  }
0x15: {  	_ =	swait.ge [sflag:s22], $0x2000  }
0x16: {  	[sflag:s22] =	ssyncset.done $0x0  }
0x17: {  	[sflag:s22] =	ssyncadd.s32 $0xFFFFE000  }
0x18: {  	_ =	swait.ge [sflag:s22], $0x2000  }
0x19: {  	[sflag:s22] =	ssyncset.done $0x0  }
0x1a: {  	vm0 =	vlt.s32 v4, $0xF4240;
	[sflag:s22] =	ssyncadd.s32 $0xFFFFE000  }
0x1b: {  	v4 =	vnsel vm0, $0xF4240, v4;
	_ =	swait.ge [sflag:s22], $0x2000  }
0x1c: {  	(v2sf) =	vpush v4, $0xC;
	_ =	sdelay $0xe  }
0x1d: {  	s0 =	spop (v2sf)  }
0x1e: {  	s0 =	sand.u32 $0x7F, s0  }
0x1f: {  	v5 =	vor.u32 s0, v0;
	_ =	sdelay $0x2  }
0x20: {  	[sflag:s22] =	ssyncset.done $0x0  }
0x21: {  	[sflag:s22] =	ssyncadd.s32 $0xFFFFE000  }
0x22: {  	v5 =	vld.idx.msk [tilespmem:v5+s17+$0x0], $0xffff  }
0x23: {  	v6 =	vor.u32 s0, v1  }
0x24: {  	(v2sf) =	vpush v4, $0xD;
	_ =	sdelay $0x2  }
0x25: {  	[tilespmem:$0x18300] =	vst v5  }
0x26: {  	v5 =	vld.idx.msk [tilespmem:v6+s17+$0x0], $0xffff  }
0x27: {  	v56 =	vor.u32 s0, v2;
	_ =	sdelay $0x3  }
0x28: {  	[tilespmem:$0x18310] =	vst v5  }
0x29: {  	v5 =	vld.idx.msk [tilespmem:v56+s17+$0x0], $0xffff  }
0x2a: {  	v57 =	vor.u32 s0, v3;
	_ =	sdelay $0x3  }
0x2b: {  	s29 =	spop (v2sf);
	[tilespmem:$0x18320] =	vst v5  }
0x2c: {  	s0 =	sand.u32 $0x7F, s29;
	v5 =	vld.idx.msk [tilespmem:v57+s17+$0x0], $0xffff  }
0x2d: {  	v58 =	vor.u32 s0, v0;
	_ =	sdelay $0x3  }
0x2e: {  	[tilespmem:$0x18330] =	vst v5  }
0x2f: {  	v5 =	vld.idx.msk [tilespmem:v58+s18+$0x0], $0xffff  }
0x30: {  	v59 =	vor.u32 s0, v1  }
0x31: {  	(v2sf) =	vpush v4, $0xE;
	_ =	sdelay $0x2  }
0x32: {  	[tilespmem:$0x18340] =	vst v5  }
0x33: {  	v5 =	vld.idx.msk [tilespmem:v59+s18+$0x0], $0xffff  }
0x34: {  	v60 =	vor.u32 s0, v2;
	_ =	sdelay $0x3  }
0x35: {  	[tilespmem:$0x18350] =	vst v5  }
0x36: {  	v5 =	vld.idx.msk [tilespmem:v60+s18+$0x0], $0xffff  }
0x37: {  	v61 =	vor.u32 s0, v3;
	_ =	sdelay $0x3  }
0x38: {  	s30 =	spop (v2sf);
	[tilespmem:$0x18360] =	vst v5  }
0x39: {  	s0 =	sand.u32 $0x7F, s30;
	v5 =	vld.idx.msk [tilespmem:v61+s18+$0x0], $0xffff  }
0x3a: {  	v62 =	vor.u32 s0, v0;
	_ =	sdelay $0x3  }
0x3b: {  	[tilespmem:$0x18370] =	vst v5  }
0x3c: {  	v5 =	vld.idx.msk [tilespmem:v62+s19+$0x0], $0xffff  }
0x3d: {  	v63 =	vor.u32 s0, v1  }
0x3e: {  	(v2sf) =	vpush v4, $0xF;
	_ =	sdelay $0x2  }
0x3f: {  	[tilespmem:$0x18380] =	vst v5  }
0x40: {  	v4 =	vld.idx.msk [tilespmem:v63+s19+$0x0], $0xffff  }
0x41: {  	v5 =	vor.u32 s0, v2;
	_ =	sdelay $0x3  }
0x42: {  	[tilespmem:$0x18390] =	vst v4  }
0x43: {  	v4 =	vld.idx.msk [tilespmem:v5+s19+$0x0], $0xffff  }
0x44: {  	v5 =	vor.u32 s0, v3;
	_ =	sdelay $0x3  }
0x45: {  	s31 =	spop (v2sf);
	[tilespmem:$0x183A0] =	vst v4  }
0x46: {  	s0 =	sand.u32 $0x7F, s31;
	v4 =	vld.idx.msk [tilespmem:v5+s19+$0x0], $0xffff  }
0x47: {  	v5 =	vor.u32 s0, v0;
	_ =	sdelay $0x3  }
0x48: {  	[tilespmem:$0x183B0] =	vst v4  }
0x49: {  	v4 =	vld.idx.msk [tilespmem:v5+s20+$0x0], $0xffff  }
0x4a: {  	v5 =	vor.u32 s0, v1;
	_ =	sdelay $0x3  }
0x4b: {  	[tilespmem:$0x183C0] =	vst v4  }
0x4c: {  	v4 =	vld.idx.msk [tilespmem:v5+s20+$0x0], $0xffff  }
0x4d: {  	v5 =	vor.u32 s0, v2;
	_ =	sdelay $0x3  }
0x4e: {  	[tilespmem:$0x183D0] =	vst v4  }
0x4f: {  	v4 =	vld.idx.msk [tilespmem:v5+s20+$0x0], $0xffff  }
0x50: {  	v5 =	vor.u32 s0, v3;
	_ =	sdelay $0x3  }
0x51: {  	[tilespmem:$0x183E0] =	vst v4  }
0x52: {  	v4 =	vld.idx.msk [tilespmem:v5+s20+$0x0], $0xffff;
	_ =	sdelay $0x2  }
0x53: {  	s24 =	sadd.s32 $0x1, s24  }
0x54: {  	p0 =	sne.s32 s24, s9  }
.Ltmp1:
0x55: {  	[tilespmem:$0x183F0] =	vst v4;
	(pc) =	sbr.rel @!p0 .LBB2_10-.Ltmp1, $4  }
0x56: {  	[hbm4b:s8+s4] =	stream.linear.scatter [tilespmem:s23], [sflag:$0x3], $0x8000, $0x38;
	[tilespmem:$0x18400] =	vst v63  }
0x57: {  	_ =	swait.ge [sflag:s10], $0x8000  }
0x58: {  	[sflag:s10] =	ssyncset.done $0x0  }
0x59: {  	[sflag:s10] =	ssyncadd.s32 $0xFFFF8000  }
.LBB2_1:
0x5a: {  	s0 =	rddreg [dreg:$0x6]  }
0x5b: {  	[tilespmem:s4], [sflag:$0x3] =	stream.linear.gather [hbm4b:s0+s4], $0x200, $0x38;
	[tilespmem:$0x18400] =	vst v63  }
0x5c: {  	_ =	swait.ge [sflag:s10], $0x200  }
0x5d: {  	s2 =	simm.s32 $0x200;
	[sflag:s10] =	ssyncset.done $0x0  }
.Ltmp2:
0x5e: {  	s31 =	rddreg [dreg:$0x7];
	[sflag:s10] =	ssyncadd.s32 $0xFFFFFE00;
	(pc) =	sbr.rel .LBB2_2-.Ltmp2, $4  }
0x5f: {  	[tilespmem:s2], [sflag:$0x3] =	stream.linear.gather [hbm4b:s31+s4], $0x200, $0x38;
	[tilespmem:$0x18400] =	vst v63  }
0x60: {  	_ =	swait.ge [sflag:s10], $0x200  }
0x61: {  	[sflag:s10] =	ssyncset.done $0x0  }
0x62: {  	s25 =	simm.s32 $0x10500;
	s26 =	simm.s32 $0x0;
	[sflag:s10] =	ssyncadd.s32 $0xFFFFFE00  }
.LBB2_4:
0x63: {  	(v2sf) =	vpush v4, $0x4  }
0x64: {  	(v2sf) =	vpush v4, $0x5;
	_ =	sdelay $0x4  }
0x65: {  	(v2sf) =	vpush v4, $0x6;
	_ =	sdelay $0x3  }
0x66: {  	(v2sf) =	vpush v4, $0x7;
	_ =	sdelay $0x4  }
0x67: {  	s5 =	spop (v2sf)  }
0x68: {  	s0 =	sand.u32 $0xFFFFF80, s5;
	s11 =	spop (v2sf)  }
0x69: {  	s0 =	sadd.s32 s1, s0;
	s31 =	sand.u32 $0xFFFFF80, s11  }
0x6a: {  	[tilespmem:s17], [sflag:$0x2] =	stream.strided.gather [hbm4b:s0+s13], $0x2000, s12, s13, $0x38;
	[tilespmem:$0x18400] =	vst v63  }
0x6b: {  	s0 =	sadd.s32 s1, s31  }
0x6c: {  	[tilespmem:s18], [sflag:$0x2] =	stream.strided.gather [hbm4b:s0+s13], $0x2000, s12, s13, $0x38;
	[tilespmem:$0x18400] =	vst v63  }
0x6d: {  	s0 =	spop (v2sf)  }
0x6e: {  	s31 =	sand.u32 $0xFFFFF80, s0  }
0x6f: {  	s31 =	sadd.s32 s1, s31  }
0x70: {  	[tilespmem:s19], [sflag:$0x2] =	stream.strided.gather [hbm4b:s31+s13], $0x2000, s12, s13, $0x38;
	[tilespmem:$0x18400] =	vst v63  }
0x71: {  	s31 =	spop (v2sf)  }
0x72: {  	s6 =	sand.u32 $0xFFFFF80, s31  }
0x73: {  	s6 =	sadd.s32 s1, s6  }
0x74: {  	[tilespmem:s20], [sflag:$0x2] =	stream.strided.gather [hbm4b:s6+s13], $0x2000, s12, s13, $0x38;
	[tilespmem:$0x18400] =	vst v63  }
0x75: {  	_ =	swait.ge [sflag:s21], $0x2000  }
0x76: {  	[sflag:s21] =	ssyncset.done $0x0  }
0x77: {  	[sflag:s21] =	ssyncadd.s32 $0xFFFFE000  }
0x78: {  	_ =	swait.ge [sflag:s21], $0x2000  }
0x79: {  	[sflag:s21] =	ssyncset.done $0x0  }
0x7a: {  	[sflag:s21] =	ssyncadd.s32 $0xFFFFE000  }
0x7b: {  	s2 =	sand.u32 $0x7F, s2;
	_ =	swait.ge [sflag:s21], $0x2000  }
0x7c: {  	v5 =	vor.u32 s2, v0;
	[sflag:s21] =	ssyncset.done $0x0  }
0x7d: {  	[sflag:s21] =	ssyncadd.s32 $0xFFFFE000  }
0x7e: {  	_ =	swait.ge [sflag:s21], $0x2000  }
0x7f: {  	[sflag:s21] =	ssyncset.done $0x0  }
0x80: {  	[sflag:s21] =	ssyncadd.s32 $0xFFFFE000  }
0x81: {  	v5 =	vld.idx.msk [tilespmem:v5+s13+$0x0], $0xffff  }
0x82: {  	v6 =	vor.u32 s2, v1;
	_ =	sdelay $0x3  }
0x83: {  	[tilespmem:s25+$0xFFFFFF00] =	vst v5  }
0x84: {  	v5 =	vld.idx.msk [tilespmem:v6+s13+$0x0], $0xffff  }
0x85: {  	v35 =	vor.u32 s2, v2;
	_ =	sdelay $0x3  }
0x86: {  	[tilespmem:s25+$0xFFFFFF10] =	vst v5  }
0x87: {  	v5 =	vld.idx.msk [tilespmem:v35+s13+$0x0], $0xffff  }
0x88: {  	v36 =	vor.u32 s2, v3;
	_ =	sdelay $0x3  }
0x89: {  	[tilespmem:s25+$0xFFFFFF20] =	vst v5  }
0x8a: {  	s6 =	sand.u32 $0x7F, s30;
	v5 =	vld.idx.msk [tilespmem:v36+s13+$0x0], $0xffff  }
0x8b: {  	v37 =	vor.u32 s6, v0;
	_ =	sdelay $0x3  }
0x8c: {  	[tilespmem:s25+$0xFFFFFF30] =	vst v5  }
0x8d: {  	v5 =	vld.idx.msk [tilespmem:v37+s14+$0x0], $0xffff  }
0x8e: {  	v38 =	vor.u32 s6, v1;
	_ =	sdelay $0x3  }
0x8f: {  	[tilespmem:s25+$0xFFFFFF40] =	vst v5  }
0x90: {  	v5 =	vld.idx.msk [tilespmem:v38+s14+$0x0], $0xffff  }
0x91: {  	v39 =	vor.u32 s6, v2;
	_ =	sdelay $0x3  }
0x92: {  	[tilespmem:s25+$0xFFFFFF50] =	vst v5  }
0x93: {  	v5 =	vld.idx.msk [tilespmem:v39+s14+$0x0], $0xffff  }
0x94: {  	v40 =	vor.u32 s6, v3;
	_ =	sdelay $0x3  }
0x95: {  	[tilespmem:s25+$0xFFFFFF60] =	vst v5  }
0x96: {  	s30 =	sand.u32 $0x7F, s29;
	v5 =	vld.idx.msk [tilespmem:v40+s14+$0x0], $0xffff  }
0x97: {  	v41 =	vor.u32 s30, v0;
	_ =	sdelay $0x3  }
0x98: {  	[tilespmem:s25+$0xFFFFFF70] =	vst v5  }
0x99: {  	v5 =	vld.idx.msk [tilespmem:v41+s15+$0x0], $0xffff  }
0x9a: {  	v42 =	vor.u32 s30, v1;
	_ =	sdelay $0x3  }
0x9b: {  	[tilespmem:s25+$0xFFFFFF80] =	vst v5  }
0x9c: {  	v5 =	vld.idx.msk [tilespmem:v42+s15+$0x0], $0xffff  }
0x9d: {  	v43 =	vor.u32 s30, v2;
	_ =	sdelay $0x3  }
0x9e: {  	[tilespmem:s25+$0xFFFFFF90] =	vst v5  }
0x9f: {  	v5 =	vld.idx.msk [tilespmem:v43+s15+$0x0], $0xffff  }
0xa0: {  	v44 =	vor.u32 s30, v3;
	_ =	sdelay $0x3  }
0xa1: {  	[tilespmem:s25+$0xFFFFFFA0] =	vst v5  }
0xa2: {  	s6 =	sand.u32 $0x7F, s28;
	v5 =	vld.idx.msk [tilespmem:v44+s15+$0x0], $0xffff  }
0xa3: {  	v45 =	vor.u32 s6, v0;
	_ =	sdelay $0x3  }
0xa4: {  	[tilespmem:s25+$0xFFFFFFB0] =	vst v5  }
0xa5: {  	v5 =	vld.idx.msk [tilespmem:v45+s16+$0x0], $0xffff  }
0xa6: {  	v46 =	vor.u32 s6, v1;
	_ =	sdelay $0x3  }
0xa7: {  	[tilespmem:s25+$0xFFFFFFC0] =	vst v5  }
0xa8: {  	(v2sf) =	vpush v4, $0x8;
	v5 =	vld.idx.msk [tilespmem:v46+s16+$0x0], $0xffff  }
0xa9: {  	v47 =	vor.u32 s6, v2;
	_ =	sdelay $0x2  }
0xaa: {  	(v2sf) =	vpush v4, $0x9  }
0xab: {  	[tilespmem:s25+$0xFFFFFFD0] =	vst v5  }
0xac: {  	(v2sf) =	vpush v4, $0xA;
	v5 =	vld.idx.msk [tilespmem:v47+s16+$0x0], $0xffff  }
0xad: {  	v48 =	vor.u32 s6, v3;
	_ =	sdelay $0x1  }
0xae: {  	(v2sf) =	vpush v4, $0xB;
	_ =	sdelay $0x1  }
0xaf: {  	[tilespmem:s25+$0xFFFFFFE0] =	vst v5  }
0xb0: {  	v5 =	vld.idx.msk [tilespmem:v48+s16+$0x0], $0xffff;
	_ =	sdelay $0x2  }
0xb1: {  	s30 =	spop (v2sf)  }
0xb2: {  	s28 =	sand.u32 $0xFFFFF80, s30  }
0xb3: {  	s2 =	sadd.s32 s1, s28;
	[tilespmem:s25+$0xFFFFFFF0] =	vst v5  }
0xb4: {  	[tilespmem:s13], [sflag:$0x1] =	stream.strided.gather [hbm4b:s2+s13], $0x2000, s12, s13, $0x38;
	[tilespmem:$0x18400] =	vst v63  }
0xb5: {  	s2 =	spop (v2sf)  }
0xb6: {  	s29 =	sand.u32 $0xFFFFF80, s2  }
0xb7: {  	s6 =	sadd.s32 s1, s29;
	s29 =	spop (v2sf)  }
0xb8: {  	[tilespmem:s14], [sflag:$0x1] =	stream.strided.gather [hbm4b:s6+s13], $0x2000, s12, s13, $0x38;
	[tilespmem:$0x18400] =	vst v63  }
0xb9: {  	s28 =	sand.u32 $0xFFFFF80, s29  }
0xba: {  	s6 =	sadd.s32 s1, s28;
	s28 =	spop (v2sf)  }
0xbb: {  	[tilespmem:s15], [sflag:$0x1] =	stream.strided.gather [hbm4b:s6+s13], $0x2000, s12, s13, $0x38;
	[tilespmem:$0x18400] =	vst v63  }
0xbc: {  	s6 =	sand.u32 $0xFFFFF80, s28  }
0xbd: {  	s6 =	sadd.s32 s1, s6  }
0xbe: {  	[tilespmem:s16], [sflag:$0x1] =	stream.strided.gather [hbm4b:s6+s13], $0x2000, s12, s13, $0x38;
	[tilespmem:$0x18400] =	vst v63  }
0xbf: {  	_ =	swait.ge [sflag:s22], $0x2000  }
0xc0: {  	[sflag:s22] =	ssyncset.done $0x0  }
0xc1: {  	[sflag:s22] =	ssyncadd.s32 $0xFFFFE000  }
0xc2: {  	_ =	swait.ge [sflag:s22], $0x2000  }
0xc3: {  	[sflag:s22] =	ssyncset.done $0x0  }
0xc4: {  	[sflag:s22] =	ssyncadd.s32 $0xFFFFE000  }
0xc5: {  	s5 =	sand.u32 $0x7F, s5;
	_ =	swait.ge [sflag:s22], $0x2000  }
0xc6: {  	v5 =	vor.u32 s5, v0;
	[sflag:s22] =	ssyncset.done $0x0  }
0xc7: {  	[sflag:s22] =	ssyncadd.s32 $0xFFFFE000  }
0xc8: {  	_ =	swait.ge [sflag:s22], $0x2000  }
0xc9: {  	[sflag:s22] =	ssyncset.done $0x0  }
0xca: {  	[sflag:s22] =	ssyncadd.s32 $0xFFFFE000  }
0xcb: {  	v5 =	vld.idx.msk [tilespmem:v5+s17+$0x0], $0xffff  }
0xcc: {  	v49 =	vor.u32 s5, v1;
	_ =	sdelay $0x3  }
0xcd: {  	[tilespmem:s25+$0x0] =	vst v5  }
0xce: {  	v5 =	vld.idx.msk [tilespmem:v49+s17+$0x0], $0xffff  }
0xcf: {  	v50 =	vor.u32 s5, v2;
	_ =	sdelay $0x3  }
0xd0: {  	[tilespmem:s25+$0x10] =	vst v5  }
0xd1: {  	v5 =	vld.idx.msk [tilespmem:v50+s17+$0x0], $0xffff  }
0xd2: {  	v51 =	vor.u32 s5, v3;
	_ =	sdelay $0x3  }
0xd3: {  	[tilespmem:s25+$0x20] =	vst v5  }
0xd4: {  	s11 =	sand.u32 $0x7F, s11;
	v5 =	vld.idx.msk [tilespmem:v51+s17+$0x0], $0xffff  }
0xd5: {  	v52 =	vor.u32 s11, v0;
	_ =	sdelay $0x3  }
0xd6: {  	[tilespmem:s25+$0x30] =	vst v5  }
0xd7: {  	v5 =	vld.idx.msk [tilespmem:v52+s18+$0x0], $0xffff  }
0xd8: {  	v53 =	vor.u32 s11, v1;
	_ =	sdelay $0x3  }
0xd9: {  	[tilespmem:s25+$0x40] =	vst v5  }
0xda: {  	v5 =	vld.idx.msk [tilespmem:v53+s18+$0x0], $0xffff  }
0xdb: {  	v54 =	vor.u32 s11, v2;
	_ =	sdelay $0x3  }
0xdc: {  	[tilespmem:s25+$0x50] =	vst v5  }
0xdd: {  	v5 =	vld.idx.msk [tilespmem:v54+s18+$0x0], $0xffff  }
0xde: {  	v55 =	vor.u32 s11, v3;
	_ =	sdelay $0x3  }
0xdf: {  	[tilespmem:s25+$0x60] =	vst v5  }
0xe0: {  	s0 =	sand.u32 $0x7F, s0;
	v5 =	vld.idx.msk [tilespmem:v55+s18+$0x0], $0xffff  }
0xe1: {  	v56 =	vor.u32 s0, v0;
	_ =	sdelay $0x3  }
0xe2: {  	[tilespmem:s25+$0x70] =	vst v5  }
0xe3: {  	v5 =	vld.idx.msk [tilespmem:v56+s19+$0x0], $0xffff  }
0xe4: {  	v57 =	vor.u32 s0, v1;
	_ =	sdelay $0x3  }
0xe5: {  	[tilespmem:s25+$0x80] =	vst v5  }
0xe6: {  	v5 =	vld.idx.msk [tilespmem:v57+s19+$0x0], $0xffff  }
0xe7: {  	v58 =	vor.u32 s0, v2;
	_ =	sdelay $0x3  }
0xe8: {  	[tilespmem:s25+$0x90] =	vst v5  }
0xe9: {  	v5 =	vld.idx.msk [tilespmem:v58+s19+$0x0], $0xffff  }
0xea: {  	v59 =	vor.u32 s0, v3;
	_ =	sdelay $0x3  }
0xeb: {  	[tilespmem:s25+$0xA0] =	vst v5  }
0xec: {  	s6 =	sand.u32 $0x7F, s31;
	v5 =	vld.idx.msk [tilespmem:v59+s19+$0x0], $0xffff  }
0xed: {  	v60 =	vor.u32 s6, v0;
	_ =	sdelay $0x3  }
0xee: {  	[tilespmem:s25+$0xB0] =	vst v5  }
0xef: {  	v5 =	vld.idx.msk [tilespmem:v60+s20+$0x0], $0xffff  }
0xf0: {  	v61 =	vor.u32 s6, v1;
	_ =	sdelay $0x3  }
0xf1: {  	[tilespmem:s25+$0xC0] =	vst v5  }
0xf2: {  	(v2sf) =	vpush v4, $0xC;
	v5 =	vld.idx.msk [tilespmem:v61+s20+$0x0], $0xffff  }
0xf3: {  	v62 =	vor.u32 s6, v2;
	(v2sf) =	vpush v4, $0xD  }
0xf4: {  	(v2sf) =	vpush v4, $0xE;
	_ =	sdelay $0x2  }
0xf5: {  	[tilespmem:s25+$0xD0] =	vst v5  }
0xf6: {  	(v2sf) =	vpush v4, $0xF;
	v5 =	vld.idx.msk [tilespmem:v62+s20+$0x0], $0xffff  }
0xf7: {  	v63 =	vor.u32 s6, v3;
	_ =	sdelay $0x3  }
0xf8: {  	[tilespmem:s25+$0xE0] =	vst v5  }
0xf9: {  	v4 =	vld.idx.msk [tilespmem:v63+s20+$0x0], $0xffff;
	_ =	sdelay $0x2  }
0xfa: {  	s11 =	spop (v2sf)  }
0xfb: {  	s0 =	sand.u32 $0xFFFFF80, s11;
	s31 =	spop (v2sf)  }
0xfc: {  	s0 =	sadd.s32 s1, s0;
	s6 =	sand.u32 $0xFFFFF80, s31;
	s11 =	spop (v2sf);
	[tilespmem:s25+$0xF0] =	vst v4  }
0xfd: {  	[tilespmem:s17], [sflag:$0x2] =	stream.strided.gather [hbm4b:s0+s13], $0x2000, s12, s13, $0x38;
	[tilespmem:$0x18400] =	vst v63  }
0xfe: {  	s31 =	sand.u32 $0xFFFFF80, s11;
	s0 =	sadd.s32 s1, s6  }
0xff: {  	[tilespmem:s18], [sflag:$0x2] =	stream.strided.gather [hbm4b:s0+s13], $0x2000, s12, s13, $0x38;
	[tilespmem:$0x18400] =	vst v63  }
0x100: {  	s5 =	spop (v2sf);
	s0 =	sadd.s32 s1, s31  }
0x101: {  	[tilespmem:s19], [sflag:$0x2] =	stream.strided.gather [hbm4b:s0+s13], $0x2000, s12, s13, $0x38;
	[tilespmem:$0x18400] =	vst v63  }
0x102: {  	s0 =	sand.u32 $0xFFFFF80, s5  }
0x103: {  	s0 =	sadd.s32 s1, s0  }
0x104: {  	[tilespmem:s20], [sflag:$0x2] =	stream.strided.gather [hbm4b:s0+s13], $0x2000, s12, s13, $0x38;
	[tilespmem:$0x18400] =	vst v63  }
0x105: {  	_ =	swait.ge [sflag:s21], $0x2000  }
0x106: {  	[sflag:s21] =	ssyncset.done $0x0  }
0x107: {  	[sflag:s21] =	ssyncadd.s32 $0xFFFFE000  }
0x108: {  	_ =	swait.ge [sflag:s21], $0x2000  }
0x109: {  	[sflag:s21] =	ssyncset.done $0x0  }
0x10a: {  	[sflag:s21] =	ssyncadd.s32 $0xFFFFE000  }
0x10b: {  	s6 =	sand.u32 $0x7F, s30;
	_ =	swait.ge [sflag:s21], $0x2000  }
0x10c: {  	v4 =	vor.u32 s6, v0;
	[sflag:s21] =	ssyncset.done $0x0  }
0x10d: {  	[sflag:s21] =	ssyncadd.s32 $0xFFFFE000  }
0x10e: {  	_ =	swait.ge [sflag:s21], $0x2000  }
0x10f: {  	[sflag:s21] =	ssyncset.done $0x0  }
0x110: {  	[sflag:s21] =	ssyncadd.s32 $0xFFFFE000  }
0x111: {  	v4 =	vld.idx.msk [tilespmem:v4+s13+$0x0], $0xffff  }
0x112: {  	v5 =	vor.u32 s6, v1;
	_ =	sdelay $0x3  }
0x113: {  	[tilespmem:s25+$0x100] =	vst v4  }
0x114: {  	v4 =	vld.idx.msk [tilespmem:v5+s13+$0x0], $0xffff  }
0x115: {  	v5 =	vor.u32 s6, v2;
	_ =	sdelay $0x3  }
0x116: {  	[tilespmem:s25+$0x110] =	vst v4  }
0x117: {  	v4 =	vld.idx.msk [tilespmem:v5+s13+$0x0], $0xffff  }
0x118: {  	v5 =	vor.u32 s6, v3;
	_ =	sdelay $0x3  }
0x119: {  	[tilespmem:s25+$0x120] =	vst v4  }
0x11a: {  	s11 =	sand.u32 $0x7F, s2;
	v4 =	vld.idx.msk [tilespmem:v5+s13+$0x0], $0xffff  }
0x11b: {  	v5 =	vor.u32 s11, v0;
	_ =	sdelay $0x3  }
0x11c: {  	[tilespmem:s25+$0x130] =	vst v4  }
0x11d: {  	v4 =	vld.idx.msk [tilespmem:v5+s14+$0x0], $0xffff  }
0x11e: {  	v5 =	vor.u32 s11, v1;
	_ =	sdelay $0x3  }
0x11f: {  	[tilespmem:s25+$0x140] =	vst v4  }
0x120: {  	v4 =	vld.idx.msk [tilespmem:v5+s14+$0x0], $0xffff  }
0x121: {  	v5 =	vor.u32 s11, v2;
	_ =	sdelay $0x3  }
0x122: {  	[tilespmem:s25+$0x150] =	vst v4  }
0x123: {  	v4 =	vld.idx.msk [tilespmem:v5+s14+$0x0], $0xffff  }
0x124: {  	v5 =	vor.u32 s11, v3;
	_ =	sdelay $0x3  }
0x125: {  	[tilespmem:s25+$0x160] =	vst v4  }
0x126: {  	s30 =	sand.u32 $0x7F, s29;
	v4 =	vld.idx.msk [tilespmem:v5+s14+$0x0], $0xffff  }
0x127: {  	v5 =	vor.u32 s30, v0;
	_ =	sdelay $0x3  }
0x128: {  	[tilespmem:s25+$0x170] =	vst v4  }
0x129: {  	v4 =	vld.idx.msk [tilespmem:v5+s15+$0x0], $0xffff  }
0x12a: {  	v5 =	vor.u32 s30, v1;
	_ =	sdelay $0x3  }
0x12b: {  	[tilespmem:s25+$0x180] =	vst v4  }
0x12c: {  	v4 =	vld.idx.msk [tilespmem:v5+s15+$0x0], $0xffff  }
0x12d: {  	v5 =	vor.u32 s30, v2;
	_ =	sdelay $0x3  }
0x12e: {  	[tilespmem:s25+$0x190] =	vst v4  }
0x12f: {  	v4 =	vld.idx.msk [tilespmem:v5+s15+$0x0], $0xffff  }
0x130: {  	v5 =	vor.u32 s30, v3;
	_ =	sdelay $0x3  }
0x131: {  	[tilespmem:s25+$0x1A0] =	vst v4  }
0x132: {  	s31 =	sand.u32 $0x7F, s28;
	v4 =	vld.idx.msk [tilespmem:v5+s15+$0x0], $0xffff  }
0x133: {  	v5 =	vor.u32 s31, v0;
	_ =	sdelay $0x3  }
0x134: {  	[tilespmem:s25+$0x1B0] =	vst v4  }
0x135: {  	v4 =	vld.idx.msk [tilespmem:v5+s16+$0x0], $0xffff  }
0x136: {  	v5 =	vor.u32 s31, v1;
	_ =	sdelay $0x3  }
0x137: {  	[tilespmem:s25+$0x1C0] =	vst v4  }
0x138: {  	v4 =	vld.idx.msk [tilespmem:v5+s16+$0x0], $0xffff  }
0x139: {  	v5 =	vor.u32 s31, v2;
	_ =	sdelay $0x3  }
0x13a: {  	[tilespmem:s25+$0x1D0] =	vst v4  }
0x13b: {  	v4 =	vld.idx.msk [tilespmem:v5+s16+$0x0], $0xffff  }
0x13c: {  	v5 =	vor.u32 s31, v3;
	_ =	sdelay $0x3  }
0x13d: {  	s26 =	sadd.s32 $0x40, s26;
	[tilespmem:s25+$0x1E0] =	vst v4  }
0x13e: {  	p0 =	sne.s32 s26, $0x800;
	v4 =	vld.idx.msk [tilespmem:v5+s16+$0x0], $0xffff  }
.Ltmp3:
0x13f: {  	_ = 	snop;
	(pc) =	sbr.rel @!p0 .LBB2_5-.Ltmp3, $2  }
0x140: {  	_ =	sdelay $0x2  }
0x141: {  	[tilespmem:s25+$0x1F0] =	vst v4;
	s25 =	sadd.s32 $0x400, s25  }
.LBB2_2:
0x142: {  	s0 =	sshra.s32 s26, $0x2  }
0x143: {  	v4 =	vld [tilespmem:s0+$0x0];
	_ =	sdelay $0x4  }
0x144: {  	vm0 =	vlt.s32 v4, $0xF4240  }
0x145: {  	v4 =	vnsel vm0, $0xF4240, v4  }
0x146: {  	(v2sf) =	vpush v4, $0x0  }
0x147: {  	(v2sf) =	vpush v4, $0x1;
	_ =	sdelay $0x2  }
0x148: {  	(v2sf) =	vpush v4, $0x2;
	_ =	sdelay $0x1  }
0x149: {  	(v2sf) =	vpush v4, $0x3;
	_ =	sdelay $0x8  }
0x14a: {  	s2 =	spop (v2sf)  }
0x14b: {  	s5 =	sand.u32 $0xFFFFF80, s2;
	s30 =	spop (v2sf)  }
0x14c: {  	s5 =	sadd.s32 s1, s5;
	s6 =	sand.u32 $0xFFFFF80, s30  }
0x14d: {  	[tilespmem:s13], [sflag:$0x1] =	stream.strided.gather [hbm4b:s5+s13], $0x2000, s12, s13, $0x38;
	[tilespmem:$0x18400] =	vst v63  }
0x14e: {  	p0 =	seq.s32 s26, $0x0;
	s29 =	spop (v2sf);
	s5 =	sadd.s32 s1, s6  }
0x14f: {  	[tilespmem:s14], [sflag:$0x1] =	stream.strided.gather [hbm4b:s5+s13], $0x2000, s12, s13, $0x38;
	[tilespmem:$0x18400] =	vst v63  }
.Ltmp4:
0x150: {  	s11 =	sand.u32 $0xFFFFF80, s29;
	s28 =	spop (v2sf);
	(pc) =	sbr.rel @p0 .LBB2_4-.Ltmp4, $4  }
0x151: {  	s31 =	sand.u32 $0xFFFFF80, s28;
	s5 =	sadd.s32 s1, s11  }
0x152: {  	[tilespmem:s15], [sflag:$0x1] =	stream.strided.gather [hbm4b:s5+s13], $0x2000, s12, s13, $0x38;
	[tilespmem:$0x18400] =	vst v63  }
0x153: {  	s5 =	sadd.s32 s1, s31  }
0x154: {  	[tilespmem:s16], [sflag:$0x1] =	stream.strided.gather [hbm4b:s5+s13], $0x2000, s12, s13, $0x38;
	[tilespmem:$0x18400] =	vst v63  }
0x155: {  	v5 =	vld [tilespmem:s0+$0xFFFFFFF0];
	_ =	swait.ge [sflag:s22], $0x2000  }
0x156: {  	[sflag:s22] =	ssyncset.done $0x0  }
0x157: {  	[sflag:s22] =	ssyncadd.s32 $0xFFFFE000  }
0x158: {  	_ =	swait.ge [sflag:s22], $0x2000  }
0x159: {  	[sflag:s22] =	ssyncset.done $0x0  }
0x15a: {  	[sflag:s22] =	ssyncadd.s32 $0xFFFFE000  }
0x15b: {  	_ =	swait.ge [sflag:s22], $0x2000  }
0x15c: {  	[sflag:s22] =	ssyncset.done $0x0  }
0x15d: {  	vm0 =	vlt.s32 v5, $0xF4240;
	[sflag:s22] =	ssyncadd.s32 $0xFFFFE000  }
0x15e: {  	v5 =	vnsel vm0, $0xF4240, v5;
	_ =	swait.ge [sflag:s22], $0x2000  }
0x15f: {  	(v2sf) =	vpush v5, $0xC;
	_ =	sdelay $0xe  }
0x160: {  	s5 =	spop (v2sf)  }
0x161: {  	s0 =	sand.u32 $0x7F, s5  }
0x162: {  	v6 =	vor.u32 s0, v0;
	_ =	sdelay $0x2  }
0x163: {  	[sflag:s22] =	ssyncset.done $0x0  }
0x164: {  	[sflag:s22] =	ssyncadd.s32 $0xFFFFE000  }
0x165: {  	v6 =	vld.idx.msk [tilespmem:v6+s17+$0x0], $0xffff  }
0x166: {  	v7 =	vor.u32 s0, v1  }
0x167: {  	(v2sf) =	vpush v5, $0xD;
	_ =	sdelay $0x2  }
0x168: {  	[tilespmem:s25+$0xFFFFFE00] =	vst v6  }
0x169: {  	v6 =	vld.idx.msk [tilespmem:v7+s17+$0x0], $0xffff  }
0x16a: {  	v7 =	vor.u32 s0, v2;
	_ =	sdelay $0x3  }
0x16b: {  	[tilespmem:s25+$0xFFFFFE10] =	vst v6  }
0x16c: {  	v6 =	vld.idx.msk [tilespmem:v7+s17+$0x0], $0xffff  }
0x16d: {  	v7 =	vor.u32 s0, v3;
	_ =	sdelay $0x3  }
0x16e: {  	s6 =	spop (v2sf);
	[tilespmem:s25+$0xFFFFFE20] =	vst v6  }
0x16f: {  	s0 =	sand.u32 $0x7F, s6;
	v6 =	vld.idx.msk [tilespmem:v7+s17+$0x0], $0xffff  }
0x170: {  	v7 =	vor.u32 s0, v0;
	_ =	sdelay $0x3  }
0x171: {  	[tilespmem:s25+$0xFFFFFE30] =	vst v6  }
0x172: {  	v6 =	vld.idx.msk [tilespmem:v7+s18+$0x0], $0xffff  }
0x173: {  	v7 =	vor.u32 s0, v1  }
0x174: {  	(v2sf) =	vpush v5, $0xE;
	_ =	sdelay $0x2  }
0x175: {  	[tilespmem:s25+$0xFFFFFE40] =	vst v6  }
0x176: {  	v6 =	vld.idx.msk [tilespmem:v7+s18+$0x0], $0xffff  }
0x177: {  	v7 =	vor.u32 s0, v2;
	_ =	sdelay $0x3  }
0x178: {  	[tilespmem:s25+$0xFFFFFE50] =	vst v6  }
0x179: {  	v6 =	vld.idx.msk [tilespmem:v7+s18+$0x0], $0xffff  }
0x17a: {  	v7 =	vor.u32 s0, v3;
	_ =	sdelay $0x3  }
0x17b: {  	s11 =	spop (v2sf);
	[tilespmem:s25+$0xFFFFFE60] =	vst v6  }
0x17c: {  	s0 =	sand.u32 $0x7F, s11;
	v6 =	vld.idx.msk [tilespmem:v7+s18+$0x0], $0xffff  }
0x17d: {  	v7 =	vor.u32 s0, v0;
	_ =	sdelay $0x3  }
0x17e: {  	[tilespmem:s25+$0xFFFFFE70] =	vst v6  }
0x17f: {  	v6 =	vld.idx.msk [tilespmem:v7+s19+$0x0], $0xffff  }
0x180: {  	v7 =	vor.u32 s0, v1  }
0x181: {  	(v2sf) =	vpush v5, $0xF;
	_ =	sdelay $0x2  }
0x182: {  	[tilespmem:s25+$0xFFFFFE80] =	vst v6  }
0x183: {  	v5 =	vld.idx.msk [tilespmem:v7+s19+$0x0], $0xffff  }
0x184: {  	v6 =	vor.u32 s0, v2;
	_ =	sdelay $0x3  }
0x185: {  	[tilespmem:s25+$0xFFFFFE90] =	vst v5  }
0x186: {  	v5 =	vld.idx.msk [tilespmem:v6+s19+$0x0], $0xffff  }
0x187: {  	v6 =	vor.u32 s0, v3;
	_ =	sdelay $0x3  }
0x188: {  	s31 =	spop (v2sf);
	[tilespmem:s25+$0xFFFFFEA0] =	vst v5  }
0x189: {  	s0 =	sand.u32 $0x7F, s31;
	v5 =	vld.idx.msk [tilespmem:v6+s19+$0x0], $0xffff  }
0x18a: {  	v6 =	vor.u32 s0, v0;
	_ =	sdelay $0x3  }
0x18b: {  	[tilespmem:s25+$0xFFFFFEB0] =	vst v5  }
0x18c: {  	v5 =	vld.idx.msk [tilespmem:v6+s20+$0x0], $0xffff  }
0x18d: {  	v6 =	vor.u32 s0, v1;
	_ =	sdelay $0x3  }
0x18e: {  	[tilespmem:s25+$0xFFFFFEC0] =	vst v5  }
0x18f: {  	v5 =	vld.idx.msk [tilespmem:v6+s20+$0x0], $0xffff  }
0x190: {  	v6 =	vor.u32 s0, v2;
	_ =	sdelay $0x3  }
0x191: {  	[tilespmem:s25+$0xFFFFFED0] =	vst v5  }
0x192: {  	v5 =	vld.idx.msk [tilespmem:v6+s20+$0x0], $0xffff  }
0x193: {  	v6 =	vor.u32 s0, v3;
	_ =	sdelay $0x3  }
0x194: {  	[tilespmem:s25+$0xFFFFFEE0] =	vst v5  }
0x195: {  	v5 =	vld.idx.msk [tilespmem:v6+s20+$0x0], $0xffff  }
.Ltmp5:
0x196: {  	_ = 	snop;
	(pc) =	sbr.rel .LBB2_4-.Ltmp5, $2  }
0x197: {  	_ =	sdelay $0x2  }
0x198: {  	[tilespmem:s25+$0xFFFFFEF0] =	vst v5  }
.LBB2_5:
0x199: {  	v4 =	vld [tilespmem:$0x1F0];
	_ =	swait.ge [sflag:s22], $0x2000  }
0x19a: {  	[sflag:s22] =	ssyncset.done $0x0  }
0x19b: {  	[sflag:s22] =	ssyncadd.s32 $0xFFFFE000  }
0x19c: {  	_ =	swait.ge [sflag:s22], $0x2000  }
0x19d: {  	[sflag:s22] =	ssyncset.done $0x0  }
0x19e: {  	[sflag:s22] =	ssyncadd.s32 $0xFFFFE000  }
0x19f: {  	_ =	swait.ge [sflag:s22], $0x2000  }
0x1a0: {  	[sflag:s22] =	ssyncset.done $0x0  }
0x1a1: {  	vm0 =	vlt.s32 v4, $0xF4240;
	[sflag:s22] =	ssyncadd.s32 $0xFFFFE000  }
0x1a2: {  	v4 =	vnsel vm0, $0xF4240, v4;
	_ =	swait.ge [sflag:s22], $0x2000  }
0x1a3: {  	(v2sf) =	vpush v4, $0xC;
	_ =	sdelay $0xe  }
0x1a4: {  	s0 =	spop (v2sf)  }
0x1a5: {  	s0 =	sand.u32 $0x7F, s0  }
0x1a6: {  	v5 =	vor.u32 s0, v0;
	_ =	sdelay $0x2  }
0x1a7: {  	[sflag:s22] =	ssyncset.done $0x0  }
0x1a8: {  	[sflag:s22] =	ssyncadd.s32 $0xFFFFE000  }
0x1a9: {  	v5 =	vld.idx.msk [tilespmem:v5+s17+$0x0], $0xffff  }
0x1aa: {  	v6 =	vor.u32 s0, v1  }
0x1ab: {  	(v2sf) =	vpush v4, $0xD;
	_ =	sdelay $0x2  }
0x1ac: {  	[tilespmem:$0x18300] =	vst v5  }
0x1ad: {  	v5 =	vld.idx.msk [tilespmem:v6+s17+$0x0], $0xffff  }
0x1ae: {  	v56 =	vor.u32 s0, v2;
	_ =	sdelay $0x3  }
0x1af: {  	[tilespmem:$0x18310] =	vst v5  }
0x1b0: {  	v5 =	vld.idx.msk [tilespmem:v56+s17+$0x0], $0xffff  }
0x1b1: {  	v57 =	vor.u32 s0, v3;
	_ =	sdelay $0x3  }
0x1b2: {  	s29 =	spop (v2sf);
	[tilespmem:$0x18320] =	vst v5  }
0x1b3: {  	s0 =	sand.u32 $0x7F, s29;
	v5 =	vld.idx.msk [tilespmem:v57+s17+$0x0], $0xffff  }
0x1b4: {  	v58 =	vor.u32 s0, v0;
	_ =	sdelay $0x3  }
0x1b5: {  	[tilespmem:$0x18330] =	vst v5  }
0x1b6: {  	v5 =	vld.idx.msk [tilespmem:v58+s18+$0x0], $0xffff  }
0x1b7: {  	v59 =	vor.u32 s0, v1  }
0x1b8: {  	(v2sf) =	vpush v4, $0xE;
	_ =	sdelay $0x2  }
0x1b9: {  	[tilespmem:$0x18340] =	vst v5  }
0x1ba: {  	v5 =	vld.idx.msk [tilespmem:v59+s18+$0x0], $0xffff  }
0x1bb: {  	v60 =	vor.u32 s0, v2;
	_ =	sdelay $0x3  }
0x1bc: {  	[tilespmem:$0x18350] =	vst v5  }
0x1bd: {  	v5 =	vld.idx.msk [tilespmem:v60+s18+$0x0], $0xffff  }
0x1be: {  	v61 =	vor.u32 s0, v3;
	_ =	sdelay $0x3  }
0x1bf: {  	s30 =	spop (v2sf);
	[tilespmem:$0x18360] =	vst v5  }
0x1c0: {  	s0 =	sand.u32 $0x7F, s30;
	v5 =	vld.idx.msk [tilespmem:v61+s18+$0x0], $0xffff  }
0x1c1: {  	v62 =	vor.u32 s0, v0;
	_ =	sdelay $0x3  }
0x1c2: {  	[tilespmem:$0x18370] =	vst v5  }
0x1c3: {  	v5 =	vld.idx.msk [tilespmem:v62+s19+$0x0], $0xffff  }
0x1c4: {  	v63 =	vor.u32 s0, v1  }
0x1c5: {  	(v2sf) =	vpush v4, $0xF;
	_ =	sdelay $0x2  }
0x1c6: {  	[tilespmem:$0x18380] =	vst v5  }
0x1c7: {  	v4 =	vld.idx.msk [tilespmem:v63+s19+$0x0], $0xffff  }
0x1c8: {  	v5 =	vor.u32 s0, v2;
	_ =	sdelay $0x3  }
0x1c9: {  	[tilespmem:$0x18390] =	vst v4  }
0x1ca: {  	v4 =	vld.idx.msk [tilespmem:v5+s19+$0x0], $0xffff  }
0x1cb: {  	v5 =	vor.u32 s0, v3;
	_ =	sdelay $0x3  }
0x1cc: {  	s31 =	spop (v2sf);
	[tilespmem:$0x183A0] =	vst v4  }
0x1cd: {  	s0 =	sand.u32 $0x7F, s31;
	v4 =	vld.idx.msk [tilespmem:v5+s19+$0x0], $0xffff  }
0x1ce: {  	v5 =	vor.u32 s0, v0;
	_ =	sdelay $0x3  }
0x1cf: {  	[tilespmem:$0x183B0] =	vst v4  }
0x1d0: {  	v4 =	vld.idx.msk [tilespmem:v5+s20+$0x0], $0xffff  }
0x1d1: {  	v5 =	vor.u32 s0, v1;
	_ =	sdelay $0x3  }
0x1d2: {  	[tilespmem:$0x183C0] =	vst v4  }
0x1d3: {  	v4 =	vld.idx.msk [tilespmem:v5+s20+$0x0], $0xffff  }
0x1d4: {  	v5 =	vor.u32 s0, v2;
	_ =	sdelay $0x3  }
0x1d5: {  	[tilespmem:$0x183D0] =	vst v4  }
0x1d6: {  	v4 =	vld.idx.msk [tilespmem:v5+s20+$0x0], $0xffff  }
0x1d7: {  	v5 =	vor.u32 s0, v3;
	_ =	sdelay $0x3  }
0x1d8: {  	[tilespmem:$0x183E0] =	vst v4  }
0x1d9: {  	v4 =	vld.idx.msk [tilespmem:v5+s20+$0x0], $0xffff;
	_ =	sdelay $0x4  }
.Ltmp6:
0x1da: {  	s25 =	simm.s32 $0x0;
	[tilespmem:$0x183F0] =	vst v4;
	(pc) =	sbr.rel .LBB2_6-.Ltmp6, $4  }
0x1db: {  	[hbm4b:s7+s25] =	stream.linear.scatter [tilespmem:s23], [sflag:$0x3], $0x8000, $0x38;
	[tilespmem:$0x18400] =	vst v63  }
0x1dc: {  	_ =	swait.ge [sflag:s10], $0x8000  }
0x1dd: {  	[sflag:s10] =	ssyncset.done $0x0  }
0x1de: {  	s26 =	simm.s32 $0x10500;
	[sflag:s10] =	ssyncadd.s32 $0xFFFF8000  }
.LBB2_8:
0x1df: {  	(v2sf) =	vpush v4, $0x4  }
0x1e0: {  	(v2sf) =	vpush v4, $0x5;
	_ =	sdelay $0x4  }
0x1e1: {  	(v2sf) =	vpush v4, $0x6;
	_ =	sdelay $0x1  }
0x1e2: {  	(v2sf) =	vpush v4, $0x7;
	_ =	sdelay $0x6  }
0x1e3: {  	s5 =	spop (v2sf)  }
0x1e4: {  	s0 =	sand.u32 $0xFFFFF80, s5;
	s11 =	spop (v2sf)  }
0x1e5: {  	s0 =	sadd.s32 s3, s0;
	s31 =	sand.u32 $0xFFFFF80, s11  }
0x1e6: {  	[tilespmem:s17], [sflag:$0x2] =	stream.strided.gather [hbm4b:s0+s13], $0x2000, s12, s13, $0x38;
	[tilespmem:$0x18400] =	vst v63  }
0x1e7: {  	s0 =	sadd.s32 s3, s31  }
0x1e8: {  	[tilespmem:s18], [sflag:$0x2] =	stream.strided.gather [hbm4b:s0+s13], $0x2000, s12, s13, $0x38;
	[tilespmem:$0x18400] =	vst v63  }
0x1e9: {  	s0 =	spop (v2sf)  }
0x1ea: {  	s6 =	sand.u32 $0xFFFFF80, s0  }
0x1eb: {  	s31 =	spop (v2sf);
	s6 =	sadd.s32 s3, s6  }
0x1ec: {  	[tilespmem:s19], [sflag:$0x2] =	stream.strided.gather [hbm4b:s6+s13], $0x2000, s12, s13, $0x38;
	[tilespmem:$0x18400] =	vst v63  }
0x1ed: {  	s6 =	sand.u32 $0xFFFFF80, s31  }
0x1ee: {  	s6 =	sadd.s32 s3, s6  }
0x1ef: {  	[tilespmem:s20], [sflag:$0x2] =	stream.strided.gather [hbm4b:s6+s13], $0x2000, s12, s13, $0x38;
	[tilespmem:$0x18400] =	vst v63  }
0x1f0: {  	_ =	swait.ge [sflag:s21], $0x2000  }
0x1f1: {  	[sflag:s21] =	ssyncset.done $0x0  }
0x1f2: {  	[sflag:s21] =	ssyncadd.s32 $0xFFFFE000  }
0x1f3: {  	_ =	swait.ge [sflag:s21], $0x2000  }
0x1f4: {  	[sflag:s21] =	ssyncset.done $0x0  }
0x1f5: {  	[sflag:s21] =	ssyncadd.s32 $0xFFFFE000  }
0x1f6: {  	s2 =	sand.u32 $0x7F, s2;
	_ =	swait.ge [sflag:s21], $0x2000  }
0x1f7: {  	v5 =	vor.u32 s2, v0;
	[sflag:s21] =	ssyncset.done $0x0  }
0x1f8: {  	[sflag:s21] =	ssyncadd.s32 $0xFFFFE000  }
0x1f9: {  	_ =	swait.ge [sflag:s21], $0x2000  }
0x1fa: {  	[sflag:s21] =	ssyncset.done $0x0  }
0x1fb: {  	[sflag:s21] =	ssyncadd.s32 $0xFFFFE000  }
0x1fc: {  	v5 =	vld.idx.msk [tilespmem:v5+s13+$0x0], $0xffff  }
0x1fd: {  	v6 =	vor.u32 s2, v1;
	_ =	sdelay $0x3  }
0x1fe: {  	[tilespmem:s26+$0xFFFFFF00] =	vst v5  }
0x1ff: {  	v5 =	vld.idx.msk [tilespmem:v6+s13+$0x0], $0xffff  }
0x200: {  	v35 =	vor.u32 s2, v2;
	_ =	sdelay $0x3  }
0x201: {  	[tilespmem:s26+$0xFFFFFF10] =	vst v5  }
0x202: {  	v5 =	vld.idx.msk [tilespmem:v35+s13+$0x0], $0xffff  }
0x203: {  	v36 =	vor.u32 s2, v3;
	_ =	sdelay $0x3  }
0x204: {  	[tilespmem:s26+$0xFFFFFF20] =	vst v5  }
0x205: {  	s6 =	sand.u32 $0x7F, s30;
	v5 =	vld.idx.msk [tilespmem:v36+s13+$0x0], $0xffff  }
0x206: {  	v37 =	vor.u32 s6, v0;
	_ =	sdelay $0x3  }
0x207: {  	[tilespmem:s26+$0xFFFFFF30] =	vst v5  }
0x208: {  	v5 =	vld.idx.msk [tilespmem:v37+s14+$0x0], $0xffff  }
0x209: {  	v38 =	vor.u32 s6, v1;
	_ =	sdelay $0x3  }
0x20a: {  	[tilespmem:s26+$0xFFFFFF40] =	vst v5  }
0x20b: {  	v5 =	vld.idx.msk [tilespmem:v38+s14+$0x0], $0xffff  }
0x20c: {  	v39 =	vor.u32 s6, v2;
	_ =	sdelay $0x3  }
0x20d: {  	[tilespmem:s26+$0xFFFFFF50] =	vst v5  }
0x20e: {  	v5 =	vld.idx.msk [tilespmem:v39+s14+$0x0], $0xffff  }
0x20f: {  	v40 =	vor.u32 s6, v3;
	_ =	sdelay $0x3  }
0x210: {  	[tilespmem:s26+$0xFFFFFF60] =	vst v5  }
0x211: {  	s30 =	sand.u32 $0x7F, s29;
	v5 =	vld.idx.msk [tilespmem:v40+s14+$0x0], $0xffff  }
0x212: {  	v41 =	vor.u32 s30, v0;
	_ =	sdelay $0x3  }
0x213: {  	[tilespmem:s26+$0xFFFFFF70] =	vst v5  }
0x214: {  	v5 =	vld.idx.msk [tilespmem:v41+s15+$0x0], $0xffff  }
0x215: {  	v42 =	vor.u32 s30, v1;
	_ =	sdelay $0x3  }
0x216: {  	[tilespmem:s26+$0xFFFFFF80] =	vst v5  }
0x217: {  	v5 =	vld.idx.msk [tilespmem:v42+s15+$0x0], $0xffff  }
0x218: {  	v43 =	vor.u32 s30, v2;
	_ =	sdelay $0x3  }
0x219: {  	[tilespmem:s26+$0xFFFFFF90] =	vst v5  }
0x21a: {  	v5 =	vld.idx.msk [tilespmem:v43+s15+$0x0], $0xffff  }
0x21b: {  	v44 =	vor.u32 s30, v3;
	_ =	sdelay $0x3  }
0x21c: {  	[tilespmem:s26+$0xFFFFFFA0] =	vst v5  }
0x21d: {  	s6 =	sand.u32 $0x7F, s28;
	v5 =	vld.idx.msk [tilespmem:v44+s15+$0x0], $0xffff  }
0x21e: {  	v45 =	vor.u32 s6, v0;
	_ =	sdelay $0x3  }
0x21f: {  	[tilespmem:s26+$0xFFFFFFB0] =	vst v5  }
0x220: {  	v5 =	vld.idx.msk [tilespmem:v45+s16+$0x0], $0xffff  }
0x221: {  	v46 =	vor.u32 s6, v1;
	_ =	sdelay $0x3  }
0x222: {  	[tilespmem:s26+$0xFFFFFFC0] =	vst v5  }
0x223: {  	(v2sf) =	vpush v4, $0x8;
	v5 =	vld.idx.msk [tilespmem:v46+s16+$0x0], $0xffff  }
0x224: {  	v47 =	vor.u32 s6, v2;
	_ =	sdelay $0x2  }
0x225: {  	(v2sf) =	vpush v4, $0x9  }
0x226: {  	[tilespmem:s26+$0xFFFFFFD0] =	vst v5  }
0x227: {  	(v2sf) =	vpush v4, $0xA;
	v5 =	vld.idx.msk [tilespmem:v47+s16+$0x0], $0xffff  }
0x228: {  	v48 =	vor.u32 s6, v3;
	_ =	sdelay $0x1  }
0x229: {  	(v2sf) =	vpush v4, $0xB;
	_ =	sdelay $0x1  }
0x22a: {  	[tilespmem:s26+$0xFFFFFFE0] =	vst v5  }
0x22b: {  	v5 =	vld.idx.msk [tilespmem:v48+s16+$0x0], $0xffff;
	_ =	sdelay $0x2  }
0x22c: {  	s30 =	spop (v2sf)  }
0x22d: {  	s28 =	sand.u32 $0xFFFFF80, s30  }
0x22e: {  	s2 =	sadd.s32 s3, s28;
	[tilespmem:s26+$0xFFFFFFF0] =	vst v5  }
0x22f: {  	[tilespmem:s13], [sflag:$0x1] =	stream.strided.gather [hbm4b:s2+s13], $0x2000, s12, s13, $0x38;
	[tilespmem:$0x18400] =	vst v63  }
0x230: {  	s2 =	spop (v2sf)  }
0x231: {  	s29 =	sand.u32 $0xFFFFF80, s2  }
0x232: {  	s6 =	sadd.s32 s3, s29;
	s29 =	spop (v2sf)  }
0x233: {  	[tilespmem:s14], [sflag:$0x1] =	stream.strided.gather [hbm4b:s6+s13], $0x2000, s12, s13, $0x38;
	[tilespmem:$0x18400] =	vst v63  }
0x234: {  	s28 =	sand.u32 $0xFFFFF80, s29  }
0x235: {  	s6 =	sadd.s32 s3, s28;
	s28 =	spop (v2sf)  }
0x236: {  	[tilespmem:s15], [sflag:$0x1] =	stream.strided.gather [hbm4b:s6+s13], $0x2000, s12, s13, $0x38;
	[tilespmem:$0x18400] =	vst v63  }
0x237: {  	s6 =	sand.u32 $0xFFFFF80, s28  }
0x238: {  	s6 =	sadd.s32 s3, s6  }
0x239: {  	[tilespmem:s16], [sflag:$0x1] =	stream.strided.gather [hbm4b:s6+s13], $0x2000, s12, s13, $0x38;
	[tilespmem:$0x18400] =	vst v63  }
0x23a: {  	_ =	swait.ge [sflag:s22], $0x2000  }
0x23b: {  	[sflag:s22] =	ssyncset.done $0x0  }
0x23c: {  	[sflag:s22] =	ssyncadd.s32 $0xFFFFE000  }
0x23d: {  	_ =	swait.ge [sflag:s22], $0x2000  }
0x23e: {  	[sflag:s22] =	ssyncset.done $0x0  }
0x23f: {  	[sflag:s22] =	ssyncadd.s32 $0xFFFFE000  }
0x240: {  	s5 =	sand.u32 $0x7F, s5;
	_ =	swait.ge [sflag:s22], $0x2000  }
0x241: {  	v5 =	vor.u32 s5, v0;
	[sflag:s22] =	ssyncset.done $0x0  }
0x242: {  	[sflag:s22] =	ssyncadd.s32 $0xFFFFE000  }
0x243: {  	_ =	swait.ge [sflag:s22], $0x2000  }
0x244: {  	[sflag:s22] =	ssyncset.done $0x0  }
0x245: {  	[sflag:s22] =	ssyncadd.s32 $0xFFFFE000  }
0x246: {  	v5 =	vld.idx.msk [tilespmem:v5+s17+$0x0], $0xffff  }
0x247: {  	v49 =	vor.u32 s5, v1;
	_ =	sdelay $0x3  }
0x248: {  	[tilespmem:s26+$0x0] =	vst v5  }
0x249: {  	v5 =	vld.idx.msk [tilespmem:v49+s17+$0x0], $0xffff  }
0x24a: {  	v50 =	vor.u32 s5, v2;
	_ =	sdelay $0x3  }
0x24b: {  	[tilespmem:s26+$0x10] =	vst v5  }
0x24c: {  	v5 =	vld.idx.msk [tilespmem:v50+s17+$0x0], $0xffff  }
0x24d: {  	v51 =	vor.u32 s5, v3;
	_ =	sdelay $0x3  }
0x24e: {  	[tilespmem:s26+$0x20] =	vst v5  }
0x24f: {  	s11 =	sand.u32 $0x7F, s11;
	v5 =	vld.idx.msk [tilespmem:v51+s17+$0x0], $0xffff  }
0x250: {  	v52 =	vor.u32 s11, v0;
	_ =	sdelay $0x3  }
0x251: {  	[tilespmem:s26+$0x30] =	vst v5  }
0x252: {  	v5 =	vld.idx.msk [tilespmem:v52+s18+$0x0], $0xffff  }
0x253: {  	v53 =	vor.u32 s11, v1;
	_ =	sdelay $0x3  }
0x254: {  	[tilespmem:s26+$0x40] =	vst v5  }
0x255: {  	v5 =	vld.idx.msk [tilespmem:v53+s18+$0x0], $0xffff  }
0x256: {  	v54 =	vor.u32 s11, v2;
	_ =	sdelay $0x3  }
0x257: {  	[tilespmem:s26+$0x50] =	vst v5  }
0x258: {  	v5 =	vld.idx.msk [tilespmem:v54+s18+$0x0], $0xffff  }
0x259: {  	v55 =	vor.u32 s11, v3;
	_ =	sdelay $0x3  }
0x25a: {  	[tilespmem:s26+$0x60] =	vst v5  }
0x25b: {  	s0 =	sand.u32 $0x7F, s0;
	v5 =	vld.idx.msk [tilespmem:v55+s18+$0x0], $0xffff  }
0x25c: {  	v56 =	vor.u32 s0, v0;
	_ =	sdelay $0x3  }
0x25d: {  	[tilespmem:s26+$0x70] =	vst v5  }
0x25e: {  	v5 =	vld.idx.msk [tilespmem:v56+s19+$0x0], $0xffff  }
0x25f: {  	v57 =	vor.u32 s0, v1;
	_ =	sdelay $0x3  }
0x260: {  	[tilespmem:s26+$0x80] =	vst v5  }
0x261: {  	v5 =	vld.idx.msk [tilespmem:v57+s19+$0x0], $0xffff  }
0x262: {  	v58 =	vor.u32 s0, v2;
	_ =	sdelay $0x3  }
0x263: {  	[tilespmem:s26+$0x90] =	vst v5  }
0x264: {  	v5 =	vld.idx.msk [tilespmem:v58+s19+$0x0], $0xffff  }
0x265: {  	v59 =	vor.u32 s0, v3;
	_ =	sdelay $0x3  }
0x266: {  	[tilespmem:s26+$0xA0] =	vst v5  }
0x267: {  	s6 =	sand.u32 $0x7F, s31;
	v5 =	vld.idx.msk [tilespmem:v59+s19+$0x0], $0xffff  }
0x268: {  	v60 =	vor.u32 s6, v0;
	_ =	sdelay $0x3  }
0x269: {  	[tilespmem:s26+$0xB0] =	vst v5  }
0x26a: {  	v5 =	vld.idx.msk [tilespmem:v60+s20+$0x0], $0xffff  }
0x26b: {  	v61 =	vor.u32 s6, v1;
	_ =	sdelay $0x3  }
0x26c: {  	[tilespmem:s26+$0xC0] =	vst v5  }
0x26d: {  	(v2sf) =	vpush v4, $0xC;
	v5 =	vld.idx.msk [tilespmem:v61+s20+$0x0], $0xffff  }
0x26e: {  	v62 =	vor.u32 s6, v2;
	(v2sf) =	vpush v4, $0xD  }
0x26f: {  	(v2sf) =	vpush v4, $0xE;
	_ =	sdelay $0x2  }
0x270: {  	[tilespmem:s26+$0xD0] =	vst v5  }
0x271: {  	(v2sf) =	vpush v4, $0xF;
	v5 =	vld.idx.msk [tilespmem:v62+s20+$0x0], $0xffff  }
0x272: {  	v63 =	vor.u32 s6, v3;
	_ =	sdelay $0x3  }
0x273: {  	[tilespmem:s26+$0xE0] =	vst v5  }
0x274: {  	v4 =	vld.idx.msk [tilespmem:v63+s20+$0x0], $0xffff;
	_ =	sdelay $0x2  }
0x275: {  	s11 =	spop (v2sf)  }
0x276: {  	s0 =	sand.u32 $0xFFFFF80, s11;
	s31 =	spop (v2sf)  }
0x277: {  	s0 =	sadd.s32 s3, s0;
	s6 =	sand.u32 $0xFFFFF80, s31;
	s11 =	spop (v2sf);
	[tilespmem:s26+$0xF0] =	vst v4  }
0x278: {  	[tilespmem:s17], [sflag:$0x2] =	stream.strided.gather [hbm4b:s0+s13], $0x2000, s12, s13, $0x38;
	[tilespmem:$0x18400] =	vst v63  }
0x279: {  	s31 =	sand.u32 $0xFFFFF80, s11;
	s0 =	sadd.s32 s3, s6  }
0x27a: {  	[tilespmem:s18], [sflag:$0x2] =	stream.strided.gather [hbm4b:s0+s13], $0x2000, s12, s13, $0x38;
	[tilespmem:$0x18400] =	vst v63  }
0x27b: {  	s5 =	spop (v2sf);
	s0 =	sadd.s32 s3, s31  }
0x27c: {  	[tilespmem:s19], [sflag:$0x2] =	stream.strided.gather [hbm4b:s0+s13], $0x2000, s12, s13, $0x38;
	[tilespmem:$0x18400] =	vst v63  }
0x27d: {  	s0 =	sand.u32 $0xFFFFF80, s5  }
0x27e: {  	s0 =	sadd.s32 s3, s0  }
0x27f: {  	[tilespmem:s20], [sflag:$0x2] =	stream.strided.gather [hbm4b:s0+s13], $0x2000, s12, s13, $0x38;
	[tilespmem:$0x18400] =	vst v63  }
0x280: {  	_ =	swait.ge [sflag:s21], $0x2000  }
0x281: {  	[sflag:s21] =	ssyncset.done $0x0  }
0x282: {  	[sflag:s21] =	ssyncadd.s32 $0xFFFFE000  }
0x283: {  	_ =	swait.ge [sflag:s21], $0x2000  }
0x284: {  	[sflag:s21] =	ssyncset.done $0x0  }
0x285: {  	[sflag:s21] =	ssyncadd.s32 $0xFFFFE000  }
0x286: {  	s6 =	sand.u32 $0x7F, s30;
	_ =	swait.ge [sflag:s21], $0x2000  }
0x287: {  	v4 =	vor.u32 s6, v0;
	[sflag:s21] =	ssyncset.done $0x0  }
0x288: {  	[sflag:s21] =	ssyncadd.s32 $0xFFFFE000  }
0x289: {  	_ =	swait.ge [sflag:s21], $0x2000  }
0x28a: {  	[sflag:s21] =	ssyncset.done $0x0  }
0x28b: {  	[sflag:s21] =	ssyncadd.s32 $0xFFFFE000  }
0x28c: {  	v4 =	vld.idx.msk [tilespmem:v4+s13+$0x0], $0xffff  }
0x28d: {  	v5 =	vor.u32 s6, v1;
	_ =	sdelay $0x3  }
0x28e: {  	[tilespmem:s26+$0x100] =	vst v4  }
0x28f: {  	v4 =	vld.idx.msk [tilespmem:v5+s13+$0x0], $0xffff  }
0x290: {  	v5 =	vor.u32 s6, v2;
	_ =	sdelay $0x3  }
0x291: {  	[tilespmem:s26+$0x110] =	vst v4  }
0x292: {  	v4 =	vld.idx.msk [tilespmem:v5+s13+$0x0], $0xffff  }
0x293: {  	v5 =	vor.u32 s6, v3;
	_ =	sdelay $0x3  }
0x294: {  	[tilespmem:s26+$0x120] =	vst v4  }
0x295: {  	s11 =	sand.u32 $0x7F, s2;
	v4 =	vld.idx.msk [tilespmem:v5+s13+$0x0], $0xffff  }
0x296: {  	v5 =	vor.u32 s11, v0;
	_ =	sdelay $0x3  }
0x297: {  	[tilespmem:s26+$0x130] =	vst v4  }
0x298: {  	v4 =	vld.idx.msk [tilespmem:v5+s14+$0x0], $0xffff  }
0x299: {  	v5 =	vor.u32 s11, v1;
	_ =	sdelay $0x3  }
0x29a: {  	[tilespmem:s26+$0x140] =	vst v4  }
0x29b: {  	v4 =	vld.idx.msk [tilespmem:v5+s14+$0x0], $0xffff  }
0x29c: {  	v5 =	vor.u32 s11, v2;
	_ =	sdelay $0x3  }
0x29d: {  	[tilespmem:s26+$0x150] =	vst v4  }
0x29e: {  	v4 =	vld.idx.msk [tilespmem:v5+s14+$0x0], $0xffff  }
0x29f: {  	v5 =	vor.u32 s11, v3;
	_ =	sdelay $0x3  }
0x2a0: {  	[tilespmem:s26+$0x160] =	vst v4  }
0x2a1: {  	s30 =	sand.u32 $0x7F, s29;
	v4 =	vld.idx.msk [tilespmem:v5+s14+$0x0], $0xffff  }
0x2a2: {  	v5 =	vor.u32 s30, v0;
	_ =	sdelay $0x3  }
0x2a3: {  	[tilespmem:s26+$0x170] =	vst v4  }
0x2a4: {  	v4 =	vld.idx.msk [tilespmem:v5+s15+$0x0], $0xffff  }
0x2a5: {  	v5 =	vor.u32 s30, v1;
	_ =	sdelay $0x3  }
0x2a6: {  	[tilespmem:s26+$0x180] =	vst v4  }
0x2a7: {  	v4 =	vld.idx.msk [tilespmem:v5+s15+$0x0], $0xffff  }
0x2a8: {  	v5 =	vor.u32 s30, v2;
	_ =	sdelay $0x3  }
0x2a9: {  	[tilespmem:s26+$0x190] =	vst v4  }
0x2aa: {  	v4 =	vld.idx.msk [tilespmem:v5+s15+$0x0], $0xffff  }
0x2ab: {  	v5 =	vor.u32 s30, v3;
	_ =	sdelay $0x3  }
0x2ac: {  	[tilespmem:s26+$0x1A0] =	vst v4  }
0x2ad: {  	s31 =	sand.u32 $0x7F, s28;
	v4 =	vld.idx.msk [tilespmem:v5+s15+$0x0], $0xffff  }
0x2ae: {  	v5 =	vor.u32 s31, v0;
	_ =	sdelay $0x3  }
0x2af: {  	[tilespmem:s26+$0x1B0] =	vst v4  }
0x2b0: {  	v4 =	vld.idx.msk [tilespmem:v5+s16+$0x0], $0xffff  }
0x2b1: {  	v5 =	vor.u32 s31, v1;
	_ =	sdelay $0x3  }
0x2b2: {  	[tilespmem:s26+$0x1C0] =	vst v4  }
0x2b3: {  	v4 =	vld.idx.msk [tilespmem:v5+s16+$0x0], $0xffff  }
0x2b4: {  	v5 =	vor.u32 s31, v2;
	_ =	sdelay $0x3  }
0x2b5: {  	[tilespmem:s26+$0x1D0] =	vst v4  }
0x2b6: {  	v4 =	vld.idx.msk [tilespmem:v5+s16+$0x0], $0xffff  }
0x2b7: {  	v5 =	vor.u32 s31, v3;
	_ =	sdelay $0x3  }
0x2b8: {  	s25 =	sadd.s32 $0x40, s25;
	[tilespmem:s26+$0x1E0] =	vst v4  }
0x2b9: {  	p0 =	sne.s32 s25, $0x800;
	v4 =	vld.idx.msk [tilespmem:v5+s16+$0x0], $0xffff  }
.Ltmp7:
0x2ba: {  	_ = 	snop;
	(pc) =	sbr.rel @!p0 .LBB2_9-.Ltmp7, $2  }
0x2bb: {  	_ =	sdelay $0x2  }
0x2bc: {  	[tilespmem:s26+$0x1F0] =	vst v4;
	s26 =	sadd.s32 $0x400, s26  }
.LBB2_6:
0x2bd: {  	s0 =	sshra.s32 s25, $0x2  }
0x2be: {  	v4 =	vld [tilespmem:s0+$0x200];
	_ =	sdelay $0x4  }
0x2bf: {  	vm0 =	vlt.s32 v4, $0xF4240  }
0x2c0: {  	v4 =	vnsel vm0, $0xF4240, v4  }
0x2c1: {  	(v2sf) =	vpush v4, $0x0  }
0x2c2: {  	(v2sf) =	vpush v4, $0x1;
	_ =	sdelay $0x2  }
0x2c3: {  	(v2sf) =	vpush v4, $0x2;
	_ =	sdelay $0x1  }
0x2c4: {  	(v2sf) =	vpush v4, $0x3;
	_ =	sdelay $0x8  }
0x2c5: {  	s2 =	spop (v2sf)  }
0x2c6: {  	s5 =	sand.u32 $0xFFFFF80, s2;
	s30 =	spop (v2sf)  }
0x2c7: {  	s5 =	sadd.s32 s3, s5;
	s6 =	sand.u32 $0xFFFFF80, s30  }
0x2c8: {  	[tilespmem:s13], [sflag:$0x1] =	stream.strided.gather [hbm4b:s5+s13], $0x2000, s12, s13, $0x38;
	[tilespmem:$0x18400] =	vst v63  }
0x2c9: {  	p0 =	seq.s32 s25, $0x0;
	s29 =	spop (v2sf);
	s5 =	sadd.s32 s3, s6  }
0x2ca: {  	[tilespmem:s14], [sflag:$0x1] =	stream.strided.gather [hbm4b:s5+s13], $0x2000, s12, s13, $0x38;
	[tilespmem:$0x18400] =	vst v63  }
.Ltmp8:
0x2cb: {  	s11 =	sand.u32 $0xFFFFF80, s29;
	s28 =	spop (v2sf);
	(pc) =	sbr.rel @p0 .LBB2_8-.Ltmp8, $4  }
0x2cc: {  	s31 =	sand.u32 $0xFFFFF80, s28;
	s5 =	sadd.s32 s3, s11  }
0x2cd: {  	[tilespmem:s15], [sflag:$0x1] =	stream.strided.gather [hbm4b:s5+s13], $0x2000, s12, s13, $0x38;
	[tilespmem:$0x18400] =	vst v63  }
0x2ce: {  	s5 =	sadd.s32 s3, s31  }
0x2cf: {  	[tilespmem:s16], [sflag:$0x1] =	stream.strided.gather [hbm4b:s5+s13], $0x2000, s12, s13, $0x38;
	[tilespmem:$0x18400] =	vst v63  }
0x2d0: {  	v5 =	vld [tilespmem:s0+$0x1F0];
	_ =	swait.ge [sflag:s22], $0x2000  }
0x2d1: {  	[sflag:s22] =	ssyncset.done $0x0  }
0x2d2: {  	[sflag:s22] =	ssyncadd.s32 $0xFFFFE000  }
0x2d3: {  	_ =	swait.ge [sflag:s22], $0x2000  }
0x2d4: {  	[sflag:s22] =	ssyncset.done $0x0  }
0x2d5: {  	[sflag:s22] =	ssyncadd.s32 $0xFFFFE000  }
0x2d6: {  	_ =	swait.ge [sflag:s22], $0x2000  }
0x2d7: {  	[sflag:s22] =	ssyncset.done $0x0  }
0x2d8: {  	vm0 =	vlt.s32 v5, $0xF4240;
	[sflag:s22] =	ssyncadd.s32 $0xFFFFE000  }
0x2d9: {  	v5 =	vnsel vm0, $0xF4240, v5;
	_ =	swait.ge [sflag:s22], $0x2000  }
0x2da: {  	(v2sf) =	vpush v5, $0xC;
	_ =	sdelay $0xe  }
0x2db: {  	s5 =	spop (v2sf)  }
0x2dc: {  	s0 =	sand.u32 $0x7F, s5  }
0x2dd: {  	v6 =	vor.u32 s0, v0;
	_ =	sdelay $0x2  }
0x2de: {  	[sflag:s22] =	ssyncset.done $0x0  }
0x2df: {  	[sflag:s22] =	ssyncadd.s32 $0xFFFFE000  }
0x2e0: {  	v6 =	vld.idx.msk [tilespmem:v6+s17+$0x0], $0xffff  }
0x2e1: {  	v7 =	vor.u32 s0, v1  }
0x2e2: {  	(v2sf) =	vpush v5, $0xD;
	_ =	sdelay $0x2  }
0x2e3: {  	[tilespmem:s26+$0xFFFFFE00] =	vst v6  }
0x2e4: {  	v6 =	vld.idx.msk [tilespmem:v7+s17+$0x0], $0xffff  }
0x2e5: {  	v7 =	vor.u32 s0, v2;
	_ =	sdelay $0x3  }
0x2e6: {  	[tilespmem:s26+$0xFFFFFE10] =	vst v6  }
0x2e7: {  	v6 =	vld.idx.msk [tilespmem:v7+s17+$0x0], $0xffff  }
0x2e8: {  	v7 =	vor.u32 s0, v3;
	_ =	sdelay $0x3  }
0x2e9: {  	s6 =	spop (v2sf);
	[tilespmem:s26+$0xFFFFFE20] =	vst v6  }
0x2ea: {  	s0 =	sand.u32 $0x7F, s6;
	v6 =	vld.idx.msk [tilespmem:v7+s17+$0x0], $0xffff  }
0x2eb: {  	v7 =	vor.u32 s0, v0;
	_ =	sdelay $0x3  }
0x2ec: {  	[tilespmem:s26+$0xFFFFFE30] =	vst v6  }
0x2ed: {  	v6 =	vld.idx.msk [tilespmem:v7+s18+$0x0], $0xffff  }
0x2ee: {  	v7 =	vor.u32 s0, v1  }
0x2ef: {  	(v2sf) =	vpush v5, $0xE;
	_ =	sdelay $0x2  }
0x2f0: {  	[tilespmem:s26+$0xFFFFFE40] =	vst v6  }
0x2f1: {  	v6 =	vld.idx.msk [tilespmem:v7+s18+$0x0], $0xffff  }
0x2f2: {  	v7 =	vor.u32 s0, v2;
	_ =	sdelay $0x3  }
0x2f3: {  	[tilespmem:s26+$0xFFFFFE50] =	vst v6  }
0x2f4: {  	v6 =	vld.idx.msk [tilespmem:v7+s18+$0x0], $0xffff  }
0x2f5: {  	v7 =	vor.u32 s0, v3;
	_ =	sdelay $0x3  }
0x2f6: {  	s11 =	spop (v2sf);
	[tilespmem:s26+$0xFFFFFE60] =	vst v6  }
0x2f7: {  	s0 =	sand.u32 $0x7F, s11;
	v6 =	vld.idx.msk [tilespmem:v7+s18+$0x0], $0xffff  }
0x2f8: {  	v7 =	vor.u32 s0, v0;
	_ =	sdelay $0x3  }
0x2f9: {  	[tilespmem:s26+$0xFFFFFE70] =	vst v6  }
0x2fa: {  	v6 =	vld.idx.msk [tilespmem:v7+s19+$0x0], $0xffff  }
0x2fb: {  	v7 =	vor.u32 s0, v1  }
0x2fc: {  	(v2sf) =	vpush v5, $0xF;
	_ =	sdelay $0x2  }
0x2fd: {  	[tilespmem:s26+$0xFFFFFE80] =	vst v6  }
0x2fe: {  	v5 =	vld.idx.msk [tilespmem:v7+s19+$0x0], $0xffff  }
0x2ff: {  	v6 =	vor.u32 s0, v2;
	_ =	sdelay $0x3  }
0x300: {  	[tilespmem:s26+$0xFFFFFE90] =	vst v5  }
0x301: {  	v5 =	vld.idx.msk [tilespmem:v6+s19+$0x0], $0xffff  }
0x302: {  	v6 =	vor.u32 s0, v3;
	_ =	sdelay $0x3  }
0x303: {  	s31 =	spop (v2sf);
	[tilespmem:s26+$0xFFFFFEA0] =	vst v5  }
0x304: {  	s0 =	sand.u32 $0x7F, s31;
	v5 =	vld.idx.msk [tilespmem:v6+s19+$0x0], $0xffff  }
0x305: {  	v6 =	vor.u32 s0, v0;
	_ =	sdelay $0x3  }
0x306: {  	[tilespmem:s26+$0xFFFFFEB0] =	vst v5  }
0x307: {  	v5 =	vld.idx.msk [tilespmem:v6+s20+$0x0], $0xffff  }
0x308: {  	v6 =	vor.u32 s0, v1;
	_ =	sdelay $0x3  }
0x309: {  	[tilespmem:s26+$0xFFFFFEC0] =	vst v5  }
0x30a: {  	v5 =	vld.idx.msk [tilespmem:v6+s20+$0x0], $0xffff  }
0x30b: {  	v6 =	vor.u32 s0, v2;
	_ =	sdelay $0x3  }
0x30c: {  	[tilespmem:s26+$0xFFFFFED0] =	vst v5  }
0x30d: {  	v5 =	vld.idx.msk [tilespmem:v6+s20+$0x0], $0xffff  }
0x30e: {  	v6 =	vor.u32 s0, v3;
	_ =	sdelay $0x3  }
0x30f: {  	[tilespmem:s26+$0xFFFFFEE0] =	vst v5  }
0x310: {  	v5 =	vld.idx.msk [tilespmem:v6+s20+$0x0], $0xffff  }
.Ltmp9:
0x311: {  	_ = 	snop;
	(pc) =	sbr.rel .LBB2_8-.Ltmp9, $2  }
0x312: {  	_ =	sdelay $0x2  }
0x313: {  	[tilespmem:s26+$0xFFFFFEF0] =	vst v5  }
.LBB2_10:
0x314: {  	_ =	sfence.sel $0x180000  }
0x315: {  	[bflag:$0x0] =	sbarrier.arrive $0xFFFF  }
0x316: {  	_ =	strace $0x90000047  }
0x317: {  	s0 =	stileid.u32;
	[bflag:$0x2] =	sbarrier.arrive $0xFFFF  }
0x318: {  	p0 =	sne.s32 s0, $0x0;
	s0 =	rddreg [dreg:$0x5]  }
0x319: {  	s0 =	sadd.s32 @!p0 $0x100000, s0  }
0x31a: {  	[sflag:s0] =	ssyncadd.tile.s32 @!p0 $0x1;
	_ =	shalt  }
.Lfunc_end2:
_tile_overlayer_lowered:
.L_overlay_start_2:
0x31b: {  	(tag) =	ssettag $0x2  }
0x31c: {  	s0 =	rddreg [dreg:$0x0];
	s2 =	stileid.u32  }
0x31d: {  	s1 =	rddreg [dreg:$0x1];
	p0 =	sne.s32 s2, $0x0  }
0x31e: {  	s3 =	rddreg [dreg:$0x2];
	[bflag:$0x3] =	sbarrier.arrive $0xFFFF;
	s2 =	simm.s32 @!p0 $0x1C03  }
0x31f: {  	[timem:s3], [sflag:s2] =	dma.local @!p0 [hbm:s0], s1  }
0x320: {  	s0 =	simm.s32 @!p0 $0x3  }
0x321: {  	_ =	swait.ge @!p0 [sflag:s0], s1  }
0x322: {  	s1 =	ssub.s32 @!p0 $0x0, s1;
	[sflag:s0] =	ssyncset.done @!p0 $0x0  }
0x323: {  	[sflag:s0] =	ssyncadd.s32 @!p0 s1  }
0x324: {  	[bflag:$0x3] =	sbarrier.arrive $0xFFFF  }
0x325: {  	_ =	shalt  }

</sc_bundles>
